<compile_context>
chip_gen: v7x
topology: tpu7x:2x2x1
jax: 0.10.2.dev20260603
libtpu: 0.0.44.dev20260713+nightly
codegen_flags: <defaults>
</compile_context>

<pallas_src>
import functools

import jax
import jax.numpy as jnp
import numpy as np
from jax import lax
from jax.experimental import pallas as pl
from jax.experimental.pallas import tpu as pltpu
import jax.experimental.pallas.tpu_sc as plsc

D = 1024
H = 16
DH = D // H
FF = 2048
E = 8
K = 2

BM = 256
BN = 512
BQ = 256
BLK = 256
NJ = 4
FFC = FF // NJ
CH = 32
NWORK = 32



def _rowsum(x):
    n = x.shape[-1]
    ch = [x[:, i * 128:(i + 1) * 128] for i in range(n // 128)]
    while len(ch) > 1:
        ch = [ch[i] + ch[i + 1] for i in range(0, len(ch), 2)]
    a = ch[0]
    w = 128
    while w > 1:
        a = a[:, :w // 2] + a[:, w // 2:w]
        w //= 2
    return a


def _mm_bias_kernel(x_ref, w_ref, b_ref, o_ref):
    o_ref[...] = (
        jnp.dot(x_ref[...], w_ref[...], preferred_element_type=jnp.float32)
        + b_ref[...]
    ).astype(o_ref.dtype)


def _mm_bias(x, w, b, out_dtype=jnp.float32):
    m, d = x.shape
    n = w.shape[1]
    grid = (n // BN, m // BM)
    return pl.pallas_call(
        _mm_bias_kernel,
        grid=grid,
        in_specs=[
            pl.BlockSpec((BM, d), lambda j, i: (i, 0)),
            pl.BlockSpec((d, BN), lambda j, i: (0, j)),
            pl.BlockSpec((1, BN), lambda j, i: (0, j)),
        ],
        out_specs=pl.BlockSpec((BM, BN), lambda j, i: (i, j)),
        out_shape=jax.ShapeDtypeStruct((m, n), out_dtype),
    )(x, w, b.reshape(1, n))


def _mm_res_ln_kernel(x_ref, w_ref, b_ref, r_ref, g_ref, bb_ref, o_ref):
    y = (
        jnp.dot(x_ref[...], w_ref[...], preferred_element_type=jnp.float32)
        + b_ref[...]
        + r_ref[...]
    )
    mu = jnp.mean(y, axis=-1, keepdims=True)
    var = jnp.mean((y - mu) ** 2, axis=-1, keepdims=True)
    o_ref[...] = (y - mu) / jnp.sqrt(var + 1e-5) * g_ref[...] + bb_ref[...]


def _mm_res_ln(x, w, b, res, g, beta):
    m, d = x.shape
    return pl.pallas_call(
        _mm_res_ln_kernel,
        grid=(m // BM,),
        in_specs=[
            pl.BlockSpec((BM, d), lambda i: (i, 0)),
            pl.BlockSpec((d, d), lambda i: (0, 0)),
            pl.BlockSpec((1, d), lambda i: (0, 0)),
            pl.BlockSpec((BM, d), lambda i: (i, 0)),
            pl.BlockSpec((1, d), lambda i: (0, 0)),
            pl.BlockSpec((1, d), lambda i: (0, 0)),
        ],
        out_specs=pl.BlockSpec((BM, d), lambda i: (i, 0)),
        out_shape=jax.ShapeDtypeStruct((m, d), jnp.float32),
    )(x, w, b.reshape(1, d), res, g.reshape(1, d), beta.reshape(1, d))


def _attn_kernel(q_ref, k_ref, v_ref, o_ref):
    q = q_ref[0]
    s = lax.dot_general(
        q, k_ref[0], (((1,), (1,)), ((), ())),
        preferred_element_type=jnp.float32,
    ) * (1.0 / np.sqrt(DH).astype(np.float32))
    m = jnp.max(s, axis=-1, keepdims=True)
    p = jnp.exp(s - m)
    p = p / jnp.sum(p, axis=-1, keepdims=True)
    o_ref[0] = jnp.dot(
        p, v_ref[0], preferred_element_type=jnp.float32
    ).astype(o_ref.dtype)


def _attn(q, k, v):
    h, sq, dh = q.shape
    sk = k.shape[1]
    return pl.pallas_call(
        _attn_kernel,
        grid=(h, sq // BQ),
        in_specs=[
            pl.BlockSpec((1, BQ, dh), lambda hh, i: (hh, i, 0)),
            pl.BlockSpec((1, sk, dh), lambda hh, i: (hh, 0, 0)),
            pl.BlockSpec((1, sk, dh), lambda hh, i: (hh, 0, 0)),
        ],
        out_specs=pl.BlockSpec((1, BQ, dh), lambda hh, i: (hh, i, 0)),
        out_shape=jax.ShapeDtypeStruct((h, sq, dh), jnp.float32),
    )(q, k, v)


def _router_kernel(x_ref, wr_ref, br_ref, g_ref):
    logit = (
        jnp.dot(x_ref[...], wr_ref[...], preferred_element_type=jnp.float32)
        + br_ref[...]
    )
    ei = lax.broadcasted_iota(jnp.int32, logit.shape, 1)
    m1 = jnp.max(logit, axis=-1, keepdims=True)
    i1 = jnp.min(jnp.where(logit == m1, ei, E), axis=-1, keepdims=True)
    lm = jnp.where(ei == i1, -jnp.inf, logit)
    m2 = jnp.max(lm, axis=-1, keepdims=True)
    i2 = jnp.min(jnp.where(lm == m2, ei, E), axis=-1, keepdims=True)
    w1 = 1.0 / (1.0 + jnp.exp(m2 - m1))
    w2 = 1.0 - w1
    g_ref[...] = jnp.where(ei == i1, w1, 0.0) + jnp.where(ei == i2, w2, 0.0)


def _router(x, wr, br):
    m = x.shape[0]
    return pl.pallas_call(
        _router_kernel,
        grid=(m // BM,),
        in_specs=[
            pl.BlockSpec((BM, D), lambda i: (i, 0)),
            pl.BlockSpec((D, E), lambda i: (0, 0)),
            pl.BlockSpec((1, E), lambda i: (0, 0)),
        ],
        out_specs=pl.BlockSpec((BM, E), lambda i: (i, 0)),
        out_shape=jax.ShapeDtypeStruct((m, E), jnp.float32),
    )(x, wr, br.reshape(1, E))


def _ffn_h_kernel(eid_ref, x_ref, w1_ref, b1_ref, o_ref):
    del eid_ref
    h = (
        jnp.dot(x_ref[...], w1_ref[0], preferred_element_type=jnp.float32)
        + b1_ref[0]
    )
    o_ref[...] = 0.5 * h * (1.0 + lax.erf(h * np.float32(0.7071067811865476)))


def _ffn_y_kernel(eid_ref, h_ref, w2_ref, b2_ref, ws_ref, o_ref):
    del eid_ref
    y = jnp.dot(h_ref[...], w2_ref[0], preferred_element_type=jnp.float32)
    o_ref[...] = (y + b2_ref[0]) * ws_ref[...]


def _moe_ffn(xp, w1, b1, w2, b2, eid, wslot):
    p = xp.shape[0]
    nb = p // BLK
    h_spec = pltpu.PrefetchScalarGridSpec(
        num_scalar_prefetch=1,
        grid=(NJ, nb),
        in_specs=[
            pl.BlockSpec((BLK, D), lambda j, b, eid: (b, 0)),
            pl.BlockSpec((1, D, FFC), lambda j, b, eid: (eid[b], 0, j)),
            pl.BlockSpec((1, 1, FFC), lambda j, b, eid: (eid[b], 0, j)),
        ],
        out_specs=pl.BlockSpec((BLK, FFC), lambda j, b, eid: (b, j)),
    )
    h = pl.pallas_call(
        _ffn_h_kernel,
        grid_spec=h_spec,
        out_shape=jax.ShapeDtypeStruct((p, FF), jnp.float32),
    )(eid, xp, w1, b1.reshape(E, 1, FF))

    y_spec = pltpu.PrefetchScalarGridSpec(
        num_scalar_prefetch=1,
        grid=(nb,),
        in_specs=[
            pl.BlockSpec((BLK, FF), lambda b, eid: (b, 0)),
            pl.BlockSpec((1, FF, D), lambda b, eid: (eid[b], 0, 0)),
            pl.BlockSpec((1, 1, D), lambda b, eid: (eid[b], 0, 0)),
            pl.BlockSpec((BLK, 1), lambda b, eid: (b, 0)),
        ],
        out_specs=pl.BlockSpec((BLK, D), lambda b, eid: (b, 0)),
    )
    return pl.pallas_call(
        _ffn_y_kernel,
        grid_spec=y_spec,
        out_shape=jax.ShapeDtypeStruct((p, D), jnp.float32),
    )(eid, h, w2, b2.reshape(E, 1, D), wslot)


def _combine_ln_kernel(x_ref, ya_ref, yb_ref, g_ref, bb_ref, o_ref):
    y = x_ref[...] + (ya_ref[...] + yb_ref[...])
    mu = jnp.mean(y, axis=-1, keepdims=True)
    var = jnp.mean((y - mu) ** 2, axis=-1, keepdims=True)
    o_ref[...] = (y - mu) / jnp.sqrt(var + 1e-5) * g_ref[...] + bb_ref[...]


def _combine_ln(x, ya, yb, g, beta):
    m = x.shape[0]
    return pl.pallas_call(
        _combine_ln_kernel,
        grid=(m // BM,),
        in_specs=[
            pl.BlockSpec((BM, D), lambda i: (i, 0)),
            pl.BlockSpec((BM, D), lambda i: (i, 0)),
            pl.BlockSpec((BM, D), lambda i: (i, 0)),
            pl.BlockSpec((1, D), lambda i: (0, 0)),
            pl.BlockSpec((1, D), lambda i: (0, 0)),
        ],
        out_specs=pl.BlockSpec((BM, D), lambda i: (i, 0)),
        out_shape=jax.ShapeDtypeStruct((m, D), jnp.float32),
    )(x, ya, yb, g.reshape(1, D), beta.reshape(1, D))



@functools.lru_cache(maxsize=None)
def _sc_gather_fn(v_rows, r_rows, width):
    ch = 64 if width <= 512 else CH
    rows_w = r_rows // NWORK
    nch = rows_w // ch
    nbuf = min(3, nch)
    mesh = plsc.VectorSubcoreMesh(core_axis_name="c", subcore_axis_name="s")

    @functools.partial(
        pl.kernel,
        mesh=mesh,
        out_type=jax.ShapeDtypeStruct((r_rows, width), jnp.float32),
        scratch_types=[
            pltpu.VMEM((rows_w,), jnp.int32),
            [pltpu.VMEM((ch, width), jnp.float32)] * nbuf,
            [pltpu.SemaphoreType.DMA] * nbuf,
            [pltpu.SemaphoreType.DMA] * nbuf,
        ],
    )
    def gather(table_hbm, idx_hbm, out_hbm, idx_v, bufs, gsems, wsems):
        wid = lax.axis_index("s") * 2 + lax.axis_index("c")
        base = wid * rows_w
        pltpu.sync_copy(idx_hbm.at[pl.ds(base, rows_w)], idx_v)
        gcp = [None] * nch
        wcp = [None] * nch
        for c in range(nbuf):
            gcp[c] = pltpu.async_copy(
                table_hbm.at[idx_v.at[pl.ds(c * ch, ch)]],
                bufs[c], gsems[c])
        for c in range(nch):
            b = c % nbuf
            gcp[c].wait()
            wcp[c] = pltpu.async_copy(
                bufs[b], out_hbm.at[pl.ds(base + c * ch, ch)], wsems[b])
            nxt = c + nbuf
            if nxt < nch:
                wcp[c].wait()
                gcp[nxt] = pltpu.async_copy(
                    table_hbm.at[idx_v.at[pl.ds(nxt * ch, ch)]],
                    bufs[b], gsems[b])
        for c in range(max(nch - nbuf, 0), nch):
            if wcp[c] is not None and c + nbuf >= nch:
                wcp[c].wait()

    return gather


def _gather_rows(table, idx):
    return _sc_gather_fn(table.shape[0], idx.shape[0], table.shape[1])(
        table, idx)



def _moe_layer(x, wr, br, w1, b1, w2, b2, g3, b3):
    s = x.shape[0]
    nassign = s * K
    nb = nassign // BLK + E - 1
    nb = ((nb * BLK // (NWORK * CH)) + 1) * (NWORK * CH) // BLK
    p = nb * BLK

    gates = _router(x, wr, br)
    topw, topi = lax.top_k(gates, K)

    ee = topi.reshape(-1).astype(jnp.int32)
    perm = jnp.argsort(ee)
    sorted_e = ee[perm]
    counts = jnp.sum(
        (ee[:, None] == jnp.arange(E, dtype=jnp.int32)[None, :]).astype(
            jnp.int32), axis=0)
    nb_e = (counts + BLK - 1) // BLK
    cum_blocks = jnp.cumsum(nb_e)
    bstart = (cum_blocks - nb_e) * BLK
    gstart = jnp.cumsum(counts) - counts
    rank = jnp.arange(nassign, dtype=jnp.int32) - gstart[sorted_e]
    dst = bstart[sorted_e] + rank
    tok = (perm // K).astype(jnp.int32)
    src_idx = jnp.zeros(p, jnp.int32).at[dst].set(tok)
    wslot = jnp.zeros(p, jnp.float32).at[dst].set(topw.reshape(-1)[perm])
    pos = jnp.zeros(nassign, jnp.int32).at[perm].set(dst)
    pos = pos.reshape(s, K)
    eid = jnp.minimum(
        jnp.searchsorted(cum_blocks, jnp.arange(nb, dtype=jnp.int32),
                         side="right").astype(jnp.int32), E - 1)

    xp = _gather_rows(x, src_idx)
    yp = _moe_ffn(xp, w1, b1, w2, b2, eid, wslot.reshape(p, 1))
    yab = _gather_rows(yp, pos.T.reshape(-1))
    ya, yb = yab[:s], yab[s:]
    return _combine_ln(x, ya, yb, g3, b3)


def _split_heads(x):
    s = x.shape[0]
    return x.reshape(s, H, DH).transpose(1, 0, 2)


def _attn_block(xq, xkv, wq, bq, wkv, bkv, wo, bo, res, g, beta):
    q = _split_heads(_mm_bias(xq, wq, bq))
    kv = _mm_bias(xkv, wkv, bkv)
    k = _split_heads(kv[:, :D])
    v = _split_heads(kv[:, D:])
    o = _attn(q, k, v)
    o = o.transpose(1, 0, 2).reshape(xq.shape[0], D)
    return _mm_res_ln(o, wo, bo, res, g, beta)


def kernel(tgt, memory, sa_Wq, sa_bq, sa_Wk, sa_bk, sa_Wv, sa_bv, sa_Wo, sa_bo,
           ca_Wq, ca_bq, ca_Wk, ca_bk, ca_Wv, ca_bv, ca_Wo, ca_bo,
           Wr, br, W1, b1, W2, b2,
           ln1_g, ln1_b, ln2_g, ln2_b, ln3_g, ln3_b):
    x = tgt[0]
    mem = memory[0]
    nlayers = sa_Wq.shape[0]
    for l in range(nlayers):
        skv_w = jnp.concatenate([sa_Wk[l], sa_Wv[l]], axis=1)
        skv_b = jnp.concatenate([sa_bk[l], sa_bv[l]])
        x = _attn_block(x, x, sa_Wq[l], sa_bq[l], skv_w, skv_b,
                        sa_Wo[l], sa_bo[l], x, ln1_g[l], ln1_b[l])
        ckv_w = jnp.concatenate([ca_Wk[l], ca_Wv[l]], axis=1)
        ckv_b = jnp.concatenate([ca_bk[l], ca_bv[l]])
        x = _attn_block(x, mem, ca_Wq[l], ca_bq[l], ckv_w, ckv_b,
                        ca_Wo[l], ca_bo[l], x, ln2_g[l], ln2_b[l])
        x = _moe_layer(x, Wr[l], br[l], W1[l], b1[l], W2[l], b2[l],
                       ln3_g[l], ln3_b[l])
    return x[None]

# --- scband reference (transcript-rebuilt; emitter-appended) ---
"""Pipeline reference for scband-transformer-decoder-37812892074571 (READ-ONLY COPY).

The authoritative reference and input builder live on the scoring server;
editing this copy changes nothing except your own understanding.
"""

import jax, jax.numpy as jnp
import numpy as np

L = 2; D = 1024; H = 16; FF = 2048; E = 8; K = 2; B = 1; S = 2048; M = 2048

_PARAM_SHAPES = [
    ('sa_Wq', (L, D, D)), ('sa_bq', (L, D)), ('sa_Wk', (L, D, D)), ('sa_bk', (L, D)),
    ('sa_Wv', (L, D, D)), ('sa_bv', (L, D)), ('sa_Wo', (L, D, D)), ('sa_bo', (L, D)),
    ('ca_Wq', (L, D, D)), ('ca_bq', (L, D)), ('ca_Wk', (L, D, D)), ('ca_bk', (L, D)),
    ('ca_Wv', (L, D, D)), ('ca_bv', (L, D)), ('ca_Wo', (L, D, D)), ('ca_bo', (L, D)),
    ('Wr', (L, D, E)), ('br', (L, E)),
    ('W1', (L, E, D, FF)), ('b1', (L, E, FF)), ('W2', (L, E, FF, D)), ('b2', (L, E, D)),
    ('ln1_g', (L, D)), ('ln1_b', (L, D)), ('ln2_g', (L, D)), ('ln2_b', (L, D)),
    ('ln3_g', (L, D)), ('ln3_b', (L, D)),
]

def setup_inputs(seed: int = 0):
    key = jax.random.key(seed)
    k1, k2 = jax.random.split(key)
    inp = {}
    inp['tgt'] = jax.random.normal(k1, (B, S, D), dtype=jnp.float32)
    inp['memory'] = jax.random.normal(k2, (B, M, D), dtype=jnp.float32)
    for i, (name, shape) in enumerate(_PARAM_SHAPES):
        if name.startswith('ln') and name.endswith('_g'):
            inp[name] = jnp.ones(shape, dtype=jnp.float32)
        elif name.startswith('ln'):
            inp[name] = jnp.zeros(shape, dtype=jnp.float32)
        else:
            inp[name] = jax.random.normal(jax.random.fold_in(key, i), shape, dtype=jnp.float32) * 0.02
    return inp

def _ln(x, g, b):
    mu = jnp.mean(x, axis=-1, keepdims=True)
    var = jnp.mean((x - mu) ** 2, axis=-1, keepdims=True)
    return (x - mu) / jnp.sqrt(var + 1e-5) * g + b

def _mha(xq, xkv, Wq, bq, Wk, bk, Wv, bv, Wo, bo):
    Bq, Sq, _ = xq.shape
    Sk = xkv.shape[1]
    dh = D // H
    q = (xq @ Wq + bq).reshape(Bq, Sq, H, dh).transpose(0, 2, 1, 3)
    k = (xkv @ Wk + bk).reshape(Bq, Sk, H, dh).transpose(0, 2, 1, 3)
    v = (xkv @ Wv + bv).reshape(Bq, Sk, H, dh).transpose(0, 2, 1, 3)
    att = jax.nn.softmax(jnp.einsum('bhqd,bhkd->bhqk', q, k) / np.sqrt(dh), axis=-1)
    o = jnp.einsum('bhqk,bhkd->bhqd', att, v).transpose(0, 2, 1, 3).reshape(Bq, Sq, D)
    return o @ Wo + bo

def _moe(x, Wr, br, W1, b1, W2, b2):
    # Router (eval mode: plain softmax, no gumbel noise), top-k dispatch with
    # renormalized weights; mathematically equal to the torch sort/split/scatter-add path.
    logits = x @ Wr + br
    probs = jax.nn.softmax(logits, axis=-1)
    topk_p, topk_i = jax.lax.top_k(probs, K)
    w = topk_p / jnp.sum(topk_p, axis=-1, keepdims=True)
    mask = jnp.sum(jax.nn.one_hot(topk_i, E, dtype=x.dtype) * w[..., None], axis=-2)
    h = jax.nn.gelu(jnp.einsum('bsd,edf->besf', x, W1) + b1[:, None, :], approximate=False)
    y = jnp.einsum('besf,efd->besd', h, W2) + b2[:, None, :]
    return jnp.einsum('besd,bse->bsd', y, mask)

def _fwd(tgt, memory, p):
    x = tgt
    for l in range(L):
        x = _ln(x + _mha(x, x, p['sa_Wq'][l], p['sa_bq'][l], p['sa_Wk'][l], p['sa_bk'][l], p['sa_Wv'][l], p['sa_bv'][l], p['sa_Wo'][l], p['sa_bo'][l]), p['ln1_g'][l], p['ln1_b'][l])
        x = _ln(x + _mha(x, memory, p['ca_Wq'][l], p['ca_bq'][l], p['ca_Wk'][l], p['ca_bk'][l], p['ca_Wv'][l], p['ca_bv'][l], p['ca_Wo'][l], p['ca_bo'][l]), p['ln2_g'][l], p['ln2_b'][l])
        x = _ln(x + _moe(x, p['Wr'][l], p['br'][l], p['W1'][l], p['b1'][l], p['W2'][l], p['b2'][l]), p['ln3_g'][l], p['ln3_b'][l])
    return x

def reference(tgt, memory, sa_Wq, sa_bq, sa_Wk, sa_bk, sa_Wv, sa_bv, sa_Wo, sa_bo,
              ca_Wq, ca_bq, ca_Wk, ca_bk, ca_Wv, ca_bv, ca_Wo, ca_bo,
              Wr, br, W1, b1, W2, b2,
              ln1_g, ln1_b, ln2_g, ln2_b, ln3_g, ln3_b):
    p = {
        'sa_Wq': sa_Wq, 'sa_bq': sa_bq, 'sa_Wk': sa_Wk, 'sa_bk': sa_bk,
        'sa_Wv': sa_Wv, 'sa_bv': sa_bv, 'sa_Wo': sa_Wo, 'sa_bo': sa_bo,
        'ca_Wq': ca_Wq, 'ca_bq': ca_bq, 'ca_Wk': ca_Wk, 'ca_bk': ca_bk,
        'ca_Wv': ca_Wv, 'ca_bv': ca_bv, 'ca_Wo': ca_Wo, 'ca_bo': ca_bo,
        'Wr': Wr, 'br': br,
        'W1': W1, 'b1': b1, 'W2': W2, 'b2': b2,
        'ln1_g': ln1_g, 'ln1_b': ln1_b, 'ln2_g': ln2_g, 'ln2_b': ln2_b,
        'ln3_g': ln3_g, 'ln3_b': ln3_b,
    }
    return _fwd(tgt, memory, p)

if __name__ == "__main__":
    import jax
    _d = setup_inputs()
    print(jax.jit(kernel)(*tuple(_d.values())))

</pallas_src>

<mosaic_0001>
#map = affine_map<(d0, d1) -> (0, 0)>
#map1 = affine_map<(d0, d1) -> (0)>
module attributes {stable_mosaic.version = 14 : i64} {
  func.func @gather(%arg0: i32, %arg1: i32, %arg2: memref<6144x1024xf32, #tpu.memory_space<hbm>>, %arg3: memref<4096xi32, #tpu.memory_space<hbm>>, %arg4: memref<4096x1024xf32, #tpu.memory_space<hbm>>, %arg5: memref<128xi32, #tpu.memory_space<vmem>>, %arg6: memref<32x1024xf32, #tpu.memory_space<vmem>>, %arg7: memref<32x1024xf32, #tpu.memory_space<vmem>>, %arg8: memref<32x1024xf32, #tpu.memory_space<vmem>>, %arg9: memref<!tpu.dma_semaphore, #tpu.memory_space<semaphore_mem>>, %arg10: memref<!tpu.dma_semaphore, #tpu.memory_space<semaphore_mem>>, %arg11: memref<!tpu.dma_semaphore, #tpu.memory_space<semaphore_mem>>, %arg12: memref<!tpu.dma_semaphore, #tpu.memory_space<semaphore_mem>>, %arg13: memref<!tpu.dma_semaphore, #tpu.memory_space<semaphore_mem>>, %arg14: memref<!tpu.dma_semaphore, #tpu.memory_space<semaphore_mem>>) attributes {dimension_semantics = [#tpu.dimension_semantics<core_parallel>, #tpu.dimension_semantics<subcore_parallel>], iteration_bounds = array<i64: 2, 16>, scalar_prefetch = 0 : i64, scratch_operands = 10 : i64, tpu.core_type = #tpu.core_type<sc_vector_subcore>, window_params = [{transform_indices = #map}, {transform_indices = #map1}, {transform_indices = #map}]} {
    %mul3A = arith.constant 2 : i32
    %mul3A_0 = arith.muli %arg1, %mul3A : i32
    %add3A = arith.addi %mul3A_0, %arg0 : i32
    %mul3A_1 = arith.constant 128 : i32
    %mul3A_2 = arith.muli %add3A, %mul3A_1 : i32
    "tpu.region"() ({
      %run_scoped3A = tpu.sem_alloc : memref<!tpu.dma_semaphore, #tpu.memory_space<semaphore_mem>>
      %dma_start3A_81 = tpu.memref_slice %arg3[%mul3A_2] : memref<4096xi32, #tpu.memory_space<hbm>> -> memref<128xi32, #tpu.memory_space<hbm>>
      %dma_start3A_82 = tpu.memref_slice %arg3[%mul3A_2] : memref<4096xi32, #tpu.memory_space<hbm>> -> memref<128xi32, #tpu.memory_space<hbm>>
      tpu.enqueue_dma source(%dma_start3A_82 : memref<128xi32, #tpu.memory_space<hbm>>) target(%arg5 : memref<128xi32, #tpu.memory_space<vmem>>) target_semaphore(%run_scoped3A : memref<!tpu.dma_semaphore, #tpu.memory_space<semaphore_mem>>)
      %dma_wait3A_83 = tpu.memref_slice %arg3[%mul3A_2] : memref<4096xi32, #tpu.memory_space<hbm>> -> memref<128xi32, #tpu.memory_space<hbm>>
      %dma_wait3A_84 = tpu.memref_slice %arg3[%mul3A_2] : memref<4096xi32, #tpu.memory_space<hbm>> -> memref<128xi32, #tpu.memory_space<hbm>>
      tpu.wait_dma2 semaphore(%run_scoped3A : memref<!tpu.dma_semaphore, #tpu.memory_space<semaphore_mem>>) src(%dma_wait3A_84 : memref<128xi32, #tpu.memory_space<hbm>>) dst(%arg5 : memref<128xi32, #tpu.memory_space<vmem>>)
      tpu.yield
    }) : () -> ()
    %dma_start3A = arith.constant 0 : i32
    %dma_start3A_3 = tpu.memref_slice %arg5[%dma_start3A] : memref<128xi32, #tpu.memory_space<vmem>> -> memref<32xi32, #tpu.memory_space<vmem>>
    %dma_start3A_4 = arith.constant 0 : i32
    %dma_start3A_5 = arith.constant 0 : i32
    %dma_start3A_6 = tpu.memref_slice %arg2[%dma_start3A_4, %dma_start3A_5] : memref<6144x1024xf32, #tpu.memory_space<hbm>> -> memref<6144x1024xf32, #tpu.memory_space<hbm>>
    tpu.enqueue_indirect_dma source(%dma_start3A_6 : memref<6144x1024xf32, #tpu.memory_space<hbm>>) target(%arg6 : memref<32x1024xf32, #tpu.memory_space<vmem>>) offsets(%dma_start3A_3 : memref<32xi32, #tpu.memory_space<vmem>>) semaphore(%arg9 : memref<!tpu.dma_semaphore, #tpu.memory_space<semaphore_mem>>)
    %dma_start3A_7 = arith.constant 32 : i32
    %dma_start3A_8 = tpu.memref_slice %arg5[%dma_start3A_7] : memref<128xi32, #tpu.memory_space<vmem>> -> memref<32xi32, #tpu.memory_space<vmem>>
    %dma_start3A_9 = arith.constant 0 : i32
    %dma_start3A_10 = arith.constant 0 : i32
    %dma_start3A_11 = tpu.memref_slice %arg2[%dma_start3A_9, %dma_start3A_10] : memref<6144x1024xf32, #tpu.memory_space<hbm>> -> memref<6144x1024xf32, #tpu.memory_space<hbm>>
    tpu.enqueue_indirect_dma source(%dma_start3A_11 : memref<6144x1024xf32, #tpu.memory_space<hbm>>) target(%arg7 : memref<32x1024xf32, #tpu.memory_space<vmem>>) offsets(%dma_start3A_8 : memref<32xi32, #tpu.memory_space<vmem>>) semaphore(%arg10 : memref<!tpu.dma_semaphore, #tpu.memory_space<semaphore_mem>>)
    %dma_start3A_12 = arith.constant 64 : i32
    %dma_start3A_13 = tpu.memref_slice %arg5[%dma_start3A_12] : memref<128xi32, #tpu.memory_space<vmem>> -> memref<32xi32, #tpu.memory_space<vmem>>
    %dma_start3A_14 = arith.constant 0 : i32
    %dma_start3A_15 = arith.constant 0 : i32
    %dma_start3A_16 = tpu.memref_slice %arg2[%dma_start3A_14, %dma_start3A_15] : memref<6144x1024xf32, #tpu.memory_space<hbm>> -> memref<6144x1024xf32, #tpu.memory_space<hbm>>
    tpu.enqueue_indirect_dma source(%dma_start3A_16 : memref<6144x1024xf32, #tpu.memory_space<hbm>>) target(%arg8 : memref<32x1024xf32, #tpu.memory_space<vmem>>) offsets(%dma_start3A_13 : memref<32xi32, #tpu.memory_space<vmem>>) semaphore(%arg11 : memref<!tpu.dma_semaphore, #tpu.memory_space<semaphore_mem>>)
    %dma_wait3A = arith.constant 0 : i32
    %dma_wait3A_17 = tpu.memref_slice %arg5[%dma_wait3A] : memref<128xi32, #tpu.memory_space<vmem>> -> memref<32xi32, #tpu.memory_space<vmem>>
    %dma_wait3A_18 = arith.constant 0 : i32
    %dma_wait3A_19 = arith.constant 0 : i32
    %dma_wait3A_20 = tpu.memref_slice %arg2[%dma_wait3A_18, %dma_wait3A_19] : memref<6144x1024xf32, #tpu.memory_space<hbm>> -> memref<6144x1024xf32, #tpu.memory_space<hbm>>
    tpu.wait_indirect_dma semaphore(%arg9 : memref<!tpu.dma_semaphore, #tpu.memory_space<semaphore_mem>>) src(%dma_wait3A_20 : memref<6144x1024xf32, #tpu.memory_space<hbm>>) dst(%arg6 : memref<32x1024xf32, #tpu.memory_space<vmem>>)
    %add3A_21 = arith.constant 0 : i32
    %add3A_22 = arith.addi %mul3A_2, %add3A_21 : i32
    %dma_start3A_23 = arith.constant 0 : i32
    %dma_start3A_24 = tpu.memref_slice %arg4[%add3A_22, %dma_start3A_23] : memref<4096x1024xf32, #tpu.memory_space<hbm>> -> memref<32x1024xf32, #tpu.memory_space<hbm>>
    %dma_start3A_25 = arith.constant 0 : i32
    %dma_start3A_26 = tpu.memref_slice %arg4[%add3A_22, %dma_start3A_25] : memref<4096x1024xf32, #tpu.memory_space<hbm>> -> memref<32x1024xf32, #tpu.memory_space<hbm>>
    tpu.enqueue_dma source(%arg6 : memref<32x1024xf32, #tpu.memory_space<vmem>>) target(%dma_start3A_26 : memref<32x1024xf32, #tpu.memory_space<hbm>>) target_semaphore(%arg12 : memref<!tpu.dma_semaphore, #tpu.memory_space<semaphore_mem>>)
    %dma_wait3A_27 = arith.constant 0 : i32
    %dma_wait3A_28 = tpu.memref_slice %arg4[%add3A_22, %dma_wait3A_27] : memref<4096x1024xf32, #tpu.memory_space<hbm>> -> memref<32x1024xf32, #tpu.memory_space<hbm>>
    %dma_wait3A_29 = arith.constant 0 : i32
    %dma_wait3A_30 = tpu.memref_slice %arg4[%add3A_22, %dma_wait3A_29] : memref<4096x1024xf32, #tpu.memory_space<hbm>> -> memref<32x1024xf32, #tpu.memory_space<hbm>>
    tpu.wait_dma2 semaphore(%arg12 : memref<!tpu.dma_semaphore, #tpu.memory_space<semaphore_mem>>) src(%arg6 : memref<32x1024xf32, #tpu.memory_space<vmem>>) dst(%dma_wait3A_30 : memref<32x1024xf32, #tpu.memory_space<hbm>>)
    %dma_start3A_31 = arith.constant 96 : i32
    %dma_start3A_32 = tpu.memref_slice %arg5[%dma_start3A_31] : memref<128xi32, #tpu.memory_space<vmem>> -> memref<32xi32, #tpu.memory_space<vmem>>
    %dma_start3A_33 = arith.constant 0 : i32
    %dma_start3A_34 = arith.constant 0 : i32
    %dma_start3A_35 = tpu.memref_slice %arg2[%dma_start3A_33, %dma_start3A_34] : memref<6144x1024xf32, #tpu.memory_space<hbm>> -> memref<6144x1024xf32, #tpu.memory_space<hbm>>
    tpu.enqueue_indirect_dma source(%dma_start3A_35 : memref<6144x1024xf32, #tpu.memory_space<hbm>>) target(%arg6 : memref<32x1024xf32, #tpu.memory_space<vmem>>) offsets(%dma_start3A_32 : memref<32xi32, #tpu.memory_space<vmem>>) semaphore(%arg9 : memref<!tpu.dma_semaphore, #tpu.memory_space<semaphore_mem>>)
    %dma_wait3A_36 = arith.constant 32 : i32
    %dma_wait3A_37 = tpu.memref_slice %arg5[%dma_wait3A_36] : memref<128xi32, #tpu.memory_space<vmem>> -> memref<32xi32, #tpu.memory_space<vmem>>
    %dma_wait3A_38 = arith.constant 0 : i32
    %dma_wait3A_39 = arith.constant 0 : i32
    %dma_wait3A_40 = tpu.memref_slice %arg2[%dma_wait3A_38, %dma_wait3A_39] : memref<6144x1024xf32, #tpu.memory_space<hbm>> -> memref<6144x1024xf32, #tpu.memory_space<hbm>>
    tpu.wait_indirect_dma semaphore(%arg10 : memref<!tpu.dma_semaphore, #tpu.memory_space<semaphore_mem>>) src(%dma_wait3A_40 : memref<6144x1024xf32, #tpu.memory_space<hbm>>) dst(%arg7 : memref<32x1024xf32, #tpu.memory_space<vmem>>)
    %add3A_41 = arith.constant 32 : i32
    %add3A_42 = arith.addi %mul3A_2, %add3A_41 : i32
    %dma_start3A_43 = arith.constant 0 : i32
    %dma_start3A_44 = tpu.memref_slice %arg4[%add3A_42, %dma_start3A_43] : memref<4096x1024xf32, #tpu.memory_space<hbm>> -> memref<32x1024xf32, #tpu.memory_space<hbm>>
    %dma_start3A_45 = arith.constant 0 : i32
    %dma_start3A_46 = tpu.memref_slice %arg4[%add3A_42, %dma_start3A_45] : memref<4096x1024xf32, #tpu.memory_space<hbm>> -> memref<32x1024xf32, #tpu.memory_space<hbm>>
    tpu.enqueue_dma source(%arg7 : memref<32x1024xf32, #tpu.memory_space<vmem>>) target(%dma_start3A_46 : memref<32x1024xf32, #tpu.memory_space<hbm>>) target_semaphore(%arg13 : memref<!tpu.dma_semaphore, #tpu.memory_space<semaphore_mem>>)
    %dma_wait3A_47 = arith.constant 64 : i32
    %dma_wait3A_48 = tpu.memref_slice %arg5[%dma_wait3A_47] : memref<128xi32, #tpu.memory_space<vmem>> -> memref<32xi32, #tpu.memory_space<vmem>>
    %dma_wait3A_49 = arith.constant 0 : i32
    %dma_wait3A_50 = arith.constant 0 : i32
    %dma_wait3A_51 = tpu.memref_slice %arg2[%dma_wait3A_49, %dma_wait3A_50] : memref<6144x1024xf32, #tpu.memory_space<hbm>> -> memref<6144x1024xf32, #tpu.memory_space<hbm>>
    tpu.wait_indirect_dma semaphore(%arg11 : memref<!tpu.dma_semaphore, #tpu.memory_space<semaphore_mem>>) src(%dma_wait3A_51 : memref<6144x1024xf32, #tpu.memory_space<hbm>>) dst(%arg8 : memref<32x1024xf32, #tpu.memory_space<vmem>>)
    %add3A_52 = arith.constant 64 : i32
    %add3A_53 = arith.addi %mul3A_2, %add3A_52 : i32
    %dma_start3A_54 = arith.constant 0 : i32
    %dma_start3A_55 = tpu.memref_slice %arg4[%add3A_53, %dma_start3A_54] : memref<4096x1024xf32, #tpu.memory_space<hbm>> -> memref<32x1024xf32, #tpu.memory_space<hbm>>
    %dma_start3A_56 = arith.constant 0 : i32
    %dma_start3A_57 = tpu.memref_slice %arg4[%add3A_53, %dma_start3A_56] : memref<4096x1024xf32, #tpu.memory_space<hbm>> -> memref<32x1024xf32, #tpu.memory_space<hbm>>
    tpu.enqueue_dma source(%arg8 : memref<32x1024xf32, #tpu.memory_space<vmem>>) target(%dma_start3A_57 : memref<32x1024xf32, #tpu.memory_space<hbm>>) target_semaphore(%arg14 : memref<!tpu.dma_semaphore, #tpu.memory_space<semaphore_mem>>)
    %dma_wait3A_58 = arith.constant 96 : i32
    %dma_wait3A_59 = tpu.memref_slice %arg5[%dma_wait3A_58] : memref<128xi32, #tpu.memory_space<vmem>> -> memref<32xi32, #tpu.memory_space<vmem>>
    %dma_wait3A_60 = arith.constant 0 : i32
    %dma_wait3A_61 = arith.constant 0 : i32
    %dma_wait3A_62 = tpu.memref_slice %arg2[%dma_wait3A_60, %dma_wait3A_61] : memref<6144x1024xf32, #tpu.memory_space<hbm>> -> memref<6144x1024xf32, #tpu.memory_space<hbm>>
    tpu.wait_indirect_dma semaphore(%arg9 : memref<!tpu.dma_semaphore, #tpu.memory_space<semaphore_mem>>) src(%dma_wait3A_62 : memref<6144x1024xf32, #tpu.memory_space<hbm>>) dst(%arg6 : memref<32x1024xf32, #tpu.memory_space<vmem>>)
    %add3A_63 = arith.constant 96 : i32
    %add3A_64 = arith.addi %mul3A_2, %add3A_63 : i32
    %dma_start3A_65 = arith.constant 0 : i32
    %dma_start3A_66 = tpu.memref_slice %arg4[%add3A_64, %dma_start3A_65] : memref<4096x1024xf32, #tpu.memory_space<hbm>> -> memref<32x1024xf32, #tpu.memory_space<hbm>>
    %dma_start3A_67 = arith.constant 0 : i32
    %dma_start3A_68 = tpu.memref_slice %arg4[%add3A_64, %dma_start3A_67] : memref<4096x1024xf32, #tpu.memory_space<hbm>> -> memref<32x1024xf32, #tpu.memory_space<hbm>>
    tpu.enqueue_dma source(%arg6 : memref<32x1024xf32, #tpu.memory_space<vmem>>) target(%dma_start3A_68 : memref<32x1024xf32, #tpu.memory_space<hbm>>) target_semaphore(%arg12 : memref<!tpu.dma_semaphore, #tpu.memory_space<semaphore_mem>>)
    %dma_wait3A_69 = arith.constant 0 : i32
    %dma_wait3A_70 = tpu.memref_slice %arg4[%add3A_42, %dma_wait3A_69] : memref<4096x1024xf32, #tpu.memory_space<hbm>> -> memref<32x1024xf32, #tpu.memory_space<hbm>>
    %dma_wait3A_71 = arith.constant 0 : i32
    %dma_wait3A_72 = tpu.memref_slice %arg4[%add3A_42, %dma_wait3A_71] : memref<4096x1024xf32, #tpu.memory_space<hbm>> -> memref<32x1024xf32, #tpu.memory_space<hbm>>
    tpu.wait_dma2 semaphore(%arg13 : memref<!tpu.dma_semaphore, #tpu.memory_space<semaphore_mem>>) src(%arg7 : memref<32x1024xf32, #tpu.memory_space<vmem>>) dst(%dma_wait3A_72 : memref<32x1024xf32, #tpu.memory_space<hbm>>)
    %dma_wait3A_73 = arith.constant 0 : i32
    %dma_wait3A_74 = tpu.memref_slice %arg4[%add3A_53, %dma_wait3A_73] : memref<4096x1024xf32, #tpu.memory_space<hbm>> -> memref<32x1024xf32, #tpu.memory_space<hbm>>
    %dma_wait3A_75 = arith.constant 0 : i32
    %dma_wait3A_76 = tpu.memref_slice %arg4[%add3A_53, %dma_wait3A_75] : memref<4096x1024xf32, #tpu.memory_space<hbm>> -> memref<32x1024xf32, #tpu.memory_space<hbm>>
    tpu.wait_dma2 semaphore(%arg14 : memref<!tpu.dma_semaphore, #tpu.memory_space<semaphore_mem>>) src(%arg8 : memref<32x1024xf32, #tpu.memory_space<vmem>>) dst(%dma_wait3A_76 : memref<32x1024xf32, #tpu.memory_space<hbm>>)
    %dma_wait3A_77 = arith.constant 0 : i32
    %dma_wait3A_78 = tpu.memref_slice %arg4[%add3A_64, %dma_wait3A_77] : memref<4096x1024xf32, #tpu.memory_space<hbm>> -> memref<32x1024xf32, #tpu.memory_space<hbm>>
    %dma_wait3A_79 = arith.constant 0 : i32
    %dma_wait3A_80 = tpu.memref_slice %arg4[%add3A_64, %dma_wait3A_79] : memref<4096x1024xf32, #tpu.memory_space<hbm>> -> memref<32x1024xf32, #tpu.memory_space<hbm>>
    tpu.wait_dma2 semaphore(%arg12 : memref<!tpu.dma_semaphore, #tpu.memory_space<semaphore_mem>>) src(%arg6 : memref<32x1024xf32, #tpu.memory_space<vmem>>) dst(%dma_wait3A_80 : memref<32x1024xf32, #tpu.memory_space<hbm>>)
    return
  }
}

#map = affine_map<(d0, d1) -> (0, 0)>
#map1 = affine_map<(d0, d1) -> (0)>
module attributes {stable_mosaic.version = 14 : i64} {
  func.func @gather(%arg0: i32, %arg1: i32, %arg2: memref<2048x1024xf32, #tpu.memory_space<hbm>>, %arg3: memref<6144xi32, #tpu.memory_space<hbm>>, %arg4: memref<6144x1024xf32, #tpu.memory_space<hbm>>, %arg5: memref<192xi32, #tpu.memory_space<vmem>>, %arg6: memref<32x1024xf32, #tpu.memory_space<vmem>>, %arg7: memref<32x1024xf32, #tpu.memory_space<vmem>>, %arg8: memref<32x1024xf32, #tpu.memory_space<vmem>>, %arg9: memref<!tpu.dma_semaphore, #tpu.memory_space<semaphore_mem>>, %arg10: memref<!tpu.dma_semaphore, #tpu.memory_space<semaphore_mem>>, %arg11: memref<!tpu.dma_semaphore, #tpu.memory_space<semaphore_mem>>, %arg12: memref<!tpu.dma_semaphore, #tpu.memory_space<semaphore_mem>>, %arg13: memref<!tpu.dma_semaphore, #tpu.memory_space<semaphore_mem>>, %arg14: memref<!tpu.dma_semaphore, #tpu.memory_space<semaphore_mem>>) attributes {dimension_semantics = [#tpu.dimension_semantics<core_parallel>, #tpu.dimension_semantics<subcore_parallel>], iteration_bounds = array<i64: 2, 16>, scalar_prefetch = 0 : i64, scratch_operands = 10 : i64, tpu.core_type = #tpu.core_type<sc_vector_subcore>, window_params = [{transform_indices = #map}, {transform_indices = #map1}, {transform_indices = #map}]} {
    %mul3A = arith.constant 2 : i32
    %mul3A_0 = arith.muli %arg1, %mul3A : i32
    %add3A = arith.addi %mul3A_0, %arg0 : i32
    %mul3A_1 = arith.constant 192 : i32
    %mul3A_2 = arith.muli %add3A, %mul3A_1 : i32
    "tpu.region"() ({
      %run_scoped3A = tpu.sem_alloc : memref<!tpu.dma_semaphore, #tpu.memory_space<semaphore_mem>>
      %dma_start3A_121 = tpu.memref_slice %arg3[%mul3A_2] : memref<6144xi32, #tpu.memory_space<hbm>> -> memref<192xi32, #tpu.memory_space<hbm>>
      %dma_start3A_122 = tpu.memref_slice %arg3[%mul3A_2] : memref<6144xi32, #tpu.memory_space<hbm>> -> memref<192xi32, #tpu.memory_space<hbm>>
      tpu.enqueue_dma source(%dma_start3A_122 : memref<192xi32, #tpu.memory_space<hbm>>) target(%arg5 : memref<192xi32, #tpu.memory_space<vmem>>) target_semaphore(%run_scoped3A : memref<!tpu.dma_semaphore, #tpu.memory_space<semaphore_mem>>)
      %dma_wait3A_123 = tpu.memref_slice %arg3[%mul3A_2] : memref<6144xi32, #tpu.memory_space<hbm>> -> memref<192xi32, #tpu.memory_space<hbm>>
      %dma_wait3A_124 = tpu.memref_slice %arg3[%mul3A_2] : memref<6144xi32, #tpu.memory_space<hbm>> -> memref<192xi32, #tpu.memory_space<hbm>>
      tpu.wait_dma2 semaphore(%run_scoped3A : memref<!tpu.dma_semaphore, #tpu.memory_space<semaphore_mem>>) src(%dma_wait3A_124 : memref<192xi32, #tpu.memory_space<hbm>>) dst(%arg5 : memref<192xi32, #tpu.memory_space<vmem>>)
      tpu.yield
    }) : () -> ()
    %dma_start3A = arith.constant 0 : i32
    %dma_start3A_3 = tpu.memref_slice %arg5[%dma_start3A] : memref<192xi32, #tpu.memory_space<vmem>> -> memref<32xi32, #tpu.memory_space<vmem>>
    %dma_start3A_4 = arith.constant 0 : i32
    %dma_start3A_5 = arith.constant 0 : i32
    %dma_start3A_6 = tpu.memref_slice %arg2[%dma_start3A_4, %dma_start3A_5] : memref<2048x1024xf32, #tpu.memory_space<hbm>> -> memref<2048x1024xf32, #tpu.memory_space<hbm>>
    tpu.enqueue_indirect_dma source(%dma_start3A_6 : memref<2048x1024xf32, #tpu.memory_space<hbm>>) target(%arg6 : memref<32x1024xf32, #tpu.memory_space<vmem>>) offsets(%dma_start3A_3 : memref<32xi32, #tpu.memory_space<vmem>>) semaphore(%arg9 : memref<!tpu.dma_semaphore, #tpu.memory_space<semaphore_mem>>)
    %dma_start3A_7 = arith.constant 32 : i32
    %dma_start3A_8 = tpu.memref_slice %arg5[%dma_start3A_7] : memref<192xi32, #tpu.memory_space<vmem>> -> memref<32xi32, #tpu.memory_space<vmem>>
    %dma_start3A_9 = arith.constant 0 : i32
    %dma_start3A_10 = arith.constant 0 : i32
    %dma_start3A_11 = tpu.memref_slice %arg2[%dma_start3A_9, %dma_start3A_10] : memref<2048x1024xf32, #tpu.memory_space<hbm>> -> memref<2048x1024xf32, #tpu.memory_space<hbm>>
    tpu.enqueue_indirect_dma source(%dma_start3A_11 : memref<2048x1024xf32, #tpu.memory_space<hbm>>) target(%arg7 : memref<32x1024xf32, #tpu.memory_space<vmem>>) offsets(%dma_start3A_8 : memref<32xi32, #tpu.memory_space<vmem>>) semaphore(%arg10 : memref<!tpu.dma_semaphore, #tpu.memory_space<semaphore_mem>>)
    %dma_start3A_12 = arith.constant 64 : i32
    %dma_start3A_13 = tpu.memref_slice %arg5[%dma_start3A_12] : memref<192xi32, #tpu.memory_space<vmem>> -> memref<32xi32, #tpu.memory_space<vmem>>
    %dma_start3A_14 = arith.constant 0 : i32
    %dma_start3A_15 = arith.constant 0 : i32
    %dma_start3A_16 = tpu.memref_slice %arg2[%dma_start3A_14, %dma_start3A_15] : memref<2048x1024xf32, #tpu.memory_space<hbm>> -> memref<2048x1024xf32, #tpu.memory_space<hbm>>
    tpu.enqueue_indirect_dma source(%dma_start3A_16 : memref<2048x1024xf32, #tpu.memory_space<hbm>>) target(%arg8 : memref<32x1024xf32, #tpu.memory_space<vmem>>) offsets(%dma_start3A_13 : memref<32xi32, #tpu.memory_space<vmem>>) semaphore(%arg11 : memref<!tpu.dma_semaphore, #tpu.memory_space<semaphore_mem>>)
    %dma_wait3A = arith.constant 0 : i32
    %dma_wait3A_17 = tpu.memref_slice %arg5[%dma_wait3A] : memref<192xi32, #tpu.memory_space<vmem>> -> memref<32xi32, #tpu.memory_space<vmem>>
    %dma_wait3A_18 = arith.constant 0 : i32
    %dma_wait3A_19 = arith.constant 0 : i32
    %dma_wait3A_20 = tpu.memref_slice %arg2[%dma_wait3A_18, %dma_wait3A_19] : memref<2048x1024xf32, #tpu.memory_space<hbm>> -> memref<2048x1024xf32, #tpu.memory_space<hbm>>
    tpu.wait_indirect_dma semaphore(%arg9 : memref<!tpu.dma_semaphore, #tpu.memory_space<semaphore_mem>>) src(%dma_wait3A_20 : memref<2048x1024xf32, #tpu.memory_space<hbm>>) dst(%arg6 : memref<32x1024xf32, #tpu.memory_space<vmem>>)
    %add3A_21 = arith.constant 0 : i32
    %add3A_22 = arith.addi %mul3A_2, %add3A_21 : i32
    %dma_start3A_23 = arith.constant 0 : i32
    %dma_start3A_24 = tpu.memref_slice %arg4[%add3A_22, %dma_start3A_23] : memref<6144x1024xf32, #tpu.memory_space<hbm>> -> memref<32x1024xf32, #tpu.memory_space<hbm>>
    %dma_start3A_25 = arith.constant 0 : i32
    %dma_start3A_26 = tpu.memref_slice %arg4[%add3A_22, %dma_start3A_25] : memref<6144x1024xf32, #tpu.memory_space<hbm>> -> memref<32x1024xf32, #tpu.memory_space<hbm>>
    tpu.enqueue_dma source(%arg6 : memref<32x1024xf32, #tpu.memory_space<vmem>>) target(%dma_start3A_26 : memref<32x1024xf32, #tpu.memory_space<hbm>>) target_semaphore(%arg12 : memref<!tpu.dma_semaphore, #tpu.memory_space<semaphore_mem>>)
    %dma_wait3A_27 = arith.constant 0 : i32
    %dma_wait3A_28 = tpu.memref_slice %arg4[%add3A_22, %dma_wait3A_27] : memref<6144x1024xf32, #tpu.memory_space<hbm>> -> memref<32x1024xf32, #tpu.memory_space<hbm>>
    %dma_wait3A_29 = arith.constant 0 : i32
    %dma_wait3A_30 = tpu.memref_slice %arg4[%add3A_22, %dma_wait3A_29] : memref<6144x1024xf32, #tpu.memory_space<hbm>> -> memref<32x1024xf32, #tpu.memory_space<hbm>>
    tpu.wait_dma2 semaphore(%arg12 : memref<!tpu.dma_semaphore, #tpu.memory_space<semaphore_mem>>) src(%arg6 : memref<32x1024xf32, #tpu.memory_space<vmem>>) dst(%dma_wait3A_30 : memref<32x1024xf32, #tpu.memory_space<hbm>>)
    %dma_start3A_31 = arith.constant 96 : i32
    %dma_start3A_32 = tpu.memref_slice %arg5[%dma_start3A_31] : memref<192xi32, #tpu.memory_space<vmem>> -> memref<32xi32, #tpu.memory_space<vmem>>
    %dma_start3A_33 = arith.constant 0 : i32
    %dma_start3A_34 = arith.constant 0 : i32
    %dma_start3A_35 = tpu.memref_slice %arg2[%dma_start3A_33, %dma_start3A_34] : memref<2048x1024xf32, #tpu.memory_space<hbm>> -> memref<2048x1024xf32, #tpu.memory_space<hbm>>
    tpu.enqueue_indirect_dma source(%dma_start3A_35 : memref<2048x1024xf32, #tpu.memory_space<hbm>>) target(%arg6 : memref<32x1024xf32, #tpu.memory_space<vmem>>) offsets(%dma_start3A_32 : memref<32xi32, #tpu.memory_space<vmem>>) semaphore(%arg9 : memref<!tpu.dma_semaphore, #tpu.memory_space<semaphore_mem>>)
    %dma_wait3A_36 = arith.constant 32 : i32
    %dma_wait3A_37 = tpu.memref_slice %arg5[%dma_wait3A_36] : memref<192xi32, #tpu.memory_space<vmem>> -> memref<32xi32, #tpu.memory_space<vmem>>
    %dma_wait3A_38 = arith.constant 0 : i32
    %dma_wait3A_39 = arith.constant 0 : i32
    %dma_wait3A_40 = tpu.memref_slice %arg2[%dma_wait3A_38, %dma_wait3A_39] : memref<2048x1024xf32, #tpu.memory_space<hbm>> -> memref<2048x1024xf32, #tpu.memory_space<hbm>>
    tpu.wait_indirect_dma semaphore(%arg10 : memref<!tpu.dma_semaphore, #tpu.memory_space<semaphore_mem>>) src(%dma_wait3A_40 : memref<2048x1024xf32, #tpu.memory_space<hbm>>) dst(%arg7 : memref<32x1024xf32, #tpu.memory_space<vmem>>)
    %add3A_41 = arith.constant 32 : i32
    %add3A_42 = arith.addi %mul3A_2, %add3A_41 : i32
    %dma_start3A_43 = arith.constant 0 : i32
    %dma_start3A_44 = tpu.memref_slice %arg4[%add3A_42, %dma_start3A_43] : memref<6144x1024xf32, #tpu.memory_space<hbm>> -> memref<32x1024xf32, #tpu.memory_space<hbm>>
    %dma_start3A_45 = arith.constant 0 : i32
    %dma_start3A_46 = tpu.memref_slice %arg4[%add3A_42, %dma_start3A_45] : memref<6144x1024xf32, #tpu.memory_space<hbm>> -> memref<32x1024xf32, #tpu.memory_space<hbm>>
    tpu.enqueue_dma source(%arg7 : memref<32x1024xf32, #tpu.memory_space<vmem>>) target(%dma_start3A_46 : memref<32x1024xf32, #tpu.memory_space<hbm>>) target_semaphore(%arg13 : memref<!tpu.dma_semaphore, #tpu.memory_space<semaphore_mem>>)
    %dma_wait3A_47 = arith.constant 0 : i32
    %dma_wait3A_48 = tpu.memref_slice %arg4[%add3A_42, %dma_wait3A_47] : memref<6144x1024xf32, #tpu.memory_space<hbm>> -> memref<32x1024xf32, #tpu.memory_space<hbm>>
    %dma_wait3A_49 = arith.constant 0 : i32
    %dma_wait3A_50 = tpu.memref_slice %arg4[%add3A_42, %dma_wait3A_49] : memref<6144x1024xf32, #tpu.memory_space<hbm>> -> memref<32x1024xf32, #tpu.memory_space<hbm>>
    tpu.wait_dma2 semaphore(%arg13 : memref<!tpu.dma_semaphore, #tpu.memory_space<semaphore_mem>>) src(%arg7 : memref<32x1024xf32, #tpu.memory_space<vmem>>) dst(%dma_wait3A_50 : memref<32x1024xf32, #tpu.memory_space<hbm>>)
    %dma_start3A_51 = arith.constant 128 : i32
    %dma_start3A_52 = tpu.memref_slice %arg5[%dma_start3A_51] : memref<192xi32, #tpu.memory_space<vmem>> -> memref<32xi32, #tpu.memory_space<vmem>>
    %dma_start3A_53 = arith.constant 0 : i32
    %dma_start3A_54 = arith.constant 0 : i32
    %dma_start3A_55 = tpu.memref_slice %arg2[%dma_start3A_53, %dma_start3A_54] : memref<2048x1024xf32, #tpu.memory_space<hbm>> -> memref<2048x1024xf32, #tpu.memory_space<hbm>>
    tpu.enqueue_indirect_dma source(%dma_start3A_55 : memref<2048x1024xf32, #tpu.memory_space<hbm>>) target(%arg7 : memref<32x1024xf32, #tpu.memory_space<vmem>>) offsets(%dma_start3A_52 : memref<32xi32, #tpu.memory_space<vmem>>) semaphore(%arg10 : memref<!tpu.dma_semaphore, #tpu.memory_space<semaphore_mem>>)
    %dma_wait3A_56 = arith.constant 64 : i32
    %dma_wait3A_57 = tpu.memref_slice %arg5[%dma_wait3A_56] : memref<192xi32, #tpu.memory_space<vmem>> -> memref<32xi32, #tpu.memory_space<vmem>>
    %dma_wait3A_58 = arith.constant 0 : i32
    %dma_wait3A_59 = arith.constant 0 : i32
    %dma_wait3A_60 = tpu.memref_slice %arg2[%dma_wait3A_58, %dma_wait3A_59] : memref<2048x1024xf32, #tpu.memory_space<hbm>> -> memref<2048x1024xf32, #tpu.memory_space<hbm>>
    tpu.wait_indirect_dma semaphore(%arg11 : memref<!tpu.dma_semaphore, #tpu.memory_space<semaphore_mem>>) src(%dma_wait3A_60 : memref<2048x1024xf32, #tpu.memory_space<hbm>>) dst(%arg8 : memref<32x1024xf32, #tpu.memory_space<vmem>>)
    %add3A_61 = arith.constant 64 : i32
    %add3A_62 = arith.addi %mul3A_2, %add3A_61 : i32
    %dma_start3A_63 = arith.constant 0 : i32
    %dma_start3A_64 = tpu.memref_slice %arg4[%add3A_62, %dma_start3A_63] : memref<6144x1024xf32, #tpu.memory_space<hbm>> -> memref<32x1024xf32, #tpu.memory_space<hbm>>
    %dma_start3A_65 = arith.constant 0 : i32
    %dma_start3A_66 = tpu.memref_slice %arg4[%add3A_62, %dma_start3A_65] : memref<6144x1024xf32, #tpu.memory_space<hbm>> -> memref<32x1024xf32, #tpu.memory_space<hbm>>
    tpu.enqueue_dma source(%arg8 : memref<32x1024xf32, #tpu.memory_space<vmem>>) target(%dma_start3A_66 : memref<32x1024xf32, #tpu.memory_space<hbm>>) target_semaphore(%arg14 : memref<!tpu.dma_semaphore, #tpu.memory_space<semaphore_mem>>)
    %dma_wait3A_67 = arith.constant 0 : i32
    %dma_wait3A_68 = tpu.memref_slice %arg4[%add3A_62, %dma_wait3A_67] : memref<6144x1024xf32, #tpu.memory_space<hbm>> -> memref<32x1024xf32, #tpu.memory_space<hbm>>
    %dma_wait3A_69 = arith.constant 0 : i32
    %dma_wait3A_70 = tpu.memref_slice %arg4[%add3A_62, %dma_wait3A_69] : memref<6144x1024xf32, #tpu.memory_space<hbm>> -> memref<32x1024xf32, #tpu.memory_space<hbm>>
    tpu.wait_dma2 semaphore(%arg14 : memref<!tpu.dma_semaphore, #tpu.memory_space<semaphore_mem>>) src(%arg8 : memref<32x1024xf32, #tpu.memory_space<vmem>>) dst(%dma_wait3A_70 : memref<32x1024xf32, #tpu.memory_space<hbm>>)
    %dma_start3A_71 = arith.constant 160 : i32
    %dma_start3A_72 = tpu.memref_slice %arg5[%dma_start3A_71] : memref<192xi32, #tpu.memory_space<vmem>> -> memref<32xi32, #tpu.memory_space<vmem>>
    %dma_start3A_73 = arith.constant 0 : i32
    %dma_start3A_74 = arith.constant 0 : i32
    %dma_start3A_75 = tpu.memref_slice %arg2[%dma_start3A_73, %dma_start3A_74] : memref<2048x1024xf32, #tpu.memory_space<hbm>> -> memref<2048x1024xf32, #tpu.memory_space<hbm>>
    tpu.enqueue_indirect_dma source(%dma_start3A_75 : memref<2048x1024xf32, #tpu.memory_space<hbm>>) target(%arg8 : memref<32x1024xf32, #tpu.memory_space<vmem>>) offsets(%dma_start3A_72 : memref<32xi32, #tpu.memory_space<vmem>>) semaphore(%arg11 : memref<!tpu.dma_semaphore, #tpu.memory_space<semaphore_mem>>)
    %dma_wait3A_76 = arith.constant 96 : i32
    %dma_wait3A_77 = tpu.memref_slice %arg5[%dma_wait3A_76] : memref<192xi32, #tpu.memory_space<vmem>> -> memref<32xi32, #tpu.memory_space<vmem>>
    %dma_wait3A_78 = arith.constant 0 : i32
    %dma_wait3A_79 = arith.constant 0 : i32
    %dma_wait3A_80 = tpu.memref_slice %arg2[%dma_wait3A_78, %dma_wait3A_79] : memref<2048x1024xf32, #tpu.memory_space<hbm>> -> memref<2048x1024xf32, #tpu.memory_space<hbm>>
    tpu.wait_indirect_dma semaphore(%arg9 : memref<!tpu.dma_semaphore, #tpu.memory_space<semaphore_mem>>) src(%dma_wait3A_80 : memref<2048x1024xf32, #tpu.memory_space<hbm>>) dst(%arg6 : memref<32x1024xf32, #tpu.memory_space<vmem>>)
    %add3A_81 = arith.constant 96 : i32
    %add3A_82 = arith.addi %mul3A_2, %add3A_81 : i32
    %dma_start3A_83 = arith.constant 0 : i32
    %dma_start3A_84 = tpu.memref_slice %arg4[%add3A_82, %dma_start3A_83] : memref<6144x1024xf32, #tpu.memory_space<hbm>> -> memref<32x1024xf32, #tpu.memory_space<hbm>>
    %dma_start3A_85 = arith.constant 0 : i32
    %dma_start3A_86 = tpu.memref_slice %arg4[%add3A_82, %dma_start3A_85] : memref<6144x1024xf32, #tpu.memory_space<hbm>> -> memref<32x1024xf32, #tpu.memory_space<hbm>>
    tpu.enqueue_dma source(%arg6 : memref<32x1024xf32, #tpu.memory_space<vmem>>) target(%dma_start3A_86 : memref<32x1024xf32, #tpu.memory_space<hbm>>) target_semaphore(%arg12 : memref<!tpu.dma_semaphore, #tpu.memory_space<semaphore_mem>>)
    %dma_wait3A_87 = arith.constant 128 : i32
    %dma_wait3A_88 = tpu.memref_slice %arg5[%dma_wait3A_87] : memref<192xi32, #tpu.memory_space<vmem>> -> memref<32xi32, #tpu.memory_space<vmem>>
    %dma_wait3A_89 = arith.constant 0 : i32
    %dma_wait3A_90 = arith.constant 0 : i32
    %dma_wait3A_91 = tpu.memref_slice %arg2[%dma_wait3A_89, %dma_wait3A_90] : memref<2048x1024xf32, #tpu.memory_space<hbm>> -> memref<2048x1024xf32, #tpu.memory_space<hbm>>
    tpu.wait_indirect_dma semaphore(%arg10 : memref<!tpu.dma_semaphore, #tpu.memory_space<semaphore_mem>>) src(%dma_wait3A_91 : memref<2048x1024xf32, #tpu.memory_space<hbm>>) dst(%arg7 : memref<32x1024xf32, #tpu.memory_space<vmem>>)
    %add3A_92 = arith.constant 128 : i32
    %add3A_93 = arith.addi %mul3A_2, %add3A_92 : i32
    %dma_start3A_94 = arith.constant 0 : i32
    %dma_start3A_95 = tpu.memref_slice %arg4[%add3A_93, %dma_start3A_94] : memref<6144x1024xf32, #tpu.memory_space<hbm>> -> memref<32x1024xf32, #tpu.memory_space<hbm>>
    %dma_start3A_96 = arith.constant 0 : i32
    %dma_start3A_97 = tpu.memref_slice %arg4[%add3A_93, %dma_start3A_96] : memref<6144x1024xf32, #tpu.memory_space<hbm>> -> memref<32x1024xf32, #tpu.memory_space<hbm>>
    tpu.enqueue_dma source(%arg7 : memref<32x1024xf32, #tpu.memory_space<vmem>>) target(%dma_start3A_97 : memref<32x1024xf32, #tpu.memory_space<hbm>>) target_semaphore(%arg13 : memref<!tpu.dma_semaphore, #tpu.memory_space<semaphore_mem>>)
    %dma_wait3A_98 = arith.constant 160 : i32
    %dma_wait3A_99 = tpu.memref_slice %arg5[%dma_wait3A_98] : memref<192xi32, #tpu.memory_space<vmem>> -> memref<32xi32, #tpu.memory_space<vmem>>
    %dma_wait3A_100 = arith.constant 0 : i32
    %dma_wait3A_101 = arith.constant 0 : i32
    %dma_wait3A_102 = tpu.memref_slice %arg2[%dma_wait3A_100, %dma_wait3A_101] : memref<2048x1024xf32, #tpu.memory_space<hbm>> -> memref<2048x1024xf32, #tpu.memory_space<hbm>>
    tpu.wait_indirect_dma semaphore(%arg11 : memref<!tpu.dma_semaphore, #tpu.memory_space<semaphore_mem>>) src(%dma_wait3A_102 : memref<2048x1024xf32, #tpu.memory_space<hbm>>) dst(%arg8 : memref<32x1024xf32, #tpu.memory_space<vmem>>)
    %add3A_103 = arith.constant 160 : i32
    %add3A_104 = arith.addi %mul3A_2, %add3A_103 : i32
    %dma_start3A_105 = arith.constant 0 : i32
    %dma_start3A_106 = tpu.memref_slice %arg4[%add3A_104, %dma_start3A_105] : memref<6144x1024xf32, #tpu.memory_space<hbm>> -> memref<32x1024xf32, #tpu.memory_space<hbm>>
    %dma_start3A_107 = arith.constant 0 : i32
    %dma_start3A_108 = tpu.memref_slice %arg4[%add3A_104, %dma_start3A_107] : memref<6144x1024xf32, #tpu.memory_space<hbm>> -> memref<32x1024xf32, #tpu.memory_space<hbm>>
    tpu.enqueue_dma source(%arg8 : memref<32x1024xf32, #tpu.memory_space<vmem>>) target(%dma_start3A_108 : memref<32x1024xf32, #tpu.memory_space<hbm>>) target_semaphore(%arg14 : memref<!tpu.dma_semaphore, #tpu.memory_space<semaphore_mem>>)
    %dma_wait3A_109 = arith.constant 0 : i32
    %dma_wait3A_110 = tpu.memref_slice %arg4[%add3A_82, %dma_wait3A_109] : memref<6144x1024xf32, #tpu.memory_space<hbm>> -> memref<32x1024xf32, #tpu.memory_space<hbm>>
    %dma_wait3A_111 = arith.constant 0 : i32
    %dma_wait3A_112 = tpu.memref_slice %arg4[%add3A_82, %dma_wait3A_111] : memref<6144x1024xf32, #tpu.memory_space<hbm>> -> memref<32x1024xf32, #tpu.memory_space<hbm>>
    tpu.wait_dma2 semaphore(%arg12 : memref<!tpu.dma_semaphore, #tpu.memory_space<semaphore_mem>>) src(%arg6 : memref<32x1024xf32, #tpu.memory_space<vmem>>) dst(%dma_wait3A_112 : memref<32x1024xf32, #tpu.memory_space<hbm>>)
    %dma_wait3A_113 = arith.constant 0 : i32
    %dma_wait3A_114 = tpu.memref_slice %arg4[%add3A_93, %dma_wait3A_113] : memref<6144x1024xf32, #tpu.memory_space<hbm>> -> memref<32x1024xf32, #tpu.memory_space<hbm>>
    %dma_wait3A_115 = arith.constant 0 : i32
    %dma_wait3A_116 = tpu.memref_slice %arg4[%add3A_93, %dma_wait3A_115] : memref<6144x1024xf32, #tpu.memory_space<hbm>> -> memref<32x1024xf32, #tpu.memory_space<hbm>>
    tpu.wait_dma2 semaphore(%arg13 : memref<!tpu.dma_semaphore, #tpu.memory_space<semaphore_mem>>) src(%arg7 : memref<32x1024xf32, #tpu.memory_space<vmem>>) dst(%dma_wait3A_116 : memref<32x1024xf32, #tpu.memory_space<hbm>>)
    %dma_wait3A_117 = arith.constant 0 : i32
    %dma_wait3A_118 = tpu.memref_slice %arg4[%add3A_104, %dma_wait3A_117] : memref<6144x1024xf32, #tpu.memory_space<hbm>> -> memref<32x1024xf32, #tpu.memory_space<hbm>>
    %dma_wait3A_119 = arith.constant 0 : i32
    %dma_wait3A_120 = tpu.memref_slice %arg4[%add3A_104, %dma_wait3A_119] : memref<6144x1024xf32, #tpu.memory_space<hbm>> -> memref<32x1024xf32, #tpu.memory_space<hbm>>
    tpu.wait_dma2 semaphore(%arg14 : memref<!tpu.dma_semaphore, #tpu.memory_space<semaphore_mem>>) src(%arg8 : memref<32x1024xf32, #tpu.memory_space<vmem>>) dst(%dma_wait3A_120 : memref<32x1024xf32, #tpu.memory_space<hbm>>)
    return
  }
}

#map = affine_map<(d0, d1) -> (0, 0)>
#map1 = affine_map<(d0, d1) -> (0)>
module attributes {stable_mosaic.version = 14 : i64} {
  func.func @gather(%arg0: i32, %arg1: i32, %arg2: memref<2048x1024xf32, #tpu.memory_space<hbm>>, %arg3: memref<6144xi32, #tpu.memory_space<hbm>>, %arg4: memref<6144x1024xf32, #tpu.memory_space<hbm>>, %arg5: memref<192xi32, #tpu.memory_space<vmem>>, %arg6: memref<32x1024xf32, #tpu.memory_space<vmem>>, %arg7: memref<32x1024xf32, #tpu.memory_space<vmem>>, %arg8: memref<32x1024xf32, #tpu.memory_space<vmem>>, %arg9: memref<!tpu.dma_semaphore, #tpu.memory_space<semaphore_mem>>, %arg10: memref<!tpu.dma_semaphore, #tpu.memory_space<semaphore_mem>>, %arg11: memref<!tpu.dma_semaphore, #tpu.memory_space<semaphore_mem>>, %arg12: memref<!tpu.dma_semaphore, #tpu.memory_space<semaphore_mem>>, %arg13: memref<!tpu.dma_semaphore, #tpu.memory_space<semaphore_mem>>, %arg14: memref<!tpu.dma_semaphore, #tpu.memory_space<semaphore_mem>>) attributes {dimension_semantics = [#tpu.dimension_semantics<core_parallel>, #tpu.dimension_semantics<subcore_parallel>], iteration_bounds = array<i64: 2, 16>, scalar_prefetch = 0 : i64, scratch_operands = 10 : i64, tpu.core_type = #tpu.core_type<sc_vector_subcore>, window_params = [{transform_indices = #map}, {transform_indices = #map1}, {transform_indices = #map}]} {
    %mul3A = arith.constant 2 : i32
    %mul3A_0 = arith.muli %arg1, %mul3A : i32
    %add3A = arith.addi %mul3A_0, %arg0 : i32
    %mul3A_1 = arith.constant 192 : i32
    %mul3A_2 = arith.muli %add3A, %mul3A_1 : i32
    "tpu.region"() ({
      %run_scoped3A = tpu.sem_alloc : memref<!tpu.dma_semaphore, #tpu.memory_space<semaphore_mem>>
      %dma_start3A_121 = tpu.memref_slice %arg3[%mul3A_2] : memref<6144xi32, #tpu.memory_space<hbm>> -> memref<192xi32, #tpu.memory_space<hbm>>
      %dma_start3A_122 = tpu.memref_slice %arg3[%mul3A_2] : memref<6144xi32, #tpu.memory_space<hbm>> -> memref<192xi32, #tpu.memory_space<hbm>>
      tpu.enqueue_dma source(%dma_start3A_122 : memref<192xi32, #tpu.memory_space<hbm>>) target(%arg5 : memref<192xi32, #tpu.memory_space<vmem>>) target_semaphore(%run_scoped3A : memref<!tpu.dma_semaphore, #tpu.memory_space<semaphore_mem>>)
      %dma_wait3A_123 = tpu.memref_slice %arg3[%mul3A_2] : memref<6144xi32, #tpu.memory_space<hbm>> -> memref<192xi32, #tpu.memory_space<hbm>>
      %dma_wait3A_124 = tpu.memref_slice %arg3[%mul3A_2] : memref<6144xi32, #tpu.memory_space<hbm>> -> memref<192xi32, #tpu.memory_space<hbm>>
      tpu.wait_dma2 semaphore(%run_scoped3A : memref<!tpu.dma_semaphore, #tpu.memory_space<semaphore_mem>>) src(%dma_wait3A_124 : memref<192xi32, #tpu.memory_space<hbm>>) dst(%arg5 : memref<192xi32, #tpu.memory_space<vmem>>)
      tpu.yield
    }) : () -> ()
    %dma_start3A = arith.constant 0 : i32
    %dma_start3A_3 = tpu.memref_slice %arg5[%dma_start3A] : memref<192xi32, #tpu.memory_space<vmem>> -> memref<32xi32, #tpu.memory_space<vmem>>
    %dma_start3A_4 = arith.constant 0 : i32
    %dma_start3A_5 = arith.constant 0 : i32
    %dma_start3A_6 = tpu.memref_slice %arg2[%dma_start3A_4, %dma_start3A_5] : memref<2048x1024xf32, #tpu.memory_space<hbm>> -> memref<2048x1024xf32, #tpu.memory_space<hbm>>
    tpu.enqueue_indirect_dma source(%dma_start3A_6 : memref<2048x1024xf32, #tpu.memory_space<hbm>>) target(%arg6 : memref<32x1024xf32, #tpu.memory_space<vmem>>) offsets(%dma_start3A_3 : memref<32xi32, #tpu.memory_space<vmem>>) semaphore(%arg9 : memref<!tpu.dma_semaphore, #tpu.memory_space<semaphore_mem>>)
    %dma_start3A_7 = arith.constant 32 : i32
    %dma_start3A_8 = tpu.memref_slice %arg5[%dma_start3A_7] : memref<192xi32, #tpu.memory_space<vmem>> -> memref<32xi32, #tpu.memory_space<vmem>>
    %dma_start3A_9 = arith.constant 0 : i32
    %dma_start3A_10 = arith.constant 0 : i32
    %dma_start3A_11 = tpu.memref_slice %arg2[%dma_start3A_9, %dma_start3A_10] : memref<2048x1024xf32, #tpu.memory_space<hbm>> -> memref<2048x1024xf32, #tpu.memory_space<hbm>>
    tpu.enqueue_indirect_dma source(%dma_start3A_11 : memref<2048x1024xf32, #tpu.memory_space<hbm>>) target(%arg7 : memref<32x1024xf32, #tpu.memory_space<vmem>>) offsets(%dma_start3A_8 : memref<32xi32, #tpu.memory_space<vmem>>) semaphore(%arg10 : memref<!tpu.dma_semaphore, #tpu.memory_space<semaphore_mem>>)
    %dma_start3A_12 = arith.constant 64 : i32
    %dma_start3A_13 = tpu.memref_slice %arg5[%dma_start3A_12] : memref<192xi32, #tpu.memory_space<vmem>> -> memref<32xi32, #tpu.memory_space<vmem>>
    %dma_start3A_14 = arith.constant 0 : i32
    %dma_start3A_15 = arith.constant 0 : i32
    %dma_start3A_16 = tpu.memref_slice %arg2[%dma_start3A_14, %dma_start3A_15] : memref<2048x1024xf32, #tpu.memory_space<hbm>> -> memref<2048x1024xf32, #tpu.memory_space<hbm>>
    tpu.enqueue_indirect_dma source(%dma_start3A_16 : memref<2048x1024xf32, #tpu.memory_space<hbm>>) target(%arg8 : memref<32x1024xf32, #tpu.memory_space<vmem>>) offsets(%dma_start3A_13 : memref<32xi32, #tpu.memory_space<vmem>>) semaphore(%arg11 : memref<!tpu.dma_semaphore, #tpu.memory_space<semaphore_mem>>)
    %dma_wait3A = arith.constant 0 : i32
    %dma_wait3A_17 = tpu.memref_slice %arg5[%dma_wait3A] : memref<192xi32, #tpu.memory_space<vmem>> -> memref<32xi32, #tpu.memory_space<vmem>>
    %dma_wait3A_18 = arith.constant 0 : i32
    %dma_wait3A_19 = arith.constant 0 : i32
    %dma_wait3A_20 = tpu.memref_slice %arg2[%dma_wait3A_18, %dma_wait3A_19] : memref<2048x1024xf32, #tpu.memory_space<hbm>> -> memref<2048x1024xf32, #tpu.memory_space<hbm>>
    tpu.wait_indirect_dma semaphore(%arg9 : memref<!tpu.dma_semaphore, #tpu.memory_space<semaphore_mem>>) src(%dma_wait3A_20 : memref<2048x1024xf32, #tpu.memory_space<hbm>>) dst(%arg6 : memref<32x1024xf32, #tpu.memory_space<vmem>>)
    %add3A_21 = arith.constant 0 : i32
    %add3A_22 = arith.addi %mul3A_2, %add3A_21 : i32
    %dma_start3A_23 = arith.constant 0 : i32
    %dma_start3A_24 = tpu.memref_slice %arg4[%add3A_22, %dma_start3A_23] : memref<6144x1024xf32, #tpu.memory_space<hbm>> -> memref<32x1024xf32, #tpu.memory_space<hbm>>
    %dma_start3A_25 = arith.constant 0 : i32
    %dma_start3A_26 = tpu.memref_slice %arg4[%add3A_22, %dma_start3A_25] : memref<6144x1024xf32, #tpu.memory_space<hbm>> -> memref<32x1024xf32, #tpu.memory_space<hbm>>
    tpu.enqueue_dma source(%arg6 : memref<32x1024xf32, #tpu.memory_space<vmem>>) target(%dma_start3A_26 : memref<32x1024xf32, #tpu.memory_space<hbm>>) target_semaphore(%arg12 : memref<!tpu.dma_semaphore, #tpu.memory_space<semaphore_mem>>)
    %dma_wait3A_27 = arith.constant 0 : i32
    %dma_wait3A_28 = tpu.memref_slice %arg4[%add3A_22, %dma_wait3A_27] : memref<6144x1024xf32, #tpu.memory_space<hbm>> -> memref<32x1024xf32, #tpu.memory_space<hbm>>
    %dma_wait3A_29 = arith.constant 0 : i32
    %dma_wait3A_30 = tpu.memref_slice %arg4[%add3A_22, %dma_wait3A_29] : memref<6144x1024xf32, #tpu.memory_space<hbm>> -> memref<32x1024xf32, #tpu.memory_space<hbm>>
    tpu.wait_dma2 semaphore(%arg12 : memref<!tpu.dma_semaphore, #tpu.memory_space<semaphore_mem>>) src(%arg6 : memref<32x1024xf32, #tpu.memory_space<vmem>>) dst(%dma_wait3A_30 : memref<32x1024xf32, #tpu.memory_space<hbm>>)
    %dma_start3A_31 = arith.constant 96 : i32
    %dma_start3A_32 = tpu.memref_slice %arg5[%dma_start3A_31] : memref<192xi32, #tpu.memory_space<vmem>> -> memref<32xi32, #tpu.memory_space<vmem>>
    %dma_start3A_33 = arith.constant 0 : i32
    %dma_start3A_34 = arith.constant 0 : i32
    %dma_start3A_35 = tpu.memref_slice %arg2[%dma_start3A_33, %dma_start3A_34] : memref<2048x1024xf32, #tpu.memory_space<hbm>> -> memref<2048x1024xf32, #tpu.memory_space<hbm>>
    tpu.enqueue_indirect_dma source(%dma_start3A_35 : memref<2048x1024xf32, #tpu.memory_space<hbm>>) target(%arg6 : memref<32x1024xf32, #tpu.memory_space<vmem>>) offsets(%dma_start3A_32 : memref<32xi32, #tpu.memory_space<vmem>>) semaphore(%arg9 : memref<!tpu.dma_semaphore, #tpu.memory_space<semaphore_mem>>)
    %dma_wait3A_36 = arith.constant 32 : i32
    %dma_wait3A_37 = tpu.memref_slice %arg5[%dma_wait3A_36] : memref<192xi32, #tpu.memory_space<vmem>> -> memref<32xi32, #tpu.memory_space<vmem>>
    %dma_wait3A_38 = arith.constant 0 : i32
    %dma_wait3A_39 = arith.constant 0 : i32
    %dma_wait3A_40 = tpu.memref_slice %arg2[%dma_wait3A_38, %dma_wait3A_39] : memref<2048x1024xf32, #tpu.memory_space<hbm>> -> memref<2048x1024xf32, #tpu.memory_space<hbm>>
    tpu.wait_indirect_dma semaphore(%arg10 : memref<!tpu.dma_semaphore, #tpu.memory_space<semaphore_mem>>) src(%dma_wait3A_40 : memref<2048x1024xf32, #tpu.memory_space<hbm>>) dst(%arg7 : memref<32x1024xf32, #tpu.memory_space<vmem>>)
    %add3A_41 = arith.constant 32 : i32
    %add3A_42 = arith.addi %mul3A_2, %add3A_41 : i32
    %dma_start3A_43 = arith.constant 0 : i32
    %dma_start3A_44 = tpu.memref_slice %arg4[%add3A_42, %dma_start3A_43] : memref<6144x1024xf32, #tpu.memory_space<hbm>> -> memref<32x1024xf32, #tpu.memory_space<hbm>>
    %dma_start3A_45 = arith.constant 0 : i32
    %dma_start3A_46 = tpu.memref_slice %arg4[%add3A_42, %dma_start3A_45] : memref<6144x1024xf32, #tpu.memory_space<hbm>> -> memref<32x1024xf32, #tpu.memory_space<hbm>>
    tpu.enqueue_dma source(%arg7 : memref<32x1024xf32, #tpu.memory_space<vmem>>) target(%dma_start3A_46 : memref<32x1024xf32, #tpu.memory_space<hbm>>) target_semaphore(%arg13 : memref<!tpu.dma_semaphore, #tpu.memory_space<semaphore_mem>>)
    %dma_wait3A_47 = arith.constant 0 : i32
    %dma_wait3A_48 = tpu.memref_slice %arg4[%add3A_42, %dma_wait3A_47] : memref<6144x1024xf32, #tpu.memory_space<hbm>> -> memref<32x1024xf32, #tpu.memory_space<hbm>>
    %dma_wait3A_49 = arith.constant 0 : i32
    %dma_wait3A_50 = tpu.memref_slice %arg4[%add3A_42, %dma_wait3A_49] : memref<6144x1024xf32, #tpu.memory_space<hbm>> -> memref<32x1024xf32, #tpu.memory_space<hbm>>
    tpu.wait_dma2 semaphore(%arg13 : memref<!tpu.dma_semaphore, #tpu.memory_space<semaphore_mem>>) src(%arg7 : memref<32x1024xf32, #tpu.memory_space<vmem>>) dst(%dma_wait3A_50 : memref<32x1024xf32, #tpu.memory_space<hbm>>)
    %dma_start3A_51 = arith.constant 128 : i32
    %dma_start3A_52 = tpu.memref_slice %arg5[%dma_start3A_51] : memref<192xi32, #tpu.memory_space<vmem>> -> memref<32xi32, #tpu.memory_space<vmem>>
    %dma_start3A_53 = arith.constant 0 : i32
    %dma_start3A_54 = arith.constant 0 : i32
    %dma_start3A_55 = tpu.memref_slice %arg2[%dma_start3A_53, %dma_start3A_54] : memref<2048x1024xf32, #tpu.memory_space<hbm>> -> memref<2048x1024xf32, #tpu.memory_space<hbm>>
    tpu.enqueue_indirect_dma source(%dma_start3A_55 : memref<2048x1024xf32, #tpu.memory_space<hbm>>) target(%arg7 : memref<32x1024xf32, #tpu.memory_space<vmem>>) offsets(%dma_start3A_52 : memref<32xi32, #tpu.memory_space<vmem>>) semaphore(%arg10 : memref<!tpu.dma_semaphore, #tpu.memory_space<semaphore_mem>>)
    %dma_wait3A_56 = arith.constant 64 : i32
    %dma_wait3A_57 = tpu.memref_slice %arg5[%dma_wait3A_56] : memref<192xi32, #tpu.memory_space<vmem>> -> memref<32xi32, #tpu.memory_space<vmem>>
    %dma_wait3A_58 = arith.constant 0 : i32
    %dma_wait3A_59 = arith.constant 0 : i32
    %dma_wait3A_60 = tpu.memref_slice %arg2[%dma_wait3A_58, %dma_wait3A_59] : memref<2048x1024xf32, #tpu.memory_space<hbm>> -> memref<2048x1024xf32, #tpu.memory_space<hbm>>
    tpu.wait_indirect_dma semaphore(%arg11 : memref<!tpu.dma_semaphore, #tpu.memory_space<semaphore_mem>>) src(%dma_wait3A_60 : memref<2048x1024xf32, #tpu.memory_space<hbm>>) dst(%arg8 : memref<32x1024xf32, #tpu.memory_space<vmem>>)
    %add3A_61 = arith.constant 64 : i32
    %add3A_62 = arith.addi %mul3A_2, %add3A_61 : i32
    %dma_start3A_63 = arith.constant 0 : i32
    %dma_start3A_64 = tpu.memref_slice %arg4[%add3A_62, %dma_start3A_63] : memref<6144x1024xf32, #tpu.memory_space<hbm>> -> memref<32x1024xf32, #tpu.memory_space<hbm>>
    %dma_start3A_65 = arith.constant 0 : i32
    %dma_start3A_66 = tpu.memref_slice %arg4[%add3A_62, %dma_start3A_65] : memref<6144x1024xf32, #tpu.memory_space<hbm>> -> memref<32x1024xf32, #tpu.memory_space<hbm>>
    tpu.enqueue_dma source(%arg8 : memref<32x1024xf32, #tpu.memory_space<vmem>>) target(%dma_start3A_66 : memref<32x1024xf32, #tpu.memory_space<hbm>>) target_semaphore(%arg14 : memref<!tpu.dma_semaphore, #tpu.memory_space<semaphore_mem>>)
    %dma_wait3A_67 = arith.constant 0 : i32
    %dma_wait3A_68 = tpu.memref_slice %arg4[%add3A_62, %dma_wait3A_67] : memref<6144x1024xf32, #tpu.memory_space<hbm>> -> memref<32x1024xf32, #tpu.memory_space<hbm>>
    %dma_wait3A_69 = arith.constant 0 : i32
    %dma_wait3A_70 = tpu.memref_slice %arg4[%add3A_62, %dma_wait3A_69] : memref<6144x1024xf32, #tpu.memory_space<hbm>> -> memref<32x1024xf32, #tpu.memory_space<hbm>>
    tpu.wait_dma2 semaphore(%arg14 : memref<!tpu.dma_semaphore, #tpu.memory_space<semaphore_mem>>) src(%arg8 : memref<32x1024xf32, #tpu.memory_space<vmem>>) dst(%dma_wait3A_70 : memref<32x1024xf32, #tpu.memory_space<hbm>>)
    %dma_start3A_71 = arith.constant 160 : i32
    %dma_start3A_72 = tpu.memref_slice %arg5[%dma_start3A_71] : memref<192xi32, #tpu.memory_space<vmem>> -> memref<32xi32, #tpu.memory_space<vmem>>
    %dma_start3A_73 = arith.constant 0 : i32
    %dma_start3A_74 = arith.constant 0 : i32
    %dma_start3A_75 = tpu.memref_slice %arg2[%dma_start3A_73, %dma_start3A_74] : memref<2048x1024xf32, #tpu.memory_space<hbm>> -> memref<2048x1024xf32, #tpu.memory_space<hbm>>
    tpu.enqueue_indirect_dma source(%dma_start3A_75 : memref<2048x1024xf32, #tpu.memory_space<hbm>>) target(%arg8 : memref<32x1024xf32, #tpu.memory_space<vmem>>) offsets(%dma_start3A_72 : memref<32xi32, #tpu.memory_space<vmem>>) semaphore(%arg11 : memref<!tpu.dma_semaphore, #tpu.memory_space<semaphore_mem>>)
    %dma_wait3A_76 = arith.constant 96 : i32
    %dma_wait3A_77 = tpu.memref_slice %arg5[%dma_wait3A_76] : memref<192xi32, #tpu.memory_space<vmem>> -> memref<32xi32, #tpu.memory_space<vmem>>
    %dma_wait3A_78 = arith.constant 0 : i32
    %dma_wait3A_79 = arith.constant 0 : i32
    %dma_wait3A_80 = tpu.memref_slice %arg2[%dma_wait3A_78, %dma_wait3A_79] : memref<2048x1024xf32, #tpu.memory_space<hbm>> -> memref<2048x1024xf32, #tpu.memory_space<hbm>>
    tpu.wait_indirect_dma semaphore(%arg9 : memref<!tpu.dma_semaphore, #tpu.memory_space<semaphore_mem>>) src(%dma_wait3A_80 : memref<2048x1024xf32, #tpu.memory_space<hbm>>) dst(%arg6 : memref<32x1024xf32, #tpu.memory_space<vmem>>)
    %add3A_81 = arith.constant 96 : i32
    %add3A_82 = arith.addi %mul3A_2, %add3A_81 : i32
    %dma_start3A_83 = arith.constant 0 : i32
    %dma_start3A_84 = tpu.memref_slice %arg4[%add3A_82, %dma_start3A_83] : memref<6144x1024xf32, #tpu.memory_space<hbm>> -> memref<32x1024xf32, #tpu.memory_space<hbm>>
    %dma_start3A_85 = arith.constant 0 : i32
    %dma_start3A_86 = tpu.memref_slice %arg4[%add3A_82, %dma_start3A_85] : memref<6144x1024xf32, #tpu.memory_space<hbm>> -> memref<32x1024xf32, #tpu.memory_space<hbm>>
    tpu.enqueue_dma source(%arg6 : memref<32x1024xf32, #tpu.memory_space<vmem>>) target(%dma_start3A_86 : memref<32x1024xf32, #tpu.memory_space<hbm>>) target_semaphore(%arg12 : memref<!tpu.dma_semaphore, #tpu.memory_space<semaphore_mem>>)
    %dma_wait3A_87 = arith.constant 128 : i32
    %dma_wait3A_88 = tpu.memref_slice %arg5[%dma_wait3A_87] : memref<192xi32, #tpu.memory_space<vmem>> -> memref<32xi32, #tpu.memory_space<vmem>>
    %dma_wait3A_89 = arith.constant 0 : i32
    %dma_wait3A_90 = arith.constant 0 : i32
    %dma_wait3A_91 = tpu.memref_slice %arg2[%dma_wait3A_89, %dma_wait3A_90] : memref<2048x1024xf32, #tpu.memory_space<hbm>> -> memref<2048x1024xf32, #tpu.memory_space<hbm>>
    tpu.wait_indirect_dma semaphore(%arg10 : memref<!tpu.dma_semaphore, #tpu.memory_space<semaphore_mem>>) src(%dma_wait3A_91 : memref<2048x1024xf32, #tpu.memory_space<hbm>>) dst(%arg7 : memref<32x1024xf32, #tpu.memory_space<vmem>>)
    %add3A_92 = arith.constant 128 : i32
    %add3A_93 = arith.addi %mul3A_2, %add3A_92 : i32
    %dma_start3A_94 = arith.constant 0 : i32
    %dma_start3A_95 = tpu.memref_slice %arg4[%add3A_93, %dma_start3A_94] : memref<6144x1024xf32, #tpu.memory_space<hbm>> -> memref<32x1024xf32, #tpu.memory_space<hbm>>
    %dma_start3A_96 = arith.constant 0 : i32
    %dma_start3A_97 = tpu.memref_slice %arg4[%add3A_93, %dma_start3A_96] : memref<6144x1024xf32, #tpu.memory_space<hbm>> -> memref<32x1024xf32, #tpu.memory_space<hbm>>
    tpu.enqueue_dma source(%arg7 : memref<32x1024xf32, #tpu.memory_space<vmem>>) target(%dma_start3A_97 : memref<32x1024xf32, #tpu.memory_space<hbm>>) target_semaphore(%arg13 : memref<!tpu.dma_semaphore, #tpu.memory_space<semaphore_mem>>)
    %dma_wait3A_98 = arith.constant 160 : i32
    %dma_wait3A_99 = tpu.memref_slice %arg5[%dma_wait3A_98] : memref<192xi32, #tpu.memory_space<vmem>> -> memref<32xi32, #tpu.memory_space<vmem>>
    %dma_wait3A_100 = arith.constant 0 : i32
    %dma_wait3A_101 = arith.constant 0 : i32
    %dma_wait3A_102 = tpu.memref_slice %arg2[%dma_wait3A_100, %dma_wait3A_101] : memref<2048x1024xf32, #tpu.memory_space<hbm>> -> memref<2048x1024xf32, #tpu.memory_space<hbm>>
    tpu.wait_indirect_dma semaphore(%arg11 : memref<!tpu.dma_semaphore, #tpu.memory_space<semaphore_mem>>) src(%dma_wait3A_102 : memref<2048x1024xf32, #tpu.memory_space<hbm>>) dst(%arg8 : memref<32x1024xf32, #tpu.memory_space<vmem>>)
    %add3A_103 = arith.constant 160 : i32
    %add3A_104 = arith.addi %mul3A_2, %add3A_103 : i32
    %dma_start3A_105 = arith.constant 0 : i32
    %dma_start3A_106 = tpu.memref_slice %arg4[%add3A_104, %dma_start3A_105] : memref<6144x1024xf32, #tpu.memory_space<hbm>> -> memref<32x1024xf32, #tpu.memory_space<hbm>>
    %dma_start3A_107 = arith.constant 0 : i32
    %dma_start3A_108 = tpu.memref_slice %arg4[%add3A_104, %dma_start3A_107] : memref<6144x1024xf32, #tpu.memory_space<hbm>> -> memref<32x1024xf32, #tpu.memory_space<hbm>>
    tpu.enqueue_dma source(%arg8 : memref<32x1024xf32, #tpu.memory_space<vmem>>) target(%dma_start3A_108 : memref<32x1024xf32, #tpu.memory_space<hbm>>) target_semaphore(%arg14 : memref<!tpu.dma_semaphore, #tpu.memory_space<semaphore_mem>>)
    %dma_wait3A_109 = arith.constant 0 : i32
    %dma_wait3A_110 = tpu.memref_slice %arg4[%add3A_82, %dma_wait3A_109] : memref<6144x1024xf32, #tpu.memory_space<hbm>> -> memref<32x1024xf32, #tpu.memory_space<hbm>>
    %dma_wait3A_111 = arith.constant 0 : i32
    %dma_wait3A_112 = tpu.memref_slice %arg4[%add3A_82, %dma_wait3A_111] : memref<6144x1024xf32, #tpu.memory_space<hbm>> -> memref<32x1024xf32, #tpu.memory_space<hbm>>
    tpu.wait_dma2 semaphore(%arg12 : memref<!tpu.dma_semaphore, #tpu.memory_space<semaphore_mem>>) src(%arg6 : memref<32x1024xf32, #tpu.memory_space<vmem>>) dst(%dma_wait3A_112 : memref<32x1024xf32, #tpu.memory_space<hbm>>)
    %dma_wait3A_113 = arith.constant 0 : i32
    %dma_wait3A_114 = tpu.memref_slice %arg4[%add3A_93, %dma_wait3A_113] : memref<6144x1024xf32, #tpu.memory_space<hbm>> -> memref<32x1024xf32, #tpu.memory_space<hbm>>
    %dma_wait3A_115 = arith.constant 0 : i32
    %dma_wait3A_116 = tpu.memref_slice %arg4[%add3A_93, %dma_wait3A_115] : memref<6144x1024xf32, #tpu.memory_space<hbm>> -> memref<32x1024xf32, #tpu.memory_space<hbm>>
    tpu.wait_dma2 semaphore(%arg13 : memref<!tpu.dma_semaphore, #tpu.memory_space<semaphore_mem>>) src(%arg7 : memref<32x1024xf32, #tpu.memory_space<vmem>>) dst(%dma_wait3A_116 : memref<32x1024xf32, #tpu.memory_space<hbm>>)
    %dma_wait3A_117 = arith.constant 0 : i32
    %dma_wait3A_118 = tpu.memref_slice %arg4[%add3A_104, %dma_wait3A_117] : memref<6144x1024xf32, #tpu.memory_space<hbm>> -> memref<32x1024xf32, #tpu.memory_space<hbm>>
    %dma_wait3A_119 = arith.constant 0 : i32
    %dma_wait3A_120 = tpu.memref_slice %arg4[%add3A_104, %dma_wait3A_119] : memref<6144x1024xf32, #tpu.memory_space<hbm>> -> memref<32x1024xf32, #tpu.memory_space<hbm>>
    tpu.wait_dma2 semaphore(%arg14 : memref<!tpu.dma_semaphore, #tpu.memory_space<semaphore_mem>>) src(%arg8 : memref<32x1024xf32, #tpu.memory_space<vmem>>) dst(%dma_wait3A_120 : memref<32x1024xf32, #tpu.memory_space<hbm>>)
    return
  }
}

#map = affine_map<(d0, d1) -> (0, 0)>
#map1 = affine_map<(d0, d1) -> (0)>
module attributes {stable_mosaic.version = 14 : i64} {
  func.func @gather(%arg0: i32, %arg1: i32, %arg2: memref<6144x1024xf32, #tpu.memory_space<hbm>>, %arg3: memref<4096xi32, #tpu.memory_space<hbm>>, %arg4: memref<4096x1024xf32, #tpu.memory_space<hbm>>, %arg5: memref<128xi32, #tpu.memory_space<vmem>>, %arg6: memref<32x1024xf32, #tpu.memory_space<vmem>>, %arg7: memref<32x1024xf32, #tpu.memory_space<vmem>>, %arg8: memref<32x1024xf32, #tpu.memory_space<vmem>>, %arg9: memref<!tpu.dma_semaphore, #tpu.memory_space<semaphore_mem>>, %arg10: memref<!tpu.dma_semaphore, #tpu.memory_space<semaphore_mem>>, %arg11: memref<!tpu.dma_semaphore, #tpu.memory_space<semaphore_mem>>, %arg12: memref<!tpu.dma_semaphore, #tpu.memory_space<semaphore_mem>>, %arg13: memref<!tpu.dma_semaphore, #tpu.memory_space<semaphore_mem>>, %arg14: memref<!tpu.dma_semaphore, #tpu.memory_space<semaphore_mem>>) attributes {dimension_semantics = [#tpu.dimension_semantics<core_parallel>, #tpu.dimension_semantics<subcore_parallel>], iteration_bounds = array<i64: 2, 16>, scalar_prefetch = 0 : i64, scratch_operands = 10 : i64, tpu.core_type = #tpu.core_type<sc_vector_subcore>, window_params = [{transform_indices = #map}, {transform_indices = #map1}, {transform_indices = #map}]} {
    %mul3A = arith.constant 2 : i32
    %mul3A_0 = arith.muli %arg1, %mul3A : i32
    %add3A = arith.addi %mul3A_0, %arg0 : i32
    %mul3A_1 = arith.constant 128 : i32
    %mul3A_2 = arith.muli %add3A, %mul3A_1 : i32
    "tpu.region"() ({
      %run_scoped3A = tpu.sem_alloc : memref<!tpu.dma_semaphore, #tpu.memory_space<semaphore_mem>>
      %dma_start3A_81 = tpu.memref_slice %arg3[%mul3A_2] : memref<4096xi32, #tpu.memory_space<hbm>> -> memref<128xi32, #tpu.memory_space<hbm>>
      %dma_start3A_82 = tpu.memref_slice %arg3[%mul3A_2] : memref<4096xi32, #tpu.memory_space<hbm>> -> memref<128xi32, #tpu.memory_space<hbm>>
      tpu.enqueue_dma source(%dma_start3A_82 : memref<128xi32, #tpu.memory_space<hbm>>) target(%arg5 : memref<128xi32, #tpu.memory_space<vmem>>) target_semaphore(%run_scoped3A : memref<!tpu.dma_semaphore, #tpu.memory_space<semaphore_mem>>)
      %dma_wait3A_83 = tpu.memref_slice %arg3[%mul3A_2] : memref<4096xi32, #tpu.memory_space<hbm>> -> memref<128xi32, #tpu.memory_space<hbm>>
      %dma_wait3A_84 = tpu.memref_slice %arg3[%mul3A_2] : memref<4096xi32, #tpu.memory_space<hbm>> -> memref<128xi32, #tpu.memory_space<hbm>>
      tpu.wait_dma2 semaphore(%run_scoped3A : memref<!tpu.dma_semaphore, #tpu.memory_space<semaphore_mem>>) src(%dma_wait3A_84 : memref<128xi32, #tpu.memory_space<hbm>>) dst(%arg5 : memref<128xi32, #tpu.memory_space<vmem>>)
      tpu.yield
    }) : () -> ()
    %dma_start3A = arith.constant 0 : i32
    %dma_start3A_3 = tpu.memref_slice %arg5[%dma_start3A] : memref<128xi32, #tpu.memory_space<vmem>> -> memref<32xi32, #tpu.memory_space<vmem>>
    %dma_start3A_4 = arith.constant 0 : i32
    %dma_start3A_5 = arith.constant 0 : i32
    %dma_start3A_6 = tpu.memref_slice %arg2[%dma_start3A_4, %dma_start3A_5] : memref<6144x1024xf32, #tpu.memory_space<hbm>> -> memref<6144x1024xf32, #tpu.memory_space<hbm>>
    tpu.enqueue_indirect_dma source(%dma_start3A_6 : memref<6144x1024xf32, #tpu.memory_space<hbm>>) target(%arg6 : memref<32x1024xf32, #tpu.memory_space<vmem>>) offsets(%dma_start3A_3 : memref<32xi32, #tpu.memory_space<vmem>>) semaphore(%arg9 : memref<!tpu.dma_semaphore, #tpu.memory_space<semaphore_mem>>)
    %dma_start3A_7 = arith.constant 32 : i32
    %dma_start3A_8 = tpu.memref_slice %arg5[%dma_start3A_7] : memref<128xi32, #tpu.memory_space<vmem>> -> memref<32xi32, #tpu.memory_space<vmem>>
    %dma_start3A_9 = arith.constant 0 : i32
    %dma_start3A_10 = arith.constant 0 : i32
    %dma_start3A_11 = tpu.memref_slice %arg2[%dma_start3A_9, %dma_start3A_10] : memref<6144x1024xf32, #tpu.memory_space<hbm>> -> memref<6144x1024xf32, #tpu.memory_space<hbm>>
    tpu.enqueue_indirect_dma source(%dma_start3A_11 : memref<6144x1024xf32, #tpu.memory_space<hbm>>) target(%arg7 : memref<32x1024xf32, #tpu.memory_space<vmem>>) offsets(%dma_start3A_8 : memref<32xi32, #tpu.memory_space<vmem>>) semaphore(%arg10 : memref<!tpu.dma_semaphore, #tpu.memory_space<semaphore_mem>>)
    %dma_start3A_12 = arith.constant 64 : i32
    %dma_start3A_13 = tpu.memref_slice %arg5[%dma_start3A_12] : memref<128xi32, #tpu.memory_space<vmem>> -> memref<32xi32, #tpu.memory_space<vmem>>
    %dma_start3A_14 = arith.constant 0 : i32
    %dma_start3A_15 = arith.constant 0 : i32
    %dma_start3A_16 = tpu.memref_slice %arg2[%dma_start3A_14, %dma_start3A_15] : memref<6144x1024xf32, #tpu.memory_space<hbm>> -> memref<6144x1024xf32, #tpu.memory_space<hbm>>
    tpu.enqueue_indirect_dma source(%dma_start3A_16 : memref<6144x1024xf32, #tpu.memory_space<hbm>>) target(%arg8 : memref<32x1024xf32, #tpu.memory_space<vmem>>) offsets(%dma_start3A_13 : memref<32xi32, #tpu.memory_space<vmem>>) semaphore(%arg11 : memref<!tpu.dma_semaphore, #tpu.memory_space<semaphore_mem>>)
    %dma_wait3A = arith.constant 0 : i32
    %dma_wait3A_17 = tpu.memref_slice %arg5[%dma_wait3A] : memref<128xi32, #tpu.memory_space<vmem>> -> memref<32xi32, #tpu.memory_space<vmem>>
    %dma_wait3A_18 = arith.constant 0 : i32
    %dma_wait3A_19 = arith.constant 0 : i32
    %dma_wait3A_20 = tpu.memref_slice %arg2[%dma_wait3A_18, %dma_wait3A_19] : memref<6144x1024xf32, #tpu.memory_space<hbm>> -> memref<6144x1024xf32, #tpu.memory_space<hbm>>
    tpu.wait_indirect_dma semaphore(%arg9 : memref<!tpu.dma_semaphore, #tpu.memory_space<semaphore_mem>>) src(%dma_wait3A_20 : memref<6144x1024xf32, #tpu.memory_space<hbm>>) dst(%arg6 : memref<32x1024xf32, #tpu.memory_space<vmem>>)
    %add3A_21 = arith.constant 0 : i32
    %add3A_22 = arith.addi %mul3A_2, %add3A_21 : i32
    %dma_start3A_23 = arith.constant 0 : i32
    %dma_start3A_24 = tpu.memref_slice %arg4[%add3A_22, %dma_start3A_23] : memref<4096x1024xf32, #tpu.memory_space<hbm>> -> memref<32x1024xf32, #tpu.memory_space<hbm>>
    %dma_start3A_25 = arith.constant 0 : i32
    %dma_start3A_26 = tpu.memref_slice %arg4[%add3A_22, %dma_start3A_25] : memref<4096x1024xf32, #tpu.memory_space<hbm>> -> memref<32x1024xf32, #tpu.memory_space<hbm>>
    tpu.enqueue_dma source(%arg6 : memref<32x1024xf32, #tpu.memory_space<vmem>>) target(%dma_start3A_26 : memref<32x1024xf32, #tpu.memory_space<hbm>>) target_semaphore(%arg12 : memref<!tpu.dma_semaphore, #tpu.memory_space<semaphore_mem>>)
    %dma_wait3A_27 = arith.constant 0 : i32
    %dma_wait3A_28 = tpu.memref_slice %arg4[%add3A_22, %dma_wait3A_27] : memref<4096x1024xf32, #tpu.memory_space<hbm>> -> memref<32x1024xf32, #tpu.memory_space<hbm>>
    %dma_wait3A_29 = arith.constant 0 : i32
    %dma_wait3A_30 = tpu.memref_slice %arg4[%add3A_22, %dma_wait3A_29] : memref<4096x1024xf32, #tpu.memory_space<hbm>> -> memref<32x1024xf32, #tpu.memory_space<hbm>>
    tpu.wait_dma2 semaphore(%arg12 : memref<!tpu.dma_semaphore, #tpu.memory_space<semaphore_mem>>) src(%arg6 : memref<32x1024xf32, #tpu.memory_space<vmem>>) dst(%dma_wait3A_30 : memref<32x1024xf32, #tpu.memory_space<hbm>>)
    %dma_start3A_31 = arith.constant 96 : i32
    %dma_start3A_32 = tpu.memref_slice %arg5[%dma_start3A_31] : memref<128xi32, #tpu.memory_space<vmem>> -> memref<32xi32, #tpu.memory_space<vmem>>
    %dma_start3A_33 = arith.constant 0 : i32
    %dma_start3A_34 = arith.constant 0 : i32
    %dma_start3A_35 = tpu.memref_slice %arg2[%dma_start3A_33, %dma_start3A_34] : memref<6144x1024xf32, #tpu.memory_space<hbm>> -> memref<6144x1024xf32, #tpu.memory_space<hbm>>
    tpu.enqueue_indirect_dma source(%dma_start3A_35 : memref<6144x1024xf32, #tpu.memory_space<hbm>>) target(%arg6 : memref<32x1024xf32, #tpu.memory_space<vmem>>) offsets(%dma_start3A_32 : memref<32xi32, #tpu.memory_space<vmem>>) semaphore(%arg9 : memref<!tpu.dma_semaphore, #tpu.memory_space<semaphore_mem>>)
    %dma_wait3A_36 = arith.constant 32 : i32
    %dma_wait3A_37 = tpu.memref_slice %arg5[%dma_wait3A_36] : memref<128xi32, #tpu.memory_space<vmem>> -> memref<32xi32, #tpu.memory_space<vmem>>
    %dma_wait3A_38 = arith.constant 0 : i32
    %dma_wait3A_39 = arith.constant 0 : i32
    %dma_wait3A_40 = tpu.memref_slice %arg2[%dma_wait3A_38, %dma_wait3A_39] : memref<6144x1024xf32, #tpu.memory_space<hbm>> -> memref<6144x1024xf32, #tpu.memory_space<hbm>>
    tpu.wait_indirect_dma semaphore(%arg10 : memref<!tpu.dma_semaphore, #tpu.memory_space<semaphore_mem>>) src(%dma_wait3A_40 : memref<6144x1024xf32, #tpu.memory_space<hbm>>) dst(%arg7 : memref<32x1024xf32, #tpu.memory_space<vmem>>)
    %add3A_41 = arith.constant 32 : i32
    %add3A_42 = arith.addi %mul3A_2, %add3A_41 : i32
    %dma_start3A_43 = arith.constant 0 : i32
    %dma_start3A_44 = tpu.memref_slice %arg4[%add3A_42, %dma_start3A_43] : memref<4096x1024xf32, #tpu.memory_space<hbm>> -> memref<32x1024xf32, #tpu.memory_space<hbm>>
    %dma_start3A_45 = arith.constant 0 : i32
    %dma_start3A_46 = tpu.memref_slice %arg4[%add3A_42, %dma_start3A_45] : memref<4096x1024xf32, #tpu.memory_space<hbm>> -> memref<32x1024xf32, #tpu.memory_space<hbm>>
    tpu.enqueue_dma source(%arg7 : memref<32x1024xf32, #tpu.memory_space<vmem>>) target(%dma_start3A_46 : memref<32x1024xf32, #tpu.memory_space<hbm>>) target_semaphore(%arg13 : memref<!tpu.dma_semaphore, #tpu.memory_space<semaphore_mem>>)
    %dma_wait3A_47 = arith.constant 64 : i32
    %dma_wait3A_48 = tpu.memref_slice %arg5[%dma_wait3A_47] : memref<128xi32, #tpu.memory_space<vmem>> -> memref<32xi32, #tpu.memory_space<vmem>>
    %dma_wait3A_49 = arith.constant 0 : i32
    %dma_wait3A_50 = arith.constant 0 : i32
    %dma_wait3A_51 = tpu.memref_slice %arg2[%dma_wait3A_49, %dma_wait3A_50] : memref<6144x1024xf32, #tpu.memory_space<hbm>> -> memref<6144x1024xf32, #tpu.memory_space<hbm>>
    tpu.wait_indirect_dma semaphore(%arg11 : memref<!tpu.dma_semaphore, #tpu.memory_space<semaphore_mem>>) src(%dma_wait3A_51 : memref<6144x1024xf32, #tpu.memory_space<hbm>>) dst(%arg8 : memref<32x1024xf32, #tpu.memory_space<vmem>>)
    %add3A_52 = arith.constant 64 : i32
    %add3A_53 = arith.addi %mul3A_2, %add3A_52 : i32
    %dma_start3A_54 = arith.constant 0 : i32
    %dma_start3A_55 = tpu.memref_slice %arg4[%add3A_53, %dma_start3A_54] : memref<4096x1024xf32, #tpu.memory_space<hbm>> -> memref<32x1024xf32, #tpu.memory_space<hbm>>
    %dma_start3A_56 = arith.constant 0 : i32
    %dma_start3A_57 = tpu.memref_slice %arg4[%add3A_53, %dma_start3A_56] : memref<4096x1024xf32, #tpu.memory_space<hbm>> -> memref<32x1024xf32, #tpu.memory_space<hbm>>
    tpu.enqueue_dma source(%arg8 : memref<32x1024xf32, #tpu.memory_space<vmem>>) target(%dma_start3A_57 : memref<32x1024xf32, #tpu.memory_space<hbm>>) target_semaphore(%arg14 : memref<!tpu.dma_semaphore, #tpu.memory_space<semaphore_mem>>)
    %dma_wait3A_58 = arith.constant 96 : i32
    %dma_wait3A_59 = tpu.memref_slice %arg5[%dma_wait3A_58] : memref<128xi32, #tpu.memory_space<vmem>> -> memref<32xi32, #tpu.memory_space<vmem>>
    %dma_wait3A_60 = arith.constant 0 : i32
    %dma_wait3A_61 = arith.constant 0 : i32
    %dma_wait3A_62 = tpu.memref_slice %arg2[%dma_wait3A_60, %dma_wait3A_61] : memref<6144x1024xf32, #tpu.memory_space<hbm>> -> memref<6144x1024xf32, #tpu.memory_space<hbm>>
    tpu.wait_indirect_dma semaphore(%arg9 : memref<!tpu.dma_semaphore, #tpu.memory_space<semaphore_mem>>) src(%dma_wait3A_62 : memref<6144x1024xf32, #tpu.memory_space<hbm>>) dst(%arg6 : memref<32x1024xf32, #tpu.memory_space<vmem>>)
    %add3A_63 = arith.constant 96 : i32
    %add3A_64 = arith.addi %mul3A_2, %add3A_63 : i32
    %dma_start3A_65 = arith.constant 0 : i32
    %dma_start3A_66 = tpu.memref_slice %arg4[%add3A_64, %dma_start3A_65] : memref<4096x1024xf32, #tpu.memory_space<hbm>> -> memref<32x1024xf32, #tpu.memory_space<hbm>>
    %dma_start3A_67 = arith.constant 0 : i32
    %dma_start3A_68 = tpu.memref_slice %arg4[%add3A_64, %dma_start3A_67] : memref<4096x1024xf32, #tpu.memory_space<hbm>> -> memref<32x1024xf32, #tpu.memory_space<hbm>>
    tpu.enqueue_dma source(%arg6 : memref<32x1024xf32, #tpu.memory_space<vmem>>) target(%dma_start3A_68 : memref<32x1024xf32, #tpu.memory_space<hbm>>) target_semaphore(%arg12 : memref<!tpu.dma_semaphore, #tpu.memory_space<semaphore_mem>>)
    %dma_wait3A_69 = arith.constant 0 : i32
    %dma_wait3A_70 = tpu.memref_slice %arg4[%add3A_42, %dma_wait3A_69] : memref<4096x1024xf32, #tpu.memory_space<hbm>> -> memref<32x1024xf32, #tpu.memory_space<hbm>>
    %dma_wait3A_71 = arith.constant 0 : i32
    %dma_wait3A_72 = tpu.memref_slice %arg4[%add3A_42, %dma_wait3A_71] : memref<4096x1024xf32, #tpu.memory_space<hbm>> -> memref<32x1024xf32, #tpu.memory_space<hbm>>
    tpu.wait_dma2 semaphore(%arg13 : memref<!tpu.dma_semaphore, #tpu.memory_space<semaphore_mem>>) src(%arg7 : memref<32x1024xf32, #tpu.memory_space<vmem>>) dst(%dma_wait3A_72 : memref<32x1024xf32, #tpu.memory_space<hbm>>)
    %dma_wait3A_73 = arith.constant 0 : i32
    %dma_wait3A_74 = tpu.memref_slice %arg4[%add3A_53, %dma_wait3A_73] : memref<4096x1024xf32, #tpu.memory_space<hbm>> -> memref<32x1024xf32, #tpu.memory_space<hbm>>
    %dma_wait3A_75 = arith.constant 0 : i32
    %dma_wait3A_76 = tpu.memref_slice %arg4[%add3A_53, %dma_wait3A_75] : memref<4096x1024xf32, #tpu.memory_space<hbm>> -> memref<32x1024xf32, #tpu.memory_space<hbm>>
    tpu.wait_dma2 semaphore(%arg14 : memref<!tpu.dma_semaphore, #tpu.memory_space<semaphore_mem>>) src(%arg8 : memref<32x1024xf32, #tpu.memory_space<vmem>>) dst(%dma_wait3A_76 : memref<32x1024xf32, #tpu.memory_space<hbm>>)
    %dma_wait3A_77 = arith.constant 0 : i32
    %dma_wait3A_78 = tpu.memref_slice %arg4[%add3A_64, %dma_wait3A_77] : memref<4096x1024xf32, #tpu.memory_space<hbm>> -> memref<32x1024xf32, #tpu.memory_space<hbm>>
    %dma_wait3A_79 = arith.constant 0 : i32
    %dma_wait3A_80 = tpu.memref_slice %arg4[%add3A_64, %dma_wait3A_79] : memref<4096x1024xf32, #tpu.memory_space<hbm>> -> memref<32x1024xf32, #tpu.memory_space<hbm>>
    tpu.wait_dma2 semaphore(%arg12 : memref<!tpu.dma_semaphore, #tpu.memory_space<semaphore_mem>>) src(%arg6 : memref<32x1024xf32, #tpu.memory_space<vmem>>) dst(%dma_wait3A_80 : memref<32x1024xf32, #tpu.memory_space<hbm>>)
    return
  }
}

module attributes {stable_mosaic.version = 14 : i64} {
  func.func @_mm_bias_kernel(%arg0: i32, %arg1: i32, %arg2: memref<256x1024xf32, #tpu.memory_space<vmem>>, %arg3: memref<1024x512xf32, #tpu.memory_space<vmem>>, %arg4: memref<1x512xf32, #tpu.memory_space<vmem>>, %arg5: memref<256x512xf32, #tpu.memory_space<vmem>>) attributes {dimension_semantics = [#tpu.dimension_semantics<arbitrary>, #tpu.dimension_semantics<arbitrary>], iteration_bounds = array<i64: 4, 8>, scalar_prefetch = 0 : i64, scratch_operands = 0 : i64, tpu.core_type = #tpu.core_type<tc>, window_params = [{transform_indices = @transform_0, window_bounds = array<i64: 256, 1024>}, {transform_indices = @transform_1, window_bounds = array<i64: 1024, 512>}, {transform_indices = @transform_2, window_bounds = array<i64: 1, 512>}, {transform_indices = @transform_3, window_bounds = array<i64: 256, 512>}]} {
    %get3A = arith.constant 0 : index
    %get3A_0 = arith.constant 0 : index
    %get3A_1 = vector.load %arg2[%get3A, %get3A_0] : memref<256x1024xf32, #tpu.memory_space<vmem>>, vector<256x1024xf32>
    %get3A_2 = arith.constant 0 : index
    %get3A_3 = arith.constant 0 : index
    %get3A_4 = vector.load %arg3[%get3A_2, %get3A_3] : memref<1024x512xf32, #tpu.memory_space<vmem>>, vector<1024x512xf32>
    %dot_general3A = arith.constant dense<0.000000e+00> : vector<256x512xf32>
    %dot_general3A_5 = tpu.matmul %get3A_1, %get3A_4, %dot_general3A {dimension_numbers = #tpu.dot_dimension_numbers<[1], [0], [0], [1], [0, 0, 1, 1], [], []>, transpose_lhs_hint = false} : vector<256x1024xf32>, vector<1024x512xf32>, vector<256x512xf32> -> vector<256x512xf32>
    %get3A_6 = arith.constant 0 : index
    %get3A_7 = arith.constant 0 : index
    %get3A_8 = vector.load %arg4[%get3A_6, %get3A_7] : memref<1x512xf32, #tpu.memory_space<vmem>>, vector<1x512xf32>
    %add3A = vector.broadcast %get3A_8 : vector<1x512xf32> to vector<256x512xf32>
    %add3A_9 = arith.addf %dot_general3A_5, %add3A : vector<256x512xf32>
    %swap3A = arith.constant 0 : index
    %swap3A_10 = arith.constant 0 : index
    %swap3A_11 = vector.load %arg5[%swap3A, %swap3A_10] : memref<256x512xf32, #tpu.memory_space<vmem>>, vector<256x512xf32>
    tpu.vector_store %arg5[%swap3A, %swap3A_10], %add3A_9 {strides = array<i32>} : memref<256x512xf32, #tpu.memory_space<vmem>>, vector<256x512xf32>,
    return
  }
  func.func @transform_0(%arg0: i32, %arg1: i32) -> (i32, i32) {
    %c0_i32 = arith.constant 0 : i32
    %c0_i32_0 = arith.constant 0 : i32
    return %arg1, %c0_i32 : i32, i32
  }
  func.func @transform_1(%arg0: i32, %arg1: i32) -> (i32, i32) {
    %c0_i32 = arith.constant 0 : i32
    %c0_i32_0 = arith.constant 0 : i32
    return %c0_i32, %arg0 : i32, i32
  }
  func.func @transform_2(%arg0: i32, %arg1: i32) -> (i32, i32) {
    %c0_i32 = arith.constant 0 : i32
    %c0_i32_0 = arith.constant 0 : i32
    return %c0_i32, %arg0 : i32, i32
  }
  func.func @transform_3(%arg0: i32, %arg1: i32) -> (i32, i32) {
    %c0_i32 = arith.constant 0 : i32
    return %arg1, %arg0 : i32, i32
  }
}

module attributes {stable_mosaic.version = 14 : i64} {
  func.func @_mm_bias_kernel(%arg0: i32, %arg1: i32, %arg2: memref<256x1024xf32, #tpu.memory_space<vmem>>, %arg3: memref<1024x512xf32, #tpu.memory_space<vmem>>, %arg4: memref<1x512xf32, #tpu.memory_space<vmem>>, %arg5: memref<256x512xf32, #tpu.memory_space<vmem>>) attributes {dimension_semantics = [#tpu.dimension_semantics<arbitrary>, #tpu.dimension_semantics<arbitrary>], iteration_bounds = array<i64: 2, 8>, scalar_prefetch = 0 : i64, scratch_operands = 0 : i64, tpu.core_type = #tpu.core_type<tc>, window_params = [{transform_indices = @transform_0, window_bounds = array<i64: 256, 1024>}, {transform_indices = @transform_1, window_bounds = array<i64: 1024, 512>}, {transform_indices = @transform_2, window_bounds = array<i64: 1, 512>}, {transform_indices = @transform_3, window_bounds = array<i64: 256, 512>}]} {
    %get3A = arith.constant 0 : index
    %get3A_0 = arith.constant 0 : index
    %get3A_1 = vector.load %arg2[%get3A, %get3A_0] : memref<256x1024xf32, #tpu.memory_space<vmem>>, vector<256x1024xf32>
    %get3A_2 = arith.constant 0 : index
    %get3A_3 = arith.constant 0 : index
    %get3A_4 = vector.load %arg3[%get3A_2, %get3A_3] : memref<1024x512xf32, #tpu.memory_space<vmem>>, vector<1024x512xf32>
    %dot_general3A = arith.constant dense<0.000000e+00> : vector<256x512xf32>
    %dot_general3A_5 = tpu.matmul %get3A_1, %get3A_4, %dot_general3A {dimension_numbers = #tpu.dot_dimension_numbers<[1], [0], [0], [1], [0, 0, 1, 1], [], []>, transpose_lhs_hint = false} : vector<256x1024xf32>, vector<1024x512xf32>, vector<256x512xf32> -> vector<256x512xf32>
    %get3A_6 = arith.constant 0 : index
    %get3A_7 = arith.constant 0 : index
    %get3A_8 = vector.load %arg4[%get3A_6, %get3A_7] : memref<1x512xf32, #tpu.memory_space<vmem>>, vector<1x512xf32>
    %add3A = vector.broadcast %get3A_8 : vector<1x512xf32> to vector<256x512xf32>
    %add3A_9 = arith.addf %dot_general3A_5, %add3A : vector<256x512xf32>
    %swap3A = arith.constant 0 : index
    %swap3A_10 = arith.constant 0 : index
    %swap3A_11 = vector.load %arg5[%swap3A, %swap3A_10] : memref<256x512xf32, #tpu.memory_space<vmem>>, vector<256x512xf32>
    tpu.vector_store %arg5[%swap3A, %swap3A_10], %add3A_9 {strides = array<i32>} : memref<256x512xf32, #tpu.memory_space<vmem>>, vector<256x512xf32>,
    return
  }
  func.func @transform_0(%arg0: i32, %arg1: i32) -> (i32, i32) {
    %c0_i32 = arith.constant 0 : i32
    %c0_i32_0 = arith.constant 0 : i32
    return %arg1, %c0_i32 : i32, i32
  }
  func.func @transform_1(%arg0: i32, %arg1: i32) -> (i32, i32) {
    %c0_i32 = arith.constant 0 : i32
    %c0_i32_0 = arith.constant 0 : i32
    return %c0_i32, %arg0 : i32, i32
  }
  func.func @transform_2(%arg0: i32, %arg1: i32) -> (i32, i32) {
    %c0_i32 = arith.constant 0 : i32
    %c0_i32_0 = arith.constant 0 : i32
    return %c0_i32, %arg0 : i32, i32
  }
  func.func @transform_3(%arg0: i32, %arg1: i32) -> (i32, i32) {
    %c0_i32 = arith.constant 0 : i32
    return %arg1, %arg0 : i32, i32
  }
}

module attributes {stable_mosaic.version = 14 : i64} {
  func.func @_attn_kernel(%arg0: i32, %arg1: i32, %arg2: memref<1x256x64xf32, #tpu.memory_space<vmem>>, %arg3: memref<1x2048x64xf32, #tpu.memory_space<vmem>>, %arg4: memref<1x2048x64xf32, #tpu.memory_space<vmem>>, %arg5: memref<1x256x64xf32, #tpu.memory_space<vmem>>) attributes {dimension_semantics = [#tpu.dimension_semantics<arbitrary>, #tpu.dimension_semantics<arbitrary>], iteration_bounds = array<i64: 16, 8>, scalar_prefetch = 0 : i64, scratch_operands = 0 : i64, tpu.core_type = #tpu.core_type<tc>, window_params = [{transform_indices = @transform_0, window_bounds = array<i64: 1, 256, 64>}, {transform_indices = @transform_1, window_bounds = array<i64: 1, 2048, 64>}, {transform_indices = @transform_2, window_bounds = array<i64: 1, 2048, 64>}, {transform_indices = @transform_3, window_bounds = array<i64: 1, 256, 64>}]} {
    %get3A = arith.constant 0 : index
    %get3A_0 = arith.constant 0 : index
    %get3A_1 = arith.constant 0 : index
    %get3A_2 = vector.load %arg2[%get3A, %get3A_0, %get3A_1] : memref<1x256x64xf32, #tpu.memory_space<vmem>>, vector<1x256x64xf32>
    %get3A_3 = vector.shape_cast %get3A_2 : vector<1x256x64xf32> to vector<256x64xf32>
    %get3A_4 = arith.constant 0 : index
    %get3A_5 = arith.constant 0 : index
    %get3A_6 = arith.constant 0 : index
    %get3A_7 = vector.load %arg3[%get3A_4, %get3A_5, %get3A_6] : memref<1x2048x64xf32, #tpu.memory_space<vmem>>, vector<1x2048x64xf32>
    %get3A_8 = vector.shape_cast %get3A_7 : vector<1x2048x64xf32> to vector<2048x64xf32>
    %dot_general3A = arith.constant dense<0.000000e+00> : vector<256x2048xf32>
    %dot_general3A_9 = tpu.matmul %get3A_3, %get3A_8, %dot_general3A {dimension_numbers = #tpu.dot_dimension_numbers<[1], [1], [0], [0], [0, 0, 1, 0], [], []>, transpose_lhs_hint = false} : vector<256x64xf32>, vector<2048x64xf32>, vector<256x2048xf32> -> vector<256x2048xf32>
    %mul3A = arith.constant 1.250000e-01 : f32
    %mul3A_10 = vector.broadcast %mul3A : f32 to vector<256x2048xf32>
    %mul3A_11 = arith.mulf %dot_general3A_9, %mul3A_10 : vector<256x2048xf32>
    %reduce_max3A = arith.constant dense<0xFF800000> : vector<256xf32>
    %reduce_max3A_12 = vector.multi_reduction <maximumf>, %mul3A_11, %reduce_max3A [1] : vector<256x2048xf32> to vector<256xf32>
    %broadcast_in_dim3A = vector.shape_cast %reduce_max3A_12 : vector<256xf32> to vector<256x1xf32>
    %sub3A = vector.broadcast %broadcast_in_dim3A : vector<256x1xf32> to vector<256x2048xf32>
    %sub3A_13 = arith.subf %mul3A_11, %sub3A : vector<256x2048xf32>
    %exp3A = math.exp %sub3A_13 : vector<256x2048xf32>
    %reduce_sum3A = arith.constant dense<0.000000e+00> : vector<256xf32>
    %reduce_sum3A_14 = vector.multi_reduction <add>, %exp3A, %reduce_sum3A [1] : vector<256x2048xf32> to vector<256xf32>
    %broadcast_in_dim3A_15 = vector.shape_cast %reduce_sum3A_14 : vector<256xf32> to vector<256x1xf32>
    %div3A = vector.broadcast %broadcast_in_dim3A_15 : vector<256x1xf32> to vector<256x2048xf32>
    %div3A_16 = arith.divf %exp3A, %div3A : vector<256x2048xf32>
    %get3A_17 = arith.constant 0 : index
    %get3A_18 = arith.constant 0 : index
    %get3A_19 = arith.constant 0 : index
    %get3A_20 = vector.load %arg4[%get3A_17, %get3A_18, %get3A_19] : memref<1x2048x64xf32, #tpu.memory_space<vmem>>, vector<1x2048x64xf32>
    %get3A_21 = vector.shape_cast %get3A_20 : vector<1x2048x64xf32> to vector<2048x64xf32>
    %dot_general3A_22 = arith.constant dense<0.000000e+00> : vector<256x64xf32>
    %dot_general3A_23 = tpu.matmul %div3A_16, %get3A_21, %dot_general3A_22 {dimension_numbers = #tpu.dot_dimension_numbers<[1], [0], [0], [1], [0, 0, 1, 1], [], []>, transpose_lhs_hint = false} : vector<256x2048xf32>, vector<2048x64xf32>, vector<256x64xf32> -> vector<256x64xf32>
    %swap3A = arith.constant 0 : index
    %swap3A_24 = arith.constant 0 : index
    %swap3A_25 = arith.constant 0 : index
    %swap3A_26 = vector.load %arg5[%swap3A, %swap3A_24, %swap3A_25] : memref<1x256x64xf32, #tpu.memory_space<vmem>>, vector<1x256x64xf32>
    %swap3A_27 = vector.shape_cast %swap3A_26 : vector<1x256x64xf32> to vector<256x64xf32>
    %swap3A_28 = vector.shape_cast %dot_general3A_23 : vector<256x64xf32> to vector<1x256x64xf32>
    tpu.vector_store %arg5[%swap3A, %swap3A_24, %swap3A_25], %swap3A_28 {strides = array<i32>} : memref<1x256x64xf32, #tpu.memory_space<vmem>>, vector<1x256x64xf32>,
    return
  }
  func.func @transform_0(%arg0: i32, %arg1: i32) -> (i32, i32, i32) {
    %c0_i32 = arith.constant 0 : i32
    %c0_i32_0 = arith.constant 0 : i32
    return %arg0, %arg1, %c0_i32 : i32, i32, i32
  }
  func.func @transform_1(%arg0: i32, %arg1: i32) -> (i32, i32, i32) {
    %c0_i32 = arith.constant 0 : i32
    %c0_i32_0 = arith.constant 0 : i32
    %c0_i32_1 = arith.constant 0 : i32
    return %arg0, %c0_i32, %c0_i32_0 : i32, i32, i32
  }
  func.func @transform_2(%arg0: i32, %arg1: i32) -> (i32, i32, i32) {
    %c0_i32 = arith.constant 0 : i32
    %c0_i32_0 = arith.constant 0 : i32
    %c0_i32_1 = arith.constant 0 : i32
    return %arg0, %c0_i32, %c0_i32_0 : i32, i32, i32
  }
  func.func @transform_3(%arg0: i32, %arg1: i32) -> (i32, i32, i32) {
    %c0_i32 = arith.constant 0 : i32
    %c0_i32_0 = arith.constant 0 : i32
    return %arg0, %arg1, %c0_i32 : i32, i32, i32
  }
}

module attributes {stable_mosaic.version = 14 : i64} {
  func.func @_mm_res_ln_kernel(%arg0: i32, %arg1: memref<256x1024xf32, #tpu.memory_space<vmem>>, %arg2: memref<1024x1024xf32, #tpu.memory_space<vmem>>, %arg3: memref<1x1024xf32, #tpu.memory_space<vmem>>, %arg4: memref<256x1024xf32, #tpu.memory_space<vmem>>, %arg5: memref<1x1024xf32, #tpu.memory_space<vmem>>, %arg6: memref<1x1024xf32, #tpu.memory_space<vmem>>, %arg7: memref<256x1024xf32, #tpu.memory_space<vmem>>) attributes {dimension_semantics = [#tpu.dimension_semantics<arbitrary>], iteration_bounds = array<i64: 8>, scalar_prefetch = 0 : i64, scratch_operands = 0 : i64, tpu.core_type = #tpu.core_type<tc>, window_params = [{transform_indices = @transform_0, window_bounds = array<i64: 256, 1024>}, {pipeline_mode = #tpu.pipeline_mode<synchronous>, transform_indices = @transform_1, window_bounds = array<i64: 1024, 1024>}, {pipeline_mode = #tpu.pipeline_mode<synchronous>, transform_indices = @transform_2, window_bounds = array<i64: 1, 1024>}, {transform_indices = @transform_3, window_bounds = array<i64: 256, 1024>}, {pipeline_mode = #tpu.pipeline_mode<synchronous>, transform_indices = @transform_4, window_bounds = array<i64: 1, 1024>}, {pipeline_mode = #tpu.pipeline_mode<synchronous>, transform_indices = @transform_5, window_bounds = array<i64: 1, 1024>}, {transform_indices = @transform_6, window_bounds = array<i64: 256, 1024>}]} {
    %get3A = arith.constant 0 : index
    %get3A_0 = arith.constant 0 : index
    %get3A_1 = vector.load %arg1[%get3A, %get3A_0] : memref<256x1024xf32, #tpu.memory_space<vmem>>, vector<256x1024xf32>
    %get3A_2 = arith.constant 0 : index
    %get3A_3 = arith.constant 0 : index
    %get3A_4 = vector.load %arg2[%get3A_2, %get3A_3] : memref<1024x1024xf32, #tpu.memory_space<vmem>>, vector<1024x1024xf32>
    %dot_general3A = arith.constant dense<0.000000e+00> : vector<256x1024xf32>
    %dot_general3A_5 = tpu.matmul %get3A_1, %get3A_4, %dot_general3A {dimension_numbers = #tpu.dot_dimension_numbers<[1], [0], [0], [1], [0, 0, 1, 1], [], []>, transpose_lhs_hint = false} : vector<256x1024xf32>, vector<1024x1024xf32>, vector<256x1024xf32> -> vector<256x1024xf32>
    %get3A_6 = arith.constant 0 : index
    %get3A_7 = arith.constant 0 : index
    %get3A_8 = vector.load %arg3[%get3A_6, %get3A_7] : memref<1x1024xf32, #tpu.memory_space<vmem>>, vector<1x1024xf32>
    %add3A = vector.broadcast %get3A_8 : vector<1x1024xf32> to vector<256x1024xf32>
    %add3A_9 = arith.addf %dot_general3A_5, %add3A : vector<256x1024xf32>
    %get3A_10 = arith.constant 0 : index
    %get3A_11 = arith.constant 0 : index
    %get3A_12 = vector.load %arg4[%get3A_10, %get3A_11] : memref<256x1024xf32, #tpu.memory_space<vmem>>, vector<256x1024xf32>
    %add3A_13 = arith.addf %add3A_9, %get3A_12 : vector<256x1024xf32>
    %reduce_sum3A = arith.constant dense<0.000000e+00> : vector<256xf32>
    %reduce_sum3A_14 = vector.multi_reduction <add>, %add3A_13, %reduce_sum3A [1] : vector<256x1024xf32> to vector<256xf32>
    %broadcast_in_dim3A = vector.shape_cast %reduce_sum3A_14 : vector<256xf32> to vector<256x1xf32>
    %div3A = arith.constant 1.024000e+03 : f32
    %div3A_15 = vector.broadcast %div3A : f32 to vector<256x1xf32>
    %div3A_16 = arith.divf %broadcast_in_dim3A, %div3A_15 : vector<256x1xf32>
    %sub3A = vector.broadcast %div3A_16 : vector<256x1xf32> to vector<256x1024xf32>
    %sub3A_17 = arith.subf %add3A_13, %sub3A : vector<256x1024xf32>
    %integer_pow3A = arith.mulf %sub3A_17, %sub3A_17 : vector<256x1024xf32>
    %reduce_sum3A_18 = arith.constant dense<0.000000e+00> : vector<256xf32>
    %reduce_sum3A_19 = vector.multi_reduction <add>, %integer_pow3A, %reduce_sum3A_18 [1] : vector<256x1024xf32> to vector<256xf32>
    %broadcast_in_dim3A_20 = vector.shape_cast %reduce_sum3A_19 : vector<256xf32> to vector<256x1xf32>
    %div3A_21 = arith.constant 1.024000e+03 : f32
    %div3A_22 = vector.broadcast %div3A_21 : f32 to vector<256x1xf32>
    %div3A_23 = arith.divf %broadcast_in_dim3A_20, %div3A_22 : vector<256x1xf32>
    %sub3A_24 = vector.broadcast %div3A_16 : vector<256x1xf32> to vector<256x1024xf32>
    %sub3A_25 = arith.subf %add3A_13, %sub3A_24 : vector<256x1024xf32>
    %add3A_26 = arith.constant 9.99999974E-6 : f32
    %add3A_27 = vector.broadcast %add3A_26 : f32 to vector<256x1xf32>
    %add3A_28 = arith.addf %div3A_23, %add3A_27 : vector<256x1xf32>
    %sqrt3A = math.sqrt %add3A_28 : vector<256x1xf32>
    %div3A_29 = vector.broadcast %sqrt3A : vector<256x1xf32> to vector<256x1024xf32>
    %div3A_30 = arith.divf %sub3A_25, %div3A_29 : vector<256x1024xf32>
    %get3A_31 = arith.constant 0 : index
    %get3A_32 = arith.constant 0 : index
    %get3A_33 = vector.load %arg5[%get3A_31, %get3A_32] : memref<1x1024xf32, #tpu.memory_space<vmem>>, vector<1x1024xf32>
    %mul3A = vector.broadcast %get3A_33 : vector<1x1024xf32> to vector<256x1024xf32>
    %mul3A_34 = arith.mulf %div3A_30, %mul3A : vector<256x1024xf32>
    %get3A_35 = arith.constant 0 : index
    %get3A_36 = arith.constant 0 : index
    %get3A_37 = vector.load %arg6[%get3A_35, %get3A_36] : memref<1x1024xf32, #tpu.memory_space<vmem>>, vector<1x1024xf32>
    %add3A_38 = vector.broadcast %get3A_37 : vector<1x1024xf32> to vector<256x1024xf32>
    %add3A_39 = arith.addf %mul3A_34, %add3A_38 : vector<256x1024xf32>
    %swap3A = arith.constant 0 : index
    %swap3A_40 = arith.constant 0 : index
    %swap3A_41 = vector.load %arg7[%swap3A, %swap3A_40] : memref<256x1024xf32, #tpu.memory_space<vmem>>, vector<256x1024xf32>
    tpu.vector_store %arg7[%swap3A, %swap3A_40], %add3A_39 {strides = array<i32>} : memref<256x1024xf32, #tpu.memory_space<vmem>>, vector<256x1024xf32>,
    return
  }
  func.func @transform_0(%arg0: i32) -> (i32, i32) {
    %c0_i32 = arith.constant 0 : i32
    %c0_i32_0 = arith.constant 0 : i32
    return %arg0, %c0_i32 : i32, i32
  }
  func.func @transform_1(%arg0: i32) -> (i32, i32) {
    %c0_i32 = arith.constant 0 : i32
    %c0_i32_0 = arith.constant 0 : i32
    %c0_i32_1 = arith.constant 0 : i32
    return %c0_i32, %c0_i32_0 : i32, i32
  }
  func.func @transform_2(%arg0: i32) -> (i32, i32) {
    %c0_i32 = arith.constant 0 : i32
    %c0_i32_0 = arith.constant 0 : i32
    %c0_i32_1 = arith.constant 0 : i32
    return %c0_i32, %c0_i32_0 : i32, i32
  }
  func.func @transform_3(%arg0: i32) -> (i32, i32) {
    %c0_i32 = arith.constant 0 : i32
    %c0_i32_0 = arith.constant 0 : i32
    return %arg0, %c0_i32 : i32, i32
  }
  func.func @transform_4(%arg0: i32) -> (i32, i32) {
    %c0_i32 = arith.constant 0 : i32
    %c0_i32_0 = arith.constant 0 : i32
    %c0_i32_1 = arith.constant 0 : i32
    return %c0_i32, %c0_i32_0 : i32, i32
  }
  func.func @transform_5(%arg0: i32) -> (i32, i32) {
    %c0_i32 = arith.constant 0 : i32
    %c0_i32_0 = arith.constant 0 : i32
    %c0_i32_1 = arith.constant 0 : i32
    return %c0_i32, %c0_i32_0 : i32, i32
  }
  func.func @transform_6(%arg0: i32) -> (i32, i32) {
    %c0_i32 = arith.constant 0 : i32
    %c0_i32_0 = arith.constant 0 : i32
    return %arg0, %c0_i32 : i32, i32
  }
}

module attributes {stable_mosaic.version = 14 : i64} {
  func.func @_router_kernel(%arg0: i32, %arg1: memref<256x1024xf32, #tpu.memory_space<vmem>>, %arg2: memref<1024x8xf32, #tpu.memory_space<vmem>>, %arg3: memref<1x8xf32, #tpu.memory_space<vmem>>, %arg4: memref<256x8xf32, #tpu.memory_space<vmem>>) attributes {dimension_semantics = [#tpu.dimension_semantics<arbitrary>], iteration_bounds = array<i64: 8>, scalar_prefetch = 0 : i64, scratch_operands = 0 : i64, tpu.core_type = #tpu.core_type<tc>, window_params = [{transform_indices = @transform_0, window_bounds = array<i64: 256, 1024>}, {pipeline_mode = #tpu.pipeline_mode<synchronous>, transform_indices = @transform_1, window_bounds = array<i64: 1024, 8>}, {pipeline_mode = #tpu.pipeline_mode<synchronous>, transform_indices = @transform_2, window_bounds = array<i64: 1, 8>}, {transform_indices = @transform_3, window_bounds = array<i64: 256, 8>}]} {
    %get3A = arith.constant 0 : index
    %get3A_0 = arith.constant 0 : index
    %get3A_1 = vector.load %arg1[%get3A, %get3A_0] : memref<256x1024xf32, #tpu.memory_space<vmem>>, vector<256x1024xf32>
    %get3A_2 = arith.constant 0 : index
    %get3A_3 = arith.constant 0 : index
    %get3A_4 = vector.load %arg2[%get3A_2, %get3A_3] : memref<1024x8xf32, #tpu.memory_space<vmem>>, vector<1024x8xf32>
    %dot_general3A = arith.constant dense<0.000000e+00> : vector<256x8xf32>
    %dot_general3A_5 = tpu.matmul %get3A_1, %get3A_4, %dot_general3A {dimension_numbers = #tpu.dot_dimension_numbers<[1], [0], [0], [1], [0, 0, 1, 1], [], []>, transpose_lhs_hint = false} : vector<256x1024xf32>, vector<1024x8xf32>, vector<256x8xf32> -> vector<256x8xf32>
    %get3A_6 = arith.constant 0 : index
    %get3A_7 = arith.constant 0 : index
    %get3A_8 = vector.load %arg3[%get3A_6, %get3A_7] : memref<1x8xf32, #tpu.memory_space<vmem>>, vector<1x8xf32>
    %add3A = vector.broadcast %get3A_8 : vector<1x8xf32> to vector<256x8xf32>
    %add3A_9 = arith.addf %dot_general3A_5, %add3A : vector<256x8xf32>
    %iota3A = tpu.iota {dimensions = array<i32: 1>} : vector<256x8xi32>
    %reduce_max3A = arith.constant dense<0xFF800000> : vector<256xf32>
    %reduce_max3A_10 = vector.multi_reduction <maximumf>, %add3A_9, %reduce_max3A [1] : vector<256x8xf32> to vector<256xf32>
    %broadcast_in_dim3A = vector.shape_cast %reduce_max3A_10 : vector<256xf32> to vector<256x1xf32>
    %eq3A = vector.broadcast %broadcast_in_dim3A : vector<256x1xf32> to vector<256x8xf32>
    %eq3A_11 = arith.cmpf oeq, %add3A_9, %eq3A : vector<256x8xf32>
    %jit3A = arith.constant 8 : i32
    %broadcast_in_dim3A_12 = vector.broadcast %jit3A : i32 to vector<256x8xi32>
    %select_n3A = arith.select %eq3A_11, %iota3A, %broadcast_in_dim3A_12 : vector<256x8xi1>, vector<256x8xi32>
    %reduce_min3A = arith.constant dense<2147483647> : vector<256xi32>
    %reduce_min3A_13 = vector.multi_reduction <minsi>, %select_n3A, %reduce_min3A [1] : vector<256x8xi32> to vector<256xi32>
    %broadcast_in_dim3A_14 = vector.shape_cast %reduce_min3A_13 : vector<256xi32> to vector<256x1xi32>
    %eq3A_15 = vector.broadcast %broadcast_in_dim3A_14 : vector<256x1xi32> to vector<256x8xi32>
    %eq3A_16 = arith.cmpi eq, %iota3A, %eq3A_15 : vector<256x8xi32>
    %jit3A_17 = arith.constant 0xFF800000 : f32
    %broadcast_in_dim3A_18 = vector.broadcast %jit3A_17 : f32 to vector<256x8xf32>
    %select_n3A_19 = arith.select %eq3A_16, %broadcast_in_dim3A_18, %add3A_9 : vector<256x8xi1>, vector<256x8xf32>
    %reduce_max3A_20 = arith.constant dense<0xFF800000> : vector<256xf32>
    %reduce_max3A_21 = vector.multi_reduction <maximumf>, %select_n3A_19, %reduce_max3A_20 [1] : vector<256x8xf32> to vector<256xf32>
    %broadcast_in_dim3A_22 = vector.shape_cast %reduce_max3A_21 : vector<256xf32> to vector<256x1xf32>
    %eq3A_23 = vector.broadcast %broadcast_in_dim3A_22 : vector<256x1xf32> to vector<256x8xf32>
    %eq3A_24 = arith.cmpf oeq, %select_n3A_19, %eq3A_23 : vector<256x8xf32>
    %jit3A_25 = arith.constant 8 : i32
    %broadcast_in_dim3A_26 = vector.broadcast %jit3A_25 : i32 to vector<256x8xi32>
    %select_n3A_27 = arith.select %eq3A_24, %iota3A, %broadcast_in_dim3A_26 : vector<256x8xi1>, vector<256x8xi32>
    %reduce_min3A_28 = arith.constant dense<2147483647> : vector<256xi32>
    %reduce_min3A_29 = vector.multi_reduction <minsi>, %select_n3A_27, %reduce_min3A_28 [1] : vector<256x8xi32> to vector<256xi32>
    %broadcast_in_dim3A_30 = vector.shape_cast %reduce_min3A_29 : vector<256xi32> to vector<256x1xi32>
    %sub3A = arith.subf %broadcast_in_dim3A_22, %broadcast_in_dim3A : vector<256x1xf32>
    %exp3A = math.exp %sub3A : vector<256x1xf32>
    %add3A_31 = arith.constant 1.000000e+00 : f32
    %add3A_32 = vector.broadcast %add3A_31 : f32 to vector<256x1xf32>
    %add3A_33 = arith.addf %add3A_32, %exp3A : vector<256x1xf32>
    %div3A = arith.constant 1.000000e+00 : f32
    %div3A_34 = vector.broadcast %div3A : f32 to vector<256x1xf32>
    %div3A_35 = arith.divf %div3A_34, %add3A_33 : vector<256x1xf32>
    %sub3A_36 = arith.constant 1.000000e+00 : f32
    %sub3A_37 = vector.broadcast %sub3A_36 : f32 to vector<256x1xf32>
    %sub3A_38 = arith.subf %sub3A_37, %div3A_35 : vector<256x1xf32>
    %eq3A_39 = vector.broadcast %broadcast_in_dim3A_14 : vector<256x1xi32> to vector<256x8xi32>
    %eq3A_40 = arith.cmpi eq, %iota3A, %eq3A_39 : vector<256x8xi32>
    %jit3A_41 = arith.constant 0.000000e+00 : f32
    %broadcast_in_dim3A_42 = vector.shape_cast %div3A_35 : vector<256x1xf32> to vector<256x1xf32>
    %broadcast_in_dim3A_43 = vector.broadcast %broadcast_in_dim3A_42 : vector<256x1xf32> to vector<256x8xf32>
    %broadcast_in_dim3A_44 = vector.broadcast %jit3A_41 : f32 to vector<256x8xf32>
    %select_n3A_45 = arith.select %eq3A_40, %broadcast_in_dim3A_43, %broadcast_in_dim3A_44 : vector<256x8xi1>, vector<256x8xf32>
    %eq3A_46 = vector.broadcast %broadcast_in_dim3A_30 : vector<256x1xi32> to vector<256x8xi32>
    %eq3A_47 = arith.cmpi eq, %iota3A, %eq3A_46 : vector<256x8xi32>
    %jit3A_48 = arith.constant 0.000000e+00 : f32
    %broadcast_in_dim3A_49 = vector.shape_cast %sub3A_38 : vector<256x1xf32> to vector<256x1xf32>
    %broadcast_in_dim3A_50 = vector.broadcast %broadcast_in_dim3A_49 : vector<256x1xf32> to vector<256x8xf32>
    %broadcast_in_dim3A_51 = vector.broadcast %jit3A_48 : f32 to vector<256x8xf32>
    %select_n3A_52 = arith.select %eq3A_47, %broadcast_in_dim3A_50, %broadcast_in_dim3A_51 : vector<256x8xi1>, vector<256x8xf32>
    %add3A_53 = arith.addf %select_n3A_45, %select_n3A_52 : vector<256x8xf32>
    %swap3A = arith.constant 0 : index
    %swap3A_54 = arith.constant 0 : index
    %swap3A_55 = vector.load %arg4[%swap3A, %swap3A_54] : memref<256x8xf32, #tpu.memory_space<vmem>>, vector<256x8xf32>
    tpu.vector_store %arg4[%swap3A, %swap3A_54], %add3A_53 {strides = array<i32>} : memref<256x8xf32, #tpu.memory_space<vmem>>, vector<256x8xf32>,
    return
  }
  func.func @transform_0(%arg0: i32) -> (i32, i32) {
    %c0_i32 = arith.constant 0 : i32
    %c0_i32_0 = arith.constant 0 : i32
    return %arg0, %c0_i32 : i32, i32
  }
  func.func @transform_1(%arg0: i32) -> (i32, i32) {
    %c0_i32 = arith.constant 0 : i32
    %c0_i32_0 = arith.constant 0 : i32
    %c0_i32_1 = arith.constant 0 : i32
    return %c0_i32, %c0_i32_0 : i32, i32
  }
  func.func @transform_2(%arg0: i32) -> (i32, i32) {
    %c0_i32 = arith.constant 0 : i32
    %c0_i32_0 = arith.constant 0 : i32
    %c0_i32_1 = arith.constant 0 : i32
    return %c0_i32, %c0_i32_0 : i32, i32
  }
  func.func @transform_3(%arg0: i32) -> (i32, i32) {
    %c0_i32 = arith.constant 0 : i32
    %c0_i32_0 = arith.constant 0 : i32
    return %arg0, %c0_i32 : i32, i32
  }
}

module attributes {stable_mosaic.version = 14 : i64} {
  func.func @_ffn_h_kernel(%arg0: i32, %arg1: i32, %arg2: memref<24xi32, #tpu.memory_space<smem>>, %arg3: memref<256x1024xf32, #tpu.memory_space<vmem>>, %arg4: memref<1x1024x512xf32, #tpu.memory_space<vmem>>, %arg5: memref<1x1x512xf32, #tpu.memory_space<vmem>>, %arg6: memref<256x512xf32, #tpu.memory_space<vmem>>) attributes {dimension_semantics = [#tpu.dimension_semantics<arbitrary>, #tpu.dimension_semantics<arbitrary>], iteration_bounds = array<i64: 4, 24>, scalar_prefetch = 1 : i64, scratch_operands = 0 : i64, tpu.core_type = #tpu.core_type<tc>, window_params = [{transform_indices = @transform_0, window_bounds = array<i64: 256, 1024>}, {transform_indices = @transform_1, window_bounds = array<i64: 1, 1024, 512>}, {transform_indices = @transform_2, window_bounds = array<i64: 1, 1, 512>}, {transform_indices = @transform_3, window_bounds = array<i64: 256, 512>}]} {
    %get3A = arith.constant 0 : index
    %get3A_0 = arith.constant 0 : index
    %get3A_1 = vector.load %arg3[%get3A, %get3A_0] : memref<256x1024xf32, #tpu.memory_space<vmem>>, vector<256x1024xf32>
    %get3A_2 = arith.constant 0 : index
    %get3A_3 = arith.constant 0 : index
    %get3A_4 = arith.constant 0 : index
    %get3A_5 = vector.load %arg4[%get3A_2, %get3A_3, %get3A_4] : memref<1x1024x512xf32, #tpu.memory_space<vmem>>, vector<1x1024x512xf32>
    %get3A_6 = vector.shape_cast %get3A_5 : vector<1x1024x512xf32> to vector<1024x512xf32>
    %dot_general3A = arith.constant dense<0.000000e+00> : vector<256x512xf32>
    %dot_general3A_7 = tpu.matmul %get3A_1, %get3A_6, %dot_general3A {dimension_numbers = #tpu.dot_dimension_numbers<[1], [0], [0], [1], [0, 0, 1, 1], [], []>, transpose_lhs_hint = false} : vector<256x1024xf32>, vector<1024x512xf32>, vector<256x512xf32> -> vector<256x512xf32>
    %get3A_8 = arith.constant 0 : index
    %get3A_9 = arith.constant 0 : index
    %get3A_10 = arith.constant 0 : index
    %get3A_11 = vector.load %arg5[%get3A_8, %get3A_9, %get3A_10] : memref<1x1x512xf32, #tpu.memory_space<vmem>>, vector<1x1x512xf32>
    %get3A_12 = vector.shape_cast %get3A_11 : vector<1x1x512xf32> to vector<1x512xf32>
    %add3A = vector.broadcast %get3A_12 : vector<1x512xf32> to vector<256x512xf32>
    %add3A_13 = arith.addf %dot_general3A_7, %add3A : vector<256x512xf32>
    %mul3A = arith.constant 5.000000e-01 : f32
    %mul3A_14 = vector.broadcast %mul3A : f32 to vector<256x512xf32>
    %mul3A_15 = arith.mulf %mul3A_14, %add3A_13 : vector<256x512xf32>
    %mul3A_16 = arith.constant 0.707106769 : f32
    %mul3A_17 = vector.broadcast %mul3A_16 : f32 to vector<256x512xf32>
    %mul3A_18 = arith.mulf %add3A_13, %mul3A_17 : vector<256x512xf32>
    %erf3A = math.erf %mul3A_18 : vector<256x512xf32>
    %add3A_19 = arith.constant 1.000000e+00 : f32
    %add3A_20 = vector.broadcast %add3A_19 : f32 to vector<256x512xf32>
    %add3A_21 = arith.addf %add3A_20, %erf3A : vector<256x512xf32>
    %mul3A_22 = arith.mulf %mul3A_15, %add3A_21 : vector<256x512xf32>
    %swap3A = arith.constant 0 : index
    %swap3A_23 = arith.constant 0 : index
    %swap3A_24 = vector.load %arg6[%swap3A, %swap3A_23] : memref<256x512xf32, #tpu.memory_space<vmem>>, vector<256x512xf32>
    tpu.vector_store %arg6[%swap3A, %swap3A_23], %mul3A_22 {strides = array<i32>} : memref<256x512xf32, #tpu.memory_space<vmem>>, vector<256x512xf32>,
    return
  }
  func.func @transform_0(%arg0: i32, %arg1: i32, %arg2: memref<24xi32, #tpu.memory_space<smem>>) -> (i32, i32) {
    %c0_i32 = arith.constant 0 : i32
    %c0_i32_0 = arith.constant 0 : i32
    return %arg1, %c0_i32 : i32, i32
  }
  func.func @transform_1(%arg0: i32, %arg1: i32, %arg2: memref<24xi32, #tpu.memory_space<smem>>) -> (i32, i32, i32) {
    %get3A = arith.index_cast %arg1 : i32 to index
    %get3A_0 = memref.load %arg2[%get3A] : memref<24xi32, #tpu.memory_space<smem>>
    %c0_i32 = arith.constant 0 : i32
    %c0_i32_1 = arith.constant 0 : i32
    return %get3A_0, %c0_i32, %arg0 : i32, i32, i32
  }
  func.func @transform_2(%arg0: i32, %arg1: i32, %arg2: memref<24xi32, #tpu.memory_space<smem>>) -> (i32, i32, i32) {
    %get3A = arith.index_cast %arg1 : i32 to index
    %get3A_0 = memref.load %arg2[%get3A] : memref<24xi32, #tpu.memory_space<smem>>
    %c0_i32 = arith.constant 0 : i32
    %c0_i32_1 = arith.constant 0 : i32
    return %get3A_0, %c0_i32, %arg0 : i32, i32, i32
  }
  func.func @transform_3(%arg0: i32, %arg1: i32, %arg2: memref<24xi32, #tpu.memory_space<smem>>) -> (i32, i32) {
    %c0_i32 = arith.constant 0 : i32
    return %arg1, %arg0 : i32, i32
  }
}

module attributes {stable_mosaic.version = 14 : i64} {
  func.func @_ffn_y_kernel(%arg0: i32, %arg1: memref<24xi32, #tpu.memory_space<smem>>, %arg2: memref<256x2048xf32, #tpu.memory_space<vmem>>, %arg3: memref<1x2048x1024xf32, #tpu.memory_space<vmem>>, %arg4: memref<1x1x1024xf32, #tpu.memory_space<vmem>>, %arg5: memref<256x1xf32, #tpu.memory_space<vmem>>, %arg6: memref<256x1024xf32, #tpu.memory_space<vmem>>) attributes {dimension_semantics = [#tpu.dimension_semantics<arbitrary>], iteration_bounds = array<i64: 24>, scalar_prefetch = 1 : i64, scratch_operands = 0 : i64, tpu.core_type = #tpu.core_type<tc>, window_params = [{transform_indices = @transform_0, window_bounds = array<i64: 256, 2048>}, {transform_indices = @transform_1, window_bounds = array<i64: 1, 2048, 1024>}, {transform_indices = @transform_2, window_bounds = array<i64: 1, 1, 1024>}, {transform_indices = @transform_3, window_bounds = array<i64: 256, 1>}, {transform_indices = @transform_4, window_bounds = array<i64: 256, 1024>}]} {
    %get3A = arith.constant 0 : index
    %get3A_0 = arith.constant 0 : index
    %get3A_1 = vector.load %arg2[%get3A, %get3A_0] : memref<256x2048xf32, #tpu.memory_space<vmem>>, vector<256x2048xf32>
    %get3A_2 = arith.constant 0 : index
    %get3A_3 = arith.constant 0 : index
    %get3A_4 = arith.constant 0 : index
    %get3A_5 = vector.load %arg3[%get3A_2, %get3A_3, %get3A_4] : memref<1x2048x1024xf32, #tpu.memory_space<vmem>>, vector<1x2048x1024xf32>
    %get3A_6 = vector.shape_cast %get3A_5 : vector<1x2048x1024xf32> to vector<2048x1024xf32>
    %dot_general3A = arith.constant dense<0.000000e+00> : vector<256x1024xf32>
    %dot_general3A_7 = tpu.matmul %get3A_1, %get3A_6, %dot_general3A {dimension_numbers = #tpu.dot_dimension_numbers<[1], [0], [0], [1], [0, 0, 1, 1], [], []>, transpose_lhs_hint = false} : vector<256x2048xf32>, vector<2048x1024xf32>, vector<256x1024xf32> -> vector<256x1024xf32>
    %get3A_8 = arith.constant 0 : index
    %get3A_9 = arith.constant 0 : index
    %get3A_10 = arith.constant 0 : index
    %get3A_11 = vector.load %arg4[%get3A_8, %get3A_9, %get3A_10] : memref<1x1x1024xf32, #tpu.memory_space<vmem>>, vector<1x1x1024xf32>
    %get3A_12 = vector.shape_cast %get3A_11 : vector<1x1x1024xf32> to vector<1x1024xf32>
    %add3A = vector.broadcast %get3A_12 : vector<1x1024xf32> to vector<256x1024xf32>
    %add3A_13 = arith.addf %dot_general3A_7, %add3A : vector<256x1024xf32>
    %get3A_14 = arith.constant 0 : index
    %get3A_15 = arith.constant 0 : index
    %get3A_16 = vector.load %arg5[%get3A_14, %get3A_15] : memref<256x1xf32, #tpu.memory_space<vmem>>, vector<256x1xf32>
    %mul3A = vector.broadcast %get3A_16 : vector<256x1xf32> to vector<256x1024xf32>
    %mul3A_17 = arith.mulf %add3A_13, %mul3A : vector<256x1024xf32>
    %swap3A = arith.constant 0 : index
    %swap3A_18 = arith.constant 0 : index
    %swap3A_19 = vector.load %arg6[%swap3A, %swap3A_18] : memref<256x1024xf32, #tpu.memory_space<vmem>>, vector<256x1024xf32>
    tpu.vector_store %arg6[%swap3A, %swap3A_18], %mul3A_17 {strides = array<i32>} : memref<256x1024xf32, #tpu.memory_space<vmem>>, vector<256x1024xf32>,
    return
  }
  func.func @transform_0(%arg0: i32, %arg1: memref<24xi32, #tpu.memory_space<smem>>) -> (i32, i32) {
    %c0_i32 = arith.constant 0 : i32
    %c0_i32_0 = arith.constant 0 : i32
    return %arg0, %c0_i32 : i32, i32
  }
  func.func @transform_1(%arg0: i32, %arg1: memref<24xi32, #tpu.memory_space<smem>>) -> (i32, i32, i32) {
    %get3A = arith.index_cast %arg0 : i32 to index
    %get3A_0 = memref.load %arg1[%get3A] : memref<24xi32, #tpu.memory_space<smem>>
    %c0_i32 = arith.constant 0 : i32
    %c0_i32_1 = arith.constant 0 : i32
    %c0_i32_2 = arith.constant 0 : i32
    return %get3A_0, %c0_i32, %c0_i32_1 : i32, i32, i32
  }
  func.func @transform_2(%arg0: i32, %arg1: memref<24xi32, #tpu.memory_space<smem>>) -> (i32, i32, i32) {
    %get3A = arith.index_cast %arg0 : i32 to index
    %get3A_0 = memref.load %arg1[%get3A] : memref<24xi32, #tpu.memory_space<smem>>
    %c0_i32 = arith.constant 0 : i32
    %c0_i32_1 = arith.constant 0 : i32
    %c0_i32_2 = arith.constant 0 : i32
    return %get3A_0, %c0_i32, %c0_i32_1 : i32, i32, i32
  }
  func.func @transform_3(%arg0: i32, %arg1: memref<24xi32, #tpu.memory_space<smem>>) -> (i32, i32) {
    %c0_i32 = arith.constant 0 : i32
    %c0_i32_0 = arith.constant 0 : i32
    return %arg0, %c0_i32 : i32, i32
  }
  func.func @transform_4(%arg0: i32, %arg1: memref<24xi32, #tpu.memory_space<smem>>) -> (i32, i32) {
    %c0_i32 = arith.constant 0 : i32
    %c0_i32_0 = arith.constant 0 : i32
    return %arg0, %c0_i32 : i32, i32
  }
}

module attributes {stable_mosaic.version = 14 : i64} {
  func.func @_combine_ln_kernel(%arg0: i32, %arg1: memref<256x1024xf32, #tpu.memory_space<vmem>>, %arg2: memref<256x1024xf32, #tpu.memory_space<vmem>>, %arg3: memref<256x1024xf32, #tpu.memory_space<vmem>>, %arg4: memref<1x1024xf32, #tpu.memory_space<vmem>>, %arg5: memref<1x1024xf32, #tpu.memory_space<vmem>>, %arg6: memref<256x1024xf32, #tpu.memory_space<vmem>>) attributes {dimension_semantics = [#tpu.dimension_semantics<arbitrary>], iteration_bounds = array<i64: 8>, scalar_prefetch = 0 : i64, scratch_operands = 0 : i64, tpu.core_type = #tpu.core_type<tc>, window_params = [{transform_indices = @transform_0, window_bounds = array<i64: 256, 1024>}, {transform_indices = @transform_1, window_bounds = array<i64: 256, 1024>}, {transform_indices = @transform_2, window_bounds = array<i64: 256, 1024>}, {pipeline_mode = #tpu.pipeline_mode<synchronous>, transform_indices = @transform_3, window_bounds = array<i64: 1, 1024>}, {pipeline_mode = #tpu.pipeline_mode<synchronous>, transform_indices = @transform_4, window_bounds = array<i64: 1, 1024>}, {transform_indices = @transform_5, window_bounds = array<i64: 256, 1024>}]} {
    %get3A = arith.constant 0 : index
    %get3A_0 = arith.constant 0 : index
    %get3A_1 = vector.load %arg1[%get3A, %get3A_0] : memref<256x1024xf32, #tpu.memory_space<vmem>>, vector<256x1024xf32>
    %get3A_2 = arith.constant 0 : index
    %get3A_3 = arith.constant 0 : index
    %get3A_4 = vector.load %arg2[%get3A_2, %get3A_3] : memref<256x1024xf32, #tpu.memory_space<vmem>>, vector<256x1024xf32>
    %get3A_5 = arith.constant 0 : index
    %get3A_6 = arith.constant 0 : index
    %get3A_7 = vector.load %arg3[%get3A_5, %get3A_6] : memref<256x1024xf32, #tpu.memory_space<vmem>>, vector<256x1024xf32>
    %add3A = arith.addf %get3A_4, %get3A_7 : vector<256x1024xf32>
    %add3A_8 = arith.addf %get3A_1, %add3A : vector<256x1024xf32>
    %reduce_sum3A = arith.constant dense<0.000000e+00> : vector<256xf32>
    %reduce_sum3A_9 = vector.multi_reduction <add>, %add3A_8, %reduce_sum3A [1] : vector<256x1024xf32> to vector<256xf32>
    %broadcast_in_dim3A = vector.shape_cast %reduce_sum3A_9 : vector<256xf32> to vector<256x1xf32>
    %div3A = arith.constant 1.024000e+03 : f32
    %div3A_10 = vector.broadcast %div3A : f32 to vector<256x1xf32>
    %div3A_11 = arith.divf %broadcast_in_dim3A, %div3A_10 : vector<256x1xf32>
    %sub3A = vector.broadcast %div3A_11 : vector<256x1xf32> to vector<256x1024xf32>
    %sub3A_12 = arith.subf %add3A_8, %sub3A : vector<256x1024xf32>
    %integer_pow3A = arith.mulf %sub3A_12, %sub3A_12 : vector<256x1024xf32>
    %reduce_sum3A_13 = arith.constant dense<0.000000e+00> : vector<256xf32>
    %reduce_sum3A_14 = vector.multi_reduction <add>, %integer_pow3A, %reduce_sum3A_13 [1] : vector<256x1024xf32> to vector<256xf32>
    %broadcast_in_dim3A_15 = vector.shape_cast %reduce_sum3A_14 : vector<256xf32> to vector<256x1xf32>
    %div3A_16 = arith.constant 1.024000e+03 : f32
    %div3A_17 = vector.broadcast %div3A_16 : f32 to vector<256x1xf32>
    %div3A_18 = arith.divf %broadcast_in_dim3A_15, %div3A_17 : vector<256x1xf32>
    %sub3A_19 = vector.broadcast %div3A_11 : vector<256x1xf32> to vector<256x1024xf32>
    %sub3A_20 = arith.subf %add3A_8, %sub3A_19 : vector<256x1024xf32>
    %add3A_21 = arith.constant 9.99999974E-6 : f32
    %add3A_22 = vector.broadcast %add3A_21 : f32 to vector<256x1xf32>
    %add3A_23 = arith.addf %div3A_18, %add3A_22 : vector<256x1xf32>
    %sqrt3A = math.sqrt %add3A_23 : vector<256x1xf32>
    %div3A_24 = vector.broadcast %sqrt3A : vector<256x1xf32> to vector<256x1024xf32>
    %div3A_25 = arith.divf %sub3A_20, %div3A_24 : vector<256x1024xf32>
    %get3A_26 = arith.constant 0 : index
    %get3A_27 = arith.constant 0 : index
    %get3A_28 = vector.load %arg4[%get3A_26, %get3A_27] : memref<1x1024xf32, #tpu.memory_space<vmem>>, vector<1x1024xf32>
    %mul3A = vector.broadcast %get3A_28 : vector<1x1024xf32> to vector<256x1024xf32>
    %mul3A_29 = arith.mulf %div3A_25, %mul3A : vector<256x1024xf32>
    %get3A_30 = arith.constant 0 : index
    %get3A_31 = arith.constant 0 : index
    %get3A_32 = vector.load %arg5[%get3A_30, %get3A_31] : memref<1x1024xf32, #tpu.memory_space<vmem>>, vector<1x1024xf32>
    %add3A_33 = vector.broadcast %get3A_32 : vector<1x1024xf32> to vector<256x1024xf32>
    %add3A_34 = arith.addf %mul3A_29, %add3A_33 : vector<256x1024xf32>
    %swap3A = arith.constant 0 : index
    %swap3A_35 = arith.constant 0 : index
    %swap3A_36 = vector.load %arg6[%swap3A, %swap3A_35] : memref<256x1024xf32, #tpu.memory_space<vmem>>, vector<256x1024xf32>
    tpu.vector_store %arg6[%swap3A, %swap3A_35], %add3A_34 {strides = array<i32>} : memref<256x1024xf32, #tpu.memory_space<vmem>>, vector<256x1024xf32>,
    return
  }
  func.func @transform_0(%arg0: i32) -> (i32, i32) {
    %c0_i32 = arith.constant 0 : i32
    %c0_i32_0 = arith.constant 0 : i32
    return %arg0, %c0_i32 : i32, i32
  }
  func.func @transform_1(%arg0: i32) -> (i32, i32) {
    %c0_i32 = arith.constant 0 : i32
    %c0_i32_0 = arith.constant 0 : i32
    return %arg0, %c0_i32 : i32, i32
  }
  func.func @transform_2(%arg0: i32) -> (i32, i32) {
    %c0_i32 = arith.constant 0 : i32
    %c0_i32_0 = arith.constant 0 : i32
    return %arg0, %c0_i32 : i32, i32
  }
  func.func @transform_3(%arg0: i32) -> (i32, i32) {
    %c0_i32 = arith.constant 0 : i32
    %c0_i32_0 = arith.constant 0 : i32
    %c0_i32_1 = arith.constant 0 : i32
    return %c0_i32, %c0_i32_0 : i32, i32
  }
  func.func @transform_4(%arg0: i32) -> (i32, i32) {
    %c0_i32 = arith.constant 0 : i32
    %c0_i32_0 = arith.constant 0 : i32
    %c0_i32_1 = arith.constant 0 : i32
    return %c0_i32, %c0_i32_0 : i32, i32
  }
  func.func @transform_5(%arg0: i32) -> (i32, i32) {
    %c0_i32 = arith.constant 0 : i32
    %c0_i32_0 = arith.constant 0 : i32
    return %arg0, %c0_i32 : i32, i32
  }
}

module attributes {stable_mosaic.version = 14 : i64} {
  func.func @_combine_ln_kernel(%arg0: i32, %arg1: memref<256x1024xf32, #tpu.memory_space<vmem>>, %arg2: memref<256x1024xf32, #tpu.memory_space<vmem>>, %arg3: memref<256x1024xf32, #tpu.memory_space<vmem>>, %arg4: memref<1x1024xf32, #tpu.memory_space<vmem>>, %arg5: memref<1x1024xf32, #tpu.memory_space<vmem>>, %arg6: memref<256x1024xf32, #tpu.memory_space<vmem>>) attributes {dimension_semantics = [#tpu.dimension_semantics<arbitrary>], iteration_bounds = array<i64: 8>, scalar_prefetch = 0 : i64, scratch_operands = 0 : i64, tpu.core_type = #tpu.core_type<tc>, window_params = [{transform_indices = @transform_0, window_bounds = array<i64: 256, 1024>}, {transform_indices = @transform_1, window_bounds = array<i64: 256, 1024>}, {transform_indices = @transform_2, window_bounds = array<i64: 256, 1024>}, {pipeline_mode = #tpu.pipeline_mode<synchronous>, transform_indices = @transform_3, window_bounds = array<i64: 1, 1024>}, {pipeline_mode = #tpu.pipeline_mode<synchronous>, transform_indices = @transform_4, window_bounds = array<i64: 1, 1024>}, {transform_indices = @transform_5, window_bounds = array<i64: 256, 1024>}]} {
    %get3A = arith.constant 0 : index
    %get3A_0 = arith.constant 0 : index
    %get3A_1 = vector.load %arg1[%get3A, %get3A_0] : memref<256x1024xf32, #tpu.memory_space<vmem>>, vector<256x1024xf32>
    %get3A_2 = arith.constant 0 : index
    %get3A_3 = arith.constant 0 : index
    %get3A_4 = vector.load %arg2[%get3A_2, %get3A_3] : memref<256x1024xf32, #tpu.memory_space<vmem>>, vector<256x1024xf32>
    %get3A_5 = arith.constant 0 : index
    %get3A_6 = arith.constant 0 : index
    %get3A_7 = vector.load %arg3[%get3A_5, %get3A_6] : memref<256x1024xf32, #tpu.memory_space<vmem>>, vector<256x1024xf32>
    %add3A = arith.addf %get3A_4, %get3A_7 : vector<256x1024xf32>
    %add3A_8 = arith.addf %get3A_1, %add3A : vector<256x1024xf32>
    %reduce_sum3A = arith.constant dense<0.000000e+00> : vector<256xf32>
    %reduce_sum3A_9 = vector.multi_reduction <add>, %add3A_8, %reduce_sum3A [1] : vector<256x1024xf32> to vector<256xf32>
    %broadcast_in_dim3A = vector.shape_cast %reduce_sum3A_9 : vector<256xf32> to vector<256x1xf32>
    %div3A = arith.constant 1.024000e+03 : f32
    %div3A_10 = vector.broadcast %div3A : f32 to vector<256x1xf32>
    %div3A_11 = arith.divf %broadcast_in_dim3A, %div3A_10 : vector<256x1xf32>
    %sub3A = vector.broadcast %div3A_11 : vector<256x1xf32> to vector<256x1024xf32>
    %sub3A_12 = arith.subf %add3A_8, %sub3A : vector<256x1024xf32>
    %integer_pow3A = arith.mulf %sub3A_12, %sub3A_12 : vector<256x1024xf32>
    %reduce_sum3A_13 = arith.constant dense<0.000000e+00> : vector<256xf32>
    %reduce_sum3A_14 = vector.multi_reduction <add>, %integer_pow3A, %reduce_sum3A_13 [1] : vector<256x1024xf32> to vector<256xf32>
    %broadcast_in_dim3A_15 = vector.shape_cast %reduce_sum3A_14 : vector<256xf32> to vector<256x1xf32>
    %div3A_16 = arith.constant 1.024000e+03 : f32
    %div3A_17 = vector.broadcast %div3A_16 : f32 to vector<256x1xf32>
    %div3A_18 = arith.divf %broadcast_in_dim3A_15, %div3A_17 : vector<256x1xf32>
    %sub3A_19 = vector.broadcast %div3A_11 : vector<256x1xf32> to vector<256x1024xf32>
    %sub3A_20 = arith.subf %add3A_8, %sub3A_19 : vector<256x1024xf32>
    %add3A_21 = arith.constant 9.99999974E-6 : f32
    %add3A_22 = vector.broadcast %add3A_21 : f32 to vector<256x1xf32>
    %add3A_23 = arith.addf %div3A_18, %add3A_22 : vector<256x1xf32>
    %sqrt3A = math.sqrt %add3A_23 : vector<256x1xf32>
    %div3A_24 = vector.broadcast %sqrt3A : vector<256x1xf32> to vector<256x1024xf32>
    %div3A_25 = arith.divf %sub3A_20, %div3A_24 : vector<256x1024xf32>
    %get3A_26 = arith.constant 0 : index
    %get3A_27 = arith.constant 0 : index
    %get3A_28 = vector.load %arg4[%get3A_26, %get3A_27] : memref<1x1024xf32, #tpu.memory_space<vmem>>, vector<1x1024xf32>
    %mul3A = vector.broadcast %get3A_28 : vector<1x1024xf32> to vector<256x1024xf32>
    %mul3A_29 = arith.mulf %div3A_25, %mul3A : vector<256x1024xf32>
    %get3A_30 = arith.constant 0 : index
    %get3A_31 = arith.constant 0 : index
    %get3A_32 = vector.load %arg5[%get3A_30, %get3A_31] : memref<1x1024xf32, #tpu.memory_space<vmem>>, vector<1x1024xf32>
    %add3A_33 = vector.broadcast %get3A_32 : vector<1x1024xf32> to vector<256x1024xf32>
    %add3A_34 = arith.addf %mul3A_29, %add3A_33 : vector<256x1024xf32>
    %swap3A = arith.constant 0 : index
    %swap3A_35 = arith.constant 0 : index
    %swap3A_36 = vector.load %arg6[%swap3A, %swap3A_35] : memref<256x1024xf32, #tpu.memory_space<vmem>>, vector<256x1024xf32>
    tpu.vector_store %arg6[%swap3A, %swap3A_35], %add3A_34 {strides = array<i32>} : memref<256x1024xf32, #tpu.memory_space<vmem>>, vector<256x1024xf32>,
    return
  }
  func.func @transform_0(%arg0: i32) -> (i32, i32) {
    %c0_i32 = arith.constant 0 : i32
    %c0_i32_0 = arith.constant 0 : i32
    return %arg0, %c0_i32 : i32, i32
  }
  func.func @transform_1(%arg0: i32) -> (i32, i32) {
    %c0_i32 = arith.constant 0 : i32
    %c0_i32_0 = arith.constant 0 : i32
    return %arg0, %c0_i32 : i32, i32
  }
  func.func @transform_2(%arg0: i32) -> (i32, i32) {
    %c0_i32 = arith.constant 0 : i32
    %c0_i32_0 = arith.constant 0 : i32
    return %arg0, %c0_i32 : i32, i32
  }
  func.func @transform_3(%arg0: i32) -> (i32, i32) {
    %c0_i32 = arith.constant 0 : i32
    %c0_i32_0 = arith.constant 0 : i32
    %c0_i32_1 = arith.constant 0 : i32
    return %c0_i32, %c0_i32_0 : i32, i32
  }
  func.func @transform_4(%arg0: i32) -> (i32, i32) {
    %c0_i32 = arith.constant 0 : i32
    %c0_i32_0 = arith.constant 0 : i32
    %c0_i32_1 = arith.constant 0 : i32
    return %c0_i32, %c0_i32_0 : i32, i32
  }
  func.func @transform_5(%arg0: i32) -> (i32, i32) {
    %c0_i32 = arith.constant 0 : i32
    %c0_i32_0 = arith.constant 0 : i32
    return %arg0, %c0_i32 : i32, i32
  }
}

</mosaic_0001>

<sc_bundles>
// kernel: gather_offload_async_start.1
scs
__scs_entry_jumppad:
0x0: {  	(pc) =	sbr.rel $0x88, $3  }
0x1: {  	(tag) =	ssettag $0x0;
	lr =	simm.s32 $0x1  }
0x2: {  	[smem:$0x3F83] =	sst lr;
	_ =	strace $0xD0000000  }
0x3: {  	_ = 	snop  }
0x4: {  	_ = 	snop  }
0x5: {  	_ = 	snop  }
0x6: {  	_ = 	snop  }
0x7: {  	_ = 	snop  }
__scs_overlays_trampoline_lowered:
0x8: {  	[smem:$0x3F92] =	sst s0  }
0x9: {  	[smem:$0x3F93] =	sst s1  }
0xa: {  	[smem:$0x3F94] =	sst s2  }
0xb: {  	[smem:$0x3F95] =	sst s3  }
0xc: {  	[smem:$0x3F96] =	sst s4  }
0xd: {  	[smem:$0x3F97] =	sst s5  }
0xe: {  	[smem:$0x3F98] =	sst s6  }
0xf: {  	[smem:$0x3F99] =	sst s7  }
0x10: {  	[smem:$0x3F9A] =	sst s8  }
0x11: {  	[smem:$0x3F9B] =	sst s9;
	s0 =	simm.s32 @!p0 $0x0  }
0x12: {  	s1 =	sld [smem:$0x3F81];
	s0 =	simm.s32 @p0 $0x1  }
0x13: {  	[smem:$0x3F9C] =	sst s0;
	s0 =	simm.s32 @!p1 $0x0  }
0x14: {  	s2 =	sld [smem:$0x3F80];
	s0 =	simm.s32 @p1 $0x1  }
0x15: {  	[smem:$0x3F9D] =	sst s0;
	s0 =	simm.s32 @!p2 $0x0  }
0x16: {  	s3 =	sld [smem:$0x3FDB];
	s0 =	simm.s32 @p2 $0x1  }
0x17: {  	s4 =	simm.s32 $0x1BF5;
	[smem:$0x3F9F] =	sst s0  }
0x18: {  	s0 =	sld [smem:$0x3F82];
	_ =	swait.ge [sflag:s4], $0x0  }
0x19: {  	s7 =	sld [smem:$0x3F83]  }
0x1a: {  	s8 =	sadd.s32 $0xFFFFE003, lr  }
0x1b: {  	s9 =	sadd.s32 $0xFFFFFEF7, lr;
	s5 =	simm.s32 $0xFFFFFFFF;
	p2 =	slt.u32 s8, $0xFFFFF086  }
0x1c: {  	p1 =	slt.u32 s9, $0xF7A;
	s5 =	simm.s32 @!p2 $0x0  }
0x1d: {  	s5 =	simm.s32 @p1 $0x1;
	p0 =	seq.s32 s7, s2  }
0x1e: {  	s7 =	smul.u32 @!p0 $0xF7A, s2;
	p2 =	seq.s32 @!p0 s5, $0x0  }
0x1f: {  	s9 =	smul.u32 $0xF7A, s1;
	s8 =	simm.s32 @!p0 $0x1BF5;
	p2 =	por !p2, p0  }
0x20: {  	[sflag:s8] =	ssyncset.s32 @!p0 $0xFFFFF086;
	s6 =	sadd.s32 @!p0 s3, s7;
	s7 =	simm.s32 @!p0 $0x108  }
0x21: {  	s3 =	sadd.s32 s3, s9;
	s6 =	sadd.s32 @!p0 $0x88, s6;
	s7 =	simm.s32 @p2 $0x1082  }
0x22: {  	[simem:s7], [sflag:s8] =	dma.local @!p0 [hbm:s6], $0xF7A  }
0x23: {  	s9 =	sor.u32 $0xD0000000, s2;
	s6 =	simm.s32 $0x108;
	_ =	swait.ge @!p0 [sflag:s8], $0x0  }
0x24: {  	s3 =	sadd.s32 $0x88, s3;
	s6 =	simm.s32 @!p1 $0x1082;
	[sflag:s4] =	ssyncset.s32 $0xFFFFF086  }
0x25: {  	[simem:s6], [sflag:s4] =	dma.local [hbm:s3], $0xF7A  }
0x26: {  	[smem:$0x3F83] =	sst s1;
	(tag) =	ssettag s2;
	_ =	strace s9  }
0x27: {  	s1 =	sld [smem:$0x3F93]  }
0x28: {  	s2 =	sld [smem:$0x3F94]  }
0x29: {  	s4 =	sld [smem:$0x3F96]  }
0x2a: {  	p0 =	seq.s32 s5, $0x0;
	s5 =	sld [smem:$0x3F97]  }
0x2b: {  	s6 =	sld [smem:$0x3F98]  }
0x2c: {  	s7 =	sld [smem:$0x3F99]  }
0x2d: {  	s3 =	simm.s32 $0x108;
	s8 =	sld [smem:$0x3F9A]  }
0x2e: {  	s3 =	simm.s32 @!p0 $0x1082;
	s9 =	sld [smem:$0x3F9B]  }
0x2f: {  	lr =	sadd.s32 s0, s3;
	s0 =	sld [smem:$0x3F92]  }
0x30: {  	s3 =	sld [smem:$0x3F95]  }
0x31: {  	[smem:$0x3F9E] =	sst s10  }
0x32: {  	s10 =	sld [smem:$0x3F9C];
	_ =	sdelay $0x3  }
0x33: {  	p0 =	seq.s32 s10, $0x1;
	s10 =	sld [smem:$0x3F9E];
	_ =	sdelay $0x3  }
0x34: {  	[smem:$0x3F9E] =	sst s10  }
0x35: {  	s10 =	sld [smem:$0x3F9D];
	_ =	sdelay $0x3  }
0x36: {  	p1 =	seq.s32 s10, $0x1;
	s10 =	sld [smem:$0x3F9E];
	_ =	sdelay $0x3  }
0x37: {  	[smem:$0x3F9E] =	sst s10  }
0x38: {  	s10 =	sld [smem:$0x3F9F]  }
0x39: {  	_ = 	snop;
	(pc) =	sbr.ind lr, $3  }
0x3a: {  	_ = 	snop  }
0x3b: {  	_ = 	snop  }
0x3c: {  	p2 =	seq.s32 s10, $0x1;
	s10 =	sld [smem:$0x3F9E]  }
0x3d: {  	_ =	shalt  }
0x3e: {  	_ =	shalt  }
0x3f: {  	_ =	shalt  }
0x40: {  	_ =	shalt  }
0x41: {  	_ =	shalt  }
0x42: {  	_ =	shalt  }
0x43: {  	_ =	shalt  }
0x44: {  	_ =	shalt  }
0x45: {  	_ =	shalt  }
0x46: {  	_ =	shalt  }
0x47: {  	_ =	shalt  }
0x48: {  	_ =	shalt  }
0x49: {  	_ =	shalt  }
0x4a: {  	_ =	shalt  }
0x4b: {  	_ =	shalt  }
0x4c: {  	_ =	shalt  }
0x4d: {  	_ =	shalt  }
0x4e: {  	_ =	shalt  }
0x4f: {  	_ =	shalt  }
0x50: {  	_ =	shalt  }
0x51: {  	_ =	shalt  }
0x52: {  	_ =	shalt  }
0x53: {  	_ =	shalt  }
0x54: {  	_ =	shalt  }
0x55: {  	_ =	shalt  }
0x56: {  	_ =	shalt  }
0x57: {  	_ =	shalt  }
0x58: {  	_ =	shalt  }
0x59: {  	_ =	shalt  }
0x5a: {  	_ =	shalt  }
0x5b: {  	_ =	shalt  }
0x5c: {  	_ =	shalt  }
0x5d: {  	_ =	shalt  }
0x5e: {  	_ =	shalt  }
0x5f: {  	_ =	shalt  }
0x60: {  	_ =	shalt  }
0x61: {  	_ =	shalt  }
0x62: {  	_ =	shalt  }
0x63: {  	_ =	shalt  }
0x64: {  	_ =	shalt  }
0x65: {  	_ =	shalt  }
0x66: {  	_ =	shalt  }
0x67: {  	_ =	shalt  }
0x68: {  	_ =	shalt  }
0x69: {  	_ =	shalt  }
0x6a: {  	_ =	shalt  }
0x6b: {  	_ =	shalt  }
0x6c: {  	_ =	shalt  }
0x6d: {  	_ =	shalt  }
0x6e: {  	_ =	shalt  }
0x6f: {  	_ =	shalt  }
0x70: {  	_ =	shalt  }
0x71: {  	_ =	shalt  }
0x72: {  	_ =	shalt  }
0x73: {  	_ =	shalt  }
0x74: {  	_ =	shalt  }
0x75: {  	_ =	shalt  }
0x76: {  	_ =	shalt  }
0x77: {  	_ =	shalt  }
0x78: {  	_ =	shalt  }
0x79: {  	_ =	shalt  }
0x7a: {  	_ =	shalt  }
0x7b: {  	_ =	shalt  }
0x7c: {  	_ =	shalt  }
0x7d: {  	_ =	shalt  }
0x7e: {  	_ =	shalt  }
0x7f: {  	_ =	shalt  }
0x80: {  	_ =	shalt  }
0x81: {  	_ =	shalt  }
0x82: {  	_ =	shalt  }
0x83: {  	_ =	shalt  }
0x84: {  	_ =	shalt  }
0x85: {  	_ =	shalt  }
0x86: {  	_ =	shalt  }
0x87: {  	_ =	shalt  }
.Lfunc_end0:
.L_simem_size_0:
called_computation.1_lowered:
.L_overlay_start_0:
0x88: {  	s2 =	sld [smem:$0x3FD9]  }
0x89: {  	s3 =	sld [smem:$0x3FFE];
	_ =	sdelay $0x1  }
0x8a: {  	s1 =	srdreg.scid  }
0x8b: {  	s0 =	sand.u32 $0x1, s1  }
0x8c: {  	s16 =	sshll.u32 s0, $0xA;
	s2 =	sadd.s32 s3, s2  }
0x8d: {  	s2 =	sadd.s32 s2, s16  }
0x8e: {  	[smem:$0x3FAA] =	sst s2  }
0x8f: {  	_ = 	snop  }
0x90: {  	(tm) =	ssettm $0x1  }
0x91: {  	s17 =	sld [smem:$0x3FFB];
	_ =	sdelay $0x3  }
0x92: {  	_ =	strace s17  }
0x93: {  	s2 =	sld [smem:$0x3FFC];
	_ =	sdelay $0x3  }
0x94: {  	_ =	strace s2  }
0x95: {  	s2 =	sld [smem:$0x3FFD];
	_ =	sdelay $0x3  }
0x96: {  	_ =	strace s2  }
0x97: {  	_ =	strace $0x8FFFFFFF  }
0x98: {  	s18 =	sld [smem:$0x3FDB];
	_ =	sdelay $0x1  }
0x99: {  	s19 =	simm.s32 $_scs_section_size  }
0x9a: {  	s4 =	simm.s32 $_size__tile_overlayer_lowered;
	s5 =	simm.s32 $_tile_overlayer_lowered  }
0x9b: {  	s22 =	simm.s32 $0x1BFF;
	s21 =	sshll.u32 s5, $0x1;
	s2 =	sadd.s32 s19, s18  }
0x9c: {  	s6 =	simm.s32 $0x0;
	s20 =	sshll.u32 s4, $0x1;
	s4 =	sadd.s32 s21, s2  }
0x9d: {  	[timem:s6], [sflag:s22] =	dma.local [hbm:s4], s20  }
0x9e: {  	_ =	swait.ge [sflag:s22], s20  }
0x9f: {  	s3 =	ssub.s32 $0x0, s20;
	[sflag:s22] =	ssyncset.done $0x0  }
0xa0: {  	[sflag:s22] =	ssyncadd.s32 s3;
	_ =	sdelay $0x1  }
0xa1: {  	s23 =	simm.s32 $0x1B8B  }
0xa2: {  	_ =	swait.ge [sflag:s23], $0x1  }
0xa3: {  	[sflag:s23] =	ssyncset.done $0x0  }
0xa4: {  	s25 =	simm.s32 $0x1B8E;
	s24 =	sld [smem:$0x3FFE];
	[sflag:s23] =	ssyncadd.s32 $0xFFFFFFFF  }
0xa5: {  	s26 =	simm.s32 $execute0_lowered;
	[smem:$0x3FD2] =	sst s25  }
0xa6: {  	s4 =	sshll.u32 s26, $0x1;
	_ =	strace $0x80000049;
	[dreg:$0x1] =	wrdreg $0xFFFFFFFF  }
0xa7: {  	s28 =	simm.s32 $_size_execute0_lowered;
	s2 =	sadd.s32 s2, s4;
	[dreg:$0x0] =	wrdreg $0x0  }
0xa8: {  	s4 =	sshll.u32 s28, $0x1;
	[dreg:$0x2] =	wrdreg s2  }
0xa9: {  	[dreg:$0x3] =	wrdreg s4  }
0xaa: {  	[dreg:$0x4] =	wrdreg $0xC0  }
0xab: {  	_ =	task [dreg:s6], $0x5FFFF  }
0xac: {  	[dreg:$0x1] =	wrdreg $0xFFFFFFFF  }
0xad: {  	[dreg:$0x0] =	wrdreg $0x60  }
0xae: {  	[dreg:$0x2] =	wrdreg s24  }
0xaf: {  	[dreg:$0x3] =	wrdreg $0x9  }
0xb0: {  	_ =	task.clear_ibuf [dreg:s6], $0x4FFFF;
	_ =	strace $0x90000049  }
0xb1: {  	s29 =	simm.s32 $0x9;
	_ =	strace $0x8000004B  }
0xb2: {  	_ =	swait.ge [sflag:s29], $0x1  }
0xb3: {  	[sflag:s29] =	ssyncadd.s32 $0xFFFFFFFF  }
0xb4: {  	_ =	strace $0x9000004B  }
0xb5: {  	_ =	sfence  }
0xb6: {  	s30 =	sld [smem:$0x0];
	_ =	sdelay $0x2  }
0xb7: {  	s31 =	sshll.u32 s1, $0xD;
	s1 =	sshrl.u32 s1, $0x2  }
0xb8: {  	s3 =	sand.u32 $0x4000, s31;
	s1 =	sadd.s32 s1, s30  }
0xb9: {  	s0 =	sor.u32 s3, s0;
	s1 =	sshll.u32 s1, $0x11  }
0xba: {  	s0 =	sor.u32 s1, s0  }
0xbb: {  	s0 =	sadd.s32 $0x8F2B, s0  }
0xbc: {  	[sflag:s0] =	ssyncadd.remote.s32 $0x1  }
0xbd: {  	_ =	sfence.sel $0xFFFF  }
0xbe: {  	[dreg:$0x0] =	wrdreg $0xFFFFFFFF;
	(pc) =	sbr.abs _section_cstart, $3  }
0xbf: {  	[dreg:$0x1] =	wrdreg $0xFFFFFFFF  }
0xc0: {  	_ =	task.clear_ibuf [dreg:s6], $0x2FFFF;
	_ =	strace $0x9FFFFFFF  }
0xc1: {  	(tm) =	ssettm $0x7FFFFFFF  }
tec
execute0_lowered:
.L_overlay_start_1:
0x0: {  	(tag) =	ssettag $0x1  }
0x1: {  	s0 =	srdreg.scid;
	s5 =	rddreg [dreg:$0x0]  }
0x2: {  	s1 =	stileid.u32;
	s6 =	simm.s32 $0x1;
	s9 =	simm.s32 $0x1  }
0x3: {  	s10 =	simm.s32 $0x3;
	s13 =	simm.s32 $0x0;
	s2 =	sshll.u32 s0, $0x6  }
0x4: {  	s12 =	simm.s32 $0x0;
	s3 =	sshll.u32 s1, $0x7;
	s4 =	sand.u32 $0x40, s2  }
0x5: {  	s0 =	rddreg [dreg:$0x1];
	_ =	strace $0x8000004A;
	s3 =	sor.u32 s3, s4  }
0x6: {  	s2 =	sadd.s32 $0x10C800, s5;
	[sflag:s6] =	ssyncpa.u1 $0x0;
	s8 =	ssub.s32 $0x1000, s3  }
.Ltmp0:
0x7: {  	s4 =	sadd.s32 $0x10C400, s5;
	s7 =	sand.u32 $0x7C0, s8;
	(pc) =	sbr.rel .LBB2_1-.Ltmp0, $4  }
0x8: {  	s5 =	sadd.s32 $0x10A200, s5;
	s11 =	smov.u32 s3;
	p0 =	sne.s32 s7, $0x0  }
0x9: {  	s8 =	sshrl.u32 s8, $0xB;
	s7 =	simm.s32 $0x2;
	s9 =	simm.s32 @!p0 $0x0  }
0xa: {  	[sflag:s7] =	ssyncpa.u1 $0x0;
	p0 =	por $0x0, $0x0;
	s8 =	sadd.s32 s9, s8  }
0xb: {  	vm0 =	vmmov $0xffff;
	[sflag:s10] =	ssyncpa.u1 $0x0;
	s10 =	simm.s32 $0x0;
	s9 =	sadd.s32 $0x1, s8  }
.LBB2_4:
0xc: {  	v2 =	vnsel vm1, $0x0, v2  }
0xd: {  	vm1 =	vgt.s32 v0, $0x0;
	v2 =	vmin.u32 v2, $0xFFF  }
0xe: {  	v0 =	vnsel vm1, $0x0, v0  }
0xf: {  	v0 =	vmin.u32 v0, $0xFFF  }
0x10: {  	[tilespmem:s15], [sflag:$0x1] =	stream.indirect_vreg.gather [hbm4b:s2+s10], $0x1, v1, vm0, $0x4038;
	[tilespmem:$0x100] =	vst v63  }
0x11: {  	(ifvalue) =	ssetifvalue $0x7FFFFFFF  }
0x12: {  	[tilespmem:s16], [sflag:$0x1] =	stream.indirect_vreg.gather [hbm4b:s2+s10], $0x1, v2, vm0, $0x4038;
	[tilespmem:$0x100] =	vst v63  }
0x13: {  	s29 =	sadd.s32 $0x10, s16;
	(ifvalue) =	ssetifvalue $0x7FFFFFFF  }
0x14: {  	[tilespmem:s29], [sflag:$0x1] =	stream.indirect_vreg.gather [hbm4b:s2+s10], $0x1, v0, vm0, $0x4038;
	[tilespmem:$0x100] =	vst v63  }
0x15: {  	_ =	swait.ge [sflag:s6], $0x40  }
0x16: {  	s30 =	sshrl.u32 s13, $0x3;
	[sflag:s6] =	ssyncset.done $0x0  }
0x17: {  	s31 =	sand.u32 $0x7, s13;
	s15 =	sadd.s32 s5, s30;
	[sflag:s6] =	ssyncadd.s32 $0xFFFFFFC0  }
0x18: {  	[hbm4b:s15+s31] =	stream.linear.scatter [tilespmem:s14], [sflag:$0x3], $0x40, $0x38;
	[tilespmem:$0x100] =	vst v63  }
.LBB2_5:
0x19: {  	s15 =	sadd.s32 $0x800, s11  }
0x1a: {  	p2 =	sgt.s32 s15, $0xFFF  }
0x1b: {  	s15 =	smov.u32 @p2 s3;
	p2 =	sne.s32 s12, s9  }
.Ltmp1:
0x1c: {  	p1 =	slt.u32 s12, $0x2;
	(pc) =	sbr.rel @!p2 .LBB2_6-.Ltmp1, $4  }
0x1d: {  	s14 =	simm.s32 @!p1 $0x3  }
0x1e: {  	s16 =	sadd.s32 $0x1, s12;
	_ =	swait.ge @!p1 [sflag:s14], $0x40  }
0x1f: {  	s13 =	smov.u32 s11;
	p0 =	por !p0, !p0;
	[sflag:s14] =	ssyncset.done @!p1 $0x0  }
0x20: {  	s12 =	smov.u32 s16;
	s11 =	smov.u32 s15;
	[sflag:s14] =	ssyncadd.s32 @!p1 $0xFFFFFFC0  }
.LBB2_1:
0x21: {  	p1 =	sge.u32 s12, s8  }
0x22: {  	s14 =	sxor.u32 @!p1 $0xFFFFFFFF, s12  }
0x23: {  	s31 =	sadd.s32 $0xFFFFFFFF, s12;
	s15 =	sshrl.u32 @!p1 s11, $0x3;
	s14 =	sshll.u32 @!p1 s14, $0x6  }
0x24: {  	s16 =	sand.u32 @!p1 $0x7, s11;
	s15 =	sadd.s32 @!p1 s4, s15;
	s14 =	sand.u32 @!p1 $0x40, s14  }
0x25: {  	[tilespmem:s14], [sflag:$0x2] =	stream.linear.gather @!p1 [hbm4b:s15+s16], $0x40, $0x38;
	[tilespmem:$0x100] =	vst v63  }
0x26: {  	p1 =	sge.u32 s31, s8  }
.Ltmp2:
0x27: {  	_ = 	snop;
	(pc) =	sbr.rel @p1 .LBB2_5-.Ltmp2, $1  }
0x28: {  	_ =	sdelay $0x3  }
0x29: {  	s14 =	simm.s32 $0x1  }
0x2a: {  	_ =	swait.ge [sflag:s7], $0x40;
	s14 =	simm.s32 @!p0 $0x0  }
0x2b: {  	[sflag:s7] =	ssyncset.done $0x0;
	s14 =	sshll.u32 s14, $0x6  }
0x2c: {  	[sflag:s7] =	ssyncadd.s32 $0xFFFFFFC0;
	(ifvalue) =	ssetifvalue $0x7FFFFFFF;
	v0 =	vld.msk [tilespmem:s14+$0x0 ss:$0x1], $0xffff;
	_ =	sdelay $0x4  }
0x2d: {  	s15 =	sadd.s32 $0x10, s14;
	vm1 =	vgt.s32 v0, $0x0  }
0x2e: {  	v2 =	vld.msk [tilespmem:s15+$0x0 ss:$0x1], $0xffff;
	v1 =	vnsel vm1, $0x0, v0  }
0x2f: {  	v1 =	vmin.u32 v1, $0xFFF;
	_ =	sdelay $0x1  }
0x30: {  	s16 =	sshll.u32 s12, $0x6;
	s18 =	simm.s32 $0x20  }
0x31: {  	s16 =	sand.u32 $0x40, s16;
	s17 =	sadd.s32 $0x10, s15;
	s15 =	sor.u32 $0x80, s14  }
0x32: {  	s14 =	sor.u32 $0x80, s16;
	s16 =	sadd.s32 $0x10, s15;
	v0 =	vld.msk [tilespmem:s17+$0x0 ss:$0x1], $0xffff;
	vm1 =	vgt.s32 v2, $0x0;
	(ifvalue) =	ssetifvalue $0x7FFFFFFF  }
.LBB2_3:
0x33: {  	[tilespmem:s15], [sflag:$0x1] =	stream.indirect_vreg.gather [hbm4b:s2+s10], $0x1, v1, vm0, $0x4038;
	[tilespmem:$0x100] =	vst v63  }
0x34: {  	s18 =	sadd.s32 $0x10, s18  }
0x35: {  	v2 =	vnsel vm1, $0x0, v2;
	p1 =	slt.u32 s18, $0x30  }
.Ltmp3:
0x36: {  	s15 =	smov.u32 s16;
	v1 =	vmin.u32 v2, $0xFFF;
	(pc) =	sbr.rel @p1 .LBB2_3-.Ltmp3, $3  }
0x37: {  	_ =	sdelay $0x1  }
0x38: {  	s17 =	sadd.s32 $0x10, s17  }
0x39: {  	vm1 =	vgt.s32 v0, $0x0;
	s16 =	sadd.s32 $0x10, s16;
	v2 =	vmov v0;
	(ifvalue) =	ssetifvalue $0x7FFFFFFF;
	v0 =	vld.msk [tilespmem:s17+$0x0 ss:$0x1], $0xffff  }
.Ltmp4:
0x3a: {  	_ = 	snop;
	(pc) =	sbr.rel .LBB2_4-.Ltmp4, $1  }
0x3b: {  	_ =	sdelay $0x3  }
.LBB2_6:
0x3c: {  	_ =	sfence.sel $0x180000  }
0x3d: {  	s2 =	simm.s32 $0x2;
	[bflag:$0x0] =	sbarrier.arrive $0xFFFF  }
0x3e: {  	s30 =	simm.s32 $0x3;
	[sflag:s2] =	ssyncpa.u1 $0x1  }
0x3f: {  	s31 =	simm.s32 $0x1;
	[sflag:s30] =	ssyncpa.u1 $0x1  }
0x40: {  	[sflag:s31] =	ssyncpa.u1 $0x1  }
0x41: {  	p0 =	sne.s32 s1, $0x0;
	_ =	strace $0x9000004A  }
0x42: {  	s0 =	sadd.s32 @!p0 $0x100000, s0;
	[bflag:$0x2] =	sbarrier.arrive $0xFFFF  }
0x43: {  	[sflag:s0] =	ssyncadd.tile.s32 @!p0 $0x1;
	_ =	shalt  }
.Lfunc_end2:
_tile_overlayer_lowered:
.L_overlay_start_2:
0x44: {  	(tag) =	ssettag $0x2  }
0x45: {  	s0 =	rddreg [dreg:$0x0];
	s2 =	stileid.u32  }
0x46: {  	s1 =	rddreg [dreg:$0x1];
	p0 =	sne.s32 s2, $0x0  }
0x47: {  	s3 =	rddreg [dreg:$0x2];
	[bflag:$0x3] =	sbarrier.arrive $0xFFFF;
	s2 =	simm.s32 @!p0 $0x1C01  }
0x48: {  	[timem:s3], [sflag:s2] =	dma.local @!p0 [hbm:s0], s1  }
0x49: {  	s0 =	simm.s32 @!p0 $0x1  }
0x4a: {  	_ =	swait.ge @!p0 [sflag:s0], s1  }
0x4b: {  	s1 =	ssub.s32 @!p0 $0x0, s1;
	[sflag:s0] =	ssyncset.done @!p0 $0x0  }
0x4c: {  	[sflag:s0] =	ssyncadd.s32 @!p0 s1  }
0x4d: {  	[bflag:$0x3] =	sbarrier.arrive $0xFFFF  }
0x4e: {  	_ =	shalt  }

// kernel: gather_offload_async_start.2
scs
__scs_entry_jumppad:
0x0: {  	(pc) =	sbr.rel $0x88, $3  }
0x1: {  	(tag) =	ssettag $0x0;
	lr =	simm.s32 $0x1  }
0x2: {  	[smem:$0x3F83] =	sst lr;
	_ =	strace $0xD0000000  }
0x3: {  	_ = 	snop  }
0x4: {  	_ = 	snop  }
0x5: {  	_ = 	snop  }
0x6: {  	_ = 	snop  }
0x7: {  	_ = 	snop  }
__scs_overlays_trampoline_lowered:
0x8: {  	[smem:$0x3F92] =	sst s0  }
0x9: {  	[smem:$0x3F93] =	sst s1  }
0xa: {  	[smem:$0x3F94] =	sst s2  }
0xb: {  	[smem:$0x3F95] =	sst s3  }
0xc: {  	[smem:$0x3F96] =	sst s4  }
0xd: {  	[smem:$0x3F97] =	sst s5  }
0xe: {  	[smem:$0x3F98] =	sst s6  }
0xf: {  	[smem:$0x3F99] =	sst s7  }
0x10: {  	[smem:$0x3F9A] =	sst s8  }
0x11: {  	[smem:$0x3F9B] =	sst s9;
	s0 =	simm.s32 @!p0 $0x0  }
0x12: {  	s1 =	sld [smem:$0x3F81];
	s0 =	simm.s32 @p0 $0x1  }
0x13: {  	[smem:$0x3F9C] =	sst s0;
	s0 =	simm.s32 @!p1 $0x0  }
0x14: {  	s2 =	sld [smem:$0x3F80];
	s0 =	simm.s32 @p1 $0x1  }
0x15: {  	[smem:$0x3F9D] =	sst s0;
	s0 =	simm.s32 @!p2 $0x0  }
0x16: {  	s3 =	sld [smem:$0x3FDB];
	s0 =	simm.s32 @p2 $0x1  }
0x17: {  	s4 =	simm.s32 $0x1BF5;
	[smem:$0x3F9F] =	sst s0  }
0x18: {  	s0 =	sld [smem:$0x3F82];
	_ =	swait.ge [sflag:s4], $0x0  }
0x19: {  	s7 =	sld [smem:$0x3F83]  }
0x1a: {  	s8 =	sadd.s32 $0xFFFFE003, lr  }
0x1b: {  	s9 =	sadd.s32 $0xFFFFFEF7, lr;
	s5 =	simm.s32 $0xFFFFFFFF;
	p2 =	slt.u32 s8, $0xFFFFF086  }
0x1c: {  	p1 =	slt.u32 s9, $0xF7A;
	s5 =	simm.s32 @!p2 $0x0  }
0x1d: {  	s5 =	simm.s32 @p1 $0x1;
	p0 =	seq.s32 s7, s2  }
0x1e: {  	s7 =	smul.u32 @!p0 $0xF7A, s2;
	p2 =	seq.s32 @!p0 s5, $0x0  }
0x1f: {  	s9 =	smul.u32 $0xF7A, s1;
	s8 =	simm.s32 @!p0 $0x1BF5;
	p2 =	por !p2, p0  }
0x20: {  	[sflag:s8] =	ssyncset.s32 @!p0 $0xFFFFF086;
	s6 =	sadd.s32 @!p0 s3, s7;
	s7 =	simm.s32 @!p0 $0x108  }
0x21: {  	s3 =	sadd.s32 s3, s9;
	s6 =	sadd.s32 @!p0 $0x88, s6;
	s7 =	simm.s32 @p2 $0x1082  }
0x22: {  	[simem:s7], [sflag:s8] =	dma.local @!p0 [hbm:s6], $0xF7A  }
0x23: {  	s9 =	sor.u32 $0xD0000000, s2;
	s6 =	simm.s32 $0x108;
	_ =	swait.ge @!p0 [sflag:s8], $0x0  }
0x24: {  	s3 =	sadd.s32 $0x88, s3;
	s6 =	simm.s32 @!p1 $0x1082;
	[sflag:s4] =	ssyncset.s32 $0xFFFFF086  }
0x25: {  	[simem:s6], [sflag:s4] =	dma.local [hbm:s3], $0xF7A  }
0x26: {  	[smem:$0x3F83] =	sst s1;
	(tag) =	ssettag s2;
	_ =	strace s9  }
0x27: {  	s1 =	sld [smem:$0x3F93]  }
0x28: {  	s2 =	sld [smem:$0x3F94]  }
0x29: {  	s4 =	sld [smem:$0x3F96]  }
0x2a: {  	p0 =	seq.s32 s5, $0x0;
	s5 =	sld [smem:$0x3F97]  }
0x2b: {  	s6 =	sld [smem:$0x3F98]  }
0x2c: {  	s7 =	sld [smem:$0x3F99]  }
0x2d: {  	s3 =	simm.s32 $0x108;
	s8 =	sld [smem:$0x3F9A]  }
0x2e: {  	s3 =	simm.s32 @!p0 $0x1082;
	s9 =	sld [smem:$0x3F9B]  }
0x2f: {  	lr =	sadd.s32 s0, s3;
	s0 =	sld [smem:$0x3F92]  }
0x30: {  	s3 =	sld [smem:$0x3F95]  }
0x31: {  	[smem:$0x3F9E] =	sst s10  }
0x32: {  	s10 =	sld [smem:$0x3F9C];
	_ =	sdelay $0x3  }
0x33: {  	p0 =	seq.s32 s10, $0x1;
	s10 =	sld [smem:$0x3F9E];
	_ =	sdelay $0x3  }
0x34: {  	[smem:$0x3F9E] =	sst s10  }
0x35: {  	s10 =	sld [smem:$0x3F9D];
	_ =	sdelay $0x3  }
0x36: {  	p1 =	seq.s32 s10, $0x1;
	s10 =	sld [smem:$0x3F9E];
	_ =	sdelay $0x3  }
0x37: {  	[smem:$0x3F9E] =	sst s10  }
0x38: {  	s10 =	sld [smem:$0x3F9F]  }
0x39: {  	_ = 	snop;
	(pc) =	sbr.ind lr, $3  }
0x3a: {  	_ = 	snop  }
0x3b: {  	_ = 	snop  }
0x3c: {  	p2 =	seq.s32 s10, $0x1;
	s10 =	sld [smem:$0x3F9E]  }
0x3d: {  	_ =	shalt  }
0x3e: {  	_ =	shalt  }
0x3f: {  	_ =	shalt  }
0x40: {  	_ =	shalt  }
0x41: {  	_ =	shalt  }
0x42: {  	_ =	shalt  }
0x43: {  	_ =	shalt  }
0x44: {  	_ =	shalt  }
0x45: {  	_ =	shalt  }
0x46: {  	_ =	shalt  }
0x47: {  	_ =	shalt  }
0x48: {  	_ =	shalt  }
0x49: {  	_ =	shalt  }
0x4a: {  	_ =	shalt  }
0x4b: {  	_ =	shalt  }
0x4c: {  	_ =	shalt  }
0x4d: {  	_ =	shalt  }
0x4e: {  	_ =	shalt  }
0x4f: {  	_ =	shalt  }
0x50: {  	_ =	shalt  }
0x51: {  	_ =	shalt  }
0x52: {  	_ =	shalt  }
0x53: {  	_ =	shalt  }
0x54: {  	_ =	shalt  }
0x55: {  	_ =	shalt  }
0x56: {  	_ =	shalt  }
0x57: {  	_ =	shalt  }
0x58: {  	_ =	shalt  }
0x59: {  	_ =	shalt  }
0x5a: {  	_ =	shalt  }
0x5b: {  	_ =	shalt  }
0x5c: {  	_ =	shalt  }
0x5d: {  	_ =	shalt  }
0x5e: {  	_ =	shalt  }
0x5f: {  	_ =	shalt  }
0x60: {  	_ =	shalt  }
0x61: {  	_ =	shalt  }
0x62: {  	_ =	shalt  }
0x63: {  	_ =	shalt  }
0x64: {  	_ =	shalt  }
0x65: {  	_ =	shalt  }
0x66: {  	_ =	shalt  }
0x67: {  	_ =	shalt  }
0x68: {  	_ =	shalt  }
0x69: {  	_ =	shalt  }
0x6a: {  	_ =	shalt  }
0x6b: {  	_ =	shalt  }
0x6c: {  	_ =	shalt  }
0x6d: {  	_ =	shalt  }
0x6e: {  	_ =	shalt  }
0x6f: {  	_ =	shalt  }
0x70: {  	_ =	shalt  }
0x71: {  	_ =	shalt  }
0x72: {  	_ =	shalt  }
0x73: {  	_ =	shalt  }
0x74: {  	_ =	shalt  }
0x75: {  	_ =	shalt  }
0x76: {  	_ =	shalt  }
0x77: {  	_ =	shalt  }
0x78: {  	_ =	shalt  }
0x79: {  	_ =	shalt  }
0x7a: {  	_ =	shalt  }
0x7b: {  	_ =	shalt  }
0x7c: {  	_ =	shalt  }
0x7d: {  	_ =	shalt  }
0x7e: {  	_ =	shalt  }
0x7f: {  	_ =	shalt  }
0x80: {  	_ =	shalt  }
0x81: {  	_ =	shalt  }
0x82: {  	_ =	shalt  }
0x83: {  	_ =	shalt  }
0x84: {  	_ =	shalt  }
0x85: {  	_ =	shalt  }
0x86: {  	_ =	shalt  }
0x87: {  	_ =	shalt  }
.Lfunc_end0:
.L_simem_size_0:
called_computation.2_lowered:
.L_overlay_start_0:
0x88: {  	s2 =	sld [smem:$0x3FD9]  }
0x89: {  	s3 =	sld [smem:$0x3FFE];
	_ =	sdelay $0x1  }
0x8a: {  	s1 =	srdreg.scid  }
0x8b: {  	s0 =	sand.u32 $0x1, s1  }
0x8c: {  	s16 =	sshll.u32 s0, $0xA;
	s2 =	sadd.s32 s3, s2  }
0x8d: {  	s2 =	sadd.s32 s2, s16  }
0x8e: {  	[smem:$0x3FAA] =	sst s2  }
0x8f: {  	_ = 	snop  }
0x90: {  	(tm) =	ssettm $0x1  }
0x91: {  	s17 =	sld [smem:$0x3FFB];
	_ =	sdelay $0x3  }
0x92: {  	_ =	strace s17  }
0x93: {  	s2 =	sld [smem:$0x3FFC];
	_ =	sdelay $0x3  }
0x94: {  	_ =	strace s2  }
0x95: {  	s2 =	sld [smem:$0x3FFD];
	_ =	sdelay $0x3  }
0x96: {  	_ =	strace s2  }
0x97: {  	_ =	strace $0x8FFFFFFF  }
0x98: {  	s18 =	sld [smem:$0x3FDB];
	_ =	sdelay $0x1  }
0x99: {  	s19 =	simm.s32 $_scs_section_size  }
0x9a: {  	s4 =	simm.s32 $_size__tile_overlayer_lowered;
	s5 =	simm.s32 $_tile_overlayer_lowered  }
0x9b: {  	s22 =	simm.s32 $0x1BFF;
	s21 =	sshll.u32 s5, $0x1;
	s2 =	sadd.s32 s19, s18  }
0x9c: {  	s6 =	simm.s32 $0x0;
	s20 =	sshll.u32 s4, $0x1;
	s4 =	sadd.s32 s21, s2  }
0x9d: {  	[timem:s6], [sflag:s22] =	dma.local [hbm:s4], s20  }
0x9e: {  	_ =	swait.ge [sflag:s22], s20  }
0x9f: {  	s3 =	ssub.s32 $0x0, s20;
	[sflag:s22] =	ssyncset.done $0x0  }
0xa0: {  	[sflag:s22] =	ssyncadd.s32 s3;
	_ =	sdelay $0x1  }
0xa1: {  	s23 =	simm.s32 $0x1B8B  }
0xa2: {  	_ =	swait.ge [sflag:s23], $0x1  }
0xa3: {  	[sflag:s23] =	ssyncset.done $0x0  }
0xa4: {  	s25 =	simm.s32 $0x1B8E;
	s24 =	sld [smem:$0x3FFE];
	[sflag:s23] =	ssyncadd.s32 $0xFFFFFFFF  }
0xa5: {  	s26 =	simm.s32 $execute0_lowered;
	[smem:$0x3FD2] =	sst s25  }
0xa6: {  	s4 =	sshll.u32 s26, $0x1;
	_ =	strace $0x80000052;
	[dreg:$0x1] =	wrdreg $0xFFFFFFFF  }
0xa7: {  	s28 =	simm.s32 $_size_execute0_lowered;
	s2 =	sadd.s32 s2, s4;
	[dreg:$0x0] =	wrdreg $0x0  }
0xa8: {  	s4 =	sshll.u32 s28, $0x1;
	[dreg:$0x2] =	wrdreg s2  }
0xa9: {  	[dreg:$0x3] =	wrdreg s4  }
0xaa: {  	[dreg:$0x4] =	wrdreg $0xC0  }
0xab: {  	_ =	task [dreg:s6], $0x5FFFF  }
0xac: {  	[dreg:$0x1] =	wrdreg $0xFFFFFFFF  }
0xad: {  	[dreg:$0x0] =	wrdreg $0x60  }
0xae: {  	[dreg:$0x2] =	wrdreg s24  }
0xaf: {  	[dreg:$0x3] =	wrdreg $0x9  }
0xb0: {  	_ =	task.clear_ibuf [dreg:s6], $0x4FFFF;
	_ =	strace $0x90000052  }
0xb1: {  	s29 =	simm.s32 $0x9;
	_ =	strace $0x80000054  }
0xb2: {  	_ =	swait.ge [sflag:s29], $0x1  }
0xb3: {  	[sflag:s29] =	ssyncadd.s32 $0xFFFFFFFF  }
0xb4: {  	_ =	strace $0x90000054  }
0xb5: {  	_ =	sfence  }
0xb6: {  	s30 =	sld [smem:$0x0];
	_ =	sdelay $0x2  }
0xb7: {  	s31 =	sshll.u32 s1, $0xD;
	s1 =	sshrl.u32 s1, $0x2  }
0xb8: {  	s3 =	sand.u32 $0x4000, s31;
	s1 =	sadd.s32 s1, s30  }
0xb9: {  	s0 =	sor.u32 s3, s0;
	s1 =	sshll.u32 s1, $0x11  }
0xba: {  	s0 =	sor.u32 s1, s0  }
0xbb: {  	s0 =	sadd.s32 $0x8F2B, s0  }
0xbc: {  	[sflag:s0] =	ssyncadd.remote.s32 $0x1  }
0xbd: {  	_ =	sfence.sel $0xFFFF  }
0xbe: {  	[dreg:$0x0] =	wrdreg $0xFFFFFFFF;
	(pc) =	sbr.abs _section_cstart, $3  }
0xbf: {  	[dreg:$0x1] =	wrdreg $0xFFFFFFFF  }
0xc0: {  	_ =	task.clear_ibuf [dreg:s6], $0x2FFFF;
	_ =	strace $0x9FFFFFFF  }
0xc1: {  	(tm) =	ssettm $0x7FFFFFFF  }
tec
execute0_lowered:
.L_overlay_start_1:
0x0: {  	(tag) =	ssettag $0x1  }
0x1: {  	s0 =	srdreg.scid;
	s5 =	rddreg [dreg:$0x0]  }
0x2: {  	s1 =	stileid.u32;
	s6 =	simm.s32 $0x1;
	s9 =	simm.s32 $0x1  }
0x3: {  	s10 =	simm.s32 $0x3;
	s13 =	simm.s32 $0x0;
	s2 =	sshll.u32 s0, $0x6  }
0x4: {  	s12 =	simm.s32 $0x0;
	s3 =	sshll.u32 s1, $0x7;
	s2 =	sand.u32 $0x40, s2  }
0x5: {  	s0 =	rddreg [dreg:$0x1];
	_ =	strace $0x80000053;
	s2 =	sor.u32 s3, s2  }
0x6: {  	s4 =	sadd.s32 $0x9000, s5;
	[sflag:s6] =	ssyncpa.u1 $0x0;
	s8 =	ssub.s32 $0x1000, s2  }
.Ltmp0:
0x7: {  	s3 =	sadd.s32 $0x10B200, s5;
	s7 =	sand.u32 $0x7C0, s8;
	(pc) =	sbr.rel .LBB2_1-.Ltmp0, $4  }
0x8: {  	s5 =	sadd.s32 $0x9200, s5;
	s11 =	smov.u32 s2;
	p0 =	sne.s32 s7, $0x0  }
0x9: {  	s8 =	sshrl.u32 s8, $0xB;
	s7 =	simm.s32 $0x2;
	s9 =	simm.s32 @!p0 $0x0  }
0xa: {  	[sflag:s7] =	ssyncpa.u1 $0x0;
	p0 =	por $0x0, $0x0;
	s8 =	sadd.s32 s9, s8  }
0xb: {  	vm0 =	vmmov $0xffff;
	[sflag:s10] =	ssyncpa.u1 $0x0;
	s10 =	simm.s32 $0x0;
	s9 =	sadd.s32 $0x1, s8  }
.LBB2_4:
0xc: {  	v2 =	vnsel vm1, $0x0, v2  }
0xd: {  	vm1 =	vgt.s32 v0, $0x0;
	v2 =	vmin.u32 v2, $0xFFF  }
0xe: {  	v0 =	vnsel vm1, $0x0, v0  }
0xf: {  	v0 =	vmin.u32 v0, $0xFFF  }
0x10: {  	[tilespmem:s15], [sflag:$0x1] =	stream.indirect_vreg.gather [hbm4b:s3+s10], $0x1, v1, vm0, $0x4038;
	[tilespmem:$0x100] =	vst v63  }
0x11: {  	(ifvalue) =	ssetifvalue $0x7FFFFFFF  }
0x12: {  	[tilespmem:s16], [sflag:$0x1] =	stream.indirect_vreg.gather [hbm4b:s3+s10], $0x1, v2, vm0, $0x4038;
	[tilespmem:$0x100] =	vst v63  }
0x13: {  	s29 =	sadd.s32 $0x10, s16;
	(ifvalue) =	ssetifvalue $0x7FFFFFFF  }
0x14: {  	[tilespmem:s29], [sflag:$0x1] =	stream.indirect_vreg.gather [hbm4b:s3+s10], $0x1, v0, vm0, $0x4038;
	[tilespmem:$0x100] =	vst v63  }
0x15: {  	_ =	swait.ge [sflag:s6], $0x40  }
0x16: {  	s30 =	sshrl.u32 s13, $0x3;
	[sflag:s6] =	ssyncset.done $0x0  }
0x17: {  	s31 =	sand.u32 $0x7, s13;
	s15 =	sadd.s32 s5, s30;
	[sflag:s6] =	ssyncadd.s32 $0xFFFFFFC0  }
0x18: {  	[hbm4b:s15+s31] =	stream.linear.scatter [tilespmem:s14], [sflag:$0x3], $0x40, $0x38;
	[tilespmem:$0x100] =	vst v63  }
.LBB2_5:
0x19: {  	s15 =	sadd.s32 $0x800, s11  }
0x1a: {  	p2 =	sgt.s32 s15, $0xFFF  }
0x1b: {  	s15 =	smov.u32 @p2 s2;
	p2 =	sne.s32 s12, s9  }
.Ltmp1:
0x1c: {  	p1 =	slt.u32 s12, $0x2;
	(pc) =	sbr.rel @!p2 .LBB2_6-.Ltmp1, $4  }
0x1d: {  	s14 =	simm.s32 @!p1 $0x3  }
0x1e: {  	s16 =	sadd.s32 $0x1, s12;
	_ =	swait.ge @!p1 [sflag:s14], $0x40  }
0x1f: {  	s13 =	smov.u32 s11;
	p0 =	por !p0, !p0;
	[sflag:s14] =	ssyncset.done @!p1 $0x0  }
0x20: {  	s12 =	smov.u32 s16;
	s11 =	smov.u32 s15;
	[sflag:s14] =	ssyncadd.s32 @!p1 $0xFFFFFFC0  }
.LBB2_1:
0x21: {  	p1 =	sge.u32 s12, s8  }
0x22: {  	s14 =	sxor.u32 @!p1 $0xFFFFFFFF, s12  }
0x23: {  	s31 =	sadd.s32 $0xFFFFFFFF, s12;
	s15 =	sshrl.u32 @!p1 s11, $0x3;
	s14 =	sshll.u32 @!p1 s14, $0x6  }
0x24: {  	s16 =	sand.u32 @!p1 $0x7, s11;
	s15 =	sadd.s32 @!p1 s4, s15;
	s14 =	sand.u32 @!p1 $0x40, s14  }
0x25: {  	[tilespmem:s14], [sflag:$0x2] =	stream.linear.gather @!p1 [hbm4b:s15+s16], $0x40, $0x38;
	[tilespmem:$0x100] =	vst v63  }
0x26: {  	p1 =	sge.u32 s31, s8  }
.Ltmp2:
0x27: {  	_ = 	snop;
	(pc) =	sbr.rel @p1 .LBB2_5-.Ltmp2, $1  }
0x28: {  	_ =	sdelay $0x3  }
0x29: {  	s14 =	simm.s32 $0x1  }
0x2a: {  	_ =	swait.ge [sflag:s7], $0x40;
	s14 =	simm.s32 @!p0 $0x0  }
0x2b: {  	[sflag:s7] =	ssyncset.done $0x0;
	s14 =	sshll.u32 s14, $0x6  }
0x2c: {  	[sflag:s7] =	ssyncadd.s32 $0xFFFFFFC0;
	(ifvalue) =	ssetifvalue $0x7FFFFFFF;
	v0 =	vld.msk [tilespmem:s14+$0x0 ss:$0x1], $0xffff;
	_ =	sdelay $0x4  }
0x2d: {  	s15 =	sadd.s32 $0x10, s14;
	vm1 =	vgt.s32 v0, $0x0  }
0x2e: {  	v2 =	vld.msk [tilespmem:s15+$0x0 ss:$0x1], $0xffff;
	v1 =	vnsel vm1, $0x0, v0  }
0x2f: {  	v1 =	vmin.u32 v1, $0xFFF;
	_ =	sdelay $0x1  }
0x30: {  	s16 =	sshll.u32 s12, $0x6;
	s18 =	simm.s32 $0x20  }
0x31: {  	s16 =	sand.u32 $0x40, s16;
	s17 =	sadd.s32 $0x10, s15;
	s15 =	sor.u32 $0x80, s14  }
0x32: {  	s14 =	sor.u32 $0x80, s16;
	s16 =	sadd.s32 $0x10, s15;
	v0 =	vld.msk [tilespmem:s17+$0x0 ss:$0x1], $0xffff;
	vm1 =	vgt.s32 v2, $0x0;
	(ifvalue) =	ssetifvalue $0x7FFFFFFF  }
.LBB2_3:
0x33: {  	[tilespmem:s15], [sflag:$0x1] =	stream.indirect_vreg.gather [hbm4b:s3+s10], $0x1, v1, vm0, $0x4038;
	[tilespmem:$0x100] =	vst v63  }
0x34: {  	s18 =	sadd.s32 $0x10, s18  }
0x35: {  	v2 =	vnsel vm1, $0x0, v2;
	p1 =	slt.u32 s18, $0x30  }
.Ltmp3:
0x36: {  	s15 =	smov.u32 s16;
	v1 =	vmin.u32 v2, $0xFFF;
	(pc) =	sbr.rel @p1 .LBB2_3-.Ltmp3, $3  }
0x37: {  	_ =	sdelay $0x1  }
0x38: {  	s17 =	sadd.s32 $0x10, s17  }
0x39: {  	vm1 =	vgt.s32 v0, $0x0;
	s16 =	sadd.s32 $0x10, s16;
	v2 =	vmov v0;
	(ifvalue) =	ssetifvalue $0x7FFFFFFF;
	v0 =	vld.msk [tilespmem:s17+$0x0 ss:$0x1], $0xffff  }
.Ltmp4:
0x3a: {  	_ = 	snop;
	(pc) =	sbr.rel .LBB2_4-.Ltmp4, $1  }
0x3b: {  	_ =	sdelay $0x3  }
.LBB2_6:
0x3c: {  	_ =	sfence.sel $0x180000  }
0x3d: {  	s2 =	simm.s32 $0x2;
	[bflag:$0x0] =	sbarrier.arrive $0xFFFF  }
0x3e: {  	s30 =	simm.s32 $0x3;
	[sflag:s2] =	ssyncpa.u1 $0x1  }
0x3f: {  	s31 =	simm.s32 $0x1;
	[sflag:s30] =	ssyncpa.u1 $0x1  }
0x40: {  	[sflag:s31] =	ssyncpa.u1 $0x1  }
0x41: {  	p0 =	sne.s32 s1, $0x0;
	_ =	strace $0x90000053  }
0x42: {  	s0 =	sadd.s32 @!p0 $0x100000, s0;
	[bflag:$0x2] =	sbarrier.arrive $0xFFFF  }
0x43: {  	[sflag:s0] =	ssyncadd.tile.s32 @!p0 $0x1;
	_ =	shalt  }
.Lfunc_end2:
_tile_overlayer_lowered:
.L_overlay_start_2:
0x44: {  	(tag) =	ssettag $0x2  }
0x45: {  	s0 =	rddreg [dreg:$0x0];
	s2 =	stileid.u32  }
0x46: {  	s1 =	rddreg [dreg:$0x1];
	p0 =	sne.s32 s2, $0x0  }
0x47: {  	s3 =	rddreg [dreg:$0x2];
	[bflag:$0x3] =	sbarrier.arrive $0xFFFF;
	s2 =	simm.s32 @!p0 $0x1C01  }
0x48: {  	[timem:s3], [sflag:s2] =	dma.local @!p0 [hbm:s0], s1  }
0x49: {  	s0 =	simm.s32 @!p0 $0x1  }
0x4a: {  	_ =	swait.ge @!p0 [sflag:s0], s1  }
0x4b: {  	s1 =	ssub.s32 @!p0 $0x0, s1;
	[sflag:s0] =	ssyncset.done @!p0 $0x0  }
0x4c: {  	[sflag:s0] =	ssyncadd.s32 @!p0 s1  }
0x4d: {  	[bflag:$0x3] =	sbarrier.arrive $0xFFFF  }
0x4e: {  	_ =	shalt  }

// kernel: gather_offload_async_start.3
scs
__scs_entry_jumppad:
0x0: {  	(pc) =	sbr.rel $0x88, $3  }
0x1: {  	(tag) =	ssettag $0x0;
	lr =	simm.s32 $0x1  }
0x2: {  	[smem:$0x3F83] =	sst lr;
	_ =	strace $0xD0000000  }
0x3: {  	_ = 	snop  }
0x4: {  	_ = 	snop  }
0x5: {  	_ = 	snop  }
0x6: {  	_ = 	snop  }
0x7: {  	_ = 	snop  }
__scs_overlays_trampoline_lowered:
0x8: {  	[smem:$0x3F92] =	sst s0  }
0x9: {  	[smem:$0x3F93] =	sst s1  }
0xa: {  	[smem:$0x3F94] =	sst s2  }
0xb: {  	[smem:$0x3F95] =	sst s3  }
0xc: {  	[smem:$0x3F96] =	sst s4  }
0xd: {  	[smem:$0x3F97] =	sst s5  }
0xe: {  	[smem:$0x3F98] =	sst s6  }
0xf: {  	[smem:$0x3F99] =	sst s7  }
0x10: {  	[smem:$0x3F9A] =	sst s8  }
0x11: {  	[smem:$0x3F9B] =	sst s9;
	s0 =	simm.s32 @!p0 $0x0  }
0x12: {  	s1 =	sld [smem:$0x3F81];
	s0 =	simm.s32 @p0 $0x1  }
0x13: {  	[smem:$0x3F9C] =	sst s0;
	s0 =	simm.s32 @!p1 $0x0  }
0x14: {  	s2 =	sld [smem:$0x3F80];
	s0 =	simm.s32 @p1 $0x1  }
0x15: {  	[smem:$0x3F9D] =	sst s0;
	s0 =	simm.s32 @!p2 $0x0  }
0x16: {  	s3 =	sld [smem:$0x3FDB];
	s0 =	simm.s32 @p2 $0x1  }
0x17: {  	s4 =	simm.s32 $0x1BF5;
	[smem:$0x3F9F] =	sst s0  }
0x18: {  	s0 =	sld [smem:$0x3F82];
	_ =	swait.ge [sflag:s4], $0x0  }
0x19: {  	s7 =	sld [smem:$0x3F83]  }
0x1a: {  	s8 =	sadd.s32 $0xFFFFE003, lr  }
0x1b: {  	s9 =	sadd.s32 $0xFFFFFEF7, lr;
	s5 =	simm.s32 $0xFFFFFFFF;
	p2 =	slt.u32 s8, $0xFFFFF086  }
0x1c: {  	p1 =	slt.u32 s9, $0xF7A;
	s5 =	simm.s32 @!p2 $0x0  }
0x1d: {  	s5 =	simm.s32 @p1 $0x1;
	p0 =	seq.s32 s7, s2  }
0x1e: {  	s7 =	smul.u32 @!p0 $0xF7A, s2;
	p2 =	seq.s32 @!p0 s5, $0x0  }
0x1f: {  	s9 =	smul.u32 $0xF7A, s1;
	s8 =	simm.s32 @!p0 $0x1BF5;
	p2 =	por !p2, p0  }
0x20: {  	[sflag:s8] =	ssyncset.s32 @!p0 $0xFFFFF086;
	s6 =	sadd.s32 @!p0 s3, s7;
	s7 =	simm.s32 @!p0 $0x108  }
0x21: {  	s3 =	sadd.s32 s3, s9;
	s6 =	sadd.s32 @!p0 $0x88, s6;
	s7 =	simm.s32 @p2 $0x1082  }
0x22: {  	[simem:s7], [sflag:s8] =	dma.local @!p0 [hbm:s6], $0xF7A  }
0x23: {  	s9 =	sor.u32 $0xD0000000, s2;
	s6 =	simm.s32 $0x108;
	_ =	swait.ge @!p0 [sflag:s8], $0x0  }
0x24: {  	s3 =	sadd.s32 $0x88, s3;
	s6 =	simm.s32 @!p1 $0x1082;
	[sflag:s4] =	ssyncset.s32 $0xFFFFF086  }
0x25: {  	[simem:s6], [sflag:s4] =	dma.local [hbm:s3], $0xF7A  }
0x26: {  	[smem:$0x3F83] =	sst s1;
	(tag) =	ssettag s2;
	_ =	strace s9  }
0x27: {  	s1 =	sld [smem:$0x3F93]  }
0x28: {  	s2 =	sld [smem:$0x3F94]  }
0x29: {  	s4 =	sld [smem:$0x3F96]  }
0x2a: {  	p0 =	seq.s32 s5, $0x0;
	s5 =	sld [smem:$0x3F97]  }
0x2b: {  	s6 =	sld [smem:$0x3F98]  }
0x2c: {  	s7 =	sld [smem:$0x3F99]  }
0x2d: {  	s3 =	simm.s32 $0x108;
	s8 =	sld [smem:$0x3F9A]  }
0x2e: {  	s3 =	simm.s32 @!p0 $0x1082;
	s9 =	sld [smem:$0x3F9B]  }
0x2f: {  	lr =	sadd.s32 s0, s3;
	s0 =	sld [smem:$0x3F92]  }
0x30: {  	s3 =	sld [smem:$0x3F95]  }
0x31: {  	[smem:$0x3F9E] =	sst s10  }
0x32: {  	s10 =	sld [smem:$0x3F9C];
	_ =	sdelay $0x3  }
0x33: {  	p0 =	seq.s32 s10, $0x1;
	s10 =	sld [smem:$0x3F9E];
	_ =	sdelay $0x3  }
0x34: {  	[smem:$0x3F9E] =	sst s10  }
0x35: {  	s10 =	sld [smem:$0x3F9D];
	_ =	sdelay $0x3  }
0x36: {  	p1 =	seq.s32 s10, $0x1;
	s10 =	sld [smem:$0x3F9E];
	_ =	sdelay $0x3  }
0x37: {  	[smem:$0x3F9E] =	sst s10  }
0x38: {  	s10 =	sld [smem:$0x3F9F]  }
0x39: {  	_ = 	snop;
	(pc) =	sbr.ind lr, $3  }
0x3a: {  	_ = 	snop  }
0x3b: {  	_ = 	snop  }
0x3c: {  	p2 =	seq.s32 s10, $0x1;
	s10 =	sld [smem:$0x3F9E]  }
0x3d: {  	_ =	shalt  }
0x3e: {  	_ =	shalt  }
0x3f: {  	_ =	shalt  }
0x40: {  	_ =	shalt  }
0x41: {  	_ =	shalt  }
0x42: {  	_ =	shalt  }
0x43: {  	_ =	shalt  }
0x44: {  	_ =	shalt  }
0x45: {  	_ =	shalt  }
0x46: {  	_ =	shalt  }
0x47: {  	_ =	shalt  }
0x48: {  	_ =	shalt  }
0x49: {  	_ =	shalt  }
0x4a: {  	_ =	shalt  }
0x4b: {  	_ =	shalt  }
0x4c: {  	_ =	shalt  }
0x4d: {  	_ =	shalt  }
0x4e: {  	_ =	shalt  }
0x4f: {  	_ =	shalt  }
0x50: {  	_ =	shalt  }
0x51: {  	_ =	shalt  }
0x52: {  	_ =	shalt  }
0x53: {  	_ =	shalt  }
0x54: {  	_ =	shalt  }
0x55: {  	_ =	shalt  }
0x56: {  	_ =	shalt  }
0x57: {  	_ =	shalt  }
0x58: {  	_ =	shalt  }
0x59: {  	_ =	shalt  }
0x5a: {  	_ =	shalt  }
0x5b: {  	_ =	shalt  }
0x5c: {  	_ =	shalt  }
0x5d: {  	_ =	shalt  }
0x5e: {  	_ =	shalt  }
0x5f: {  	_ =	shalt  }
0x60: {  	_ =	shalt  }
0x61: {  	_ =	shalt  }
0x62: {  	_ =	shalt  }
0x63: {  	_ =	shalt  }
0x64: {  	_ =	shalt  }
0x65: {  	_ =	shalt  }
0x66: {  	_ =	shalt  }
0x67: {  	_ =	shalt  }
0x68: {  	_ =	shalt  }
0x69: {  	_ =	shalt  }
0x6a: {  	_ =	shalt  }
0x6b: {  	_ =	shalt  }
0x6c: {  	_ =	shalt  }
0x6d: {  	_ =	shalt  }
0x6e: {  	_ =	shalt  }
0x6f: {  	_ =	shalt  }
0x70: {  	_ =	shalt  }
0x71: {  	_ =	shalt  }
0x72: {  	_ =	shalt  }
0x73: {  	_ =	shalt  }
0x74: {  	_ =	shalt  }
0x75: {  	_ =	shalt  }
0x76: {  	_ =	shalt  }
0x77: {  	_ =	shalt  }
0x78: {  	_ =	shalt  }
0x79: {  	_ =	shalt  }
0x7a: {  	_ =	shalt  }
0x7b: {  	_ =	shalt  }
0x7c: {  	_ =	shalt  }
0x7d: {  	_ =	shalt  }
0x7e: {  	_ =	shalt  }
0x7f: {  	_ =	shalt  }
0x80: {  	_ =	shalt  }
0x81: {  	_ =	shalt  }
0x82: {  	_ =	shalt  }
0x83: {  	_ =	shalt  }
0x84: {  	_ =	shalt  }
0x85: {  	_ =	shalt  }
0x86: {  	_ =	shalt  }
0x87: {  	_ =	shalt  }
.Lfunc_end0:
.L_simem_size_0:
called_computation.3_lowered:
.L_overlay_start_0:
0x88: {  	s2 =	sld [smem:$0x3FD9]  }
0x89: {  	s3 =	sld [smem:$0x3FFE];
	_ =	sdelay $0x1  }
0x8a: {  	s1 =	srdreg.scid  }
0x8b: {  	s0 =	sand.u32 $0x1, s1  }
0x8c: {  	s16 =	sshll.u32 s0, $0xA;
	s2 =	sadd.s32 s3, s2  }
0x8d: {  	s2 =	sadd.s32 s2, s16  }
0x8e: {  	[smem:$0x3FAA] =	sst s2  }
0x8f: {  	_ = 	snop  }
0x90: {  	(tm) =	ssettm $0x1  }
0x91: {  	s17 =	sld [smem:$0x3FFB];
	_ =	sdelay $0x3  }
0x92: {  	_ =	strace s17  }
0x93: {  	s2 =	sld [smem:$0x3FFC];
	_ =	sdelay $0x3  }
0x94: {  	_ =	strace s2  }
0x95: {  	s2 =	sld [smem:$0x3FFD];
	_ =	sdelay $0x3  }
0x96: {  	_ =	strace s2  }
0x97: {  	_ =	strace $0x8FFFFFFF  }
0x98: {  	s18 =	sld [smem:$0x3FDB];
	_ =	sdelay $0x1  }
0x99: {  	s19 =	simm.s32 $_scs_section_size  }
0x9a: {  	s4 =	simm.s32 $_size__tile_overlayer_lowered;
	s5 =	simm.s32 $_tile_overlayer_lowered  }
0x9b: {  	s22 =	simm.s32 $0x1BFF;
	s21 =	sshll.u32 s5, $0x1;
	s2 =	sadd.s32 s19, s18  }
0x9c: {  	s6 =	simm.s32 $0x0;
	s20 =	sshll.u32 s4, $0x1;
	s4 =	sadd.s32 s21, s2  }
0x9d: {  	[timem:s6], [sflag:s22] =	dma.local [hbm:s4], s20  }
0x9e: {  	_ =	swait.ge [sflag:s22], s20  }
0x9f: {  	s3 =	ssub.s32 $0x0, s20;
	[sflag:s22] =	ssyncset.done $0x0  }
0xa0: {  	[sflag:s22] =	ssyncadd.s32 s3;
	_ =	sdelay $0x1  }
0xa1: {  	s23 =	simm.s32 $0x1B8B  }
0xa2: {  	_ =	swait.ge [sflag:s23], $0x1  }
0xa3: {  	[sflag:s23] =	ssyncset.done $0x0  }
0xa4: {  	s25 =	simm.s32 $0x1B8E;
	s24 =	sld [smem:$0x3FFE];
	[sflag:s23] =	ssyncadd.s32 $0xFFFFFFFF  }
0xa5: {  	s26 =	simm.s32 $execute0_lowered;
	[smem:$0x3FD2] =	sst s25  }
0xa6: {  	s4 =	sshll.u32 s26, $0x1;
	_ =	strace $0x80000055;
	[dreg:$0x1] =	wrdreg $0xFFFFFFFF  }
0xa7: {  	s28 =	simm.s32 $_size_execute0_lowered;
	s2 =	sadd.s32 s2, s4;
	[dreg:$0x0] =	wrdreg $0x0  }
0xa8: {  	s4 =	sshll.u32 s28, $0x1;
	[dreg:$0x2] =	wrdreg s2  }
0xa9: {  	[dreg:$0x3] =	wrdreg s4  }
0xaa: {  	[dreg:$0x4] =	wrdreg $0xC0  }
0xab: {  	_ =	task [dreg:s6], $0x5FFFF  }
0xac: {  	[dreg:$0x1] =	wrdreg $0xFFFFFFFF  }
0xad: {  	[dreg:$0x0] =	wrdreg $0x60  }
0xae: {  	[dreg:$0x2] =	wrdreg s24  }
0xaf: {  	[dreg:$0x3] =	wrdreg $0x9  }
0xb0: {  	_ =	task.clear_ibuf [dreg:s6], $0x4FFFF;
	_ =	strace $0x90000055  }
0xb1: {  	s29 =	simm.s32 $0x9;
	_ =	strace $0x80000057  }
0xb2: {  	_ =	swait.ge [sflag:s29], $0x1  }
0xb3: {  	[sflag:s29] =	ssyncadd.s32 $0xFFFFFFFF  }
0xb4: {  	_ =	strace $0x90000057  }
0xb5: {  	_ =	sfence  }
0xb6: {  	s30 =	sld [smem:$0x0];
	_ =	sdelay $0x2  }
0xb7: {  	s31 =	sshll.u32 s1, $0xD;
	s1 =	sshrl.u32 s1, $0x2  }
0xb8: {  	s3 =	sand.u32 $0x4000, s31;
	s1 =	sadd.s32 s1, s30  }
0xb9: {  	s0 =	sor.u32 s3, s0;
	s1 =	sshll.u32 s1, $0x11  }
0xba: {  	s0 =	sor.u32 s1, s0  }
0xbb: {  	s0 =	sadd.s32 $0x8F2B, s0  }
0xbc: {  	[sflag:s0] =	ssyncadd.remote.s32 $0x1  }
0xbd: {  	_ =	sfence.sel $0xFFFF  }
0xbe: {  	[dreg:$0x0] =	wrdreg $0xFFFFFFFF;
	(pc) =	sbr.abs _section_cstart, $3  }
0xbf: {  	[dreg:$0x1] =	wrdreg $0xFFFFFFFF  }
0xc0: {  	_ =	task.clear_ibuf [dreg:s6], $0x2FFFF;
	_ =	strace $0x9FFFFFFF  }
0xc1: {  	(tm) =	ssettm $0x7FFFFFFF  }
tec
execute0_lowered:
.L_overlay_start_1:
0x0: {  	(tag) =	ssettag $0x1  }
0x1: {  	s0 =	srdreg.scid;
	s5 =	rddreg [dreg:$0x0]  }
0x2: {  	s1 =	stileid.u32;
	s6 =	simm.s32 $0x1;
	s9 =	simm.s32 $0x1  }
0x3: {  	s10 =	simm.s32 $0x3;
	s13 =	simm.s32 $0x0;
	s2 =	sshll.u32 s0, $0x6  }
0x4: {  	s12 =	simm.s32 $0x0;
	s3 =	sshll.u32 s1, $0x7;
	s2 =	sand.u32 $0x40, s2  }
0x5: {  	s0 =	rddreg [dreg:$0x1];
	_ =	strace $0x80000056;
	s2 =	sor.u32 s3, s2  }
0x6: {  	s4 =	sadd.s32 $0x9000, s5;
	[sflag:s6] =	ssyncpa.u1 $0x0;
	s8 =	ssub.s32 $0x1000, s2  }
.Ltmp0:
0x7: {  	s3 =	sadd.s32 $0x9400, s5;
	s7 =	sand.u32 $0x7C0, s8;
	(pc) =	sbr.rel .LBB2_1-.Ltmp0, $4  }
0x8: {  	s5 =	sadd.s32 $0x9200, s5;
	s11 =	smov.u32 s2;
	p0 =	sne.s32 s7, $0x0  }
0x9: {  	s8 =	sshrl.u32 s8, $0xB;
	s7 =	simm.s32 $0x2;
	s9 =	simm.s32 @!p0 $0x0  }
0xa: {  	[sflag:s7] =	ssyncpa.u1 $0x0;
	p0 =	por $0x0, $0x0;
	s8 =	sadd.s32 s9, s8  }
0xb: {  	vm0 =	vmmov $0xffff;
	[sflag:s10] =	ssyncpa.u1 $0x0;
	s10 =	simm.s32 $0x0;
	s9 =	sadd.s32 $0x1, s8  }
.LBB2_4:
0xc: {  	v2 =	vnsel vm1, $0x0, v2  }
0xd: {  	vm1 =	vgt.s32 v0, $0x0;
	v2 =	vmin.u32 v2, $0xFFF  }
0xe: {  	v0 =	vnsel vm1, $0x0, v0  }
0xf: {  	v0 =	vmin.u32 v0, $0xFFF  }
0x10: {  	[tilespmem:s15], [sflag:$0x1] =	stream.indirect_vreg.gather [hbm4b:s3+s10], $0x1, v1, vm0, $0x4038;
	[tilespmem:$0x100] =	vst v63  }
0x11: {  	(ifvalue) =	ssetifvalue $0x7FFFFFFF  }
0x12: {  	[tilespmem:s16], [sflag:$0x1] =	stream.indirect_vreg.gather [hbm4b:s3+s10], $0x1, v2, vm0, $0x4038;
	[tilespmem:$0x100] =	vst v63  }
0x13: {  	s29 =	sadd.s32 $0x10, s16;
	(ifvalue) =	ssetifvalue $0x7FFFFFFF  }
0x14: {  	[tilespmem:s29], [sflag:$0x1] =	stream.indirect_vreg.gather [hbm4b:s3+s10], $0x1, v0, vm0, $0x4038;
	[tilespmem:$0x100] =	vst v63  }
0x15: {  	_ =	swait.ge [sflag:s6], $0x40  }
0x16: {  	s30 =	sshrl.u32 s13, $0x3;
	[sflag:s6] =	ssyncset.done $0x0  }
0x17: {  	s31 =	sand.u32 $0x7, s13;
	s15 =	sadd.s32 s5, s30;
	[sflag:s6] =	ssyncadd.s32 $0xFFFFFFC0  }
0x18: {  	[hbm4b:s15+s31] =	stream.linear.scatter [tilespmem:s14], [sflag:$0x3], $0x40, $0x38;
	[tilespmem:$0x100] =	vst v63  }
.LBB2_5:
0x19: {  	s15 =	sadd.s32 $0x800, s11  }
0x1a: {  	p2 =	sgt.s32 s15, $0xFFF  }
0x1b: {  	s15 =	smov.u32 @p2 s2;
	p2 =	sne.s32 s12, s9  }
.Ltmp1:
0x1c: {  	p1 =	slt.u32 s12, $0x2;
	(pc) =	sbr.rel @!p2 .LBB2_6-.Ltmp1, $4  }
0x1d: {  	s14 =	simm.s32 @!p1 $0x3  }
0x1e: {  	s16 =	sadd.s32 $0x1, s12;
	_ =	swait.ge @!p1 [sflag:s14], $0x40  }
0x1f: {  	s13 =	smov.u32 s11;
	p0 =	por !p0, !p0;
	[sflag:s14] =	ssyncset.done @!p1 $0x0  }
0x20: {  	s12 =	smov.u32 s16;
	s11 =	smov.u32 s15;
	[sflag:s14] =	ssyncadd.s32 @!p1 $0xFFFFFFC0  }
.LBB2_1:
0x21: {  	p1 =	sge.u32 s12, s8  }
0x22: {  	s14 =	sxor.u32 @!p1 $0xFFFFFFFF, s12  }
0x23: {  	s31 =	sadd.s32 $0xFFFFFFFF, s12;
	s15 =	sshrl.u32 @!p1 s11, $0x3;
	s14 =	sshll.u32 @!p1 s14, $0x6  }
0x24: {  	s16 =	sand.u32 @!p1 $0x7, s11;
	s15 =	sadd.s32 @!p1 s4, s15;
	s14 =	sand.u32 @!p1 $0x40, s14  }
0x25: {  	[tilespmem:s14], [sflag:$0x2] =	stream.linear.gather @!p1 [hbm4b:s15+s16], $0x40, $0x38;
	[tilespmem:$0x100] =	vst v63  }
0x26: {  	p1 =	sge.u32 s31, s8  }
.Ltmp2:
0x27: {  	_ = 	snop;
	(pc) =	sbr.rel @p1 .LBB2_5-.Ltmp2, $1  }
0x28: {  	_ =	sdelay $0x3  }
0x29: {  	s14 =	simm.s32 $0x1  }
0x2a: {  	_ =	swait.ge [sflag:s7], $0x40;
	s14 =	simm.s32 @!p0 $0x0  }
0x2b: {  	[sflag:s7] =	ssyncset.done $0x0;
	s14 =	sshll.u32 s14, $0x6  }
0x2c: {  	[sflag:s7] =	ssyncadd.s32 $0xFFFFFFC0;
	(ifvalue) =	ssetifvalue $0x7FFFFFFF;
	v0 =	vld.msk [tilespmem:s14+$0x0 ss:$0x1], $0xffff;
	_ =	sdelay $0x4  }
0x2d: {  	s15 =	sadd.s32 $0x10, s14;
	vm1 =	vgt.s32 v0, $0x0  }
0x2e: {  	v2 =	vld.msk [tilespmem:s15+$0x0 ss:$0x1], $0xffff;
	v1 =	vnsel vm1, $0x0, v0  }
0x2f: {  	v1 =	vmin.u32 v1, $0xFFF;
	_ =	sdelay $0x1  }
0x30: {  	s16 =	sshll.u32 s12, $0x6;
	s18 =	simm.s32 $0x20  }
0x31: {  	s16 =	sand.u32 $0x40, s16;
	s17 =	sadd.s32 $0x10, s15;
	s15 =	sor.u32 $0x80, s14  }
0x32: {  	s14 =	sor.u32 $0x80, s16;
	s16 =	sadd.s32 $0x10, s15;
	v0 =	vld.msk [tilespmem:s17+$0x0 ss:$0x1], $0xffff;
	vm1 =	vgt.s32 v2, $0x0;
	(ifvalue) =	ssetifvalue $0x7FFFFFFF  }
.LBB2_3:
0x33: {  	[tilespmem:s15], [sflag:$0x1] =	stream.indirect_vreg.gather [hbm4b:s3+s10], $0x1, v1, vm0, $0x4038;
	[tilespmem:$0x100] =	vst v63  }
0x34: {  	s18 =	sadd.s32 $0x10, s18  }
0x35: {  	v2 =	vnsel vm1, $0x0, v2;
	p1 =	slt.u32 s18, $0x30  }
.Ltmp3:
0x36: {  	s15 =	smov.u32 s16;
	v1 =	vmin.u32 v2, $0xFFF;
	(pc) =	sbr.rel @p1 .LBB2_3-.Ltmp3, $3  }
0x37: {  	_ =	sdelay $0x1  }
0x38: {  	s17 =	sadd.s32 $0x10, s17  }
0x39: {  	vm1 =	vgt.s32 v0, $0x0;
	s16 =	sadd.s32 $0x10, s16;
	v2 =	vmov v0;
	(ifvalue) =	ssetifvalue $0x7FFFFFFF;
	v0 =	vld.msk [tilespmem:s17+$0x0 ss:$0x1], $0xffff  }
.Ltmp4:
0x3a: {  	_ = 	snop;
	(pc) =	sbr.rel .LBB2_4-.Ltmp4, $1  }
0x3b: {  	_ =	sdelay $0x3  }
.LBB2_6:
0x3c: {  	_ =	sfence.sel $0x180000  }
0x3d: {  	s2 =	simm.s32 $0x2;
	[bflag:$0x0] =	sbarrier.arrive $0xFFFF  }
0x3e: {  	s30 =	simm.s32 $0x3;
	[sflag:s2] =	ssyncpa.u1 $0x1  }
0x3f: {  	s31 =	simm.s32 $0x1;
	[sflag:s30] =	ssyncpa.u1 $0x1  }
0x40: {  	[sflag:s31] =	ssyncpa.u1 $0x1  }
0x41: {  	p0 =	sne.s32 s1, $0x0;
	_ =	strace $0x90000056  }
0x42: {  	s0 =	sadd.s32 @!p0 $0x100000, s0;
	[bflag:$0x2] =	sbarrier.arrive $0xFFFF  }
0x43: {  	[sflag:s0] =	ssyncadd.tile.s32 @!p0 $0x1;
	_ =	shalt  }
.Lfunc_end2:
_tile_overlayer_lowered:
.L_overlay_start_2:
0x44: {  	(tag) =	ssettag $0x2  }
0x45: {  	s0 =	rddreg [dreg:$0x0];
	s2 =	stileid.u32  }
0x46: {  	s1 =	rddreg [dreg:$0x1];
	p0 =	sne.s32 s2, $0x0  }
0x47: {  	s3 =	rddreg [dreg:$0x2];
	[bflag:$0x3] =	sbarrier.arrive $0xFFFF;
	s2 =	simm.s32 @!p0 $0x1C01  }
0x48: {  	[timem:s3], [sflag:s2] =	dma.local @!p0 [hbm:s0], s1  }
0x49: {  	s0 =	simm.s32 @!p0 $0x1  }
0x4a: {  	_ =	swait.ge @!p0 [sflag:s0], s1  }
0x4b: {  	s1 =	ssub.s32 @!p0 $0x0, s1;
	[sflag:s0] =	ssyncset.done @!p0 $0x0  }
0x4c: {  	[sflag:s0] =	ssyncadd.s32 @!p0 s1  }
0x4d: {  	[bflag:$0x3] =	sbarrier.arrive $0xFFFF  }
0x4e: {  	_ =	shalt  }

// kernel: gather_offload_async_start
scs
__scs_entry_jumppad:
0x0: {  	(pc) =	sbr.rel $0x88, $3  }
0x1: {  	(tag) =	ssettag $0x0;
	lr =	simm.s32 $0x1  }
0x2: {  	[smem:$0x3F83] =	sst lr;
	_ =	strace $0xD0000000  }
0x3: {  	_ = 	snop  }
0x4: {  	_ = 	snop  }
0x5: {  	_ = 	snop  }
0x6: {  	_ = 	snop  }
0x7: {  	_ = 	snop  }
__scs_overlays_trampoline_lowered:
0x8: {  	[smem:$0x3F92] =	sst s0  }
0x9: {  	[smem:$0x3F93] =	sst s1  }
0xa: {  	[smem:$0x3F94] =	sst s2  }
0xb: {  	[smem:$0x3F95] =	sst s3  }
0xc: {  	[smem:$0x3F96] =	sst s4  }
0xd: {  	[smem:$0x3F97] =	sst s5  }
0xe: {  	[smem:$0x3F98] =	sst s6  }
0xf: {  	[smem:$0x3F99] =	sst s7  }
0x10: {  	[smem:$0x3F9A] =	sst s8  }
0x11: {  	[smem:$0x3F9B] =	sst s9;
	s0 =	simm.s32 @!p0 $0x0  }
0x12: {  	s1 =	sld [smem:$0x3F81];
	s0 =	simm.s32 @p0 $0x1  }
0x13: {  	[smem:$0x3F9C] =	sst s0;
	s0 =	simm.s32 @!p1 $0x0  }
0x14: {  	s2 =	sld [smem:$0x3F80];
	s0 =	simm.s32 @p1 $0x1  }
0x15: {  	[smem:$0x3F9D] =	sst s0;
	s0 =	simm.s32 @!p2 $0x0  }
0x16: {  	s3 =	sld [smem:$0x3FDB];
	s0 =	simm.s32 @p2 $0x1  }
0x17: {  	s4 =	simm.s32 $0x1BF5;
	[smem:$0x3F9F] =	sst s0  }
0x18: {  	s0 =	sld [smem:$0x3F82];
	_ =	swait.ge [sflag:s4], $0x0  }
0x19: {  	s7 =	sld [smem:$0x3F83]  }
0x1a: {  	s8 =	sadd.s32 $0xFFFFE003, lr  }
0x1b: {  	s9 =	sadd.s32 $0xFFFFFEF7, lr;
	s5 =	simm.s32 $0xFFFFFFFF;
	p2 =	slt.u32 s8, $0xFFFFF086  }
0x1c: {  	p1 =	slt.u32 s9, $0xF7A;
	s5 =	simm.s32 @!p2 $0x0  }
0x1d: {  	s5 =	simm.s32 @p1 $0x1;
	p0 =	seq.s32 s7, s2  }
0x1e: {  	s7 =	smul.u32 @!p0 $0xF7A, s2;
	p2 =	seq.s32 @!p0 s5, $0x0  }
0x1f: {  	s9 =	smul.u32 $0xF7A, s1;
	s8 =	simm.s32 @!p0 $0x1BF5;
	p2 =	por !p2, p0  }
0x20: {  	[sflag:s8] =	ssyncset.s32 @!p0 $0xFFFFF086;
	s6 =	sadd.s32 @!p0 s3, s7;
	s7 =	simm.s32 @!p0 $0x108  }
0x21: {  	s3 =	sadd.s32 s3, s9;
	s6 =	sadd.s32 @!p0 $0x88, s6;
	s7 =	simm.s32 @p2 $0x1082  }
0x22: {  	[simem:s7], [sflag:s8] =	dma.local @!p0 [hbm:s6], $0xF7A  }
0x23: {  	s9 =	sor.u32 $0xD0000000, s2;
	s6 =	simm.s32 $0x108;
	_ =	swait.ge @!p0 [sflag:s8], $0x0  }
0x24: {  	s3 =	sadd.s32 $0x88, s3;
	s6 =	simm.s32 @!p1 $0x1082;
	[sflag:s4] =	ssyncset.s32 $0xFFFFF086  }
0x25: {  	[simem:s6], [sflag:s4] =	dma.local [hbm:s3], $0xF7A  }
0x26: {  	[smem:$0x3F83] =	sst s1;
	(tag) =	ssettag s2;
	_ =	strace s9  }
0x27: {  	s1 =	sld [smem:$0x3F93]  }
0x28: {  	s2 =	sld [smem:$0x3F94]  }
0x29: {  	s4 =	sld [smem:$0x3F96]  }
0x2a: {  	p0 =	seq.s32 s5, $0x0;
	s5 =	sld [smem:$0x3F97]  }
0x2b: {  	s6 =	sld [smem:$0x3F98]  }
0x2c: {  	s7 =	sld [smem:$0x3F99]  }
0x2d: {  	s3 =	simm.s32 $0x108;
	s8 =	sld [smem:$0x3F9A]  }
0x2e: {  	s3 =	simm.s32 @!p0 $0x1082;
	s9 =	sld [smem:$0x3F9B]  }
0x2f: {  	lr =	sadd.s32 s0, s3;
	s0 =	sld [smem:$0x3F92]  }
0x30: {  	s3 =	sld [smem:$0x3F95]  }
0x31: {  	[smem:$0x3F9E] =	sst s10  }
0x32: {  	s10 =	sld [smem:$0x3F9C];
	_ =	sdelay $0x3  }
0x33: {  	p0 =	seq.s32 s10, $0x1;
	s10 =	sld [smem:$0x3F9E];
	_ =	sdelay $0x3  }
0x34: {  	[smem:$0x3F9E] =	sst s10  }
0x35: {  	s10 =	sld [smem:$0x3F9D];
	_ =	sdelay $0x3  }
0x36: {  	p1 =	seq.s32 s10, $0x1;
	s10 =	sld [smem:$0x3F9E];
	_ =	sdelay $0x3  }
0x37: {  	[smem:$0x3F9E] =	sst s10  }
0x38: {  	s10 =	sld [smem:$0x3F9F]  }
0x39: {  	_ = 	snop;
	(pc) =	sbr.ind lr, $3  }
0x3a: {  	_ = 	snop  }
0x3b: {  	_ = 	snop  }
0x3c: {  	p2 =	seq.s32 s10, $0x1;
	s10 =	sld [smem:$0x3F9E]  }
0x3d: {  	_ =	shalt  }
0x3e: {  	_ =	shalt  }
0x3f: {  	_ =	shalt  }
0x40: {  	_ =	shalt  }
0x41: {  	_ =	shalt  }
0x42: {  	_ =	shalt  }
0x43: {  	_ =	shalt  }
0x44: {  	_ =	shalt  }
0x45: {  	_ =	shalt  }
0x46: {  	_ =	shalt  }
0x47: {  	_ =	shalt  }
0x48: {  	_ =	shalt  }
0x49: {  	_ =	shalt  }
0x4a: {  	_ =	shalt  }
0x4b: {  	_ =	shalt  }
0x4c: {  	_ =	shalt  }
0x4d: {  	_ =	shalt  }
0x4e: {  	_ =	shalt  }
0x4f: {  	_ =	shalt  }
0x50: {  	_ =	shalt  }
0x51: {  	_ =	shalt  }
0x52: {  	_ =	shalt  }
0x53: {  	_ =	shalt  }
0x54: {  	_ =	shalt  }
0x55: {  	_ =	shalt  }
0x56: {  	_ =	shalt  }
0x57: {  	_ =	shalt  }
0x58: {  	_ =	shalt  }
0x59: {  	_ =	shalt  }
0x5a: {  	_ =	shalt  }
0x5b: {  	_ =	shalt  }
0x5c: {  	_ =	shalt  }
0x5d: {  	_ =	shalt  }
0x5e: {  	_ =	shalt  }
0x5f: {  	_ =	shalt  }
0x60: {  	_ =	shalt  }
0x61: {  	_ =	shalt  }
0x62: {  	_ =	shalt  }
0x63: {  	_ =	shalt  }
0x64: {  	_ =	shalt  }
0x65: {  	_ =	shalt  }
0x66: {  	_ =	shalt  }
0x67: {  	_ =	shalt  }
0x68: {  	_ =	shalt  }
0x69: {  	_ =	shalt  }
0x6a: {  	_ =	shalt  }
0x6b: {  	_ =	shalt  }
0x6c: {  	_ =	shalt  }
0x6d: {  	_ =	shalt  }
0x6e: {  	_ =	shalt  }
0x6f: {  	_ =	shalt  }
0x70: {  	_ =	shalt  }
0x71: {  	_ =	shalt  }
0x72: {  	_ =	shalt  }
0x73: {  	_ =	shalt  }
0x74: {  	_ =	shalt  }
0x75: {  	_ =	shalt  }
0x76: {  	_ =	shalt  }
0x77: {  	_ =	shalt  }
0x78: {  	_ =	shalt  }
0x79: {  	_ =	shalt  }
0x7a: {  	_ =	shalt  }
0x7b: {  	_ =	shalt  }
0x7c: {  	_ =	shalt  }
0x7d: {  	_ =	shalt  }
0x7e: {  	_ =	shalt  }
0x7f: {  	_ =	shalt  }
0x80: {  	_ =	shalt  }
0x81: {  	_ =	shalt  }
0x82: {  	_ =	shalt  }
0x83: {  	_ =	shalt  }
0x84: {  	_ =	shalt  }
0x85: {  	_ =	shalt  }
0x86: {  	_ =	shalt  }
0x87: {  	_ =	shalt  }
.Lfunc_end0:
.L_simem_size_0:
called_computation_lowered:
.L_overlay_start_0:
0x88: {  	s2 =	sld [smem:$0x3FD9]  }
0x89: {  	s3 =	sld [smem:$0x3FFE];
	_ =	sdelay $0x1  }
0x8a: {  	s1 =	srdreg.scid  }
0x8b: {  	s0 =	sand.u32 $0x1, s1  }
0x8c: {  	s16 =	sshll.u32 s0, $0xA;
	s2 =	sadd.s32 s3, s2  }
0x8d: {  	s2 =	sadd.s32 s2, s16  }
0x8e: {  	[smem:$0x3FAA] =	sst s2  }
0x8f: {  	_ = 	snop  }
0x90: {  	(tm) =	ssettm $0x1  }
0x91: {  	s17 =	sld [smem:$0x3FFB];
	_ =	sdelay $0x3  }
0x92: {  	_ =	strace s17  }
0x93: {  	s2 =	sld [smem:$0x3FFC];
	_ =	sdelay $0x3  }
0x94: {  	_ =	strace s2  }
0x95: {  	s2 =	sld [smem:$0x3FFD];
	_ =	sdelay $0x3  }
0x96: {  	_ =	strace s2  }
0x97: {  	_ =	strace $0x8FFFFFFF  }
0x98: {  	s18 =	sld [smem:$0x3FDB];
	_ =	sdelay $0x1  }
0x99: {  	s19 =	simm.s32 $_scs_section_size  }
0x9a: {  	s4 =	simm.s32 $_size__tile_overlayer_lowered;
	s5 =	simm.s32 $_tile_overlayer_lowered  }
0x9b: {  	s22 =	simm.s32 $0x1BFF;
	s21 =	sshll.u32 s5, $0x1;
	s2 =	sadd.s32 s19, s18  }
0x9c: {  	s6 =	simm.s32 $0x0;
	s20 =	sshll.u32 s4, $0x1;
	s4 =	sadd.s32 s21, s2  }
0x9d: {  	[timem:s6], [sflag:s22] =	dma.local [hbm:s4], s20  }
0x9e: {  	_ =	swait.ge [sflag:s22], s20  }
0x9f: {  	s3 =	ssub.s32 $0x0, s20;
	[sflag:s22] =	ssyncset.done $0x0  }
0xa0: {  	[sflag:s22] =	ssyncadd.s32 s3;
	_ =	sdelay $0x1  }
0xa1: {  	s23 =	simm.s32 $0x1B8B  }
0xa2: {  	_ =	swait.ge [sflag:s23], $0x1  }
0xa3: {  	[sflag:s23] =	ssyncset.done $0x0  }
0xa4: {  	s25 =	simm.s32 $0x1B8E;
	s24 =	sld [smem:$0x3FFE];
	[sflag:s23] =	ssyncadd.s32 $0xFFFFFFFF  }
0xa5: {  	s26 =	simm.s32 $execute0_lowered;
	[smem:$0x3FD2] =	sst s25  }
0xa6: {  	s4 =	sshll.u32 s26, $0x1;
	_ =	strace $0x80000046;
	[dreg:$0x1] =	wrdreg $0xFFFFFFFF  }
0xa7: {  	s28 =	simm.s32 $_size_execute0_lowered;
	s2 =	sadd.s32 s2, s4;
	[dreg:$0x0] =	wrdreg $0x0  }
0xa8: {  	s4 =	sshll.u32 s28, $0x1;
	[dreg:$0x2] =	wrdreg s2  }
0xa9: {  	[dreg:$0x3] =	wrdreg s4  }
0xaa: {  	[dreg:$0x4] =	wrdreg $0xC0  }
0xab: {  	_ =	task [dreg:s6], $0x5FFFF  }
0xac: {  	[dreg:$0x1] =	wrdreg $0xFFFFFFFF  }
0xad: {  	[dreg:$0x0] =	wrdreg $0x60  }
0xae: {  	[dreg:$0x2] =	wrdreg s24  }
0xaf: {  	[dreg:$0x3] =	wrdreg $0x9  }
0xb0: {  	_ =	task.clear_ibuf [dreg:s6], $0x4FFFF;
	_ =	strace $0x90000046  }
0xb1: {  	s29 =	simm.s32 $0x9;
	_ =	strace $0x80000048  }
0xb2: {  	_ =	swait.ge [sflag:s29], $0x1  }
0xb3: {  	[sflag:s29] =	ssyncadd.s32 $0xFFFFFFFF  }
0xb4: {  	_ =	strace $0x90000048  }
0xb5: {  	_ =	sfence  }
0xb6: {  	s30 =	sld [smem:$0x0];
	_ =	sdelay $0x2  }
0xb7: {  	s31 =	sshll.u32 s1, $0xD;
	s1 =	sshrl.u32 s1, $0x2  }
0xb8: {  	s3 =	sand.u32 $0x4000, s31;
	s1 =	sadd.s32 s1, s30  }
0xb9: {  	s0 =	sor.u32 s3, s0;
	s1 =	sshll.u32 s1, $0x11  }
0xba: {  	s0 =	sor.u32 s1, s0  }
0xbb: {  	s0 =	sadd.s32 $0x8F2B, s0  }
0xbc: {  	[sflag:s0] =	ssyncadd.remote.s32 $0x1  }
0xbd: {  	_ =	sfence.sel $0xFFFF  }
0xbe: {  	[dreg:$0x0] =	wrdreg $0xFFFFFFFF;
	(pc) =	sbr.abs _section_cstart, $3  }
0xbf: {  	[dreg:$0x1] =	wrdreg $0xFFFFFFFF  }
0xc0: {  	_ =	task.clear_ibuf [dreg:s6], $0x2FFFF;
	_ =	strace $0x9FFFFFFF  }
0xc1: {  	(tm) =	ssettm $0x7FFFFFFF  }
tec
execute0_lowered:
.L_overlay_start_1:
0x0: {  	(tag) =	ssettag $0x1  }
0x1: {  	s0 =	srdreg.scid;
	s5 =	rddreg [dreg:$0x0]  }
0x2: {  	s1 =	stileid.u32;
	s6 =	simm.s32 $0x1;
	s9 =	simm.s32 $0x1  }
0x3: {  	s10 =	simm.s32 $0x3;
	s13 =	simm.s32 $0x0;
	s2 =	sshll.u32 s0, $0x6  }
0x4: {  	s12 =	simm.s32 $0x0;
	s3 =	sshll.u32 s1, $0x7;
	s2 =	sand.u32 $0x40, s2  }
0x5: {  	s0 =	rddreg [dreg:$0x1];
	_ =	strace $0x80000047;
	s2 =	sor.u32 s3, s2  }
0x6: {  	s4 =	sadd.s32 $0x10C400, s5;
	[sflag:s6] =	ssyncpa.u1 $0x0;
	s8 =	ssub.s32 $0x1000, s2  }
.Ltmp0:
0x7: {  	s3 =	sadd.s32 $0x10A000, s5;
	s7 =	sand.u32 $0x7C0, s8;
	(pc) =	sbr.rel .LBB2_1-.Ltmp0, $4  }
0x8: {  	s5 =	sadd.s32 $0x10C600, s5;
	s11 =	smov.u32 s2;
	p0 =	sne.s32 s7, $0x0  }
0x9: {  	s8 =	sshrl.u32 s8, $0xB;
	s7 =	simm.s32 $0x2;
	s9 =	simm.s32 @!p0 $0x0  }
0xa: {  	[sflag:s7] =	ssyncpa.u1 $0x0;
	p0 =	por $0x0, $0x0;
	s8 =	sadd.s32 s9, s8  }
0xb: {  	vm0 =	vmmov $0xffff;
	[sflag:s10] =	ssyncpa.u1 $0x0;
	s10 =	simm.s32 $0x0;
	s9 =	sadd.s32 $0x1, s8  }
.LBB2_4:
0xc: {  	v2 =	vnsel vm1, $0x0, v2  }
0xd: {  	vm1 =	vgt.s32 v0, $0x0;
	v2 =	vmin.u32 v2, $0xFFF  }
0xe: {  	v0 =	vnsel vm1, $0x0, v0  }
0xf: {  	v0 =	vmin.u32 v0, $0xFFF  }
0x10: {  	[tilespmem:s15], [sflag:$0x1] =	stream.indirect_vreg.gather [hbm4b:s3+s10], $0x1, v1, vm0, $0x4038;
	[tilespmem:$0x100] =	vst v63  }
0x11: {  	(ifvalue) =	ssetifvalue $0x7FFFFFFF  }
0x12: {  	[tilespmem:s16], [sflag:$0x1] =	stream.indirect_vreg.gather [hbm4b:s3+s10], $0x1, v2, vm0, $0x4038;
	[tilespmem:$0x100] =	vst v63  }
0x13: {  	s29 =	sadd.s32 $0x10, s16;
	(ifvalue) =	ssetifvalue $0x7FFFFFFF  }
0x14: {  	[tilespmem:s29], [sflag:$0x1] =	stream.indirect_vreg.gather [hbm4b:s3+s10], $0x1, v0, vm0, $0x4038;
	[tilespmem:$0x100] =	vst v63  }
0x15: {  	_ =	swait.ge [sflag:s6], $0x40  }
0x16: {  	s30 =	sshrl.u32 s13, $0x3;
	[sflag:s6] =	ssyncset.done $0x0  }
0x17: {  	s31 =	sand.u32 $0x7, s13;
	s15 =	sadd.s32 s5, s30;
	[sflag:s6] =	ssyncadd.s32 $0xFFFFFFC0  }
0x18: {  	[hbm4b:s15+s31] =	stream.linear.scatter [tilespmem:s14], [sflag:$0x3], $0x40, $0x38;
	[tilespmem:$0x100] =	vst v63  }
.LBB2_5:
0x19: {  	s15 =	sadd.s32 $0x800, s11  }
0x1a: {  	p2 =	sgt.s32 s15, $0xFFF  }
0x1b: {  	s15 =	smov.u32 @p2 s2;
	p2 =	sne.s32 s12, s9  }
.Ltmp1:
0x1c: {  	p1 =	slt.u32 s12, $0x2;
	(pc) =	sbr.rel @!p2 .LBB2_6-.Ltmp1, $4  }
0x1d: {  	s14 =	simm.s32 @!p1 $0x3  }
0x1e: {  	s16 =	sadd.s32 $0x1, s12;
	_ =	swait.ge @!p1 [sflag:s14], $0x40  }
0x1f: {  	s13 =	smov.u32 s11;
	p0 =	por !p0, !p0;
	[sflag:s14] =	ssyncset.done @!p1 $0x0  }
0x20: {  	s12 =	smov.u32 s16;
	s11 =	smov.u32 s15;
	[sflag:s14] =	ssyncadd.s32 @!p1 $0xFFFFFFC0  }
.LBB2_1:
0x21: {  	p1 =	sge.u32 s12, s8  }
0x22: {  	s14 =	sxor.u32 @!p1 $0xFFFFFFFF, s12  }
0x23: {  	s31 =	sadd.s32 $0xFFFFFFFF, s12;
	s15 =	sshrl.u32 @!p1 s11, $0x3;
	s14 =	sshll.u32 @!p1 s14, $0x6  }
0x24: {  	s16 =	sand.u32 @!p1 $0x7, s11;
	s15 =	sadd.s32 @!p1 s4, s15;
	s14 =	sand.u32 @!p1 $0x40, s14  }
0x25: {  	[tilespmem:s14], [sflag:$0x2] =	stream.linear.gather @!p1 [hbm4b:s15+s16], $0x40, $0x38;
	[tilespmem:$0x100] =	vst v63  }
0x26: {  	p1 =	sge.u32 s31, s8  }
.Ltmp2:
0x27: {  	_ = 	snop;
	(pc) =	sbr.rel @p1 .LBB2_5-.Ltmp2, $1  }
0x28: {  	_ =	sdelay $0x3  }
0x29: {  	s14 =	simm.s32 $0x1  }
0x2a: {  	_ =	swait.ge [sflag:s7], $0x40;
	s14 =	simm.s32 @!p0 $0x0  }
0x2b: {  	[sflag:s7] =	ssyncset.done $0x0;
	s14 =	sshll.u32 s14, $0x6  }
0x2c: {  	[sflag:s7] =	ssyncadd.s32 $0xFFFFFFC0;
	(ifvalue) =	ssetifvalue $0x7FFFFFFF;
	v0 =	vld.msk [tilespmem:s14+$0x0 ss:$0x1], $0xffff;
	_ =	sdelay $0x4  }
0x2d: {  	s15 =	sadd.s32 $0x10, s14;
	vm1 =	vgt.s32 v0, $0x0  }
0x2e: {  	v2 =	vld.msk [tilespmem:s15+$0x0 ss:$0x1], $0xffff;
	v1 =	vnsel vm1, $0x0, v0  }
0x2f: {  	v1 =	vmin.u32 v1, $0xFFF;
	_ =	sdelay $0x1  }
0x30: {  	s16 =	sshll.u32 s12, $0x6;
	s18 =	simm.s32 $0x20  }
0x31: {  	s16 =	sand.u32 $0x40, s16;
	s17 =	sadd.s32 $0x10, s15;
	s15 =	sor.u32 $0x80, s14  }
0x32: {  	s14 =	sor.u32 $0x80, s16;
	s16 =	sadd.s32 $0x10, s15;
	v0 =	vld.msk [tilespmem:s17+$0x0 ss:$0x1], $0xffff;
	vm1 =	vgt.s32 v2, $0x0;
	(ifvalue) =	ssetifvalue $0x7FFFFFFF  }
.LBB2_3:
0x33: {  	[tilespmem:s15], [sflag:$0x1] =	stream.indirect_vreg.gather [hbm4b:s3+s10], $0x1, v1, vm0, $0x4038;
	[tilespmem:$0x100] =	vst v63  }
0x34: {  	s18 =	sadd.s32 $0x10, s18  }
0x35: {  	v2 =	vnsel vm1, $0x0, v2;
	p1 =	slt.u32 s18, $0x30  }
.Ltmp3:
0x36: {  	s15 =	smov.u32 s16;
	v1 =	vmin.u32 v2, $0xFFF;
	(pc) =	sbr.rel @p1 .LBB2_3-.Ltmp3, $3  }
0x37: {  	_ =	sdelay $0x1  }
0x38: {  	s17 =	sadd.s32 $0x10, s17  }
0x39: {  	vm1 =	vgt.s32 v0, $0x0;
	s16 =	sadd.s32 $0x10, s16;
	v2 =	vmov v0;
	(ifvalue) =	ssetifvalue $0x7FFFFFFF;
	v0 =	vld.msk [tilespmem:s17+$0x0 ss:$0x1], $0xffff  }
.Ltmp4:
0x3a: {  	_ = 	snop;
	(pc) =	sbr.rel .LBB2_4-.Ltmp4, $1  }
0x3b: {  	_ =	sdelay $0x3  }
.LBB2_6:
0x3c: {  	_ =	sfence.sel $0x180000  }
0x3d: {  	s2 =	simm.s32 $0x2;
	[bflag:$0x0] =	sbarrier.arrive $0xFFFF  }
0x3e: {  	s30 =	simm.s32 $0x3;
	[sflag:s2] =	ssyncpa.u1 $0x1  }
0x3f: {  	s31 =	simm.s32 $0x1;
	[sflag:s30] =	ssyncpa.u1 $0x1  }
0x40: {  	[sflag:s31] =	ssyncpa.u1 $0x1  }
0x41: {  	p0 =	sne.s32 s1, $0x0;
	_ =	strace $0x90000047  }
0x42: {  	s0 =	sadd.s32 @!p0 $0x100000, s0;
	[bflag:$0x2] =	sbarrier.arrive $0xFFFF  }
0x43: {  	[sflag:s0] =	ssyncadd.tile.s32 @!p0 $0x1;
	_ =	shalt  }
.Lfunc_end2:
_tile_overlayer_lowered:
.L_overlay_start_2:
0x44: {  	(tag) =	ssettag $0x2  }
0x45: {  	s0 =	rddreg [dreg:$0x0];
	s2 =	stileid.u32  }
0x46: {  	s1 =	rddreg [dreg:$0x1];
	p0 =	sne.s32 s2, $0x0  }
0x47: {  	s3 =	rddreg [dreg:$0x2];
	[bflag:$0x3] =	sbarrier.arrive $0xFFFF;
	s2 =	simm.s32 @!p0 $0x1C01  }
0x48: {  	[timem:s3], [sflag:s2] =	dma.local @!p0 [hbm:s0], s1  }
0x49: {  	s0 =	simm.s32 @!p0 $0x1  }
0x4a: {  	_ =	swait.ge @!p0 [sflag:s0], s1  }
0x4b: {  	s1 =	ssub.s32 @!p0 $0x0, s1;
	[sflag:s0] =	ssyncset.done @!p0 $0x0  }
0x4c: {  	[sflag:s0] =	ssyncadd.s32 @!p0 s1  }
0x4d: {  	[bflag:$0x3] =	sbarrier.arrive $0xFFFF  }
0x4e: {  	_ =	shalt  }

// kernel: kernel.30.cloned.1.call-start
scs
__scs_entry_jumppad:
0x0: {  	(pc) =	sbr.rel $0x88, $3  }
0x1: {  	(tag) =	ssettag $0x0;
	lr =	simm.s32 $0x1  }
0x2: {  	[smem:$0x3F83] =	sst lr;
	_ =	strace $0xD0000000  }
0x3: {  	_ = 	snop  }
0x4: {  	_ = 	snop  }
0x5: {  	_ = 	snop  }
0x6: {  	_ = 	snop  }
0x7: {  	_ = 	snop  }
__scs_overlays_trampoline_lowered:
0x8: {  	[smem:$0x3F92] =	sst s0  }
0x9: {  	[smem:$0x3F93] =	sst s1  }
0xa: {  	[smem:$0x3F94] =	sst s2  }
0xb: {  	[smem:$0x3F95] =	sst s3  }
0xc: {  	[smem:$0x3F96] =	sst s4  }
0xd: {  	[smem:$0x3F97] =	sst s5  }
0xe: {  	[smem:$0x3F98] =	sst s6  }
0xf: {  	[smem:$0x3F99] =	sst s7  }
0x10: {  	[smem:$0x3F9A] =	sst s8  }
0x11: {  	[smem:$0x3F9B] =	sst s9;
	s0 =	simm.s32 @!p0 $0x0  }
0x12: {  	s1 =	sld [smem:$0x3F81];
	s0 =	simm.s32 @p0 $0x1  }
0x13: {  	[smem:$0x3F9C] =	sst s0;
	s0 =	simm.s32 @!p1 $0x0  }
0x14: {  	s2 =	sld [smem:$0x3F80];
	s0 =	simm.s32 @p1 $0x1  }
0x15: {  	[smem:$0x3F9D] =	sst s0;
	s0 =	simm.s32 @!p2 $0x0  }
0x16: {  	s3 =	sld [smem:$0x3FDB];
	s0 =	simm.s32 @p2 $0x1  }
0x17: {  	s4 =	simm.s32 $0x1BF5;
	[smem:$0x3F9F] =	sst s0  }
0x18: {  	s0 =	sld [smem:$0x3F82];
	_ =	swait.ge [sflag:s4], $0x0  }
0x19: {  	s7 =	sld [smem:$0x3F83]  }
0x1a: {  	s8 =	sadd.s32 $0xFFFFE003, lr  }
0x1b: {  	s9 =	sadd.s32 $0xFFFFFEF7, lr;
	s5 =	simm.s32 $0xFFFFFFFF;
	p2 =	slt.u32 s8, $0xFFFFF086  }
0x1c: {  	p1 =	slt.u32 s9, $0xF7A;
	s5 =	simm.s32 @!p2 $0x0  }
0x1d: {  	s5 =	simm.s32 @p1 $0x1;
	p0 =	seq.s32 s7, s2  }
0x1e: {  	s7 =	smul.u32 @!p0 $0xF7A, s2;
	p2 =	seq.s32 @!p0 s5, $0x0  }
0x1f: {  	s9 =	smul.u32 $0xF7A, s1;
	s8 =	simm.s32 @!p0 $0x1BF5;
	p2 =	por !p2, p0  }
0x20: {  	[sflag:s8] =	ssyncset.s32 @!p0 $0xFFFFF086;
	s6 =	sadd.s32 @!p0 s3, s7;
	s7 =	simm.s32 @!p0 $0x108  }
0x21: {  	s3 =	sadd.s32 s3, s9;
	s6 =	sadd.s32 @!p0 $0x88, s6;
	s7 =	simm.s32 @p2 $0x1082  }
0x22: {  	[simem:s7], [sflag:s8] =	dma.local @!p0 [hbm:s6], $0xF7A  }
0x23: {  	s9 =	sor.u32 $0xD0000000, s2;
	s6 =	simm.s32 $0x108;
	_ =	swait.ge @!p0 [sflag:s8], $0x0  }
0x24: {  	s3 =	sadd.s32 $0x88, s3;
	s6 =	simm.s32 @!p1 $0x1082;
	[sflag:s4] =	ssyncset.s32 $0xFFFFF086  }
0x25: {  	[simem:s6], [sflag:s4] =	dma.local [hbm:s3], $0xF7A  }
0x26: {  	[smem:$0x3F83] =	sst s1;
	(tag) =	ssettag s2;
	_ =	strace s9  }
0x27: {  	s1 =	sld [smem:$0x3F93]  }
0x28: {  	s2 =	sld [smem:$0x3F94]  }
0x29: {  	s4 =	sld [smem:$0x3F96]  }
0x2a: {  	p0 =	seq.s32 s5, $0x0;
	s5 =	sld [smem:$0x3F97]  }
0x2b: {  	s6 =	sld [smem:$0x3F98]  }
0x2c: {  	s7 =	sld [smem:$0x3F99]  }
0x2d: {  	s3 =	simm.s32 $0x108;
	s8 =	sld [smem:$0x3F9A]  }
0x2e: {  	s3 =	simm.s32 @!p0 $0x1082;
	s9 =	sld [smem:$0x3F9B]  }
0x2f: {  	lr =	sadd.s32 s0, s3;
	s0 =	sld [smem:$0x3F92]  }
0x30: {  	s3 =	sld [smem:$0x3F95]  }
0x31: {  	[smem:$0x3F9E] =	sst s10  }
0x32: {  	s10 =	sld [smem:$0x3F9C];
	_ =	sdelay $0x3  }
0x33: {  	p0 =	seq.s32 s10, $0x1;
	s10 =	sld [smem:$0x3F9E];
	_ =	sdelay $0x3  }
0x34: {  	[smem:$0x3F9E] =	sst s10  }
0x35: {  	s10 =	sld [smem:$0x3F9D];
	_ =	sdelay $0x3  }
0x36: {  	p1 =	seq.s32 s10, $0x1;
	s10 =	sld [smem:$0x3F9E];
	_ =	sdelay $0x3  }
0x37: {  	[smem:$0x3F9E] =	sst s10  }
0x38: {  	s10 =	sld [smem:$0x3F9F]  }
0x39: {  	_ = 	snop;
	(pc) =	sbr.ind lr, $3  }
0x3a: {  	_ = 	snop  }
0x3b: {  	_ = 	snop  }
0x3c: {  	p2 =	seq.s32 s10, $0x1;
	s10 =	sld [smem:$0x3F9E]  }
0x3d: {  	_ =	shalt  }
0x3e: {  	_ =	shalt  }
0x3f: {  	_ =	shalt  }
0x40: {  	_ =	shalt  }
0x41: {  	_ =	shalt  }
0x42: {  	_ =	shalt  }
0x43: {  	_ =	shalt  }
0x44: {  	_ =	shalt  }
0x45: {  	_ =	shalt  }
0x46: {  	_ =	shalt  }
0x47: {  	_ =	shalt  }
0x48: {  	_ =	shalt  }
0x49: {  	_ =	shalt  }
0x4a: {  	_ =	shalt  }
0x4b: {  	_ =	shalt  }
0x4c: {  	_ =	shalt  }
0x4d: {  	_ =	shalt  }
0x4e: {  	_ =	shalt  }
0x4f: {  	_ =	shalt  }
0x50: {  	_ =	shalt  }
0x51: {  	_ =	shalt  }
0x52: {  	_ =	shalt  }
0x53: {  	_ =	shalt  }
0x54: {  	_ =	shalt  }
0x55: {  	_ =	shalt  }
0x56: {  	_ =	shalt  }
0x57: {  	_ =	shalt  }
0x58: {  	_ =	shalt  }
0x59: {  	_ =	shalt  }
0x5a: {  	_ =	shalt  }
0x5b: {  	_ =	shalt  }
0x5c: {  	_ =	shalt  }
0x5d: {  	_ =	shalt  }
0x5e: {  	_ =	shalt  }
0x5f: {  	_ =	shalt  }
0x60: {  	_ =	shalt  }
0x61: {  	_ =	shalt  }
0x62: {  	_ =	shalt  }
0x63: {  	_ =	shalt  }
0x64: {  	_ =	shalt  }
0x65: {  	_ =	shalt  }
0x66: {  	_ =	shalt  }
0x67: {  	_ =	shalt  }
0x68: {  	_ =	shalt  }
0x69: {  	_ =	shalt  }
0x6a: {  	_ =	shalt  }
0x6b: {  	_ =	shalt  }
0x6c: {  	_ =	shalt  }
0x6d: {  	_ =	shalt  }
0x6e: {  	_ =	shalt  }
0x6f: {  	_ =	shalt  }
0x70: {  	_ =	shalt  }
0x71: {  	_ =	shalt  }
0x72: {  	_ =	shalt  }
0x73: {  	_ =	shalt  }
0x74: {  	_ =	shalt  }
0x75: {  	_ =	shalt  }
0x76: {  	_ =	shalt  }
0x77: {  	_ =	shalt  }
0x78: {  	_ =	shalt  }
0x79: {  	_ =	shalt  }
0x7a: {  	_ =	shalt  }
0x7b: {  	_ =	shalt  }
0x7c: {  	_ =	shalt  }
0x7d: {  	_ =	shalt  }
0x7e: {  	_ =	shalt  }
0x7f: {  	_ =	shalt  }
0x80: {  	_ =	shalt  }
0x81: {  	_ =	shalt  }
0x82: {  	_ =	shalt  }
0x83: {  	_ =	shalt  }
0x84: {  	_ =	shalt  }
0x85: {  	_ =	shalt  }
0x86: {  	_ =	shalt  }
0x87: {  	_ =	shalt  }
.Lfunc_end0:
.L_simem_size_0:
called_computation.4_lowered:
.L_overlay_start_0:
0x88: {  	s2 =	sld [smem:$0x3FD9]  }
0x89: {  	s3 =	sld [smem:$0x3FFE];
	_ =	sdelay $0x1  }
0x8a: {  	s1 =	srdreg.scid  }
0x8b: {  	s0 =	sand.u32 $0x1, s1  }
0x8c: {  	s17 =	sshll.u32 s0, $0xA;
	s2 =	sadd.s32 s3, s2  }
0x8d: {  	s2 =	sadd.s32 s2, s17  }
0x8e: {  	[smem:$0x3FAA] =	sst s2  }
0x8f: {  	_ = 	snop  }
0x90: {  	(tm) =	ssettm $0x1  }
0x91: {  	s18 =	sld [smem:$0x3FFB];
	_ =	sdelay $0x3  }
0x92: {  	_ =	strace s18  }
0x93: {  	s2 =	sld [smem:$0x3FFC];
	_ =	sdelay $0x3  }
0x94: {  	_ =	strace s2  }
0x95: {  	s2 =	sld [smem:$0x3FFD];
	_ =	sdelay $0x3  }
0x96: {  	_ =	strace s2  }
0x97: {  	_ =	strace $0x8FFFFFFF  }
0x98: {  	s19 =	sld [smem:$0x3FDB];
	_ =	sdelay $0x1  }
0x99: {  	s20 =	simm.s32 $_scs_section_size  }
0x9a: {  	s4 =	simm.s32 $_size__tile_overlayer_lowered;
	s5 =	simm.s32 $_tile_overlayer_lowered  }
0x9b: {  	s6 =	simm.s32 $0x1BFF;
	s21 =	sshll.u32 s5, $0x1;
	s3 =	sadd.s32 s20, s19  }
0x9c: {  	s22 =	simm.s32 $0x0;
	s4 =	sshll.u32 s4, $0x1;
	s5 =	sadd.s32 s21, s3  }
0x9d: {  	[timem:s22], [sflag:s6] =	dma.local [hbm:s5], s4  }
0x9e: {  	_ =	swait.ge [sflag:s6], s4  }
0x9f: {  	s4 =	ssub.s32 $0x0, s4;
	[sflag:s6] =	ssyncset.done $0x0  }
0xa0: {  	[sflag:s6] =	ssyncadd.s32 s4;
	_ =	sdelay $0x1  }
0xa1: {  	s23 =	simm.s32 $0x1B8B  }
0xa2: {  	_ =	swait.ge [sflag:s23], $0x1  }
0xa3: {  	[sflag:s23] =	ssyncset.done $0x0  }
0xa4: {  	[sflag:s23] =	ssyncadd.s32 $0xFFFFFFFF  }
0xa5: {  	s4 =	sld [smem:$0x0]  }
0xa6: {  	s5 =	sand.u32 $0xFFFFFFFE, s1  }
0xa7: {  	p0 =	sne.s32 s1, s5  }
0xa8: {  	s5 =	sshll.u32 @p0 s5, $0xE  }
0xa9: {  	s5 =	sadd.s32 @p0 $0x11B8D, s5;
	s6 =	sshll.u32 @p0 s4, $0x11  }
0xaa: {  	s5 =	sor.u32 @p0 s6, s5  }
0xab: {  	[sflag:s5] =	ssyncadd.remote.s32 @p0 $0x1;
	_ =	sdelay $0x1  }
0xac: {  	s5 =	simm.s32 @p0 $0x1B8D  }
0xad: {  	_ =	swait.eq @p0 [sflag:s5], $0x1  }
0xae: {  	[sflag:s5] =	ssyncadd.s32 @p0 $0xFFFFFFFF  }
0xaf: {  	s6 =	sshll.u32 @!p0 s1, $0xE  }
0xb0: {  	s6 =	sor.u32 @!p0 $0x4000, s6;
	s5 =	simm.s32 @!p0 $0x1B8D  }
0xb1: {  	s4 =	sshll.u32 @!p0 s4, $0x11;
	s6 =	sadd.s32 @!p0 $0x11B8D, s6;
	_ =	swait.eq @!p0 [sflag:s5], $0x1  }
0xb2: {  	s4 =	sor.u32 @!p0 s4, s6;
	[sflag:s5] =	ssyncadd.s32 @!p0 $0xFFFFFFFF  }
0xb3: {  	s25 =	simm.s32 $0x1B8E;
	s24 =	sld [smem:$0x3FFE];
	[sflag:s4] =	ssyncadd.remote.s32 @!p0 $0x1  }
0xb4: {  	s26 =	simm.s32 $execute0_lowered;
	[smem:$0x3FD2] =	sst s25  }
0xb5: {  	s5 =	sshll.u32 s26, $0x1;
	_ =	strace $0x8000004C;
	[dreg:$0x1] =	wrdreg $0xFFFFFFFF  }
0xb6: {  	s28 =	simm.s32 $_size_execute0_lowered;
	s3 =	sadd.s32 s3, s5;
	[dreg:$0x0] =	wrdreg $0x0  }
0xb7: {  	s5 =	sshll.u32 s28, $0x1;
	[dreg:$0x2] =	wrdreg s3  }
0xb8: {  	[dreg:$0x3] =	wrdreg s5  }
0xb9: {  	[dreg:$0x4] =	wrdreg $0xC0  }
0xba: {  	_ =	task [dreg:s22], $0x5FFFF  }
0xbb: {  	[dreg:$0x1] =	wrdreg $0xFFFFFFFF  }
0xbc: {  	[dreg:$0x0] =	wrdreg $0x60  }
0xbd: {  	[dreg:$0x2] =	wrdreg s24  }
0xbe: {  	[dreg:$0x3] =	wrdreg $0xA  }
0xbf: {  	_ =	task.clear_ibuf [dreg:s22], $0x4FFFF;
	_ =	strace $0x9000004C  }
0xc0: {  	s29 =	simm.s32 $0xA;
	_ =	strace $0x8000004E  }
0xc1: {  	_ =	swait.ge [sflag:s29], $0x1  }
0xc2: {  	[sflag:s29] =	ssyncadd.s32 $0xFFFFFFFF  }
0xc3: {  	_ =	strace $0x9000004E  }
0xc4: {  	_ =	sfence  }
0xc5: {  	s30 =	sld [smem:$0x0];
	_ =	sdelay $0x2  }
0xc6: {  	s31 =	sshll.u32 s1, $0xD;
	s1 =	sshrl.u32 s1, $0x2  }
0xc7: {  	s4 =	sand.u32 $0x4000, s31;
	s1 =	sadd.s32 s1, s30  }
0xc8: {  	s0 =	sor.u32 s4, s0;
	s1 =	sshll.u32 s1, $0x11  }
0xc9: {  	s0 =	sor.u32 s1, s0  }
0xca: {  	s0 =	sadd.s32 $0x8F2B, s0  }
0xcb: {  	[sflag:s0] =	ssyncadd.remote.s32 $0x1  }
0xcc: {  	_ =	sfence.sel $0xFFFF  }
0xcd: {  	[dreg:$0x0] =	wrdreg $0xFFFFFFFF;
	(pc) =	sbr.abs _section_cstart, $3  }
0xce: {  	[dreg:$0x1] =	wrdreg $0xFFFFFFFF  }
0xcf: {  	_ =	task.clear_ibuf [dreg:s22], $0x2FFFF;
	_ =	strace $0x9FFFFFFF  }
0xd0: {  	(tm) =	ssettm $0x7FFFFFFF  }
0xd1: {  	_ =	shalt  }
tec
execute0_lowered:
.L_overlay_start_1:
0x0: {  	(tag) =	ssettag $0x1  }
0x1: {  	s0 =	srdreg.scid;
	s2 =	stileid.u32  }
0x2: {  	s1 =	rddreg [dreg:$0x0];
	s21 =	simm.s32 $0x900;
	s22 =	simm.s32 $0x1100  }
0x3: {  	s28 =	simm.s32 $0x3100;
	s29 =	simm.s32 $0x3900;
	s30 =	simm.s32 $0x4100  }
0x4: {  	s31 =	simm.s32 $0x4900;
	s13 =	simm.s32 $0x5100;
	s14 =	simm.s32 $0x6100  }
0x5: {  	s19 =	simm.s32 $0x8100;
	s0 =	sand.u32 $0x1, s0;
	s3 =	sshll.u32 s2, $0x1  }
0x6: {  	s16 =	simm.s32 $0xB100;
	s17 =	simm.s32 $0xB900;
	s4 =	sor.u32 s0, s3  }
0x7: {  	s18 =	simm.s32 $0xC100;
	s2 =	simm.s32 $0x0;
	s5 =	smul.u32 $0x18, s4  }
0x8: {  	s7 =	sadd.s32 $0x128A00, s1;
	s0 =	ssub.s32 $0x2, s0;
	s6 =	smul.u32 $0x6000, s4  }
0x9: {  	[smem:$0x7FF] =	sst s2;
	s4 =	smul.u32 $0x30000, s4;
	s8 =	sshrl.u32 s0, $0x1  }
0xa: {  	s3 =	sadd.s32 $0x69000, s1;
	_ =	strace $0x8000004D;
	s0 =	ssub.s32 s0, s8  }
0xb: {  	s5 =	sadd.s32 s5, s1;
	s6 =	sadd.s32 s7, s6;
	s4 =	sshrl.u32 s4, $0x3  }
0xc: {  	s15 =	smax.u32 s0, $0x1;
	s5 =	sadd.s32 $0x10A400, s5;
	[dreg:$0x8] =	wrdreg s6  }
0xd: {  	s23 =	sadd.s32 $0x1000, s6;
	s4 =	sadd.s32 s7, s4;
	[dreg:$0x2] =	wrdreg s5  }
0xe: {  	s6 =	sadd.s32 $0x69200, s1;
	[dreg:$0x3] =	wrdreg s23;
	s24 =	sadd.s32 $0x2000, s4  }
0xf: {  	s5 =	sadd.s32 $0x69100, s1;
	s7 =	sadd.s32 $0x3000, s4;
	[dreg:$0x4] =	wrdreg s24  }
0x10: {  	s25 =	sadd.s32 $0x4000, s4;
	s26 =	sadd.s32 $0x5000, s4;
	[dreg:$0x5] =	wrdreg s7  }
0x11: {  	v2 =	vlaneseq.u32;
	s23 =	simm.s32 $0x1900;
	s4 =	simm.s32 $0x10100;
	[dreg:$0x6] =	wrdreg s25  }
0x12: {  	vm0 =	vmmov $0xffff;
	v1 =	vshrl.u32 v2, $0x3;
	s7 =	sadd.s32 $0x69300, s1;
	[dreg:$0x7] =	wrdreg s26;
	s24 =	simm.s32 $0x2100  }
0x13: {  	v0 =	vand.u32 $0x7, v2;
	v2 =	vor.u32 $0x8, v2;
	v1 =	vmul.u32 $0x8, v1;
	s25 =	simm.s32 $0x2900;
	s26 =	simm.s32 $0x9900;
	s1 =	simm.s32 $0x4  }
.LBB2_1:
0x14: {  	s20 =	rddreg [dreg:$0x2];
	s0 =	simm.s32 $0x7  }
0x15: {  	[tilespmem:s2], [sflag:$0x7] =	stream.linear.gather [hbm4b:s20+s2], $0xC0, $0x38;
	[tilespmem:$0x18100] =	vst v63  }
0x16: {  	_ =	swait.ge [sflag:s0], $0xC0  }
0x17: {  	[sflag:s0] =	ssyncset.done $0x0  }
0x18: {  	[sflag:s0] =	ssyncadd.s32 $0xFFFFFF40  }
0x19: {  	v3 =	vld [tilespmem:$0x0];
	_ =	sdelay $0x4  }
0x1a: {  	v4 =	vshll.u32 v3, $0x3  }
0x1b: {  	v3 =	vand.u32 $0x7, v3;
	v4 =	vand.u32 $0xFFFFFFC0, v4  }
0x1c: {  	v3 =	vor.u32 v3, v4  }
0x1d: {  	v4 =	vperm.xlane v3, v0;
	_ =	sdelay $0x1  }
0x1e: {  	v4 =	vadd.s32 v1, v4;
	_ =	sdelay $0x3  }
0x1f: {  	s12 =	simm.s32 $0x100  }
0x20: {  	[tilespmem:s12], [sflag:$0x1] =	stream.indirect_vreg.gather [hbm4b:s3+s2], $0x80, v4, vm0, $0xb8;
	[tilespmem:$0x18100] =	vst v63  }
0x21: {  	v3 =	vperm.xlane v3, v2  }
0x22: {  	[tilespmem:s21], [sflag:$0x1] =	stream.indirect_vreg.gather [hbm4b:s5+s2], $0x80, v4, vm0, $0xb8;
	[tilespmem:$0x18100] =	vst v63  }
0x23: {  	v3 =	vadd.s32 v1, v3  }
0x24: {  	[tilespmem:s22], [sflag:$0x1] =	stream.indirect_vreg.gather [hbm4b:s6+s2], $0x80, v4, vm0, $0xb8;
	[tilespmem:$0x18100] =	vst v63  }
0x25: {  	_ = 	snop  }
0x26: {  	[tilespmem:s23], [sflag:$0x1] =	stream.indirect_vreg.gather [hbm4b:s7+s2], $0x80, v4, vm0, $0xb8;
	[tilespmem:$0x18100] =	vst v63  }
0x27: {  	_ = 	snop  }
0x28: {  	[tilespmem:s24], [sflag:$0x1] =	stream.indirect_vreg.gather [hbm4b:s3+s2], $0x80, v3, vm0, $0xb8;
	[tilespmem:$0x18100] =	vst v63  }
0x29: {  	_ = 	snop  }
0x2a: {  	[tilespmem:s25], [sflag:$0x1] =	stream.indirect_vreg.gather [hbm4b:s5+s2], $0x80, v3, vm0, $0xb8;
	[tilespmem:$0x18100] =	vst v63  }
0x2b: {  	_ = 	snop  }
0x2c: {  	[tilespmem:s28], [sflag:$0x1] =	stream.indirect_vreg.gather [hbm4b:s6+s2], $0x80, v3, vm0, $0xb8;
	[tilespmem:$0x18100] =	vst v63  }
0x2d: {  	_ = 	snop  }
0x2e: {  	[tilespmem:s29], [sflag:$0x1] =	stream.indirect_vreg.gather [hbm4b:s7+s2], $0x80, v3, vm0, $0xb8;
	[tilespmem:$0x18100] =	vst v63  }
0x2f: {  	v3 =	vld [tilespmem:$0x10];
	_ =	sdelay $0x4  }
0x30: {  	v53 =	vshll.u32 v3, $0x3  }
0x31: {  	v3 =	vand.u32 $0x7, v3;
	v4 =	vand.u32 $0xFFFFFFC0, v53  }
0x32: {  	v3 =	vor.u32 v3, v4  }
0x33: {  	v4 =	vperm.xlane v3, v0;
	_ =	sdelay $0x1  }
0x34: {  	v4 =	vadd.s32 v1, v4;
	_ =	sdelay $0x4  }
0x35: {  	[tilespmem:s30], [sflag:$0x1] =	stream.indirect_vreg.gather [hbm4b:s3+s2], $0x80, v4, vm0, $0xb8;
	[tilespmem:$0x18100] =	vst v63  }
0x36: {  	v3 =	vperm.xlane v3, v2  }
0x37: {  	[tilespmem:s31], [sflag:$0x1] =	stream.indirect_vreg.gather [hbm4b:s5+s2], $0x80, v4, vm0, $0xb8;
	[tilespmem:$0x18100] =	vst v63  }
0x38: {  	v3 =	vadd.s32 v1, v3  }
0x39: {  	[tilespmem:s13], [sflag:$0x1] =	stream.indirect_vreg.gather [hbm4b:s6+s2], $0x80, v4, vm0, $0xb8;
	[tilespmem:$0x18100] =	vst v63  }
0x3a: {  	s10 =	simm.s32 $0x5900  }
0x3b: {  	[tilespmem:s10], [sflag:$0x1] =	stream.indirect_vreg.gather [hbm4b:s7+s2], $0x80, v4, vm0, $0xb8;
	[tilespmem:$0x18100] =	vst v63  }
0x3c: {  	_ = 	snop  }
0x3d: {  	[tilespmem:s14], [sflag:$0x1] =	stream.indirect_vreg.gather [hbm4b:s3+s2], $0x80, v3, vm0, $0xb8;
	[tilespmem:$0x18100] =	vst v63  }
0x3e: {  	s11 =	simm.s32 $0x6900  }
0x3f: {  	[tilespmem:s11], [sflag:$0x1] =	stream.indirect_vreg.gather [hbm4b:s5+s2], $0x80, v3, vm0, $0xb8;
	[tilespmem:$0x18100] =	vst v63  }
0x40: {  	s12 =	simm.s32 $0x7100  }
0x41: {  	[tilespmem:s12], [sflag:$0x1] =	stream.indirect_vreg.gather [hbm4b:s6+s2], $0x80, v3, vm0, $0xb8;
	[tilespmem:$0x18100] =	vst v63  }
0x42: {  	s9 =	simm.s32 $0x7900  }
0x43: {  	[tilespmem:s9], [sflag:$0x1] =	stream.indirect_vreg.gather [hbm4b:s7+s2], $0x80, v3, vm0, $0xb8;
	[tilespmem:$0x18100] =	vst v63  }
0x44: {  	v3 =	vld [tilespmem:$0x20];
	_ =	sdelay $0x4  }
0x45: {  	v54 =	vshll.u32 v3, $0x3  }
0x46: {  	v3 =	vand.u32 $0x7, v3;
	v4 =	vand.u32 $0xFFFFFFC0, v54  }
0x47: {  	v3 =	vor.u32 v3, v4  }
0x48: {  	v4 =	vperm.xlane v3, v0;
	_ =	sdelay $0x1  }
0x49: {  	v4 =	vadd.s32 v1, v4;
	_ =	sdelay $0x4  }
0x4a: {  	[tilespmem:s19], [sflag:$0x2] =	stream.indirect_vreg.gather [hbm4b:s3+s2], $0x80, v4, vm0, $0xb8;
	[tilespmem:$0x18100] =	vst v63  }
0x4b: {  	s20 =	simm.s32 $0x8900;
	v3 =	vperm.xlane v3, v2  }
0x4c: {  	[tilespmem:s20], [sflag:$0x2] =	stream.indirect_vreg.gather [hbm4b:s5+s2], $0x80, v4, vm0, $0xb8;
	[tilespmem:$0x18100] =	vst v63  }
0x4d: {  	s8 =	simm.s32 $0x9100;
	v3 =	vadd.s32 v1, v3  }
0x4e: {  	[tilespmem:s8], [sflag:$0x2] =	stream.indirect_vreg.gather [hbm4b:s6+s2], $0x80, v4, vm0, $0xb8;
	[tilespmem:$0x18100] =	vst v63  }
0x4f: {  	_ = 	snop  }
0x50: {  	[tilespmem:s26], [sflag:$0x2] =	stream.indirect_vreg.gather [hbm4b:s7+s2], $0x80, v4, vm0, $0xb8;
	[tilespmem:$0x18100] =	vst v63  }
0x51: {  	s20 =	simm.s32 $0xA100  }
0x52: {  	[tilespmem:s20], [sflag:$0x2] =	stream.indirect_vreg.gather [hbm4b:s3+s2], $0x80, v3, vm0, $0xb8;
	[tilespmem:$0x18100] =	vst v63  }
0x53: {  	s8 =	simm.s32 $0xA900  }
0x54: {  	[tilespmem:s8], [sflag:$0x2] =	stream.indirect_vreg.gather [hbm4b:s5+s2], $0x80, v3, vm0, $0xb8;
	[tilespmem:$0x18100] =	vst v63  }
0x55: {  	_ = 	snop  }
0x56: {  	[tilespmem:s16], [sflag:$0x2] =	stream.indirect_vreg.gather [hbm4b:s6+s2], $0x80, v3, vm0, $0xb8;
	[tilespmem:$0x18100] =	vst v63  }
0x57: {  	_ = 	snop  }
0x58: {  	[tilespmem:s17], [sflag:$0x2] =	stream.indirect_vreg.gather [hbm4b:s7+s2], $0x80, v3, vm0, $0xb8;
	[tilespmem:$0x18100] =	vst v63  }
0x59: {  	v3 =	vld [tilespmem:$0x30];
	_ =	sdelay $0x4  }
0x5a: {  	v55 =	vshll.u32 v3, $0x3  }
0x5b: {  	v3 =	vand.u32 $0x7, v3;
	v4 =	vand.u32 $0xFFFFFFC0, v55  }
0x5c: {  	v3 =	vor.u32 v3, v4  }
0x5d: {  	v4 =	vperm.xlane v3, v0;
	_ =	sdelay $0x1  }
0x5e: {  	v4 =	vadd.s32 v1, v4;
	_ =	sdelay $0x4  }
0x5f: {  	[tilespmem:s18], [sflag:$0x2] =	stream.indirect_vreg.gather [hbm4b:s3+s2], $0x80, v4, vm0, $0xb8;
	[tilespmem:$0x18100] =	vst v63  }
0x60: {  	s20 =	simm.s32 $0xC900;
	v3 =	vperm.xlane v3, v2  }
0x61: {  	[tilespmem:s20], [sflag:$0x2] =	stream.indirect_vreg.gather [hbm4b:s5+s2], $0x80, v4, vm0, $0xb8;
	[tilespmem:$0x18100] =	vst v63  }
0x62: {  	s8 =	simm.s32 $0xD100;
	v3 =	vadd.s32 v1, v3  }
0x63: {  	[tilespmem:s8], [sflag:$0x2] =	stream.indirect_vreg.gather [hbm4b:s6+s2], $0x80, v4, vm0, $0xb8;
	[tilespmem:$0x18100] =	vst v63  }
0x64: {  	s20 =	simm.s32 $0xD900  }
0x65: {  	[tilespmem:s20], [sflag:$0x2] =	stream.indirect_vreg.gather [hbm4b:s7+s2], $0x80, v4, vm0, $0xb8;
	[tilespmem:$0x18100] =	vst v63  }
0x66: {  	s8 =	simm.s32 $0xE100  }
0x67: {  	[tilespmem:s8], [sflag:$0x2] =	stream.indirect_vreg.gather [hbm4b:s3+s2], $0x80, v3, vm0, $0xb8;
	[tilespmem:$0x18100] =	vst v63  }
0x68: {  	s20 =	simm.s32 $0xE900  }
0x69: {  	[tilespmem:s20], [sflag:$0x2] =	stream.indirect_vreg.gather [hbm4b:s5+s2], $0x80, v3, vm0, $0xb8;
	[tilespmem:$0x18100] =	vst v63  }
0x6a: {  	s8 =	simm.s32 $0xF100  }
0x6b: {  	[tilespmem:s8], [sflag:$0x2] =	stream.indirect_vreg.gather [hbm4b:s6+s2], $0x80, v3, vm0, $0xb8;
	[tilespmem:$0x18100] =	vst v63  }
0x6c: {  	s20 =	simm.s32 $0xF900  }
0x6d: {  	[tilespmem:s20], [sflag:$0x2] =	stream.indirect_vreg.gather [hbm4b:s7+s2], $0x80, v3, vm0, $0xb8;
	[tilespmem:$0x18100] =	vst v63  }
0x6e: {  	v3 =	vld [tilespmem:$0x40];
	_ =	sdelay $0x4  }
0x6f: {  	v56 =	vshll.u32 v3, $0x3  }
0x70: {  	v3 =	vand.u32 $0x7, v3;
	v4 =	vand.u32 $0xFFFFFFC0, v56  }
0x71: {  	v3 =	vor.u32 v3, v4  }
0x72: {  	v4 =	vperm.xlane v3, v0;
	_ =	sdelay $0x1  }
0x73: {  	v4 =	vadd.s32 v1, v4;
	_ =	sdelay $0x4  }
0x74: {  	[tilespmem:s4], [sflag:$0x3] =	stream.indirect_vreg.gather [hbm4b:s3+s2], $0x80, v4, vm0, $0xb8;
	[tilespmem:$0x18100] =	vst v63  }
0x75: {  	s8 =	simm.s32 $0x10900;
	v3 =	vperm.xlane v3, v2  }
0x76: {  	[tilespmem:s8], [sflag:$0x3] =	stream.indirect_vreg.gather [hbm4b:s5+s2], $0x80, v4, vm0, $0xb8;
	[tilespmem:$0x18100] =	vst v63  }
0x77: {  	s20 =	simm.s32 $0x11100;
	v3 =	vadd.s32 v1, v3  }
0x78: {  	[tilespmem:s20], [sflag:$0x3] =	stream.indirect_vreg.gather [hbm4b:s6+s2], $0x80, v4, vm0, $0xb8;
	[tilespmem:$0x18100] =	vst v63  }
0x79: {  	s8 =	simm.s32 $0x11900  }
0x7a: {  	[tilespmem:s8], [sflag:$0x3] =	stream.indirect_vreg.gather [hbm4b:s7+s2], $0x80, v4, vm0, $0xb8;
	[tilespmem:$0x18100] =	vst v63  }
0x7b: {  	s20 =	simm.s32 $0x12100  }
0x7c: {  	[tilespmem:s20], [sflag:$0x3] =	stream.indirect_vreg.gather [hbm4b:s3+s2], $0x80, v3, vm0, $0xb8;
	[tilespmem:$0x18100] =	vst v63  }
0x7d: {  	s8 =	simm.s32 $0x12900  }
0x7e: {  	[tilespmem:s8], [sflag:$0x3] =	stream.indirect_vreg.gather [hbm4b:s5+s2], $0x80, v3, vm0, $0xb8;
	[tilespmem:$0x18100] =	vst v63  }
0x7f: {  	s20 =	simm.s32 $0x13100  }
0x80: {  	[tilespmem:s20], [sflag:$0x3] =	stream.indirect_vreg.gather [hbm4b:s6+s2], $0x80, v3, vm0, $0xb8;
	[tilespmem:$0x18100] =	vst v63  }
0x81: {  	s8 =	simm.s32 $0x13900  }
0x82: {  	[tilespmem:s8], [sflag:$0x3] =	stream.indirect_vreg.gather [hbm4b:s7+s2], $0x80, v3, vm0, $0xb8;
	[tilespmem:$0x18100] =	vst v63  }
0x83: {  	v3 =	vld [tilespmem:$0x50];
	_ =	sdelay $0x4  }
0x84: {  	v57 =	vshll.u32 v3, $0x3  }
0x85: {  	v3 =	vand.u32 $0x7, v3;
	v4 =	vand.u32 $0xFFFFFFC0, v57  }
0x86: {  	v3 =	vor.u32 v3, v4  }
0x87: {  	v4 =	vperm.xlane v3, v0;
	_ =	sdelay $0x1  }
0x88: {  	v4 =	vadd.s32 v1, v4;
	_ =	sdelay $0x3  }
0x89: {  	s20 =	simm.s32 $0x14100  }
0x8a: {  	[tilespmem:s20], [sflag:$0x3] =	stream.indirect_vreg.gather [hbm4b:s3+s2], $0x80, v4, vm0, $0xb8;
	[tilespmem:$0x18100] =	vst v63  }
0x8b: {  	s8 =	simm.s32 $0x14900;
	v3 =	vperm.xlane v3, v2  }
0x8c: {  	[tilespmem:s8], [sflag:$0x3] =	stream.indirect_vreg.gather [hbm4b:s5+s2], $0x80, v4, vm0, $0xb8;
	[tilespmem:$0x18100] =	vst v63  }
0x8d: {  	v3 =	vadd.s32 v1, v3;
	s20 =	simm.s32 $0x15100  }
0x8e: {  	[tilespmem:s20], [sflag:$0x3] =	stream.indirect_vreg.gather [hbm4b:s6+s2], $0x80, v4, vm0, $0xb8;
	[tilespmem:$0x18100] =	vst v63  }
0x8f: {  	s8 =	simm.s32 $0x15900  }
0x90: {  	[tilespmem:s8], [sflag:$0x3] =	stream.indirect_vreg.gather [hbm4b:s7+s2], $0x80, v4, vm0, $0xb8;
	[tilespmem:$0x18100] =	vst v63  }
0x91: {  	s20 =	simm.s32 $0x16100  }
0x92: {  	[tilespmem:s20], [sflag:$0x3] =	stream.indirect_vreg.gather [hbm4b:s3+s2], $0x80, v3, vm0, $0xb8;
	[tilespmem:$0x18100] =	vst v63  }
0x93: {  	s8 =	simm.s32 $0x16900  }
0x94: {  	[tilespmem:s8], [sflag:$0x3] =	stream.indirect_vreg.gather [hbm4b:s5+s2], $0x80, v3, vm0, $0xb8;
	[tilespmem:$0x18100] =	vst v63  }
0x95: {  	s20 =	simm.s32 $0x17100  }
0x96: {  	[tilespmem:s20], [sflag:$0x3] =	stream.indirect_vreg.gather [hbm4b:s6+s2], $0x80, v3, vm0, $0xb8;
	[tilespmem:$0x18100] =	vst v63  }
0x97: {  	s0 =	simm.s32 $0x1;
	s8 =	simm.s32 $0x17900  }
0x98: {  	[tilespmem:s8], [sflag:$0x3] =	stream.indirect_vreg.gather [hbm4b:s7+s2], $0x80, v3, vm0, $0xb8;
	[tilespmem:$0x18100] =	vst v63  }
0x99: {  	_ =	swait.ge [sflag:s0], $0x8000  }
0x9a: {  	[sflag:s0] =	ssyncset.done $0x0  }
0x9b: {  	s8 =	simm.s32 $0x100;
	s20 =	rddreg [dreg:$0x8];
	[sflag:s0] =	ssyncadd.s32 $0xFFFF8000  }
0x9c: {  	[hbm4b:s20+s2] =	stream.linear.scatter [tilespmem:s8], [sflag:$0x4], $0x8000, $0x38;
	[tilespmem:$0x18100] =	vst v63  }
0x9d: {  	_ =	swait.ge [sflag:s1], $0x8000  }
0x9e: {  	[sflag:s1] =	ssyncset.done $0x0  }
0x9f: {  	[sflag:s1] =	ssyncadd.s32 $0xFFFF8000  }
0xa0: {  	v3 =	vld [tilespmem:$0x60];
	_ =	sdelay $0x4  }
0xa1: {  	v58 =	vshll.u32 v3, $0x3  }
0xa2: {  	v3 =	vand.u32 $0x7, v3;
	v4 =	vand.u32 $0xFFFFFFC0, v58  }
0xa3: {  	v3 =	vor.u32 v3, v4  }
0xa4: {  	v4 =	vperm.xlane v3, v0;
	_ =	sdelay $0x1  }
0xa5: {  	v4 =	vadd.s32 v1, v4;
	_ =	sdelay $0x4  }
0xa6: {  	[tilespmem:s8], [sflag:$0x1] =	stream.indirect_vreg.gather [hbm4b:s3+s2], $0x80, v4, vm0, $0xb8;
	[tilespmem:$0x18100] =	vst v63  }
0xa7: {  	v3 =	vperm.xlane v3, v2  }
0xa8: {  	[tilespmem:s21], [sflag:$0x1] =	stream.indirect_vreg.gather [hbm4b:s5+s2], $0x80, v4, vm0, $0xb8;
	[tilespmem:$0x18100] =	vst v63  }
0xa9: {  	v3 =	vadd.s32 v1, v3  }
0xaa: {  	[tilespmem:s22], [sflag:$0x1] =	stream.indirect_vreg.gather [hbm4b:s6+s2], $0x80, v4, vm0, $0xb8;
	[tilespmem:$0x18100] =	vst v63  }
0xab: {  	_ = 	snop  }
0xac: {  	[tilespmem:s23], [sflag:$0x1] =	stream.indirect_vreg.gather [hbm4b:s7+s2], $0x80, v4, vm0, $0xb8;
	[tilespmem:$0x18100] =	vst v63  }
0xad: {  	_ = 	snop  }
0xae: {  	[tilespmem:s24], [sflag:$0x1] =	stream.indirect_vreg.gather [hbm4b:s3+s2], $0x80, v3, vm0, $0xb8;
	[tilespmem:$0x18100] =	vst v63  }
0xaf: {  	_ = 	snop  }
0xb0: {  	[tilespmem:s25], [sflag:$0x1] =	stream.indirect_vreg.gather [hbm4b:s5+s2], $0x80, v3, vm0, $0xb8;
	[tilespmem:$0x18100] =	vst v63  }
0xb1: {  	_ = 	snop  }
0xb2: {  	[tilespmem:s28], [sflag:$0x1] =	stream.indirect_vreg.gather [hbm4b:s6+s2], $0x80, v3, vm0, $0xb8;
	[tilespmem:$0x18100] =	vst v63  }
0xb3: {  	_ = 	snop  }
0xb4: {  	[tilespmem:s29], [sflag:$0x1] =	stream.indirect_vreg.gather [hbm4b:s7+s2], $0x80, v3, vm0, $0xb8;
	[tilespmem:$0x18100] =	vst v63  }
0xb5: {  	v3 =	vld [tilespmem:$0x70];
	_ =	sdelay $0x4  }
0xb6: {  	v59 =	vshll.u32 v3, $0x3  }
0xb7: {  	v3 =	vand.u32 $0x7, v3;
	v4 =	vand.u32 $0xFFFFFFC0, v59  }
0xb8: {  	v3 =	vor.u32 v3, v4  }
0xb9: {  	v4 =	vperm.xlane v3, v0;
	_ =	sdelay $0x1  }
0xba: {  	v4 =	vadd.s32 v1, v4;
	_ =	sdelay $0x4  }
0xbb: {  	[tilespmem:s30], [sflag:$0x1] =	stream.indirect_vreg.gather [hbm4b:s3+s2], $0x80, v4, vm0, $0xb8;
	[tilespmem:$0x18100] =	vst v63  }
0xbc: {  	v3 =	vperm.xlane v3, v2  }
0xbd: {  	[tilespmem:s31], [sflag:$0x1] =	stream.indirect_vreg.gather [hbm4b:s5+s2], $0x80, v4, vm0, $0xb8;
	[tilespmem:$0x18100] =	vst v63  }
0xbe: {  	v3 =	vadd.s32 v1, v3  }
0xbf: {  	[tilespmem:s13], [sflag:$0x1] =	stream.indirect_vreg.gather [hbm4b:s6+s2], $0x80, v4, vm0, $0xb8;
	[tilespmem:$0x18100] =	vst v63  }
0xc0: {  	_ = 	snop  }
0xc1: {  	[tilespmem:s10], [sflag:$0x1] =	stream.indirect_vreg.gather [hbm4b:s7+s2], $0x80, v4, vm0, $0xb8;
	[tilespmem:$0x18100] =	vst v63  }
0xc2: {  	_ = 	snop  }
0xc3: {  	[tilespmem:s14], [sflag:$0x1] =	stream.indirect_vreg.gather [hbm4b:s3+s2], $0x80, v3, vm0, $0xb8;
	[tilespmem:$0x18100] =	vst v63  }
0xc4: {  	_ = 	snop  }
0xc5: {  	[tilespmem:s11], [sflag:$0x1] =	stream.indirect_vreg.gather [hbm4b:s5+s2], $0x80, v3, vm0, $0xb8;
	[tilespmem:$0x18100] =	vst v63  }
0xc6: {  	_ = 	snop  }
0xc7: {  	[tilespmem:s12], [sflag:$0x1] =	stream.indirect_vreg.gather [hbm4b:s6+s2], $0x80, v3, vm0, $0xb8;
	[tilespmem:$0x18100] =	vst v63  }
0xc8: {  	_ = 	snop  }
0xc9: {  	[tilespmem:s9], [sflag:$0x1] =	stream.indirect_vreg.gather [hbm4b:s7+s2], $0x80, v3, vm0, $0xb8;
	[tilespmem:$0x18100] =	vst v63  }
0xca: {  	s9 =	simm.s32 $0x2  }
0xcb: {  	_ =	swait.ge [sflag:s9], $0x8000  }
0xcc: {  	[sflag:s9] =	ssyncset.done $0x0  }
0xcd: {  	s10 =	simm.s32 $0x5;
	s12 =	rddreg [dreg:$0x3];
	[sflag:s9] =	ssyncadd.s32 $0xFFFF8000  }
0xce: {  	[hbm4b:s12+s2] =	stream.linear.scatter [tilespmem:s19], [sflag:$0x5], $0x8000, $0x38;
	[tilespmem:$0x18100] =	vst v63  }
0xcf: {  	_ =	swait.ge [sflag:s10], $0x8000  }
0xd0: {  	[sflag:s10] =	ssyncset.done $0x0  }
0xd1: {  	[sflag:s10] =	ssyncadd.s32 $0xFFFF8000  }
0xd2: {  	v3 =	vld [tilespmem:$0x80];
	_ =	sdelay $0x4  }
0xd3: {  	v60 =	vshll.u32 v3, $0x3  }
0xd4: {  	v3 =	vand.u32 $0x7, v3;
	v4 =	vand.u32 $0xFFFFFFC0, v60  }
0xd5: {  	v3 =	vor.u32 v3, v4  }
0xd6: {  	v4 =	vperm.xlane v3, v0;
	_ =	sdelay $0x1  }
0xd7: {  	v4 =	vadd.s32 v1, v4;
	_ =	sdelay $0x4  }
0xd8: {  	[tilespmem:s19], [sflag:$0x2] =	stream.indirect_vreg.gather [hbm4b:s3+s2], $0x80, v4, vm0, $0xb8;
	[tilespmem:$0x18100] =	vst v63  }
0xd9: {  	s20 =	simm.s32 $0x8900;
	v3 =	vperm.xlane v3, v2  }
0xda: {  	[tilespmem:s20], [sflag:$0x2] =	stream.indirect_vreg.gather [hbm4b:s5+s2], $0x80, v4, vm0, $0xb8;
	[tilespmem:$0x18100] =	vst v63  }
0xdb: {  	s11 =	simm.s32 $0x9100;
	v3 =	vadd.s32 v1, v3  }
0xdc: {  	[tilespmem:s11], [sflag:$0x2] =	stream.indirect_vreg.gather [hbm4b:s6+s2], $0x80, v4, vm0, $0xb8;
	[tilespmem:$0x18100] =	vst v63  }
0xdd: {  	_ = 	snop  }
0xde: {  	[tilespmem:s26], [sflag:$0x2] =	stream.indirect_vreg.gather [hbm4b:s7+s2], $0x80, v4, vm0, $0xb8;
	[tilespmem:$0x18100] =	vst v63  }
0xdf: {  	s12 =	simm.s32 $0xA100  }
0xe0: {  	[tilespmem:s12], [sflag:$0x2] =	stream.indirect_vreg.gather [hbm4b:s3+s2], $0x80, v3, vm0, $0xb8;
	[tilespmem:$0x18100] =	vst v63  }
0xe1: {  	s20 =	simm.s32 $0xA900  }
0xe2: {  	[tilespmem:s20], [sflag:$0x2] =	stream.indirect_vreg.gather [hbm4b:s5+s2], $0x80, v3, vm0, $0xb8;
	[tilespmem:$0x18100] =	vst v63  }
0xe3: {  	_ = 	snop  }
0xe4: {  	[tilespmem:s16], [sflag:$0x2] =	stream.indirect_vreg.gather [hbm4b:s6+s2], $0x80, v3, vm0, $0xb8;
	[tilespmem:$0x18100] =	vst v63  }
0xe5: {  	_ = 	snop  }
0xe6: {  	[tilespmem:s17], [sflag:$0x2] =	stream.indirect_vreg.gather [hbm4b:s7+s2], $0x80, v3, vm0, $0xb8;
	[tilespmem:$0x18100] =	vst v63  }
0xe7: {  	v3 =	vld [tilespmem:$0x90];
	_ =	sdelay $0x4  }
0xe8: {  	v61 =	vshll.u32 v3, $0x3  }
0xe9: {  	v3 =	vand.u32 $0x7, v3;
	v4 =	vand.u32 $0xFFFFFFC0, v61  }
0xea: {  	v3 =	vor.u32 v3, v4  }
0xeb: {  	v4 =	vperm.xlane v3, v0;
	_ =	sdelay $0x1  }
0xec: {  	v4 =	vadd.s32 v1, v4;
	_ =	sdelay $0x4  }
0xed: {  	[tilespmem:s18], [sflag:$0x2] =	stream.indirect_vreg.gather [hbm4b:s3+s2], $0x80, v4, vm0, $0xb8;
	[tilespmem:$0x18100] =	vst v63  }
0xee: {  	s11 =	simm.s32 $0xC900;
	v3 =	vperm.xlane v3, v2  }
0xef: {  	[tilespmem:s11], [sflag:$0x2] =	stream.indirect_vreg.gather [hbm4b:s5+s2], $0x80, v4, vm0, $0xb8;
	[tilespmem:$0x18100] =	vst v63  }
0xf0: {  	s12 =	simm.s32 $0xD100;
	v3 =	vadd.s32 v1, v3  }
0xf1: {  	[tilespmem:s12], [sflag:$0x2] =	stream.indirect_vreg.gather [hbm4b:s6+s2], $0x80, v4, vm0, $0xb8;
	[tilespmem:$0x18100] =	vst v63  }
0xf2: {  	s20 =	simm.s32 $0xD900  }
0xf3: {  	[tilespmem:s20], [sflag:$0x2] =	stream.indirect_vreg.gather [hbm4b:s7+s2], $0x80, v4, vm0, $0xb8;
	[tilespmem:$0x18100] =	vst v63  }
0xf4: {  	s11 =	simm.s32 $0xE100  }
0xf5: {  	[tilespmem:s11], [sflag:$0x2] =	stream.indirect_vreg.gather [hbm4b:s3+s2], $0x80, v3, vm0, $0xb8;
	[tilespmem:$0x18100] =	vst v63  }
0xf6: {  	s12 =	simm.s32 $0xE900  }
0xf7: {  	[tilespmem:s12], [sflag:$0x2] =	stream.indirect_vreg.gather [hbm4b:s5+s2], $0x80, v3, vm0, $0xb8;
	[tilespmem:$0x18100] =	vst v63  }
0xf8: {  	s20 =	simm.s32 $0xF100  }
0xf9: {  	[tilespmem:s20], [sflag:$0x2] =	stream.indirect_vreg.gather [hbm4b:s6+s2], $0x80, v3, vm0, $0xb8;
	[tilespmem:$0x18100] =	vst v63  }
0xfa: {  	s11 =	simm.s32 $0xF900  }
0xfb: {  	[tilespmem:s11], [sflag:$0x2] =	stream.indirect_vreg.gather [hbm4b:s7+s2], $0x80, v3, vm0, $0xb8;
	[tilespmem:$0x18100] =	vst v63  }
0xfc: {  	s11 =	simm.s32 $0x3  }
0xfd: {  	_ =	swait.ge [sflag:s11], $0x8000  }
0xfe: {  	[sflag:s11] =	ssyncset.done $0x0  }
0xff: {  	s12 =	rddreg [dreg:$0x4];
	[sflag:s11] =	ssyncadd.s32 $0xFFFF8000  }
0x100: {  	[hbm4b:s12+s2] =	stream.linear.scatter [tilespmem:s4], [sflag:$0x6], $0x8000, $0x38;
	[tilespmem:$0x18100] =	vst v63  }
0x101: {  	s12 =	simm.s32 $0x6  }
0x102: {  	_ =	swait.ge [sflag:s12], $0x8000  }
0x103: {  	[sflag:s12] =	ssyncset.done $0x0  }
0x104: {  	[sflag:s12] =	ssyncadd.s32 $0xFFFF8000  }
0x105: {  	v3 =	vld [tilespmem:$0xA0];
	_ =	sdelay $0x4  }
0x106: {  	v62 =	vshll.u32 v3, $0x3  }
0x107: {  	v3 =	vand.u32 $0x7, v3;
	v4 =	vand.u32 $0xFFFFFFC0, v62  }
0x108: {  	v3 =	vor.u32 v3, v4  }
0x109: {  	v4 =	vperm.xlane v3, v0;
	_ =	sdelay $0x1  }
0x10a: {  	v4 =	vadd.s32 v1, v4;
	_ =	sdelay $0x4  }
0x10b: {  	[tilespmem:s4], [sflag:$0x3] =	stream.indirect_vreg.gather [hbm4b:s3+s2], $0x80, v4, vm0, $0xb8;
	[tilespmem:$0x18100] =	vst v63  }
0x10c: {  	s20 =	simm.s32 $0x10900;
	v3 =	vperm.xlane v3, v2  }
0x10d: {  	[tilespmem:s20], [sflag:$0x3] =	stream.indirect_vreg.gather [hbm4b:s5+s2], $0x80, v4, vm0, $0xb8;
	[tilespmem:$0x18100] =	vst v63  }
0x10e: {  	v3 =	vadd.s32 v1, v3;
	s20 =	simm.s32 $0x11100  }
0x10f: {  	[tilespmem:s20], [sflag:$0x3] =	stream.indirect_vreg.gather [hbm4b:s6+s2], $0x80, v4, vm0, $0xb8;
	[tilespmem:$0x18100] =	vst v63  }
0x110: {  	s20 =	simm.s32 $0x11900  }
0x111: {  	[tilespmem:s20], [sflag:$0x3] =	stream.indirect_vreg.gather [hbm4b:s7+s2], $0x80, v4, vm0, $0xb8;
	[tilespmem:$0x18100] =	vst v63  }
0x112: {  	s20 =	simm.s32 $0x12100  }
0x113: {  	[tilespmem:s20], [sflag:$0x3] =	stream.indirect_vreg.gather [hbm4b:s3+s2], $0x80, v3, vm0, $0xb8;
	[tilespmem:$0x18100] =	vst v63  }
0x114: {  	s20 =	simm.s32 $0x12900  }
0x115: {  	[tilespmem:s20], [sflag:$0x3] =	stream.indirect_vreg.gather [hbm4b:s5+s2], $0x80, v3, vm0, $0xb8;
	[tilespmem:$0x18100] =	vst v63  }
0x116: {  	s20 =	simm.s32 $0x13100  }
0x117: {  	[tilespmem:s20], [sflag:$0x3] =	stream.indirect_vreg.gather [hbm4b:s6+s2], $0x80, v3, vm0, $0xb8;
	[tilespmem:$0x18100] =	vst v63  }
0x118: {  	s20 =	simm.s32 $0x13900  }
0x119: {  	[tilespmem:s20], [sflag:$0x3] =	stream.indirect_vreg.gather [hbm4b:s7+s2], $0x80, v3, vm0, $0xb8;
	[tilespmem:$0x18100] =	vst v63  }
0x11a: {  	v3 =	vld [tilespmem:$0xB0];
	_ =	sdelay $0x4  }
0x11b: {  	v63 =	vshll.u32 v3, $0x3  }
0x11c: {  	v3 =	vand.u32 $0x7, v3;
	v4 =	vand.u32 $0xFFFFFFC0, v63  }
0x11d: {  	v3 =	vor.u32 v3, v4  }
0x11e: {  	v4 =	vperm.xlane v3, v0;
	_ =	sdelay $0x1  }
0x11f: {  	v4 =	vadd.s32 v1, v4;
	_ =	sdelay $0x3  }
0x120: {  	s20 =	simm.s32 $0x14100  }
0x121: {  	[tilespmem:s20], [sflag:$0x3] =	stream.indirect_vreg.gather [hbm4b:s3+s2], $0x80, v4, vm0, $0xb8;
	[tilespmem:$0x18100] =	vst v63  }
0x122: {  	v3 =	vperm.xlane v3, v2;
	s20 =	simm.s32 $0x14900  }
0x123: {  	[tilespmem:s20], [sflag:$0x3] =	stream.indirect_vreg.gather [hbm4b:s5+s2], $0x80, v4, vm0, $0xb8;
	[tilespmem:$0x18100] =	vst v63  }
0x124: {  	v3 =	vadd.s32 v1, v3;
	s20 =	simm.s32 $0x15100  }
0x125: {  	[tilespmem:s20], [sflag:$0x3] =	stream.indirect_vreg.gather [hbm4b:s6+s2], $0x80, v4, vm0, $0xb8;
	[tilespmem:$0x18100] =	vst v63  }
0x126: {  	s20 =	simm.s32 $0x15900  }
0x127: {  	[tilespmem:s20], [sflag:$0x3] =	stream.indirect_vreg.gather [hbm4b:s7+s2], $0x80, v4, vm0, $0xb8;
	[tilespmem:$0x18100] =	vst v63  }
0x128: {  	s20 =	simm.s32 $0x16100  }
0x129: {  	[tilespmem:s20], [sflag:$0x3] =	stream.indirect_vreg.gather [hbm4b:s3+s2], $0x80, v3, vm0, $0xb8;
	[tilespmem:$0x18100] =	vst v63  }
0x12a: {  	s20 =	simm.s32 $0x16900  }
0x12b: {  	[tilespmem:s20], [sflag:$0x3] =	stream.indirect_vreg.gather [hbm4b:s5+s2], $0x80, v3, vm0, $0xb8;
	[tilespmem:$0x18100] =	vst v63  }
0x12c: {  	s20 =	simm.s32 $0x17100  }
0x12d: {  	[tilespmem:s20], [sflag:$0x3] =	stream.indirect_vreg.gather [hbm4b:s6+s2], $0x80, v3, vm0, $0xb8;
	[tilespmem:$0x18100] =	vst v63  }
0x12e: {  	s20 =	simm.s32 $0x17900  }
0x12f: {  	[tilespmem:s20], [sflag:$0x3] =	stream.indirect_vreg.gather [hbm4b:s7+s2], $0x80, v3, vm0, $0xb8;
	[tilespmem:$0x18100] =	vst v63  }
0x130: {  	_ =	swait.ge [sflag:s0], $0x8000  }
0x131: {  	[sflag:s0] =	ssyncset.done $0x0  }
0x132: {  	s8 =	simm.s32 $0x100;
	s20 =	rddreg [dreg:$0x5];
	[sflag:s0] =	ssyncadd.s32 $0xFFFF8000  }
0x133: {  	[hbm4b:s20+s2] =	stream.linear.scatter [tilespmem:s8], [sflag:$0x4], $0x8000, $0x38;
	[tilespmem:$0x18100] =	vst v63  }
0x134: {  	_ =	swait.ge [sflag:s9], $0x8000  }
0x135: {  	[sflag:s9] =	ssyncset.done $0x0  }
0x136: {  	s8 =	rddreg [dreg:$0x6];
	[sflag:s9] =	ssyncadd.s32 $0xFFFF8000  }
0x137: {  	[hbm4b:s8+s2] =	stream.linear.scatter [tilespmem:s19], [sflag:$0x5], $0x8000, $0x38;
	[tilespmem:$0x18100] =	vst v63  }
0x138: {  	_ =	swait.ge [sflag:s11], $0x8000  }
0x139: {  	[sflag:s11] =	ssyncset.done $0x0  }
0x13a: {  	s9 =	rddreg [dreg:$0x7];
	[sflag:s11] =	ssyncadd.s32 $0xFFFF8000  }
0x13b: {  	[hbm4b:s9+s2] =	stream.linear.scatter [tilespmem:s4], [sflag:$0x6], $0x8000, $0x38;
	[tilespmem:$0x18100] =	vst v63  }
0x13c: {  	_ =	swait.ge [sflag:s1], $0x8000  }
0x13d: {  	[sflag:s1] =	ssyncset.done $0x0  }
0x13e: {  	[sflag:s1] =	ssyncadd.s32 $0xFFFF8000  }
0x13f: {  	p0 =	sne.s32 s15, $0x1;
	_ =	swait.ge [sflag:s10], $0x8000  }
.Ltmp0:
0x140: {  	[sflag:s10] =	ssyncset.done $0x0;
	(pc) =	sbr.rel @p0 .LBB2_1-.Ltmp0, $4  }
0x141: {  	[sflag:s10] =	ssyncadd.s32 $0xFFFF8000  }
0x142: {  	_ =	swait.ge [sflag:s12], $0x8000  }
0x143: {  	[sflag:s12] =	ssyncset.done $0x0  }
0x144: {  	s15 =	sadd.s32 $0xFFFFFFFF, s15;
	[sflag:s12] =	ssyncadd.s32 $0xFFFF8000  }
0x145: {  	_ =	sfence.sel $0x180000  }
0x146: {  	[bflag:$0x0] =	sbarrier.arrive $0xFFFF  }
0x147: {  	_ =	strace $0x9000004D  }
0x148: {  	s0 =	stileid.u32;
	[bflag:$0x2] =	sbarrier.arrive $0xFFFF  }
0x149: {  	p0 =	sne.s32 s0, $0x0;
	s0 =	rddreg [dreg:$0x1]  }
0x14a: {  	s0 =	sadd.s32 @!p0 $0x100000, s0  }
0x14b: {  	[sflag:s0] =	ssyncadd.tile.s32 @!p0 $0x1;
	_ =	shalt  }
.Lfunc_end2:
_tile_overlayer_lowered:
.L_overlay_start_2:
0x14c: {  	(tag) =	ssettag $0x2  }
0x14d: {  	s0 =	rddreg [dreg:$0x0];
	s2 =	stileid.u32  }
0x14e: {  	s1 =	rddreg [dreg:$0x1];
	p0 =	sne.s32 s2, $0x0  }
0x14f: {  	s3 =	rddreg [dreg:$0x2];
	[bflag:$0x3] =	sbarrier.arrive $0xFFFF;
	s2 =	simm.s32 @!p0 $0x1C07  }
0x150: {  	[timem:s3], [sflag:s2] =	dma.local @!p0 [hbm:s0], s1  }
0x151: {  	s0 =	simm.s32 @!p0 $0x7  }
0x152: {  	_ =	swait.ge @!p0 [sflag:s0], s1  }
0x153: {  	s1 =	ssub.s32 @!p0 $0x0, s1;
	[sflag:s0] =	ssyncset.done @!p0 $0x0  }
0x154: {  	[sflag:s0] =	ssyncadd.s32 @!p0 s1  }
0x155: {  	[bflag:$0x3] =	sbarrier.arrive $0xFFFF  }
0x156: {  	_ =	shalt  }

// kernel: kernel.33.cloned.1.call-start
scs
__scs_entry_jumppad:
0x0: {  	(pc) =	sbr.rel $0x88, $3  }
0x1: {  	(tag) =	ssettag $0x0;
	lr =	simm.s32 $0x1  }
0x2: {  	[smem:$0x3F83] =	sst lr;
	_ =	strace $0xD0000000  }
0x3: {  	_ = 	snop  }
0x4: {  	_ = 	snop  }
0x5: {  	_ = 	snop  }
0x6: {  	_ = 	snop  }
0x7: {  	_ = 	snop  }
__scs_overlays_trampoline_lowered:
0x8: {  	[smem:$0x3F92] =	sst s0  }
0x9: {  	[smem:$0x3F93] =	sst s1  }
0xa: {  	[smem:$0x3F94] =	sst s2  }
0xb: {  	[smem:$0x3F95] =	sst s3  }
0xc: {  	[smem:$0x3F96] =	sst s4  }
0xd: {  	[smem:$0x3F97] =	sst s5  }
0xe: {  	[smem:$0x3F98] =	sst s6  }
0xf: {  	[smem:$0x3F99] =	sst s7  }
0x10: {  	[smem:$0x3F9A] =	sst s8  }
0x11: {  	[smem:$0x3F9B] =	sst s9;
	s0 =	simm.s32 @!p0 $0x0  }
0x12: {  	s1 =	sld [smem:$0x3F81];
	s0 =	simm.s32 @p0 $0x1  }
0x13: {  	[smem:$0x3F9C] =	sst s0;
	s0 =	simm.s32 @!p1 $0x0  }
0x14: {  	s2 =	sld [smem:$0x3F80];
	s0 =	simm.s32 @p1 $0x1  }
0x15: {  	[smem:$0x3F9D] =	sst s0;
	s0 =	simm.s32 @!p2 $0x0  }
0x16: {  	s3 =	sld [smem:$0x3FDB];
	s0 =	simm.s32 @p2 $0x1  }
0x17: {  	s4 =	simm.s32 $0x1BF5;
	[smem:$0x3F9F] =	sst s0  }
0x18: {  	s0 =	sld [smem:$0x3F82];
	_ =	swait.ge [sflag:s4], $0x0  }
0x19: {  	s7 =	sld [smem:$0x3F83]  }
0x1a: {  	s8 =	sadd.s32 $0xFFFFE003, lr  }
0x1b: {  	s9 =	sadd.s32 $0xFFFFFEF7, lr;
	s5 =	simm.s32 $0xFFFFFFFF;
	p2 =	slt.u32 s8, $0xFFFFF086  }
0x1c: {  	p1 =	slt.u32 s9, $0xF7A;
	s5 =	simm.s32 @!p2 $0x0  }
0x1d: {  	s5 =	simm.s32 @p1 $0x1;
	p0 =	seq.s32 s7, s2  }
0x1e: {  	s7 =	smul.u32 @!p0 $0xF7A, s2;
	p2 =	seq.s32 @!p0 s5, $0x0  }
0x1f: {  	s9 =	smul.u32 $0xF7A, s1;
	s8 =	simm.s32 @!p0 $0x1BF5;
	p2 =	por !p2, p0  }
0x20: {  	[sflag:s8] =	ssyncset.s32 @!p0 $0xFFFFF086;
	s6 =	sadd.s32 @!p0 s3, s7;
	s7 =	simm.s32 @!p0 $0x108  }
0x21: {  	s3 =	sadd.s32 s3, s9;
	s6 =	sadd.s32 @!p0 $0x88, s6;
	s7 =	simm.s32 @p2 $0x1082  }
0x22: {  	[simem:s7], [sflag:s8] =	dma.local @!p0 [hbm:s6], $0xF7A  }
0x23: {  	s9 =	sor.u32 $0xD0000000, s2;
	s6 =	simm.s32 $0x108;
	_ =	swait.ge @!p0 [sflag:s8], $0x0  }
0x24: {  	s3 =	sadd.s32 $0x88, s3;
	s6 =	simm.s32 @!p1 $0x1082;
	[sflag:s4] =	ssyncset.s32 $0xFFFFF086  }
0x25: {  	[simem:s6], [sflag:s4] =	dma.local [hbm:s3], $0xF7A  }
0x26: {  	[smem:$0x3F83] =	sst s1;
	(tag) =	ssettag s2;
	_ =	strace s9  }
0x27: {  	s1 =	sld [smem:$0x3F93]  }
0x28: {  	s2 =	sld [smem:$0x3F94]  }
0x29: {  	s4 =	sld [smem:$0x3F96]  }
0x2a: {  	p0 =	seq.s32 s5, $0x0;
	s5 =	sld [smem:$0x3F97]  }
0x2b: {  	s6 =	sld [smem:$0x3F98]  }
0x2c: {  	s7 =	sld [smem:$0x3F99]  }
0x2d: {  	s3 =	simm.s32 $0x108;
	s8 =	sld [smem:$0x3F9A]  }
0x2e: {  	s3 =	simm.s32 @!p0 $0x1082;
	s9 =	sld [smem:$0x3F9B]  }
0x2f: {  	lr =	sadd.s32 s0, s3;
	s0 =	sld [smem:$0x3F92]  }
0x30: {  	s3 =	sld [smem:$0x3F95]  }
0x31: {  	[smem:$0x3F9E] =	sst s10  }
0x32: {  	s10 =	sld [smem:$0x3F9C];
	_ =	sdelay $0x3  }
0x33: {  	p0 =	seq.s32 s10, $0x1;
	s10 =	sld [smem:$0x3F9E];
	_ =	sdelay $0x3  }
0x34: {  	[smem:$0x3F9E] =	sst s10  }
0x35: {  	s10 =	sld [smem:$0x3F9D];
	_ =	sdelay $0x3  }
0x36: {  	p1 =	seq.s32 s10, $0x1;
	s10 =	sld [smem:$0x3F9E];
	_ =	sdelay $0x3  }
0x37: {  	[smem:$0x3F9E] =	sst s10  }
0x38: {  	s10 =	sld [smem:$0x3F9F]  }
0x39: {  	_ = 	snop;
	(pc) =	sbr.ind lr, $3  }
0x3a: {  	_ = 	snop  }
0x3b: {  	_ = 	snop  }
0x3c: {  	p2 =	seq.s32 s10, $0x1;
	s10 =	sld [smem:$0x3F9E]  }
0x3d: {  	_ =	shalt  }
0x3e: {  	_ =	shalt  }
0x3f: {  	_ =	shalt  }
0x40: {  	_ =	shalt  }
0x41: {  	_ =	shalt  }
0x42: {  	_ =	shalt  }
0x43: {  	_ =	shalt  }
0x44: {  	_ =	shalt  }
0x45: {  	_ =	shalt  }
0x46: {  	_ =	shalt  }
0x47: {  	_ =	shalt  }
0x48: {  	_ =	shalt  }
0x49: {  	_ =	shalt  }
0x4a: {  	_ =	shalt  }
0x4b: {  	_ =	shalt  }
0x4c: {  	_ =	shalt  }
0x4d: {  	_ =	shalt  }
0x4e: {  	_ =	shalt  }
0x4f: {  	_ =	shalt  }
0x50: {  	_ =	shalt  }
0x51: {  	_ =	shalt  }
0x52: {  	_ =	shalt  }
0x53: {  	_ =	shalt  }
0x54: {  	_ =	shalt  }
0x55: {  	_ =	shalt  }
0x56: {  	_ =	shalt  }
0x57: {  	_ =	shalt  }
0x58: {  	_ =	shalt  }
0x59: {  	_ =	shalt  }
0x5a: {  	_ =	shalt  }
0x5b: {  	_ =	shalt  }
0x5c: {  	_ =	shalt  }
0x5d: {  	_ =	shalt  }
0x5e: {  	_ =	shalt  }
0x5f: {  	_ =	shalt  }
0x60: {  	_ =	shalt  }
0x61: {  	_ =	shalt  }
0x62: {  	_ =	shalt  }
0x63: {  	_ =	shalt  }
0x64: {  	_ =	shalt  }
0x65: {  	_ =	shalt  }
0x66: {  	_ =	shalt  }
0x67: {  	_ =	shalt  }
0x68: {  	_ =	shalt  }
0x69: {  	_ =	shalt  }
0x6a: {  	_ =	shalt  }
0x6b: {  	_ =	shalt  }
0x6c: {  	_ =	shalt  }
0x6d: {  	_ =	shalt  }
0x6e: {  	_ =	shalt  }
0x6f: {  	_ =	shalt  }
0x70: {  	_ =	shalt  }
0x71: {  	_ =	shalt  }
0x72: {  	_ =	shalt  }
0x73: {  	_ =	shalt  }
0x74: {  	_ =	shalt  }
0x75: {  	_ =	shalt  }
0x76: {  	_ =	shalt  }
0x77: {  	_ =	shalt  }
0x78: {  	_ =	shalt  }
0x79: {  	_ =	shalt  }
0x7a: {  	_ =	shalt  }
0x7b: {  	_ =	shalt  }
0x7c: {  	_ =	shalt  }
0x7d: {  	_ =	shalt  }
0x7e: {  	_ =	shalt  }
0x7f: {  	_ =	shalt  }
0x80: {  	_ =	shalt  }
0x81: {  	_ =	shalt  }
0x82: {  	_ =	shalt  }
0x83: {  	_ =	shalt  }
0x84: {  	_ =	shalt  }
0x85: {  	_ =	shalt  }
0x86: {  	_ =	shalt  }
0x87: {  	_ =	shalt  }
.Lfunc_end0:
.L_simem_size_0:
called_computation.5_lowered:
.L_overlay_start_0:
0x88: {  	s2 =	sld [smem:$0x3FD9]  }
0x89: {  	s3 =	sld [smem:$0x3FFE];
	_ =	sdelay $0x1  }
0x8a: {  	s1 =	srdreg.scid  }
0x8b: {  	s0 =	sand.u32 $0x1, s1  }
0x8c: {  	s16 =	sshll.u32 s0, $0xA;
	s2 =	sadd.s32 s3, s2  }
0x8d: {  	s2 =	sadd.s32 s2, s16  }
0x8e: {  	[smem:$0x3FAA] =	sst s2  }
0x8f: {  	_ = 	snop  }
0x90: {  	(tm) =	ssettm $0x1  }
0x91: {  	s17 =	sld [smem:$0x3FFB];
	_ =	sdelay $0x3  }
0x92: {  	_ =	strace s17  }
0x93: {  	s2 =	sld [smem:$0x3FFC];
	_ =	sdelay $0x3  }
0x94: {  	_ =	strace s2  }
0x95: {  	s2 =	sld [smem:$0x3FFD];
	_ =	sdelay $0x3  }
0x96: {  	_ =	strace s2  }
0x97: {  	_ =	strace $0x8FFFFFFF  }
0x98: {  	s18 =	sld [smem:$0x3FDB];
	_ =	sdelay $0x1  }
0x99: {  	s19 =	simm.s32 $_scs_section_size  }
0x9a: {  	s4 =	simm.s32 $_size__tile_overlayer_lowered;
	s5 =	simm.s32 $_tile_overlayer_lowered  }
0x9b: {  	s22 =	simm.s32 $0x1BFF;
	s21 =	sshll.u32 s5, $0x1;
	s2 =	sadd.s32 s19, s18  }
0x9c: {  	s6 =	simm.s32 $0x0;
	s20 =	sshll.u32 s4, $0x1;
	s4 =	sadd.s32 s21, s2  }
0x9d: {  	[timem:s6], [sflag:s22] =	dma.local [hbm:s4], s20  }
0x9e: {  	_ =	swait.ge [sflag:s22], s20  }
0x9f: {  	s3 =	ssub.s32 $0x0, s20;
	[sflag:s22] =	ssyncset.done $0x0  }
0xa0: {  	[sflag:s22] =	ssyncadd.s32 s3;
	_ =	sdelay $0x1  }
0xa1: {  	s23 =	simm.s32 $0x1B8B  }
0xa2: {  	_ =	swait.ge [sflag:s23], $0x1  }
0xa3: {  	[sflag:s23] =	ssyncset.done $0x0  }
0xa4: {  	s25 =	simm.s32 $0x1B8E;
	s24 =	sld [smem:$0x3FFE];
	[sflag:s23] =	ssyncadd.s32 $0xFFFFFFFF  }
0xa5: {  	s26 =	simm.s32 $execute0_lowered;
	[smem:$0x3FD2] =	sst s25  }
0xa6: {  	s4 =	sshll.u32 s26, $0x1;
	_ =	strace $0x8000004F;
	[dreg:$0x1] =	wrdreg $0xFFFFFFFF  }
0xa7: {  	s28 =	simm.s32 $_size_execute0_lowered;
	s2 =	sadd.s32 s2, s4;
	[dreg:$0x0] =	wrdreg $0x0  }
0xa8: {  	s4 =	sshll.u32 s28, $0x1;
	[dreg:$0x2] =	wrdreg s2  }
0xa9: {  	[dreg:$0x3] =	wrdreg s4  }
0xaa: {  	[dreg:$0x4] =	wrdreg $0xC0  }
0xab: {  	_ =	task [dreg:s6], $0x5FFFF  }
0xac: {  	[dreg:$0x1] =	wrdreg $0xFFFFFFFF  }
0xad: {  	[dreg:$0x0] =	wrdreg $0x60  }
0xae: {  	[dreg:$0x2] =	wrdreg s24  }
0xaf: {  	[dreg:$0x3] =	wrdreg $0x9  }
0xb0: {  	_ =	task.clear_ibuf [dreg:s6], $0x4FFFF;
	_ =	strace $0x9000004F  }
0xb1: {  	s29 =	simm.s32 $0x9;
	_ =	strace $0x80000051  }
0xb2: {  	_ =	swait.ge [sflag:s29], $0x1  }
0xb3: {  	[sflag:s29] =	ssyncadd.s32 $0xFFFFFFFF  }
0xb4: {  	_ =	strace $0x90000051  }
0xb5: {  	_ =	sfence  }
0xb6: {  	s30 =	sld [smem:$0x0];
	_ =	sdelay $0x2  }
0xb7: {  	s31 =	sshll.u32 s1, $0xD;
	s1 =	sshrl.u32 s1, $0x2  }
0xb8: {  	s3 =	sand.u32 $0x4000, s31;
	s1 =	sadd.s32 s1, s30  }
0xb9: {  	s0 =	sor.u32 s3, s0;
	s1 =	sshll.u32 s1, $0x11  }
0xba: {  	s0 =	sor.u32 s1, s0  }
0xbb: {  	s0 =	sadd.s32 $0x8F2B, s0  }
0xbc: {  	[sflag:s0] =	ssyncadd.remote.s32 $0x1  }
0xbd: {  	_ =	sfence.sel $0xFFFF  }
0xbe: {  	[dreg:$0x0] =	wrdreg $0xFFFFFFFF;
	(pc) =	sbr.abs _section_cstart, $3  }
0xbf: {  	[dreg:$0x1] =	wrdreg $0xFFFFFFFF  }
0xc0: {  	_ =	task.clear_ibuf [dreg:s6], $0x2FFFF;
	_ =	strace $0x9FFFFFFF  }
0xc1: {  	(tm) =	ssettm $0x7FFFFFFF  }
tec
execute0_lowered:
.L_overlay_start_1:
0x0: {  	(tag) =	ssettag $0x1  }
0x1: {  	s0 =	srdreg.scid  }
0x2: {  	s1 =	stileid.u32;
	s0 =	sand.u32 $0x1, s0  }
0x3: {  	s1 =	sshll.u32 s1, $0x8;
	s2 =	sshll.u32 s0, $0x7  }
0x4: {  	s6 =	rddreg [dreg:$0x0];
	s1 =	sor.u32 s2, s1;
	s2 =	simm.s32 $0x0  }
0x5: {  	s17 =	simm.s32 $0x8880;
	[smem:$0x7FF] =	sst s2  }
0x6: {  	s18 =	simm.s32 $0x9080;
	_ =	strace $0x80000050;
	[dreg:$0x7] =	wrdreg s17  }
0x7: {  	s19 =	simm.s32 $0x9880;
	[dreg:$0x8] =	wrdreg s18  }
0x8: {  	s20 =	simm.s32 $0xA080;
	[dreg:$0x9] =	wrdreg s19  }
0x9: {  	s21 =	simm.s32 $0xA880;
	[dreg:$0xa] =	wrdreg s20  }
0xa: {  	s22 =	simm.s32 $0xB080;
	[dreg:$0xb] =	wrdreg s21  }
0xb: {  	s23 =	simm.s32 $0xB880;
	s24 =	simm.s32 $0xC080;
	[dreg:$0xc] =	wrdreg s22  }
0xc: {  	s25 =	simm.s32 $0xC880;
	s26 =	simm.s32 $0xD080;
	[dreg:$0xd] =	wrdreg s23  }
0xd: {  	s7 =	simm.s32 $0xD880;
	s8 =	simm.s32 $0xE080;
	[dreg:$0xe] =	wrdreg s24  }
0xe: {  	s9 =	simm.s32 $0xE880;
	s10 =	simm.s32 $0xF080;
	[dreg:$0xf] =	wrdreg s25  }
0xf: {  	s11 =	simm.s32 $0xF880;
	s12 =	simm.s32 $0x10880;
	[dreg:$0x10] =	wrdreg s26  }
0x10: {  	s13 =	simm.s32 $0x11080;
	s28 =	simm.s32 $0x1;
	[dreg:$0x11] =	wrdreg s7  }
0x11: {  	s29 =	simm.s32 $0x4;
	s31 =	simm.s32 $0x3;
	[dreg:$0x12] =	wrdreg s8  }
0x12: {  	s30 =	simm.s32 $0x10080;
	s0 =	ssub.s32 $0x2, s0;
	[dreg:$0x13] =	wrdreg s9  }
0x13: {  	s5 =	sadd.s32 $0x128C00, s6;
	s4 =	sshrl.u32 s0, $0x1;
	[dreg:$0x14] =	wrdreg s10  }
0x14: {  	s3 =	sshrl.u32 s1, $0x3;
	s1 =	sshll.u32 s1, $0x7;
	[dreg:$0x15] =	wrdreg s11  }
0x15: {  	s0 =	ssub.s32 s0, s4;
	s4 =	sadd.s32 $0x128B00, s6;
	[dreg:$0x16] =	wrdreg s12  }
0x16: {  	s3 =	sadd.s32 s3, s6;
	[dreg:$0x17] =	wrdreg s13;
	s17 =	simm.s32 $0x13080  }
0x17: {  	s1 =	sadd.s32 s1, s6;
	s18 =	simm.s32 $0x13880;
	[dreg:$0x1b] =	wrdreg s17  }
0x18: {  	s7 =	smax.u32 s0, $0x1;
	s19 =	simm.s32 $0x14080;
	[dreg:$0x1c] =	wrdreg s18  }
0x19: {  	s9 =	simm.s32 $0x80;
	s20 =	simm.s32 $0x14880;
	[dreg:$0x1d] =	wrdreg s19  }
0x1a: {  	s21 =	simm.s32 $0x15080;
	s22 =	simm.s32 $0x15880;
	[dreg:$0x1e] =	wrdreg s20  }
0x1b: {  	s23 =	simm.s32 $0x16080;
	s24 =	simm.s32 $0x16880;
	[dreg:$0x1f] =	wrdreg s21  }
0x1c: {  	s25 =	simm.s32 $0x17080;
	s3 =	sadd.s32 $0x10C600, s3;
	[smem:$0x7F9] =	sst s22  }
0x1d: {  	s26 =	simm.s32 $0x17880;
	s14 =	sadd.s32 $0x1E8A00, s1;
	[smem:$0x7FA] =	sst s23  }
0x1e: {  	s0 =	simm.s32 $0x6;
	s15 =	sadd.s32 $0x1E9A00, s1;
	[smem:$0x7FB] =	sst s24  }
0x1f: {  	s12 =	simm.s32 $0x880;
	s16 =	sadd.s32 $0x1EAA00, s1;
	[smem:$0x7FC] =	sst s25  }
0x20: {  	s13 =	simm.s32 $0x1080;
	s1 =	sadd.s32 $0x1EBA00, s1;
	[smem:$0x7FD] =	sst s26  }
0x21: {  	s17 =	simm.s32 $0x3080;
	s18 =	simm.s32 $0x3880;
	[dreg:$0x2] =	wrdreg s3  }
0x22: {  	s19 =	simm.s32 $0x4080;
	s20 =	simm.s32 $0x4880;
	[dreg:$0x3] =	wrdreg s14  }
0x23: {  	s21 =	simm.s32 $0x5080;
	s22 =	simm.s32 $0x5880;
	[dreg:$0x4] =	wrdreg s15  }
0x24: {  	s23 =	simm.s32 $0x6080;
	s24 =	simm.s32 $0x6880;
	[dreg:$0x5] =	wrdreg s16  }
0x25: {  	s25 =	simm.s32 $0x7080;
	[dreg:$0x6] =	wrdreg s1;
	s14 =	simm.s32 $0x11880  }
0x26: {  	s26 =	simm.s32 $0x7880;
	s15 =	simm.s32 $0x12080;
	[dreg:$0x18] =	wrdreg s14  }
0x27: {  	v2 =	vlaneseq.u32;
	s3 =	sadd.s32 $0x128A00, s6;
	s16 =	simm.s32 $0x12880;
	[dreg:$0x19] =	wrdreg s15  }
0x28: {  	vm0 =	vmmov $0xffff;
	v1 =	vshrl.u32 v2, $0x3;
	s6 =	sadd.s32 $0x128D00, s6;
	s1 =	simm.s32 $0x5;
	[dreg:$0x1a] =	wrdreg s16  }
0x29: {  	v0 =	vand.u32 $0x7, v2;
	v2 =	vor.u32 $0x8, v2;
	v1 =	vmul.u32 $0x8, v1;
	s14 =	simm.s32 $0x1880;
	s15 =	simm.s32 $0x2080;
	s16 =	simm.s32 $0x2880  }
.LBB2_1:
0x2a: {  	s10 =	rddreg [dreg:$0x2];
	s8 =	simm.s32 $0x7  }
0x2b: {  	[tilespmem:s2], [sflag:$0x7] =	stream.linear.gather [hbm4b:s10+s2], $0x80, $0x38;
	[tilespmem:$0x18080] =	vst v63  }
0x2c: {  	_ =	swait.ge [sflag:s8], $0x80  }
0x2d: {  	[sflag:s8] =	ssyncset.done $0x0  }
0x2e: {  	[sflag:s8] =	ssyncadd.s32 $0xFFFFFF80  }
0x2f: {  	v3 =	vld [tilespmem:$0x0];
	_ =	sdelay $0x4  }
0x30: {  	v4 =	vshll.u32 v3, $0x3  }
0x31: {  	v3 =	vand.u32 $0x7, v3;
	v4 =	vand.u32 $0xFFFFFFC0, v4  }
0x32: {  	v3 =	vor.u32 v3, v4  }
0x33: {  	v4 =	vperm.xlane v3, v0;
	_ =	sdelay $0x1  }
0x34: {  	v4 =	vadd.s32 v1, v4;
	_ =	sdelay $0x4  }
0x35: {  	[tilespmem:s9], [sflag:$0x1] =	stream.indirect_vreg.gather [hbm4b:s3+s2], $0x80, v4, vm0, $0xb8;
	[tilespmem:$0x18080] =	vst v63  }
0x36: {  	v3 =	vperm.xlane v3, v2  }
0x37: {  	[tilespmem:s12], [sflag:$0x1] =	stream.indirect_vreg.gather [hbm4b:s4+s2], $0x80, v4, vm0, $0xb8;
	[tilespmem:$0x18080] =	vst v63  }
0x38: {  	v3 =	vadd.s32 v1, v3  }
0x39: {  	[tilespmem:s13], [sflag:$0x1] =	stream.indirect_vreg.gather [hbm4b:s5+s2], $0x80, v4, vm0, $0xb8;
	[tilespmem:$0x18080] =	vst v63  }
0x3a: {  	_ = 	snop  }
0x3b: {  	[tilespmem:s14], [sflag:$0x1] =	stream.indirect_vreg.gather [hbm4b:s6+s2], $0x80, v4, vm0, $0xb8;
	[tilespmem:$0x18080] =	vst v63  }
0x3c: {  	_ = 	snop  }
0x3d: {  	[tilespmem:s15], [sflag:$0x1] =	stream.indirect_vreg.gather [hbm4b:s3+s2], $0x80, v3, vm0, $0xb8;
	[tilespmem:$0x18080] =	vst v63  }
0x3e: {  	_ = 	snop  }
0x3f: {  	[tilespmem:s16], [sflag:$0x1] =	stream.indirect_vreg.gather [hbm4b:s4+s2], $0x80, v3, vm0, $0xb8;
	[tilespmem:$0x18080] =	vst v63  }
0x40: {  	_ = 	snop  }
0x41: {  	[tilespmem:s17], [sflag:$0x1] =	stream.indirect_vreg.gather [hbm4b:s5+s2], $0x80, v3, vm0, $0xb8;
	[tilespmem:$0x18080] =	vst v63  }
0x42: {  	_ = 	snop  }
0x43: {  	[tilespmem:s18], [sflag:$0x1] =	stream.indirect_vreg.gather [hbm4b:s6+s2], $0x80, v3, vm0, $0xb8;
	[tilespmem:$0x18080] =	vst v63  }
0x44: {  	v3 =	vld [tilespmem:$0x10];
	_ =	sdelay $0x4  }
0x45: {  	v57 =	vshll.u32 v3, $0x3  }
0x46: {  	v3 =	vand.u32 $0x7, v3;
	v4 =	vand.u32 $0xFFFFFFC0, v57  }
0x47: {  	v3 =	vor.u32 v3, v4  }
0x48: {  	v4 =	vperm.xlane v3, v0;
	_ =	sdelay $0x1  }
0x49: {  	v4 =	vadd.s32 v1, v4;
	_ =	sdelay $0x4  }
0x4a: {  	[tilespmem:s19], [sflag:$0x1] =	stream.indirect_vreg.gather [hbm4b:s3+s2], $0x80, v4, vm0, $0xb8;
	[tilespmem:$0x18080] =	vst v63  }
0x4b: {  	v3 =	vperm.xlane v3, v2  }
0x4c: {  	[tilespmem:s20], [sflag:$0x1] =	stream.indirect_vreg.gather [hbm4b:s4+s2], $0x80, v4, vm0, $0xb8;
	[tilespmem:$0x18080] =	vst v63  }
0x4d: {  	v3 =	vadd.s32 v1, v3  }
0x4e: {  	[tilespmem:s21], [sflag:$0x1] =	stream.indirect_vreg.gather [hbm4b:s5+s2], $0x80, v4, vm0, $0xb8;
	[tilespmem:$0x18080] =	vst v63  }
0x4f: {  	_ = 	snop  }
0x50: {  	[tilespmem:s22], [sflag:$0x1] =	stream.indirect_vreg.gather [hbm4b:s6+s2], $0x80, v4, vm0, $0xb8;
	[tilespmem:$0x18080] =	vst v63  }
0x51: {  	_ = 	snop  }
0x52: {  	[tilespmem:s23], [sflag:$0x1] =	stream.indirect_vreg.gather [hbm4b:s3+s2], $0x80, v3, vm0, $0xb8;
	[tilespmem:$0x18080] =	vst v63  }
0x53: {  	_ = 	snop  }
0x54: {  	[tilespmem:s24], [sflag:$0x1] =	stream.indirect_vreg.gather [hbm4b:s4+s2], $0x80, v3, vm0, $0xb8;
	[tilespmem:$0x18080] =	vst v63  }
0x55: {  	_ = 	snop  }
0x56: {  	[tilespmem:s25], [sflag:$0x1] =	stream.indirect_vreg.gather [hbm4b:s5+s2], $0x80, v3, vm0, $0xb8;
	[tilespmem:$0x18080] =	vst v63  }
0x57: {  	_ = 	snop  }
0x58: {  	[tilespmem:s26], [sflag:$0x1] =	stream.indirect_vreg.gather [hbm4b:s6+s2], $0x80, v3, vm0, $0xb8;
	[tilespmem:$0x18080] =	vst v63  }
0x59: {  	v3 =	vld [tilespmem:$0x20];
	_ =	sdelay $0x4  }
0x5a: {  	v58 =	vshll.u32 v3, $0x3  }
0x5b: {  	v3 =	vand.u32 $0x7, v3;
	v4 =	vand.u32 $0xFFFFFFC0, v58  }
0x5c: {  	v3 =	vor.u32 v3, v4  }
0x5d: {  	v4 =	vperm.xlane v3, v0;
	_ =	sdelay $0x1  }
0x5e: {  	v4 =	vadd.s32 v1, v4;
	_ =	sdelay $0x3  }
0x5f: {  	s8 =	simm.s32 $0x8080  }
0x60: {  	[tilespmem:s8], [sflag:$0x2] =	stream.indirect_vreg.gather [hbm4b:s3+s2], $0x80, v4, vm0, $0xb8;
	[tilespmem:$0x18080] =	vst v63  }
0x61: {  	s10 =	rddreg [dreg:$0x7];
	v3 =	vperm.xlane v3, v2  }
0x62: {  	[tilespmem:s10], [sflag:$0x2] =	stream.indirect_vreg.gather [hbm4b:s4+s2], $0x80, v4, vm0, $0xb8;
	[tilespmem:$0x18080] =	vst v63  }
0x63: {  	s11 =	rddreg [dreg:$0x8];
	v3 =	vadd.s32 v1, v3  }
0x64: {  	[tilespmem:s11], [sflag:$0x2] =	stream.indirect_vreg.gather [hbm4b:s5+s2], $0x80, v4, vm0, $0xb8;
	[tilespmem:$0x18080] =	vst v63  }
0x65: {  	s10 =	rddreg [dreg:$0x9]  }
0x66: {  	[tilespmem:s10], [sflag:$0x2] =	stream.indirect_vreg.gather [hbm4b:s6+s2], $0x80, v4, vm0, $0xb8;
	[tilespmem:$0x18080] =	vst v63  }
0x67: {  	s11 =	rddreg [dreg:$0xa]  }
0x68: {  	[tilespmem:s11], [sflag:$0x2] =	stream.indirect_vreg.gather [hbm4b:s3+s2], $0x80, v3, vm0, $0xb8;
	[tilespmem:$0x18080] =	vst v63  }
0x69: {  	s10 =	rddreg [dreg:$0xb]  }
0x6a: {  	[tilespmem:s10], [sflag:$0x2] =	stream.indirect_vreg.gather [hbm4b:s4+s2], $0x80, v3, vm0, $0xb8;
	[tilespmem:$0x18080] =	vst v63  }
0x6b: {  	s11 =	rddreg [dreg:$0xc]  }
0x6c: {  	[tilespmem:s11], [sflag:$0x2] =	stream.indirect_vreg.gather [hbm4b:s5+s2], $0x80, v3, vm0, $0xb8;
	[tilespmem:$0x18080] =	vst v63  }
0x6d: {  	s10 =	rddreg [dreg:$0xd]  }
0x6e: {  	[tilespmem:s10], [sflag:$0x2] =	stream.indirect_vreg.gather [hbm4b:s6+s2], $0x80, v3, vm0, $0xb8;
	[tilespmem:$0x18080] =	vst v63  }
0x6f: {  	v3 =	vld [tilespmem:$0x30];
	_ =	sdelay $0x4  }
0x70: {  	v59 =	vshll.u32 v3, $0x3  }
0x71: {  	v3 =	vand.u32 $0x7, v3;
	v4 =	vand.u32 $0xFFFFFFC0, v59  }
0x72: {  	v3 =	vor.u32 v3, v4  }
0x73: {  	v4 =	vperm.xlane v3, v0;
	_ =	sdelay $0x1  }
0x74: {  	v4 =	vadd.s32 v1, v4;
	_ =	sdelay $0x3  }
0x75: {  	s10 =	rddreg [dreg:$0xe]  }
0x76: {  	[tilespmem:s10], [sflag:$0x2] =	stream.indirect_vreg.gather [hbm4b:s3+s2], $0x80, v4, vm0, $0xb8;
	[tilespmem:$0x18080] =	vst v63  }
0x77: {  	s11 =	rddreg [dreg:$0xf];
	v3 =	vperm.xlane v3, v2  }
0x78: {  	[tilespmem:s11], [sflag:$0x2] =	stream.indirect_vreg.gather [hbm4b:s4+s2], $0x80, v4, vm0, $0xb8;
	[tilespmem:$0x18080] =	vst v63  }
0x79: {  	v3 =	vadd.s32 v1, v3;
	s10 =	rddreg [dreg:$0x10]  }
0x7a: {  	[tilespmem:s10], [sflag:$0x2] =	stream.indirect_vreg.gather [hbm4b:s5+s2], $0x80, v4, vm0, $0xb8;
	[tilespmem:$0x18080] =	vst v63  }
0x7b: {  	s11 =	rddreg [dreg:$0x11]  }
0x7c: {  	[tilespmem:s11], [sflag:$0x2] =	stream.indirect_vreg.gather [hbm4b:s6+s2], $0x80, v4, vm0, $0xb8;
	[tilespmem:$0x18080] =	vst v63  }
0x7d: {  	s10 =	rddreg [dreg:$0x12]  }
0x7e: {  	[tilespmem:s10], [sflag:$0x2] =	stream.indirect_vreg.gather [hbm4b:s3+s2], $0x80, v3, vm0, $0xb8;
	[tilespmem:$0x18080] =	vst v63  }
0x7f: {  	s11 =	rddreg [dreg:$0x13]  }
0x80: {  	[tilespmem:s11], [sflag:$0x2] =	stream.indirect_vreg.gather [hbm4b:s4+s2], $0x80, v3, vm0, $0xb8;
	[tilespmem:$0x18080] =	vst v63  }
0x81: {  	s10 =	rddreg [dreg:$0x14]  }
0x82: {  	[tilespmem:s10], [sflag:$0x2] =	stream.indirect_vreg.gather [hbm4b:s5+s2], $0x80, v3, vm0, $0xb8;
	[tilespmem:$0x18080] =	vst v63  }
0x83: {  	s11 =	rddreg [dreg:$0x15]  }
0x84: {  	[tilespmem:s11], [sflag:$0x2] =	stream.indirect_vreg.gather [hbm4b:s6+s2], $0x80, v3, vm0, $0xb8;
	[tilespmem:$0x18080] =	vst v63  }
0x85: {  	v3 =	vld [tilespmem:$0x40];
	_ =	sdelay $0x4  }
0x86: {  	v60 =	vshll.u32 v3, $0x3  }
0x87: {  	v3 =	vand.u32 $0x7, v3;
	v4 =	vand.u32 $0xFFFFFFC0, v60  }
0x88: {  	v3 =	vor.u32 v3, v4  }
0x89: {  	v4 =	vperm.xlane v3, v0;
	_ =	sdelay $0x1  }
0x8a: {  	v4 =	vadd.s32 v1, v4;
	_ =	sdelay $0x4  }
0x8b: {  	[tilespmem:s30], [sflag:$0x3] =	stream.indirect_vreg.gather [hbm4b:s3+s2], $0x80, v4, vm0, $0xb8;
	[tilespmem:$0x18080] =	vst v63  }
0x8c: {  	s10 =	rddreg [dreg:$0x16];
	v3 =	vperm.xlane v3, v2  }
0x8d: {  	[tilespmem:s10], [sflag:$0x3] =	stream.indirect_vreg.gather [hbm4b:s4+s2], $0x80, v4, vm0, $0xb8;
	[tilespmem:$0x18080] =	vst v63  }
0x8e: {  	s11 =	rddreg [dreg:$0x17];
	v3 =	vadd.s32 v1, v3  }
0x8f: {  	[tilespmem:s11], [sflag:$0x3] =	stream.indirect_vreg.gather [hbm4b:s5+s2], $0x80, v4, vm0, $0xb8;
	[tilespmem:$0x18080] =	vst v63  }
0x90: {  	s10 =	rddreg [dreg:$0x18]  }
0x91: {  	[tilespmem:s10], [sflag:$0x3] =	stream.indirect_vreg.gather [hbm4b:s6+s2], $0x80, v4, vm0, $0xb8;
	[tilespmem:$0x18080] =	vst v63  }
0x92: {  	s11 =	rddreg [dreg:$0x19]  }
0x93: {  	[tilespmem:s11], [sflag:$0x3] =	stream.indirect_vreg.gather [hbm4b:s3+s2], $0x80, v3, vm0, $0xb8;
	[tilespmem:$0x18080] =	vst v63  }
0x94: {  	s10 =	rddreg [dreg:$0x1a]  }
0x95: {  	[tilespmem:s10], [sflag:$0x3] =	stream.indirect_vreg.gather [hbm4b:s4+s2], $0x80, v3, vm0, $0xb8;
	[tilespmem:$0x18080] =	vst v63  }
0x96: {  	s11 =	rddreg [dreg:$0x1b]  }
0x97: {  	[tilespmem:s11], [sflag:$0x3] =	stream.indirect_vreg.gather [hbm4b:s5+s2], $0x80, v3, vm0, $0xb8;
	[tilespmem:$0x18080] =	vst v63  }
0x98: {  	s10 =	rddreg [dreg:$0x1c]  }
0x99: {  	[tilespmem:s10], [sflag:$0x3] =	stream.indirect_vreg.gather [hbm4b:s6+s2], $0x80, v3, vm0, $0xb8;
	[tilespmem:$0x18080] =	vst v63  }
0x9a: {  	v3 =	vld [tilespmem:$0x50];
	_ =	sdelay $0x4  }
0x9b: {  	v61 =	vshll.u32 v3, $0x3  }
0x9c: {  	v3 =	vand.u32 $0x7, v3;
	v4 =	vand.u32 $0xFFFFFFC0, v61  }
0x9d: {  	v3 =	vor.u32 v3, v4  }
0x9e: {  	v4 =	vperm.xlane v3, v0;
	_ =	sdelay $0x1  }
0x9f: {  	v4 =	vadd.s32 v1, v4;
	_ =	sdelay $0x2  }
0xa0: {  	s11 =	rddreg [dreg:$0x1e]  }
0xa1: {  	s10 =	rddreg [dreg:$0x1d]  }
0xa2: {  	[tilespmem:s10], [sflag:$0x3] =	stream.indirect_vreg.gather [hbm4b:s3+s2], $0x80, v4, vm0, $0xb8;
	[tilespmem:$0x18080] =	vst v63  }
0xa3: {  	v3 =	vperm.xlane v3, v2;
	s10 =	rddreg [dreg:$0x1f]  }
0xa4: {  	[tilespmem:s11], [sflag:$0x3] =	stream.indirect_vreg.gather [hbm4b:s4+s2], $0x80, v4, vm0, $0xb8;
	[tilespmem:$0x18080] =	vst v63  }
0xa5: {  	v3 =	vadd.s32 v1, v3;
	s11 =	sld [smem:$0x7F9]  }
0xa6: {  	[tilespmem:s10], [sflag:$0x3] =	stream.indirect_vreg.gather [hbm4b:s5+s2], $0x80, v4, vm0, $0xb8;
	[tilespmem:$0x18080] =	vst v63  }
0xa7: {  	s10 =	sld [smem:$0x7FA]  }
0xa8: {  	[tilespmem:s11], [sflag:$0x3] =	stream.indirect_vreg.gather [hbm4b:s6+s2], $0x80, v4, vm0, $0xb8;
	[tilespmem:$0x18080] =	vst v63  }
0xa9: {  	s11 =	sld [smem:$0x7FB]  }
0xaa: {  	[tilespmem:s10], [sflag:$0x3] =	stream.indirect_vreg.gather [hbm4b:s3+s2], $0x80, v3, vm0, $0xb8;
	[tilespmem:$0x18080] =	vst v63  }
0xab: {  	s10 =	sld [smem:$0x7FC]  }
0xac: {  	[tilespmem:s11], [sflag:$0x3] =	stream.indirect_vreg.gather [hbm4b:s4+s2], $0x80, v3, vm0, $0xb8;
	[tilespmem:$0x18080] =	vst v63  }
0xad: {  	s11 =	sld [smem:$0x7FD]  }
0xae: {  	[tilespmem:s10], [sflag:$0x3] =	stream.indirect_vreg.gather [hbm4b:s5+s2], $0x80, v3, vm0, $0xb8;
	[tilespmem:$0x18080] =	vst v63  }
0xaf: {  	_ = 	snop  }
0xb0: {  	[tilespmem:s11], [sflag:$0x3] =	stream.indirect_vreg.gather [hbm4b:s6+s2], $0x80, v3, vm0, $0xb8;
	[tilespmem:$0x18080] =	vst v63  }
0xb1: {  	_ =	swait.ge [sflag:s28], $0x8000  }
0xb2: {  	[sflag:s28] =	ssyncset.done $0x0  }
0xb3: {  	s11 =	rddreg [dreg:$0x3];
	[sflag:s28] =	ssyncadd.s32 $0xFFFF8000  }
0xb4: {  	[hbm4b:s11+s2] =	stream.linear.scatter [tilespmem:s9], [sflag:$0x4], $0x8000, $0x38;
	[tilespmem:$0x18080] =	vst v63  }
0xb5: {  	_ =	swait.ge [sflag:s29], $0x8000  }
0xb6: {  	[sflag:s29] =	ssyncset.done $0x0  }
0xb7: {  	[sflag:s29] =	ssyncadd.s32 $0xFFFF8000  }
0xb8: {  	v3 =	vld [tilespmem:$0x60];
	_ =	sdelay $0x4  }
0xb9: {  	v62 =	vshll.u32 v3, $0x3  }
0xba: {  	v3 =	vand.u32 $0x7, v3;
	v4 =	vand.u32 $0xFFFFFFC0, v62  }
0xbb: {  	v3 =	vor.u32 v3, v4  }
0xbc: {  	v4 =	vperm.xlane v3, v0;
	_ =	sdelay $0x1  }
0xbd: {  	v4 =	vadd.s32 v1, v4;
	_ =	sdelay $0x4  }
0xbe: {  	[tilespmem:s9], [sflag:$0x1] =	stream.indirect_vreg.gather [hbm4b:s3+s2], $0x80, v4, vm0, $0xb8;
	[tilespmem:$0x18080] =	vst v63  }
0xbf: {  	v3 =	vperm.xlane v3, v2  }
0xc0: {  	[tilespmem:s12], [sflag:$0x1] =	stream.indirect_vreg.gather [hbm4b:s4+s2], $0x80, v4, vm0, $0xb8;
	[tilespmem:$0x18080] =	vst v63  }
0xc1: {  	v3 =	vadd.s32 v1, v3  }
0xc2: {  	[tilespmem:s13], [sflag:$0x1] =	stream.indirect_vreg.gather [hbm4b:s5+s2], $0x80, v4, vm0, $0xb8;
	[tilespmem:$0x18080] =	vst v63  }
0xc3: {  	_ = 	snop  }
0xc4: {  	[tilespmem:s14], [sflag:$0x1] =	stream.indirect_vreg.gather [hbm4b:s6+s2], $0x80, v4, vm0, $0xb8;
	[tilespmem:$0x18080] =	vst v63  }
0xc5: {  	_ = 	snop  }
0xc6: {  	[tilespmem:s15], [sflag:$0x1] =	stream.indirect_vreg.gather [hbm4b:s3+s2], $0x80, v3, vm0, $0xb8;
	[tilespmem:$0x18080] =	vst v63  }
0xc7: {  	_ = 	snop  }
0xc8: {  	[tilespmem:s16], [sflag:$0x1] =	stream.indirect_vreg.gather [hbm4b:s4+s2], $0x80, v3, vm0, $0xb8;
	[tilespmem:$0x18080] =	vst v63  }
0xc9: {  	_ = 	snop  }
0xca: {  	[tilespmem:s17], [sflag:$0x1] =	stream.indirect_vreg.gather [hbm4b:s5+s2], $0x80, v3, vm0, $0xb8;
	[tilespmem:$0x18080] =	vst v63  }
0xcb: {  	_ = 	snop  }
0xcc: {  	[tilespmem:s18], [sflag:$0x1] =	stream.indirect_vreg.gather [hbm4b:s6+s2], $0x80, v3, vm0, $0xb8;
	[tilespmem:$0x18080] =	vst v63  }
0xcd: {  	v3 =	vld [tilespmem:$0x70];
	_ =	sdelay $0x4  }
0xce: {  	v63 =	vshll.u32 v3, $0x3  }
0xcf: {  	v3 =	vand.u32 $0x7, v3;
	v4 =	vand.u32 $0xFFFFFFC0, v63  }
0xd0: {  	v3 =	vor.u32 v3, v4  }
0xd1: {  	v4 =	vperm.xlane v3, v0;
	_ =	sdelay $0x1  }
0xd2: {  	v4 =	vadd.s32 v1, v4;
	_ =	sdelay $0x4  }
0xd3: {  	[tilespmem:s19], [sflag:$0x1] =	stream.indirect_vreg.gather [hbm4b:s3+s2], $0x80, v4, vm0, $0xb8;
	[tilespmem:$0x18080] =	vst v63  }
0xd4: {  	v3 =	vperm.xlane v3, v2  }
0xd5: {  	[tilespmem:s20], [sflag:$0x1] =	stream.indirect_vreg.gather [hbm4b:s4+s2], $0x80, v4, vm0, $0xb8;
	[tilespmem:$0x18080] =	vst v63  }
0xd6: {  	v3 =	vadd.s32 v1, v3  }
0xd7: {  	[tilespmem:s21], [sflag:$0x1] =	stream.indirect_vreg.gather [hbm4b:s5+s2], $0x80, v4, vm0, $0xb8;
	[tilespmem:$0x18080] =	vst v63  }
0xd8: {  	_ = 	snop  }
0xd9: {  	[tilespmem:s22], [sflag:$0x1] =	stream.indirect_vreg.gather [hbm4b:s6+s2], $0x80, v4, vm0, $0xb8;
	[tilespmem:$0x18080] =	vst v63  }
0xda: {  	_ = 	snop  }
0xdb: {  	[tilespmem:s23], [sflag:$0x1] =	stream.indirect_vreg.gather [hbm4b:s3+s2], $0x80, v3, vm0, $0xb8;
	[tilespmem:$0x18080] =	vst v63  }
0xdc: {  	_ = 	snop  }
0xdd: {  	[tilespmem:s24], [sflag:$0x1] =	stream.indirect_vreg.gather [hbm4b:s4+s2], $0x80, v3, vm0, $0xb8;
	[tilespmem:$0x18080] =	vst v63  }
0xde: {  	_ = 	snop  }
0xdf: {  	[tilespmem:s25], [sflag:$0x1] =	stream.indirect_vreg.gather [hbm4b:s5+s2], $0x80, v3, vm0, $0xb8;
	[tilespmem:$0x18080] =	vst v63  }
0xe0: {  	s11 =	simm.s32 $0x2  }
0xe1: {  	[tilespmem:s26], [sflag:$0x1] =	stream.indirect_vreg.gather [hbm4b:s6+s2], $0x80, v3, vm0, $0xb8;
	[tilespmem:$0x18080] =	vst v63  }
0xe2: {  	_ =	swait.ge [sflag:s11], $0x8000  }
0xe3: {  	[sflag:s11] =	ssyncset.done $0x0  }
0xe4: {  	s10 =	rddreg [dreg:$0x4];
	[sflag:s11] =	ssyncadd.s32 $0xFFFF8000  }
0xe5: {  	[hbm4b:s10+s2] =	stream.linear.scatter [tilespmem:s8], [sflag:$0x5], $0x8000, $0x38;
	[tilespmem:$0x18080] =	vst v63  }
0xe6: {  	_ =	swait.ge [sflag:s31], $0x8000  }
0xe7: {  	[sflag:s31] =	ssyncset.done $0x0  }
0xe8: {  	s8 =	rddreg [dreg:$0x5];
	[sflag:s31] =	ssyncadd.s32 $0xFFFF8000  }
0xe9: {  	[hbm4b:s8+s2] =	stream.linear.scatter [tilespmem:s30], [sflag:$0x6], $0x8000, $0x38;
	[tilespmem:$0x18080] =	vst v63  }
0xea: {  	_ =	swait.ge [sflag:s28], $0x8000  }
0xeb: {  	[sflag:s28] =	ssyncset.done $0x0  }
0xec: {  	s11 =	rddreg [dreg:$0x6];
	[sflag:s28] =	ssyncadd.s32 $0xFFFF8000  }
0xed: {  	[hbm4b:s11+s2] =	stream.linear.scatter [tilespmem:s9], [sflag:$0x4], $0x8000, $0x38;
	[tilespmem:$0x18080] =	vst v63  }
0xee: {  	_ =	swait.ge [sflag:s1], $0x8000  }
0xef: {  	[sflag:s1] =	ssyncset.done $0x0  }
0xf0: {  	[sflag:s1] =	ssyncadd.s32 $0xFFFF8000  }
0xf1: {  	p0 =	sne.s32 s7, $0x1;
	_ =	swait.ge [sflag:s0], $0x8000  }
.Ltmp0:
0xf2: {  	[sflag:s0] =	ssyncset.done $0x0;
	(pc) =	sbr.rel @p0 .LBB2_1-.Ltmp0, $4  }
0xf3: {  	[sflag:s0] =	ssyncadd.s32 $0xFFFF8000  }
0xf4: {  	_ =	swait.ge [sflag:s29], $0x8000  }
0xf5: {  	[sflag:s29] =	ssyncset.done $0x0  }
0xf6: {  	s7 =	sadd.s32 $0xFFFFFFFF, s7;
	[sflag:s29] =	ssyncadd.s32 $0xFFFF8000  }
0xf7: {  	_ =	sfence.sel $0x180000  }
0xf8: {  	[bflag:$0x0] =	sbarrier.arrive $0xFFFF  }
0xf9: {  	_ =	strace $0x90000050  }
0xfa: {  	s0 =	stileid.u32;
	[bflag:$0x2] =	sbarrier.arrive $0xFFFF  }
0xfb: {  	p0 =	sne.s32 s0, $0x0;
	s0 =	rddreg [dreg:$0x1]  }
0xfc: {  	s0 =	sadd.s32 @!p0 $0x100000, s0  }
0xfd: {  	[sflag:s0] =	ssyncadd.tile.s32 @!p0 $0x1;
	_ =	shalt  }
.Lfunc_end2:
_tile_overlayer_lowered:
.L_overlay_start_2:
0xfe: {  	(tag) =	ssettag $0x2  }
0xff: {  	s0 =	rddreg [dreg:$0x0];
	s2 =	stileid.u32  }
0x100: {  	s1 =	rddreg [dreg:$0x1];
	p0 =	sne.s32 s2, $0x0  }
0x101: {  	s3 =	rddreg [dreg:$0x2];
	[bflag:$0x3] =	sbarrier.arrive $0xFFFF;
	s2 =	simm.s32 @!p0 $0x1C07  }
0x102: {  	[timem:s3], [sflag:s2] =	dma.local @!p0 [hbm:s0], s1  }
0x103: {  	s0 =	simm.s32 @!p0 $0x7  }
0x104: {  	_ =	swait.ge @!p0 [sflag:s0], s1  }
0x105: {  	s1 =	ssub.s32 @!p0 $0x0, s1;
	[sflag:s0] =	ssyncset.done @!p0 $0x0  }
0x106: {  	[sflag:s0] =	ssyncadd.s32 @!p0 s1  }
0x107: {  	[bflag:$0x3] =	sbarrier.arrive $0xFFFF  }
0x108: {  	_ =	shalt  }

// kernel: kernel.36.cloned.1.call-start
scs
__scs_entry_jumppad:
0x0: {  	(pc) =	sbr.rel $0x88, $3  }
0x1: {  	(tag) =	ssettag $0x0;
	lr =	simm.s32 $0x1  }
0x2: {  	[smem:$0x3F83] =	sst lr;
	_ =	strace $0xD0000000  }
0x3: {  	_ = 	snop  }
0x4: {  	_ = 	snop  }
0x5: {  	_ = 	snop  }
0x6: {  	_ = 	snop  }
0x7: {  	_ = 	snop  }
__scs_overlays_trampoline_lowered:
0x8: {  	[smem:$0x3F92] =	sst s0  }
0x9: {  	[smem:$0x3F93] =	sst s1  }
0xa: {  	[smem:$0x3F94] =	sst s2  }
0xb: {  	[smem:$0x3F95] =	sst s3  }
0xc: {  	[smem:$0x3F96] =	sst s4  }
0xd: {  	[smem:$0x3F97] =	sst s5  }
0xe: {  	[smem:$0x3F98] =	sst s6  }
0xf: {  	[smem:$0x3F99] =	sst s7  }
0x10: {  	[smem:$0x3F9A] =	sst s8  }
0x11: {  	[smem:$0x3F9B] =	sst s9;
	s0 =	simm.s32 @!p0 $0x0  }
0x12: {  	s1 =	sld [smem:$0x3F81];
	s0 =	simm.s32 @p0 $0x1  }
0x13: {  	[smem:$0x3F9C] =	sst s0;
	s0 =	simm.s32 @!p1 $0x0  }
0x14: {  	s2 =	sld [smem:$0x3F80];
	s0 =	simm.s32 @p1 $0x1  }
0x15: {  	[smem:$0x3F9D] =	sst s0;
	s0 =	simm.s32 @!p2 $0x0  }
0x16: {  	s3 =	sld [smem:$0x3FDB];
	s0 =	simm.s32 @p2 $0x1  }
0x17: {  	s4 =	simm.s32 $0x1BF5;
	[smem:$0x3F9F] =	sst s0  }
0x18: {  	s0 =	sld [smem:$0x3F82];
	_ =	swait.ge [sflag:s4], $0x0  }
0x19: {  	s7 =	sld [smem:$0x3F83]  }
0x1a: {  	s8 =	sadd.s32 $0xFFFFE003, lr  }
0x1b: {  	s9 =	sadd.s32 $0xFFFFFEF7, lr;
	s5 =	simm.s32 $0xFFFFFFFF;
	p2 =	slt.u32 s8, $0xFFFFF086  }
0x1c: {  	p1 =	slt.u32 s9, $0xF7A;
	s5 =	simm.s32 @!p2 $0x0  }
0x1d: {  	s5 =	simm.s32 @p1 $0x1;
	p0 =	seq.s32 s7, s2  }
0x1e: {  	s7 =	smul.u32 @!p0 $0xF7A, s2;
	p2 =	seq.s32 @!p0 s5, $0x0  }
0x1f: {  	s9 =	smul.u32 $0xF7A, s1;
	s8 =	simm.s32 @!p0 $0x1BF5;
	p2 =	por !p2, p0  }
0x20: {  	[sflag:s8] =	ssyncset.s32 @!p0 $0xFFFFF086;
	s6 =	sadd.s32 @!p0 s3, s7;
	s7 =	simm.s32 @!p0 $0x108  }
0x21: {  	s3 =	sadd.s32 s3, s9;
	s6 =	sadd.s32 @!p0 $0x88, s6;
	s7 =	simm.s32 @p2 $0x1082  }
0x22: {  	[simem:s7], [sflag:s8] =	dma.local @!p0 [hbm:s6], $0xF7A  }
0x23: {  	s9 =	sor.u32 $0xD0000000, s2;
	s6 =	simm.s32 $0x108;
	_ =	swait.ge @!p0 [sflag:s8], $0x0  }
0x24: {  	s3 =	sadd.s32 $0x88, s3;
	s6 =	simm.s32 @!p1 $0x1082;
	[sflag:s4] =	ssyncset.s32 $0xFFFFF086  }
0x25: {  	[simem:s6], [sflag:s4] =	dma.local [hbm:s3], $0xF7A  }
0x26: {  	[smem:$0x3F83] =	sst s1;
	(tag) =	ssettag s2;
	_ =	strace s9  }
0x27: {  	s1 =	sld [smem:$0x3F93]  }
0x28: {  	s2 =	sld [smem:$0x3F94]  }
0x29: {  	s4 =	sld [smem:$0x3F96]  }
0x2a: {  	p0 =	seq.s32 s5, $0x0;
	s5 =	sld [smem:$0x3F97]  }
0x2b: {  	s6 =	sld [smem:$0x3F98]  }
0x2c: {  	s7 =	sld [smem:$0x3F99]  }
0x2d: {  	s3 =	simm.s32 $0x108;
	s8 =	sld [smem:$0x3F9A]  }
0x2e: {  	s3 =	simm.s32 @!p0 $0x1082;
	s9 =	sld [smem:$0x3F9B]  }
0x2f: {  	lr =	sadd.s32 s0, s3;
	s0 =	sld [smem:$0x3F92]  }
0x30: {  	s3 =	sld [smem:$0x3F95]  }
0x31: {  	[smem:$0x3F9E] =	sst s10  }
0x32: {  	s10 =	sld [smem:$0x3F9C];
	_ =	sdelay $0x3  }
0x33: {  	p0 =	seq.s32 s10, $0x1;
	s10 =	sld [smem:$0x3F9E];
	_ =	sdelay $0x3  }
0x34: {  	[smem:$0x3F9E] =	sst s10  }
0x35: {  	s10 =	sld [smem:$0x3F9D];
	_ =	sdelay $0x3  }
0x36: {  	p1 =	seq.s32 s10, $0x1;
	s10 =	sld [smem:$0x3F9E];
	_ =	sdelay $0x3  }
0x37: {  	[smem:$0x3F9E] =	sst s10  }
0x38: {  	s10 =	sld [smem:$0x3F9F]  }
0x39: {  	_ = 	snop;
	(pc) =	sbr.ind lr, $3  }
0x3a: {  	_ = 	snop  }
0x3b: {  	_ = 	snop  }
0x3c: {  	p2 =	seq.s32 s10, $0x1;
	s10 =	sld [smem:$0x3F9E]  }
0x3d: {  	_ =	shalt  }
0x3e: {  	_ =	shalt  }
0x3f: {  	_ =	shalt  }
0x40: {  	_ =	shalt  }
0x41: {  	_ =	shalt  }
0x42: {  	_ =	shalt  }
0x43: {  	_ =	shalt  }
0x44: {  	_ =	shalt  }
0x45: {  	_ =	shalt  }
0x46: {  	_ =	shalt  }
0x47: {  	_ =	shalt  }
0x48: {  	_ =	shalt  }
0x49: {  	_ =	shalt  }
0x4a: {  	_ =	shalt  }
0x4b: {  	_ =	shalt  }
0x4c: {  	_ =	shalt  }
0x4d: {  	_ =	shalt  }
0x4e: {  	_ =	shalt  }
0x4f: {  	_ =	shalt  }
0x50: {  	_ =	shalt  }
0x51: {  	_ =	shalt  }
0x52: {  	_ =	shalt  }
0x53: {  	_ =	shalt  }
0x54: {  	_ =	shalt  }
0x55: {  	_ =	shalt  }
0x56: {  	_ =	shalt  }
0x57: {  	_ =	shalt  }
0x58: {  	_ =	shalt  }
0x59: {  	_ =	shalt  }
0x5a: {  	_ =	shalt  }
0x5b: {  	_ =	shalt  }
0x5c: {  	_ =	shalt  }
0x5d: {  	_ =	shalt  }
0x5e: {  	_ =	shalt  }
0x5f: {  	_ =	shalt  }
0x60: {  	_ =	shalt  }
0x61: {  	_ =	shalt  }
0x62: {  	_ =	shalt  }
0x63: {  	_ =	shalt  }
0x64: {  	_ =	shalt  }
0x65: {  	_ =	shalt  }
0x66: {  	_ =	shalt  }
0x67: {  	_ =	shalt  }
0x68: {  	_ =	shalt  }
0x69: {  	_ =	shalt  }
0x6a: {  	_ =	shalt  }
0x6b: {  	_ =	shalt  }
0x6c: {  	_ =	shalt  }
0x6d: {  	_ =	shalt  }
0x6e: {  	_ =	shalt  }
0x6f: {  	_ =	shalt  }
0x70: {  	_ =	shalt  }
0x71: {  	_ =	shalt  }
0x72: {  	_ =	shalt  }
0x73: {  	_ =	shalt  }
0x74: {  	_ =	shalt  }
0x75: {  	_ =	shalt  }
0x76: {  	_ =	shalt  }
0x77: {  	_ =	shalt  }
0x78: {  	_ =	shalt  }
0x79: {  	_ =	shalt  }
0x7a: {  	_ =	shalt  }
0x7b: {  	_ =	shalt  }
0x7c: {  	_ =	shalt  }
0x7d: {  	_ =	shalt  }
0x7e: {  	_ =	shalt  }
0x7f: {  	_ =	shalt  }
0x80: {  	_ =	shalt  }
0x81: {  	_ =	shalt  }
0x82: {  	_ =	shalt  }
0x83: {  	_ =	shalt  }
0x84: {  	_ =	shalt  }
0x85: {  	_ =	shalt  }
0x86: {  	_ =	shalt  }
0x87: {  	_ =	shalt  }
.Lfunc_end0:
.L_simem_size_0:
called_computation.6_lowered:
.L_overlay_start_0:
0x88: {  	s2 =	sld [smem:$0x3FD9]  }
0x89: {  	s3 =	sld [smem:$0x3FFE];
	_ =	sdelay $0x1  }
0x8a: {  	s1 =	srdreg.scid  }
0x8b: {  	s0 =	sand.u32 $0x1, s1  }
0x8c: {  	s17 =	sshll.u32 s0, $0xA;
	s2 =	sadd.s32 s3, s2  }
0x8d: {  	s2 =	sadd.s32 s2, s17  }
0x8e: {  	[smem:$0x3FAA] =	sst s2  }
0x8f: {  	_ = 	snop  }
0x90: {  	s18 =	sld [smem:$0x3FD0];
	(tm) =	ssettm $0x1  }
0x91: {  	s19 =	sld [smem:$0x3FFB];
	_ =	sdelay $0x3  }
0x92: {  	_ =	strace s19  }
0x93: {  	s2 =	sld [smem:$0x3FFC];
	_ =	sdelay $0x3  }
0x94: {  	_ =	strace s2  }
0x95: {  	s2 =	sld [smem:$0x3FFD];
	_ =	sdelay $0x3  }
0x96: {  	_ =	strace s2  }
0x97: {  	_ =	strace $0x8FFFFFFF  }
0x98: {  	s20 =	sld [smem:$0x3FDB];
	_ =	sdelay $0x1  }
0x99: {  	s4 =	simm.s32 $_scs_section_size  }
0x9a: {  	s5 =	simm.s32 $_size__tile_overlayer_lowered;
	s6 =	simm.s32 $_tile_overlayer_lowered  }
0x9b: {  	s7 =	simm.s32 $0x1BFF;
	s21 =	sshll.u32 s6, $0x1;
	s4 =	sadd.s32 s4, s20  }
0x9c: {  	s22 =	simm.s32 $0x0;
	s5 =	sshll.u32 s5, $0x1;
	s6 =	sadd.s32 s21, s4  }
0x9d: {  	[timem:s22], [sflag:s7] =	dma.local [hbm:s6], s5  }
0x9e: {  	_ =	swait.ge [sflag:s7], s5  }
0x9f: {  	s5 =	ssub.s32 $0x0, s5;
	[sflag:s7] =	ssyncset.done $0x0  }
0xa0: {  	[sflag:s7] =	ssyncadd.s32 s5;
	_ =	sdelay $0x1  }
0xa1: {  	s23 =	simm.s32 $0x1B8B  }
0xa2: {  	_ =	swait.ge [sflag:s23], $0x1  }
0xa3: {  	[sflag:s23] =	ssyncset.done $0x0  }
0xa4: {  	[sflag:s23] =	ssyncadd.s32 $0xFFFFFFFF  }
0xa5: {  	s5 =	sld [smem:$0x0]  }
0xa6: {  	s6 =	sand.u32 $0xFFFFFFFE, s1  }
0xa7: {  	p0 =	sne.s32 s1, s6  }
0xa8: {  	s6 =	sshll.u32 @p0 s6, $0xE  }
0xa9: {  	s6 =	sadd.s32 @p0 $0x11B8D, s6;
	s7 =	sshll.u32 @p0 s5, $0x11  }
0xaa: {  	s6 =	sor.u32 @p0 s7, s6  }
0xab: {  	[sflag:s6] =	ssyncadd.remote.s32 @p0 $0x1;
	_ =	sdelay $0x1  }
0xac: {  	s6 =	simm.s32 @p0 $0x1B8D  }
0xad: {  	_ =	swait.eq @p0 [sflag:s6], $0x1  }
0xae: {  	[sflag:s6] =	ssyncadd.s32 @p0 $0xFFFFFFFF  }
0xaf: {  	s7 =	sshll.u32 @!p0 s1, $0xE  }
0xb0: {  	s7 =	sor.u32 @!p0 $0x4000, s7;
	s6 =	simm.s32 @!p0 $0x1B8D  }
0xb1: {  	s5 =	sshll.u32 @!p0 s5, $0x11;
	s7 =	sadd.s32 @!p0 $0x11B8D, s7;
	_ =	swait.eq @!p0 [sflag:s6], $0x1  }
0xb2: {  	s5 =	sor.u32 @!p0 s5, s7;
	[sflag:s6] =	ssyncadd.s32 @!p0 $0xFFFFFFFF  }
0xb3: {  	s25 =	simm.s32 $0x1B8E;
	s24 =	sld [smem:$0x3FFE];
	[sflag:s5] =	ssyncadd.remote.s32 @!p0 $0x1  }
0xb4: {  	s26 =	simm.s32 $execute0_lowered;
	[smem:$0x3FD2] =	sst s25  }
0xb5: {  	s6 =	sshll.u32 s26, $0x1;
	_ =	strace $0x80000058;
	[dreg:$0x1] =	wrdreg $0xFFFFFFFF  }
0xb6: {  	s28 =	simm.s32 $_size_execute0_lowered;
	s4 =	sadd.s32 s4, s6;
	[dreg:$0x0] =	wrdreg $0x0  }
0xb7: {  	s6 =	sshll.u32 s28, $0x1;
	[dreg:$0x2] =	wrdreg s4  }
0xb8: {  	[dreg:$0x3] =	wrdreg s6  }
0xb9: {  	[dreg:$0x4] =	wrdreg $0xC0  }
0xba: {  	_ =	task [dreg:s22], $0x5FFFF  }
0xbb: {  	[dreg:$0x1] =	wrdreg $0xFFFFFFFF  }
0xbc: {  	[dreg:$0x0] =	wrdreg $0x60  }
0xbd: {  	[dreg:$0x2] =	wrdreg s18  }
0xbe: {  	[dreg:$0x3] =	wrdreg s24  }
0xbf: {  	[dreg:$0x4] =	wrdreg $0xA  }
0xc0: {  	_ =	task.clear_ibuf [dreg:s22], $0x5FFFF;
	_ =	strace $0x90000058  }
0xc1: {  	s29 =	simm.s32 $0xA;
	_ =	strace $0x8000005A  }
0xc2: {  	_ =	swait.ge [sflag:s29], $0x1  }
0xc3: {  	[sflag:s29] =	ssyncadd.s32 $0xFFFFFFFF  }
0xc4: {  	_ =	strace $0x9000005A  }
0xc5: {  	_ =	sfence  }
0xc6: {  	s30 =	sld [smem:$0x0];
	_ =	sdelay $0x2  }
0xc7: {  	s31 =	sshll.u32 s1, $0xD;
	s1 =	sshrl.u32 s1, $0x2  }
0xc8: {  	s4 =	sand.u32 $0x4000, s31;
	s1 =	sadd.s32 s1, s30  }
0xc9: {  	s0 =	sor.u32 s4, s0;
	s1 =	sshll.u32 s1, $0x11  }
0xca: {  	s0 =	sor.u32 s1, s0  }
0xcb: {  	s0 =	sadd.s32 $0x8F2B, s0  }
0xcc: {  	[sflag:s0] =	ssyncadd.remote.s32 $0x1  }
0xcd: {  	_ =	sfence.sel $0xFFFF  }
0xce: {  	[dreg:$0x0] =	wrdreg $0xFFFFFFFF;
	(pc) =	sbr.abs _section_cstart, $3  }
0xcf: {  	[dreg:$0x1] =	wrdreg $0xFFFFFFFF  }
0xd0: {  	_ =	task.clear_ibuf [dreg:s22], $0x2FFFF;
	_ =	strace $0x9FFFFFFF  }
0xd1: {  	(tm) =	ssettm $0x7FFFFFFF  }
tec
execute0_lowered:
.L_overlay_start_1:
0x0: {  	(tag) =	ssettag $0x1  }
0x1: {  	s0 =	srdreg.scid;
	s2 =	rddreg [dreg:$0x0]  }
0x2: {  	s1 =	stileid.u32;
	s4 =	rddreg [dreg:$0x1];
	s3 =	simm.s32 $0x0  }
0x3: {  	s21 =	simm.s32 $0x900;
	s22 =	simm.s32 $0x1100;
	s23 =	simm.s32 $0x1900  }
0x4: {  	s28 =	simm.s32 $0x3100;
	s29 =	simm.s32 $0x3900;
	s30 =	simm.s32 $0x4100  }
0x5: {  	s31 =	simm.s32 $0x4900;
	s13 =	simm.s32 $0x5100;
	s14 =	simm.s32 $0x6100  }
0x6: {  	s19 =	simm.s32 $0x8100;
	s0 =	sand.u32 $0x1, s0;
	s1 =	sshll.u32 s1, $0x1  }
0x7: {  	s16 =	simm.s32 $0xB100;
	s17 =	simm.s32 $0xB900;
	s1 =	sor.u32 s0, s1  }
0x8: {  	s18 =	simm.s32 $0xC100;
	[smem:$0x7FF] =	sst s3;
	s5 =	smul.u32 $0x18, s1  }
0x9: {  	_ =	strace $0x80000059;
	s0 =	ssub.s32 $0x2, s0;
	s6 =	smul.u32 $0x6000, s1  }
0xa: {  	s1 =	smul.u32 $0x30000, s1;
	s7 =	sshrl.u32 s0, $0x1;
	s5 =	sadd.s32 s5, s4  }
0xb: {  	s0 =	ssub.s32 s0, s7;
	s4 =	sadd.s32 $0x28600, s4;
	s5 =	sadd.s32 $0x8400, s5  }
0xc: {  	s1 =	sshrl.u32 s1, $0x3;
	s6 =	sadd.s32 s4, s6;
	[dreg:$0x3] =	wrdreg s5  }
0xd: {  	s1 =	sadd.s32 s4, s1;
	[dreg:$0x9] =	wrdreg s6;
	s24 =	sadd.s32 $0x1000, s6  }
0xe: {  	s7 =	sadd.s32 $0x300, s2;
	s4 =	sadd.s32 $0x2000, s1;
	[dreg:$0x4] =	wrdreg s24  }
0xf: {  	s15 =	smax.u32 s0, $0x1;
	s25 =	sadd.s32 $0x3000, s1;
	[dreg:$0x5] =	wrdreg s4  }
0x10: {  	s5 =	sadd.s32 $0x100, s2;
	s26 =	sadd.s32 $0x4000, s1;
	[dreg:$0x6] =	wrdreg s25  }
0x11: {  	v2 =	vlaneseq.u32;
	s6 =	sadd.s32 $0x200, s2;
	s1 =	sadd.s32 $0x5000, s1;
	[dreg:$0x7] =	wrdreg s26  }
0x12: {  	vm0 =	vmmov $0xffff;
	v1 =	vshrl.u32 v2, $0x3;
	[dreg:$0x8] =	wrdreg s1;
	s24 =	simm.s32 $0x2100;
	s25 =	simm.s32 $0x2900  }
0x13: {  	v0 =	vand.u32 $0x7, v2;
	v2 =	vor.u32 $0x8, v2;
	v1 =	vmul.u32 $0x8, v1;
	s26 =	simm.s32 $0x9900;
	s4 =	simm.s32 $0x10100;
	s1 =	simm.s32 $0x4  }
.LBB2_1:
0x14: {  	s20 =	rddreg [dreg:$0x3];
	s0 =	simm.s32 $0x7  }
0x15: {  	[tilespmem:s3], [sflag:$0x7] =	stream.linear.gather [hbm4b:s20+s3], $0xC0, $0x38;
	[tilespmem:$0x18100] =	vst v63  }
0x16: {  	_ =	swait.ge [sflag:s0], $0xC0  }
0x17: {  	[sflag:s0] =	ssyncset.done $0x0  }
0x18: {  	[sflag:s0] =	ssyncadd.s32 $0xFFFFFF40  }
0x19: {  	v3 =	vld [tilespmem:$0x0];
	_ =	sdelay $0x4  }
0x1a: {  	v4 =	vshll.u32 v3, $0x3  }
0x1b: {  	v3 =	vand.u32 $0x7, v3;
	v4 =	vand.u32 $0xFFFFFFC0, v4  }
0x1c: {  	v3 =	vor.u32 v3, v4  }
0x1d: {  	v4 =	vperm.xlane v3, v0;
	_ =	sdelay $0x1  }
0x1e: {  	v4 =	vadd.s32 v1, v4;
	_ =	sdelay $0x3  }
0x1f: {  	s12 =	simm.s32 $0x100  }
0x20: {  	[tilespmem:s12], [sflag:$0x1] =	stream.indirect_vreg.gather [hbm4b:s2+s3], $0x80, v4, vm0, $0xb8;
	[tilespmem:$0x18100] =	vst v63  }
0x21: {  	v3 =	vperm.xlane v3, v2  }
0x22: {  	[tilespmem:s21], [sflag:$0x1] =	stream.indirect_vreg.gather [hbm4b:s5+s3], $0x80, v4, vm0, $0xb8;
	[tilespmem:$0x18100] =	vst v63  }
0x23: {  	v3 =	vadd.s32 v1, v3  }
0x24: {  	[tilespmem:s22], [sflag:$0x1] =	stream.indirect_vreg.gather [hbm4b:s6+s3], $0x80, v4, vm0, $0xb8;
	[tilespmem:$0x18100] =	vst v63  }
0x25: {  	_ = 	snop  }
0x26: {  	[tilespmem:s23], [sflag:$0x1] =	stream.indirect_vreg.gather [hbm4b:s7+s3], $0x80, v4, vm0, $0xb8;
	[tilespmem:$0x18100] =	vst v63  }
0x27: {  	_ = 	snop  }
0x28: {  	[tilespmem:s24], [sflag:$0x1] =	stream.indirect_vreg.gather [hbm4b:s2+s3], $0x80, v3, vm0, $0xb8;
	[tilespmem:$0x18100] =	vst v63  }
0x29: {  	_ = 	snop  }
0x2a: {  	[tilespmem:s25], [sflag:$0x1] =	stream.indirect_vreg.gather [hbm4b:s5+s3], $0x80, v3, vm0, $0xb8;
	[tilespmem:$0x18100] =	vst v63  }
0x2b: {  	_ = 	snop  }
0x2c: {  	[tilespmem:s28], [sflag:$0x1] =	stream.indirect_vreg.gather [hbm4b:s6+s3], $0x80, v3, vm0, $0xb8;
	[tilespmem:$0x18100] =	vst v63  }
0x2d: {  	_ = 	snop  }
0x2e: {  	[tilespmem:s29], [sflag:$0x1] =	stream.indirect_vreg.gather [hbm4b:s7+s3], $0x80, v3, vm0, $0xb8;
	[tilespmem:$0x18100] =	vst v63  }
0x2f: {  	v3 =	vld [tilespmem:$0x10];
	_ =	sdelay $0x4  }
0x30: {  	v53 =	vshll.u32 v3, $0x3  }
0x31: {  	v3 =	vand.u32 $0x7, v3;
	v4 =	vand.u32 $0xFFFFFFC0, v53  }
0x32: {  	v3 =	vor.u32 v3, v4  }
0x33: {  	v4 =	vperm.xlane v3, v0;
	_ =	sdelay $0x1  }
0x34: {  	v4 =	vadd.s32 v1, v4;
	_ =	sdelay $0x4  }
0x35: {  	[tilespmem:s30], [sflag:$0x1] =	stream.indirect_vreg.gather [hbm4b:s2+s3], $0x80, v4, vm0, $0xb8;
	[tilespmem:$0x18100] =	vst v63  }
0x36: {  	v3 =	vperm.xlane v3, v2  }
0x37: {  	[tilespmem:s31], [sflag:$0x1] =	stream.indirect_vreg.gather [hbm4b:s5+s3], $0x80, v4, vm0, $0xb8;
	[tilespmem:$0x18100] =	vst v63  }
0x38: {  	v3 =	vadd.s32 v1, v3  }
0x39: {  	[tilespmem:s13], [sflag:$0x1] =	stream.indirect_vreg.gather [hbm4b:s6+s3], $0x80, v4, vm0, $0xb8;
	[tilespmem:$0x18100] =	vst v63  }
0x3a: {  	s10 =	simm.s32 $0x5900  }
0x3b: {  	[tilespmem:s10], [sflag:$0x1] =	stream.indirect_vreg.gather [hbm4b:s7+s3], $0x80, v4, vm0, $0xb8;
	[tilespmem:$0x18100] =	vst v63  }
0x3c: {  	_ = 	snop  }
0x3d: {  	[tilespmem:s14], [sflag:$0x1] =	stream.indirect_vreg.gather [hbm4b:s2+s3], $0x80, v3, vm0, $0xb8;
	[tilespmem:$0x18100] =	vst v63  }
0x3e: {  	s11 =	simm.s32 $0x6900  }
0x3f: {  	[tilespmem:s11], [sflag:$0x1] =	stream.indirect_vreg.gather [hbm4b:s5+s3], $0x80, v3, vm0, $0xb8;
	[tilespmem:$0x18100] =	vst v63  }
0x40: {  	s12 =	simm.s32 $0x7100  }
0x41: {  	[tilespmem:s12], [sflag:$0x1] =	stream.indirect_vreg.gather [hbm4b:s6+s3], $0x80, v3, vm0, $0xb8;
	[tilespmem:$0x18100] =	vst v63  }
0x42: {  	s9 =	simm.s32 $0x7900  }
0x43: {  	[tilespmem:s9], [sflag:$0x1] =	stream.indirect_vreg.gather [hbm4b:s7+s3], $0x80, v3, vm0, $0xb8;
	[tilespmem:$0x18100] =	vst v63  }
0x44: {  	v3 =	vld [tilespmem:$0x20];
	_ =	sdelay $0x4  }
0x45: {  	v54 =	vshll.u32 v3, $0x3  }
0x46: {  	v3 =	vand.u32 $0x7, v3;
	v4 =	vand.u32 $0xFFFFFFC0, v54  }
0x47: {  	v3 =	vor.u32 v3, v4  }
0x48: {  	v4 =	vperm.xlane v3, v0;
	_ =	sdelay $0x1  }
0x49: {  	v4 =	vadd.s32 v1, v4;
	_ =	sdelay $0x4  }
0x4a: {  	[tilespmem:s19], [sflag:$0x2] =	stream.indirect_vreg.gather [hbm4b:s2+s3], $0x80, v4, vm0, $0xb8;
	[tilespmem:$0x18100] =	vst v63  }
0x4b: {  	s20 =	simm.s32 $0x8900;
	v3 =	vperm.xlane v3, v2  }
0x4c: {  	[tilespmem:s20], [sflag:$0x2] =	stream.indirect_vreg.gather [hbm4b:s5+s3], $0x80, v4, vm0, $0xb8;
	[tilespmem:$0x18100] =	vst v63  }
0x4d: {  	s8 =	simm.s32 $0x9100;
	v3 =	vadd.s32 v1, v3  }
0x4e: {  	[tilespmem:s8], [sflag:$0x2] =	stream.indirect_vreg.gather [hbm4b:s6+s3], $0x80, v4, vm0, $0xb8;
	[tilespmem:$0x18100] =	vst v63  }
0x4f: {  	_ = 	snop  }
0x50: {  	[tilespmem:s26], [sflag:$0x2] =	stream.indirect_vreg.gather [hbm4b:s7+s3], $0x80, v4, vm0, $0xb8;
	[tilespmem:$0x18100] =	vst v63  }
0x51: {  	s20 =	simm.s32 $0xA100  }
0x52: {  	[tilespmem:s20], [sflag:$0x2] =	stream.indirect_vreg.gather [hbm4b:s2+s3], $0x80, v3, vm0, $0xb8;
	[tilespmem:$0x18100] =	vst v63  }
0x53: {  	s8 =	simm.s32 $0xA900  }
0x54: {  	[tilespmem:s8], [sflag:$0x2] =	stream.indirect_vreg.gather [hbm4b:s5+s3], $0x80, v3, vm0, $0xb8;
	[tilespmem:$0x18100] =	vst v63  }
0x55: {  	_ = 	snop  }
0x56: {  	[tilespmem:s16], [sflag:$0x2] =	stream.indirect_vreg.gather [hbm4b:s6+s3], $0x80, v3, vm0, $0xb8;
	[tilespmem:$0x18100] =	vst v63  }
0x57: {  	_ = 	snop  }
0x58: {  	[tilespmem:s17], [sflag:$0x2] =	stream.indirect_vreg.gather [hbm4b:s7+s3], $0x80, v3, vm0, $0xb8;
	[tilespmem:$0x18100] =	vst v63  }
0x59: {  	v3 =	vld [tilespmem:$0x30];
	_ =	sdelay $0x4  }
0x5a: {  	v55 =	vshll.u32 v3, $0x3  }
0x5b: {  	v3 =	vand.u32 $0x7, v3;
	v4 =	vand.u32 $0xFFFFFFC0, v55  }
0x5c: {  	v3 =	vor.u32 v3, v4  }
0x5d: {  	v4 =	vperm.xlane v3, v0;
	_ =	sdelay $0x1  }
0x5e: {  	v4 =	vadd.s32 v1, v4;
	_ =	sdelay $0x4  }
0x5f: {  	[tilespmem:s18], [sflag:$0x2] =	stream.indirect_vreg.gather [hbm4b:s2+s3], $0x80, v4, vm0, $0xb8;
	[tilespmem:$0x18100] =	vst v63  }
0x60: {  	s20 =	simm.s32 $0xC900;
	v3 =	vperm.xlane v3, v2  }
0x61: {  	[tilespmem:s20], [sflag:$0x2] =	stream.indirect_vreg.gather [hbm4b:s5+s3], $0x80, v4, vm0, $0xb8;
	[tilespmem:$0x18100] =	vst v63  }
0x62: {  	s8 =	simm.s32 $0xD100;
	v3 =	vadd.s32 v1, v3  }
0x63: {  	[tilespmem:s8], [sflag:$0x2] =	stream.indirect_vreg.gather [hbm4b:s6+s3], $0x80, v4, vm0, $0xb8;
	[tilespmem:$0x18100] =	vst v63  }
0x64: {  	s20 =	simm.s32 $0xD900  }
0x65: {  	[tilespmem:s20], [sflag:$0x2] =	stream.indirect_vreg.gather [hbm4b:s7+s3], $0x80, v4, vm0, $0xb8;
	[tilespmem:$0x18100] =	vst v63  }
0x66: {  	s8 =	simm.s32 $0xE100  }
0x67: {  	[tilespmem:s8], [sflag:$0x2] =	stream.indirect_vreg.gather [hbm4b:s2+s3], $0x80, v3, vm0, $0xb8;
	[tilespmem:$0x18100] =	vst v63  }
0x68: {  	s20 =	simm.s32 $0xE900  }
0x69: {  	[tilespmem:s20], [sflag:$0x2] =	stream.indirect_vreg.gather [hbm4b:s5+s3], $0x80, v3, vm0, $0xb8;
	[tilespmem:$0x18100] =	vst v63  }
0x6a: {  	s8 =	simm.s32 $0xF100  }
0x6b: {  	[tilespmem:s8], [sflag:$0x2] =	stream.indirect_vreg.gather [hbm4b:s6+s3], $0x80, v3, vm0, $0xb8;
	[tilespmem:$0x18100] =	vst v63  }
0x6c: {  	s20 =	simm.s32 $0xF900  }
0x6d: {  	[tilespmem:s20], [sflag:$0x2] =	stream.indirect_vreg.gather [hbm4b:s7+s3], $0x80, v3, vm0, $0xb8;
	[tilespmem:$0x18100] =	vst v63  }
0x6e: {  	v3 =	vld [tilespmem:$0x40];
	_ =	sdelay $0x4  }
0x6f: {  	v56 =	vshll.u32 v3, $0x3  }
0x70: {  	v3 =	vand.u32 $0x7, v3;
	v4 =	vand.u32 $0xFFFFFFC0, v56  }
0x71: {  	v3 =	vor.u32 v3, v4  }
0x72: {  	v4 =	vperm.xlane v3, v0;
	_ =	sdelay $0x1  }
0x73: {  	v4 =	vadd.s32 v1, v4;
	_ =	sdelay $0x4  }
0x74: {  	[tilespmem:s4], [sflag:$0x3] =	stream.indirect_vreg.gather [hbm4b:s2+s3], $0x80, v4, vm0, $0xb8;
	[tilespmem:$0x18100] =	vst v63  }
0x75: {  	s8 =	simm.s32 $0x10900;
	v3 =	vperm.xlane v3, v2  }
0x76: {  	[tilespmem:s8], [sflag:$0x3] =	stream.indirect_vreg.gather [hbm4b:s5+s3], $0x80, v4, vm0, $0xb8;
	[tilespmem:$0x18100] =	vst v63  }
0x77: {  	s20 =	simm.s32 $0x11100;
	v3 =	vadd.s32 v1, v3  }
0x78: {  	[tilespmem:s20], [sflag:$0x3] =	stream.indirect_vreg.gather [hbm4b:s6+s3], $0x80, v4, vm0, $0xb8;
	[tilespmem:$0x18100] =	vst v63  }
0x79: {  	s8 =	simm.s32 $0x11900  }
0x7a: {  	[tilespmem:s8], [sflag:$0x3] =	stream.indirect_vreg.gather [hbm4b:s7+s3], $0x80, v4, vm0, $0xb8;
	[tilespmem:$0x18100] =	vst v63  }
0x7b: {  	s20 =	simm.s32 $0x12100  }
0x7c: {  	[tilespmem:s20], [sflag:$0x3] =	stream.indirect_vreg.gather [hbm4b:s2+s3], $0x80, v3, vm0, $0xb8;
	[tilespmem:$0x18100] =	vst v63  }
0x7d: {  	s8 =	simm.s32 $0x12900  }
0x7e: {  	[tilespmem:s8], [sflag:$0x3] =	stream.indirect_vreg.gather [hbm4b:s5+s3], $0x80, v3, vm0, $0xb8;
	[tilespmem:$0x18100] =	vst v63  }
0x7f: {  	s20 =	simm.s32 $0x13100  }
0x80: {  	[tilespmem:s20], [sflag:$0x3] =	stream.indirect_vreg.gather [hbm4b:s6+s3], $0x80, v3, vm0, $0xb8;
	[tilespmem:$0x18100] =	vst v63  }
0x81: {  	s8 =	simm.s32 $0x13900  }
0x82: {  	[tilespmem:s8], [sflag:$0x3] =	stream.indirect_vreg.gather [hbm4b:s7+s3], $0x80, v3, vm0, $0xb8;
	[tilespmem:$0x18100] =	vst v63  }
0x83: {  	v3 =	vld [tilespmem:$0x50];
	_ =	sdelay $0x4  }
0x84: {  	v57 =	vshll.u32 v3, $0x3  }
0x85: {  	v3 =	vand.u32 $0x7, v3;
	v4 =	vand.u32 $0xFFFFFFC0, v57  }
0x86: {  	v3 =	vor.u32 v3, v4  }
0x87: {  	v4 =	vperm.xlane v3, v0;
	_ =	sdelay $0x1  }
0x88: {  	v4 =	vadd.s32 v1, v4;
	_ =	sdelay $0x3  }
0x89: {  	s20 =	simm.s32 $0x14100  }
0x8a: {  	[tilespmem:s20], [sflag:$0x3] =	stream.indirect_vreg.gather [hbm4b:s2+s3], $0x80, v4, vm0, $0xb8;
	[tilespmem:$0x18100] =	vst v63  }
0x8b: {  	s8 =	simm.s32 $0x14900;
	v3 =	vperm.xlane v3, v2  }
0x8c: {  	[tilespmem:s8], [sflag:$0x3] =	stream.indirect_vreg.gather [hbm4b:s5+s3], $0x80, v4, vm0, $0xb8;
	[tilespmem:$0x18100] =	vst v63  }
0x8d: {  	v3 =	vadd.s32 v1, v3;
	s20 =	simm.s32 $0x15100  }
0x8e: {  	[tilespmem:s20], [sflag:$0x3] =	stream.indirect_vreg.gather [hbm4b:s6+s3], $0x80, v4, vm0, $0xb8;
	[tilespmem:$0x18100] =	vst v63  }
0x8f: {  	s8 =	simm.s32 $0x15900  }
0x90: {  	[tilespmem:s8], [sflag:$0x3] =	stream.indirect_vreg.gather [hbm4b:s7+s3], $0x80, v4, vm0, $0xb8;
	[tilespmem:$0x18100] =	vst v63  }
0x91: {  	s20 =	simm.s32 $0x16100  }
0x92: {  	[tilespmem:s20], [sflag:$0x3] =	stream.indirect_vreg.gather [hbm4b:s2+s3], $0x80, v3, vm0, $0xb8;
	[tilespmem:$0x18100] =	vst v63  }
0x93: {  	s8 =	simm.s32 $0x16900  }
0x94: {  	[tilespmem:s8], [sflag:$0x3] =	stream.indirect_vreg.gather [hbm4b:s5+s3], $0x80, v3, vm0, $0xb8;
	[tilespmem:$0x18100] =	vst v63  }
0x95: {  	s20 =	simm.s32 $0x17100  }
0x96: {  	[tilespmem:s20], [sflag:$0x3] =	stream.indirect_vreg.gather [hbm4b:s6+s3], $0x80, v3, vm0, $0xb8;
	[tilespmem:$0x18100] =	vst v63  }
0x97: {  	s0 =	simm.s32 $0x1;
	s8 =	simm.s32 $0x17900  }
0x98: {  	[tilespmem:s8], [sflag:$0x3] =	stream.indirect_vreg.gather [hbm4b:s7+s3], $0x80, v3, vm0, $0xb8;
	[tilespmem:$0x18100] =	vst v63  }
0x99: {  	_ =	swait.ge [sflag:s0], $0x8000  }
0x9a: {  	[sflag:s0] =	ssyncset.done $0x0  }
0x9b: {  	s8 =	simm.s32 $0x100;
	s20 =	rddreg [dreg:$0x9];
	[sflag:s0] =	ssyncadd.s32 $0xFFFF8000  }
0x9c: {  	[hbm4b:s20+s3] =	stream.linear.scatter [tilespmem:s8], [sflag:$0x4], $0x8000, $0x38;
	[tilespmem:$0x18100] =	vst v63  }
0x9d: {  	_ =	swait.ge [sflag:s1], $0x8000  }
0x9e: {  	[sflag:s1] =	ssyncset.done $0x0  }
0x9f: {  	[sflag:s1] =	ssyncadd.s32 $0xFFFF8000  }
0xa0: {  	v3 =	vld [tilespmem:$0x60];
	_ =	sdelay $0x4  }
0xa1: {  	v58 =	vshll.u32 v3, $0x3  }
0xa2: {  	v3 =	vand.u32 $0x7, v3;
	v4 =	vand.u32 $0xFFFFFFC0, v58  }
0xa3: {  	v3 =	vor.u32 v3, v4  }
0xa4: {  	v4 =	vperm.xlane v3, v0;
	_ =	sdelay $0x1  }
0xa5: {  	v4 =	vadd.s32 v1, v4;
	_ =	sdelay $0x4  }
0xa6: {  	[tilespmem:s8], [sflag:$0x1] =	stream.indirect_vreg.gather [hbm4b:s2+s3], $0x80, v4, vm0, $0xb8;
	[tilespmem:$0x18100] =	vst v63  }
0xa7: {  	v3 =	vperm.xlane v3, v2  }
0xa8: {  	[tilespmem:s21], [sflag:$0x1] =	stream.indirect_vreg.gather [hbm4b:s5+s3], $0x80, v4, vm0, $0xb8;
	[tilespmem:$0x18100] =	vst v63  }
0xa9: {  	v3 =	vadd.s32 v1, v3  }
0xaa: {  	[tilespmem:s22], [sflag:$0x1] =	stream.indirect_vreg.gather [hbm4b:s6+s3], $0x80, v4, vm0, $0xb8;
	[tilespmem:$0x18100] =	vst v63  }
0xab: {  	_ = 	snop  }
0xac: {  	[tilespmem:s23], [sflag:$0x1] =	stream.indirect_vreg.gather [hbm4b:s7+s3], $0x80, v4, vm0, $0xb8;
	[tilespmem:$0x18100] =	vst v63  }
0xad: {  	_ = 	snop  }
0xae: {  	[tilespmem:s24], [sflag:$0x1] =	stream.indirect_vreg.gather [hbm4b:s2+s3], $0x80, v3, vm0, $0xb8;
	[tilespmem:$0x18100] =	vst v63  }
0xaf: {  	_ = 	snop  }
0xb0: {  	[tilespmem:s25], [sflag:$0x1] =	stream.indirect_vreg.gather [hbm4b:s5+s3], $0x80, v3, vm0, $0xb8;
	[tilespmem:$0x18100] =	vst v63  }
0xb1: {  	_ = 	snop  }
0xb2: {  	[tilespmem:s28], [sflag:$0x1] =	stream.indirect_vreg.gather [hbm4b:s6+s3], $0x80, v3, vm0, $0xb8;
	[tilespmem:$0x18100] =	vst v63  }
0xb3: {  	_ = 	snop  }
0xb4: {  	[tilespmem:s29], [sflag:$0x1] =	stream.indirect_vreg.gather [hbm4b:s7+s3], $0x80, v3, vm0, $0xb8;
	[tilespmem:$0x18100] =	vst v63  }
0xb5: {  	v3 =	vld [tilespmem:$0x70];
	_ =	sdelay $0x4  }
0xb6: {  	v59 =	vshll.u32 v3, $0x3  }
0xb7: {  	v3 =	vand.u32 $0x7, v3;
	v4 =	vand.u32 $0xFFFFFFC0, v59  }
0xb8: {  	v3 =	vor.u32 v3, v4  }
0xb9: {  	v4 =	vperm.xlane v3, v0;
	_ =	sdelay $0x1  }
0xba: {  	v4 =	vadd.s32 v1, v4;
	_ =	sdelay $0x4  }
0xbb: {  	[tilespmem:s30], [sflag:$0x1] =	stream.indirect_vreg.gather [hbm4b:s2+s3], $0x80, v4, vm0, $0xb8;
	[tilespmem:$0x18100] =	vst v63  }
0xbc: {  	v3 =	vperm.xlane v3, v2  }
0xbd: {  	[tilespmem:s31], [sflag:$0x1] =	stream.indirect_vreg.gather [hbm4b:s5+s3], $0x80, v4, vm0, $0xb8;
	[tilespmem:$0x18100] =	vst v63  }
0xbe: {  	v3 =	vadd.s32 v1, v3  }
0xbf: {  	[tilespmem:s13], [sflag:$0x1] =	stream.indirect_vreg.gather [hbm4b:s6+s3], $0x80, v4, vm0, $0xb8;
	[tilespmem:$0x18100] =	vst v63  }
0xc0: {  	_ = 	snop  }
0xc1: {  	[tilespmem:s10], [sflag:$0x1] =	stream.indirect_vreg.gather [hbm4b:s7+s3], $0x80, v4, vm0, $0xb8;
	[tilespmem:$0x18100] =	vst v63  }
0xc2: {  	_ = 	snop  }
0xc3: {  	[tilespmem:s14], [sflag:$0x1] =	stream.indirect_vreg.gather [hbm4b:s2+s3], $0x80, v3, vm0, $0xb8;
	[tilespmem:$0x18100] =	vst v63  }
0xc4: {  	_ = 	snop  }
0xc5: {  	[tilespmem:s11], [sflag:$0x1] =	stream.indirect_vreg.gather [hbm4b:s5+s3], $0x80, v3, vm0, $0xb8;
	[tilespmem:$0x18100] =	vst v63  }
0xc6: {  	_ = 	snop  }
0xc7: {  	[tilespmem:s12], [sflag:$0x1] =	stream.indirect_vreg.gather [hbm4b:s6+s3], $0x80, v3, vm0, $0xb8;
	[tilespmem:$0x18100] =	vst v63  }
0xc8: {  	_ = 	snop  }
0xc9: {  	[tilespmem:s9], [sflag:$0x1] =	stream.indirect_vreg.gather [hbm4b:s7+s3], $0x80, v3, vm0, $0xb8;
	[tilespmem:$0x18100] =	vst v63  }
0xca: {  	s9 =	simm.s32 $0x2  }
0xcb: {  	_ =	swait.ge [sflag:s9], $0x8000  }
0xcc: {  	[sflag:s9] =	ssyncset.done $0x0  }
0xcd: {  	s10 =	simm.s32 $0x5;
	s12 =	rddreg [dreg:$0x4];
	[sflag:s9] =	ssyncadd.s32 $0xFFFF8000  }
0xce: {  	[hbm4b:s12+s3] =	stream.linear.scatter [tilespmem:s19], [sflag:$0x5], $0x8000, $0x38;
	[tilespmem:$0x18100] =	vst v63  }
0xcf: {  	_ =	swait.ge [sflag:s10], $0x8000  }
0xd0: {  	[sflag:s10] =	ssyncset.done $0x0  }
0xd1: {  	[sflag:s10] =	ssyncadd.s32 $0xFFFF8000  }
0xd2: {  	v3 =	vld [tilespmem:$0x80];
	_ =	sdelay $0x4  }
0xd3: {  	v60 =	vshll.u32 v3, $0x3  }
0xd4: {  	v3 =	vand.u32 $0x7, v3;
	v4 =	vand.u32 $0xFFFFFFC0, v60  }
0xd5: {  	v3 =	vor.u32 v3, v4  }
0xd6: {  	v4 =	vperm.xlane v3, v0;
	_ =	sdelay $0x1  }
0xd7: {  	v4 =	vadd.s32 v1, v4;
	_ =	sdelay $0x4  }
0xd8: {  	[tilespmem:s19], [sflag:$0x2] =	stream.indirect_vreg.gather [hbm4b:s2+s3], $0x80, v4, vm0, $0xb8;
	[tilespmem:$0x18100] =	vst v63  }
0xd9: {  	s20 =	simm.s32 $0x8900;
	v3 =	vperm.xlane v3, v2  }
0xda: {  	[tilespmem:s20], [sflag:$0x2] =	stream.indirect_vreg.gather [hbm4b:s5+s3], $0x80, v4, vm0, $0xb8;
	[tilespmem:$0x18100] =	vst v63  }
0xdb: {  	s11 =	simm.s32 $0x9100;
	v3 =	vadd.s32 v1, v3  }
0xdc: {  	[tilespmem:s11], [sflag:$0x2] =	stream.indirect_vreg.gather [hbm4b:s6+s3], $0x80, v4, vm0, $0xb8;
	[tilespmem:$0x18100] =	vst v63  }
0xdd: {  	_ = 	snop  }
0xde: {  	[tilespmem:s26], [sflag:$0x2] =	stream.indirect_vreg.gather [hbm4b:s7+s3], $0x80, v4, vm0, $0xb8;
	[tilespmem:$0x18100] =	vst v63  }
0xdf: {  	s12 =	simm.s32 $0xA100  }
0xe0: {  	[tilespmem:s12], [sflag:$0x2] =	stream.indirect_vreg.gather [hbm4b:s2+s3], $0x80, v3, vm0, $0xb8;
	[tilespmem:$0x18100] =	vst v63  }
0xe1: {  	s20 =	simm.s32 $0xA900  }
0xe2: {  	[tilespmem:s20], [sflag:$0x2] =	stream.indirect_vreg.gather [hbm4b:s5+s3], $0x80, v3, vm0, $0xb8;
	[tilespmem:$0x18100] =	vst v63  }
0xe3: {  	_ = 	snop  }
0xe4: {  	[tilespmem:s16], [sflag:$0x2] =	stream.indirect_vreg.gather [hbm4b:s6+s3], $0x80, v3, vm0, $0xb8;
	[tilespmem:$0x18100] =	vst v63  }
0xe5: {  	_ = 	snop  }
0xe6: {  	[tilespmem:s17], [sflag:$0x2] =	stream.indirect_vreg.gather [hbm4b:s7+s3], $0x80, v3, vm0, $0xb8;
	[tilespmem:$0x18100] =	vst v63  }
0xe7: {  	v3 =	vld [tilespmem:$0x90];
	_ =	sdelay $0x4  }
0xe8: {  	v61 =	vshll.u32 v3, $0x3  }
0xe9: {  	v3 =	vand.u32 $0x7, v3;
	v4 =	vand.u32 $0xFFFFFFC0, v61  }
0xea: {  	v3 =	vor.u32 v3, v4  }
0xeb: {  	v4 =	vperm.xlane v3, v0;
	_ =	sdelay $0x1  }
0xec: {  	v4 =	vadd.s32 v1, v4;
	_ =	sdelay $0x4  }
0xed: {  	[tilespmem:s18], [sflag:$0x2] =	stream.indirect_vreg.gather [hbm4b:s2+s3], $0x80, v4, vm0, $0xb8;
	[tilespmem:$0x18100] =	vst v63  }
0xee: {  	s11 =	simm.s32 $0xC900;
	v3 =	vperm.xlane v3, v2  }
0xef: {  	[tilespmem:s11], [sflag:$0x2] =	stream.indirect_vreg.gather [hbm4b:s5+s3], $0x80, v4, vm0, $0xb8;
	[tilespmem:$0x18100] =	vst v63  }
0xf0: {  	s12 =	simm.s32 $0xD100;
	v3 =	vadd.s32 v1, v3  }
0xf1: {  	[tilespmem:s12], [sflag:$0x2] =	stream.indirect_vreg.gather [hbm4b:s6+s3], $0x80, v4, vm0, $0xb8;
	[tilespmem:$0x18100] =	vst v63  }
0xf2: {  	s20 =	simm.s32 $0xD900  }
0xf3: {  	[tilespmem:s20], [sflag:$0x2] =	stream.indirect_vreg.gather [hbm4b:s7+s3], $0x80, v4, vm0, $0xb8;
	[tilespmem:$0x18100] =	vst v63  }
0xf4: {  	s11 =	simm.s32 $0xE100  }
0xf5: {  	[tilespmem:s11], [sflag:$0x2] =	stream.indirect_vreg.gather [hbm4b:s2+s3], $0x80, v3, vm0, $0xb8;
	[tilespmem:$0x18100] =	vst v63  }
0xf6: {  	s12 =	simm.s32 $0xE900  }
0xf7: {  	[tilespmem:s12], [sflag:$0x2] =	stream.indirect_vreg.gather [hbm4b:s5+s3], $0x80, v3, vm0, $0xb8;
	[tilespmem:$0x18100] =	vst v63  }
0xf8: {  	s20 =	simm.s32 $0xF100  }
0xf9: {  	[tilespmem:s20], [sflag:$0x2] =	stream.indirect_vreg.gather [hbm4b:s6+s3], $0x80, v3, vm0, $0xb8;
	[tilespmem:$0x18100] =	vst v63  }
0xfa: {  	s11 =	simm.s32 $0xF900  }
0xfb: {  	[tilespmem:s11], [sflag:$0x2] =	stream.indirect_vreg.gather [hbm4b:s7+s3], $0x80, v3, vm0, $0xb8;
	[tilespmem:$0x18100] =	vst v63  }
0xfc: {  	s11 =	simm.s32 $0x3  }
0xfd: {  	_ =	swait.ge [sflag:s11], $0x8000  }
0xfe: {  	[sflag:s11] =	ssyncset.done $0x0  }
0xff: {  	s12 =	rddreg [dreg:$0x5];
	[sflag:s11] =	ssyncadd.s32 $0xFFFF8000  }
0x100: {  	[hbm4b:s12+s3] =	stream.linear.scatter [tilespmem:s4], [sflag:$0x6], $0x8000, $0x38;
	[tilespmem:$0x18100] =	vst v63  }
0x101: {  	s12 =	simm.s32 $0x6  }
0x102: {  	_ =	swait.ge [sflag:s12], $0x8000  }
0x103: {  	[sflag:s12] =	ssyncset.done $0x0  }
0x104: {  	[sflag:s12] =	ssyncadd.s32 $0xFFFF8000  }
0x105: {  	v3 =	vld [tilespmem:$0xA0];
	_ =	sdelay $0x4  }
0x106: {  	v62 =	vshll.u32 v3, $0x3  }
0x107: {  	v3 =	vand.u32 $0x7, v3;
	v4 =	vand.u32 $0xFFFFFFC0, v62  }
0x108: {  	v3 =	vor.u32 v3, v4  }
0x109: {  	v4 =	vperm.xlane v3, v0;
	_ =	sdelay $0x1  }
0x10a: {  	v4 =	vadd.s32 v1, v4;
	_ =	sdelay $0x4  }
0x10b: {  	[tilespmem:s4], [sflag:$0x3] =	stream.indirect_vreg.gather [hbm4b:s2+s3], $0x80, v4, vm0, $0xb8;
	[tilespmem:$0x18100] =	vst v63  }
0x10c: {  	s20 =	simm.s32 $0x10900;
	v3 =	vperm.xlane v3, v2  }
0x10d: {  	[tilespmem:s20], [sflag:$0x3] =	stream.indirect_vreg.gather [hbm4b:s5+s3], $0x80, v4, vm0, $0xb8;
	[tilespmem:$0x18100] =	vst v63  }
0x10e: {  	v3 =	vadd.s32 v1, v3;
	s20 =	simm.s32 $0x11100  }
0x10f: {  	[tilespmem:s20], [sflag:$0x3] =	stream.indirect_vreg.gather [hbm4b:s6+s3], $0x80, v4, vm0, $0xb8;
	[tilespmem:$0x18100] =	vst v63  }
0x110: {  	s20 =	simm.s32 $0x11900  }
0x111: {  	[tilespmem:s20], [sflag:$0x3] =	stream.indirect_vreg.gather [hbm4b:s7+s3], $0x80, v4, vm0, $0xb8;
	[tilespmem:$0x18100] =	vst v63  }
0x112: {  	s20 =	simm.s32 $0x12100  }
0x113: {  	[tilespmem:s20], [sflag:$0x3] =	stream.indirect_vreg.gather [hbm4b:s2+s3], $0x80, v3, vm0, $0xb8;
	[tilespmem:$0x18100] =	vst v63  }
0x114: {  	s20 =	simm.s32 $0x12900  }
0x115: {  	[tilespmem:s20], [sflag:$0x3] =	stream.indirect_vreg.gather [hbm4b:s5+s3], $0x80, v3, vm0, $0xb8;
	[tilespmem:$0x18100] =	vst v63  }
0x116: {  	s20 =	simm.s32 $0x13100  }
0x117: {  	[tilespmem:s20], [sflag:$0x3] =	stream.indirect_vreg.gather [hbm4b:s6+s3], $0x80, v3, vm0, $0xb8;
	[tilespmem:$0x18100] =	vst v63  }
0x118: {  	s20 =	simm.s32 $0x13900  }
0x119: {  	[tilespmem:s20], [sflag:$0x3] =	stream.indirect_vreg.gather [hbm4b:s7+s3], $0x80, v3, vm0, $0xb8;
	[tilespmem:$0x18100] =	vst v63  }
0x11a: {  	v3 =	vld [tilespmem:$0xB0];
	_ =	sdelay $0x4  }
0x11b: {  	v63 =	vshll.u32 v3, $0x3  }
0x11c: {  	v3 =	vand.u32 $0x7, v3;
	v4 =	vand.u32 $0xFFFFFFC0, v63  }
0x11d: {  	v3 =	vor.u32 v3, v4  }
0x11e: {  	v4 =	vperm.xlane v3, v0;
	_ =	sdelay $0x1  }
0x11f: {  	v4 =	vadd.s32 v1, v4;
	_ =	sdelay $0x3  }
0x120: {  	s20 =	simm.s32 $0x14100  }
0x121: {  	[tilespmem:s20], [sflag:$0x3] =	stream.indirect_vreg.gather [hbm4b:s2+s3], $0x80, v4, vm0, $0xb8;
	[tilespmem:$0x18100] =	vst v63  }
0x122: {  	v3 =	vperm.xlane v3, v2;
	s20 =	simm.s32 $0x14900  }
0x123: {  	[tilespmem:s20], [sflag:$0x3] =	stream.indirect_vreg.gather [hbm4b:s5+s3], $0x80, v4, vm0, $0xb8;
	[tilespmem:$0x18100] =	vst v63  }
0x124: {  	v3 =	vadd.s32 v1, v3;
	s20 =	simm.s32 $0x15100  }
0x125: {  	[tilespmem:s20], [sflag:$0x3] =	stream.indirect_vreg.gather [hbm4b:s6+s3], $0x80, v4, vm0, $0xb8;
	[tilespmem:$0x18100] =	vst v63  }
0x126: {  	s20 =	simm.s32 $0x15900  }
0x127: {  	[tilespmem:s20], [sflag:$0x3] =	stream.indirect_vreg.gather [hbm4b:s7+s3], $0x80, v4, vm0, $0xb8;
	[tilespmem:$0x18100] =	vst v63  }
0x128: {  	s20 =	simm.s32 $0x16100  }
0x129: {  	[tilespmem:s20], [sflag:$0x3] =	stream.indirect_vreg.gather [hbm4b:s2+s3], $0x80, v3, vm0, $0xb8;
	[tilespmem:$0x18100] =	vst v63  }
0x12a: {  	s20 =	simm.s32 $0x16900  }
0x12b: {  	[tilespmem:s20], [sflag:$0x3] =	stream.indirect_vreg.gather [hbm4b:s5+s3], $0x80, v3, vm0, $0xb8;
	[tilespmem:$0x18100] =	vst v63  }
0x12c: {  	s20 =	simm.s32 $0x17100  }
0x12d: {  	[tilespmem:s20], [sflag:$0x3] =	stream.indirect_vreg.gather [hbm4b:s6+s3], $0x80, v3, vm0, $0xb8;
	[tilespmem:$0x18100] =	vst v63  }
0x12e: {  	s20 =	simm.s32 $0x17900  }
0x12f: {  	[tilespmem:s20], [sflag:$0x3] =	stream.indirect_vreg.gather [hbm4b:s7+s3], $0x80, v3, vm0, $0xb8;
	[tilespmem:$0x18100] =	vst v63  }
0x130: {  	_ =	swait.ge [sflag:s0], $0x8000  }
0x131: {  	[sflag:s0] =	ssyncset.done $0x0  }
0x132: {  	s8 =	simm.s32 $0x100;
	s20 =	rddreg [dreg:$0x6];
	[sflag:s0] =	ssyncadd.s32 $0xFFFF8000  }
0x133: {  	[hbm4b:s20+s3] =	stream.linear.scatter [tilespmem:s8], [sflag:$0x4], $0x8000, $0x38;
	[tilespmem:$0x18100] =	vst v63  }
0x134: {  	_ =	swait.ge [sflag:s9], $0x8000  }
0x135: {  	[sflag:s9] =	ssyncset.done $0x0  }
0x136: {  	s8 =	rddreg [dreg:$0x7];
	[sflag:s9] =	ssyncadd.s32 $0xFFFF8000  }
0x137: {  	[hbm4b:s8+s3] =	stream.linear.scatter [tilespmem:s19], [sflag:$0x5], $0x8000, $0x38;
	[tilespmem:$0x18100] =	vst v63  }
0x138: {  	_ =	swait.ge [sflag:s11], $0x8000  }
0x139: {  	[sflag:s11] =	ssyncset.done $0x0  }
0x13a: {  	s9 =	rddreg [dreg:$0x8];
	[sflag:s11] =	ssyncadd.s32 $0xFFFF8000  }
0x13b: {  	[hbm4b:s9+s3] =	stream.linear.scatter [tilespmem:s4], [sflag:$0x6], $0x8000, $0x38;
	[tilespmem:$0x18100] =	vst v63  }
0x13c: {  	_ =	swait.ge [sflag:s1], $0x8000  }
0x13d: {  	[sflag:s1] =	ssyncset.done $0x0  }
0x13e: {  	[sflag:s1] =	ssyncadd.s32 $0xFFFF8000  }
0x13f: {  	p0 =	sne.s32 s15, $0x1;
	_ =	swait.ge [sflag:s10], $0x8000  }
.Ltmp0:
0x140: {  	[sflag:s10] =	ssyncset.done $0x0;
	(pc) =	sbr.rel @p0 .LBB2_1-.Ltmp0, $4  }
0x141: {  	[sflag:s10] =	ssyncadd.s32 $0xFFFF8000  }
0x142: {  	_ =	swait.ge [sflag:s12], $0x8000  }
0x143: {  	[sflag:s12] =	ssyncset.done $0x0  }
0x144: {  	s15 =	sadd.s32 $0xFFFFFFFF, s15;
	[sflag:s12] =	ssyncadd.s32 $0xFFFF8000  }
0x145: {  	_ =	sfence.sel $0x180000  }
0x146: {  	[bflag:$0x0] =	sbarrier.arrive $0xFFFF  }
0x147: {  	_ =	strace $0x90000059  }
0x148: {  	s0 =	stileid.u32;
	[bflag:$0x2] =	sbarrier.arrive $0xFFFF  }
0x149: {  	p0 =	sne.s32 s0, $0x0;
	s0 =	rddreg [dreg:$0x2]  }
0x14a: {  	s0 =	sadd.s32 @!p0 $0x100000, s0  }
0x14b: {  	[sflag:s0] =	ssyncadd.tile.s32 @!p0 $0x1;
	_ =	shalt  }
.Lfunc_end2:
_tile_overlayer_lowered:
.L_overlay_start_2:
0x14c: {  	(tag) =	ssettag $0x2  }
0x14d: {  	s0 =	rddreg [dreg:$0x0];
	s2 =	stileid.u32  }
0x14e: {  	s1 =	rddreg [dreg:$0x1];
	p0 =	sne.s32 s2, $0x0  }
0x14f: {  	s3 =	rddreg [dreg:$0x2];
	[bflag:$0x3] =	sbarrier.arrive $0xFFFF;
	s2 =	simm.s32 @!p0 $0x1C07  }
0x150: {  	[timem:s3], [sflag:s2] =	dma.local @!p0 [hbm:s0], s1  }
0x151: {  	s0 =	simm.s32 @!p0 $0x7  }
0x152: {  	_ =	swait.ge @!p0 [sflag:s0], s1  }
0x153: {  	s1 =	ssub.s32 @!p0 $0x0, s1;
	[sflag:s0] =	ssyncset.done @!p0 $0x0  }
0x154: {  	[sflag:s0] =	ssyncadd.s32 @!p0 s1  }
0x155: {  	[bflag:$0x3] =	sbarrier.arrive $0xFFFF  }
0x156: {  	_ =	shalt  }

// kernel: kernel.39.cloned.1.call-start
scs
__scs_entry_jumppad:
0x0: {  	(pc) =	sbr.rel $0x88, $3  }
0x1: {  	(tag) =	ssettag $0x0;
	lr =	simm.s32 $0x1  }
0x2: {  	[smem:$0x3F83] =	sst lr;
	_ =	strace $0xD0000000  }
0x3: {  	_ = 	snop  }
0x4: {  	_ = 	snop  }
0x5: {  	_ = 	snop  }
0x6: {  	_ = 	snop  }
0x7: {  	_ = 	snop  }
__scs_overlays_trampoline_lowered:
0x8: {  	[smem:$0x3F92] =	sst s0  }
0x9: {  	[smem:$0x3F93] =	sst s1  }
0xa: {  	[smem:$0x3F94] =	sst s2  }
0xb: {  	[smem:$0x3F95] =	sst s3  }
0xc: {  	[smem:$0x3F96] =	sst s4  }
0xd: {  	[smem:$0x3F97] =	sst s5  }
0xe: {  	[smem:$0x3F98] =	sst s6  }
0xf: {  	[smem:$0x3F99] =	sst s7  }
0x10: {  	[smem:$0x3F9A] =	sst s8  }
0x11: {  	[smem:$0x3F9B] =	sst s9;
	s0 =	simm.s32 @!p0 $0x0  }
0x12: {  	s1 =	sld [smem:$0x3F81];
	s0 =	simm.s32 @p0 $0x1  }
0x13: {  	[smem:$0x3F9C] =	sst s0;
	s0 =	simm.s32 @!p1 $0x0  }
0x14: {  	s2 =	sld [smem:$0x3F80];
	s0 =	simm.s32 @p1 $0x1  }
0x15: {  	[smem:$0x3F9D] =	sst s0;
	s0 =	simm.s32 @!p2 $0x0  }
0x16: {  	s3 =	sld [smem:$0x3FDB];
	s0 =	simm.s32 @p2 $0x1  }
0x17: {  	s4 =	simm.s32 $0x1BF5;
	[smem:$0x3F9F] =	sst s0  }
0x18: {  	s0 =	sld [smem:$0x3F82];
	_ =	swait.ge [sflag:s4], $0x0  }
0x19: {  	s7 =	sld [smem:$0x3F83]  }
0x1a: {  	s8 =	sadd.s32 $0xFFFFE003, lr  }
0x1b: {  	s9 =	sadd.s32 $0xFFFFFEF7, lr;
	s5 =	simm.s32 $0xFFFFFFFF;
	p2 =	slt.u32 s8, $0xFFFFF086  }
0x1c: {  	p1 =	slt.u32 s9, $0xF7A;
	s5 =	simm.s32 @!p2 $0x0  }
0x1d: {  	s5 =	simm.s32 @p1 $0x1;
	p0 =	seq.s32 s7, s2  }
0x1e: {  	s7 =	smul.u32 @!p0 $0xF7A, s2;
	p2 =	seq.s32 @!p0 s5, $0x0  }
0x1f: {  	s9 =	smul.u32 $0xF7A, s1;
	s8 =	simm.s32 @!p0 $0x1BF5;
	p2 =	por !p2, p0  }
0x20: {  	[sflag:s8] =	ssyncset.s32 @!p0 $0xFFFFF086;
	s6 =	sadd.s32 @!p0 s3, s7;
	s7 =	simm.s32 @!p0 $0x108  }
0x21: {  	s3 =	sadd.s32 s3, s9;
	s6 =	sadd.s32 @!p0 $0x88, s6;
	s7 =	simm.s32 @p2 $0x1082  }
0x22: {  	[simem:s7], [sflag:s8] =	dma.local @!p0 [hbm:s6], $0xF7A  }
0x23: {  	s9 =	sor.u32 $0xD0000000, s2;
	s6 =	simm.s32 $0x108;
	_ =	swait.ge @!p0 [sflag:s8], $0x0  }
0x24: {  	s3 =	sadd.s32 $0x88, s3;
	s6 =	simm.s32 @!p1 $0x1082;
	[sflag:s4] =	ssyncset.s32 $0xFFFFF086  }
0x25: {  	[simem:s6], [sflag:s4] =	dma.local [hbm:s3], $0xF7A  }
0x26: {  	[smem:$0x3F83] =	sst s1;
	(tag) =	ssettag s2;
	_ =	strace s9  }
0x27: {  	s1 =	sld [smem:$0x3F93]  }
0x28: {  	s2 =	sld [smem:$0x3F94]  }
0x29: {  	s4 =	sld [smem:$0x3F96]  }
0x2a: {  	p0 =	seq.s32 s5, $0x0;
	s5 =	sld [smem:$0x3F97]  }
0x2b: {  	s6 =	sld [smem:$0x3F98]  }
0x2c: {  	s7 =	sld [smem:$0x3F99]  }
0x2d: {  	s3 =	simm.s32 $0x108;
	s8 =	sld [smem:$0x3F9A]  }
0x2e: {  	s3 =	simm.s32 @!p0 $0x1082;
	s9 =	sld [smem:$0x3F9B]  }
0x2f: {  	lr =	sadd.s32 s0, s3;
	s0 =	sld [smem:$0x3F92]  }
0x30: {  	s3 =	sld [smem:$0x3F95]  }
0x31: {  	[smem:$0x3F9E] =	sst s10  }
0x32: {  	s10 =	sld [smem:$0x3F9C];
	_ =	sdelay $0x3  }
0x33: {  	p0 =	seq.s32 s10, $0x1;
	s10 =	sld [smem:$0x3F9E];
	_ =	sdelay $0x3  }
0x34: {  	[smem:$0x3F9E] =	sst s10  }
0x35: {  	s10 =	sld [smem:$0x3F9D];
	_ =	sdelay $0x3  }
0x36: {  	p1 =	seq.s32 s10, $0x1;
	s10 =	sld [smem:$0x3F9E];
	_ =	sdelay $0x3  }
0x37: {  	[smem:$0x3F9E] =	sst s10  }
0x38: {  	s10 =	sld [smem:$0x3F9F]  }
0x39: {  	_ = 	snop;
	(pc) =	sbr.ind lr, $3  }
0x3a: {  	_ = 	snop  }
0x3b: {  	_ = 	snop  }
0x3c: {  	p2 =	seq.s32 s10, $0x1;
	s10 =	sld [smem:$0x3F9E]  }
0x3d: {  	_ =	shalt  }
0x3e: {  	_ =	shalt  }
0x3f: {  	_ =	shalt  }
0x40: {  	_ =	shalt  }
0x41: {  	_ =	shalt  }
0x42: {  	_ =	shalt  }
0x43: {  	_ =	shalt  }
0x44: {  	_ =	shalt  }
0x45: {  	_ =	shalt  }
0x46: {  	_ =	shalt  }
0x47: {  	_ =	shalt  }
0x48: {  	_ =	shalt  }
0x49: {  	_ =	shalt  }
0x4a: {  	_ =	shalt  }
0x4b: {  	_ =	shalt  }
0x4c: {  	_ =	shalt  }
0x4d: {  	_ =	shalt  }
0x4e: {  	_ =	shalt  }
0x4f: {  	_ =	shalt  }
0x50: {  	_ =	shalt  }
0x51: {  	_ =	shalt  }
0x52: {  	_ =	shalt  }
0x53: {  	_ =	shalt  }
0x54: {  	_ =	shalt  }
0x55: {  	_ =	shalt  }
0x56: {  	_ =	shalt  }
0x57: {  	_ =	shalt  }
0x58: {  	_ =	shalt  }
0x59: {  	_ =	shalt  }
0x5a: {  	_ =	shalt  }
0x5b: {  	_ =	shalt  }
0x5c: {  	_ =	shalt  }
0x5d: {  	_ =	shalt  }
0x5e: {  	_ =	shalt  }
0x5f: {  	_ =	shalt  }
0x60: {  	_ =	shalt  }
0x61: {  	_ =	shalt  }
0x62: {  	_ =	shalt  }
0x63: {  	_ =	shalt  }
0x64: {  	_ =	shalt  }
0x65: {  	_ =	shalt  }
0x66: {  	_ =	shalt  }
0x67: {  	_ =	shalt  }
0x68: {  	_ =	shalt  }
0x69: {  	_ =	shalt  }
0x6a: {  	_ =	shalt  }
0x6b: {  	_ =	shalt  }
0x6c: {  	_ =	shalt  }
0x6d: {  	_ =	shalt  }
0x6e: {  	_ =	shalt  }
0x6f: {  	_ =	shalt  }
0x70: {  	_ =	shalt  }
0x71: {  	_ =	shalt  }
0x72: {  	_ =	shalt  }
0x73: {  	_ =	shalt  }
0x74: {  	_ =	shalt  }
0x75: {  	_ =	shalt  }
0x76: {  	_ =	shalt  }
0x77: {  	_ =	shalt  }
0x78: {  	_ =	shalt  }
0x79: {  	_ =	shalt  }
0x7a: {  	_ =	shalt  }
0x7b: {  	_ =	shalt  }
0x7c: {  	_ =	shalt  }
0x7d: {  	_ =	shalt  }
0x7e: {  	_ =	shalt  }
0x7f: {  	_ =	shalt  }
0x80: {  	_ =	shalt  }
0x81: {  	_ =	shalt  }
0x82: {  	_ =	shalt  }
0x83: {  	_ =	shalt  }
0x84: {  	_ =	shalt  }
0x85: {  	_ =	shalt  }
0x86: {  	_ =	shalt  }
0x87: {  	_ =	shalt  }
.Lfunc_end0:
.L_simem_size_0:
called_computation.7_lowered:
.L_overlay_start_0:
0x88: {  	s2 =	sld [smem:$0x3FD9]  }
0x89: {  	s3 =	sld [smem:$0x3FFE];
	_ =	sdelay $0x1  }
0x8a: {  	s1 =	srdreg.scid  }
0x8b: {  	s0 =	sand.u32 $0x1, s1  }
0x8c: {  	s16 =	sshll.u32 s0, $0xA;
	s2 =	sadd.s32 s3, s2  }
0x8d: {  	s2 =	sadd.s32 s2, s16  }
0x8e: {  	[smem:$0x3FAA] =	sst s2  }
0x8f: {  	_ = 	snop  }
0x90: {  	(tm) =	ssettm $0x1  }
0x91: {  	s17 =	sld [smem:$0x3FFB];
	_ =	sdelay $0x3  }
0x92: {  	_ =	strace s17  }
0x93: {  	s2 =	sld [smem:$0x3FFC];
	_ =	sdelay $0x3  }
0x94: {  	_ =	strace s2  }
0x95: {  	s2 =	sld [smem:$0x3FFD];
	_ =	sdelay $0x3  }
0x96: {  	_ =	strace s2  }
0x97: {  	_ =	strace $0x8FFFFFFF  }
0x98: {  	s18 =	sld [smem:$0x3FDB];
	_ =	sdelay $0x1  }
0x99: {  	s19 =	simm.s32 $_scs_section_size  }
0x9a: {  	s4 =	simm.s32 $_size__tile_overlayer_lowered;
	s5 =	simm.s32 $_tile_overlayer_lowered  }
0x9b: {  	s22 =	simm.s32 $0x1BFF;
	s21 =	sshll.u32 s5, $0x1;
	s2 =	sadd.s32 s19, s18  }
0x9c: {  	s6 =	simm.s32 $0x0;
	s20 =	sshll.u32 s4, $0x1;
	s4 =	sadd.s32 s21, s2  }
0x9d: {  	[timem:s6], [sflag:s22] =	dma.local [hbm:s4], s20  }
0x9e: {  	_ =	swait.ge [sflag:s22], s20  }
0x9f: {  	s3 =	ssub.s32 $0x0, s20;
	[sflag:s22] =	ssyncset.done $0x0  }
0xa0: {  	[sflag:s22] =	ssyncadd.s32 s3;
	_ =	sdelay $0x1  }
0xa1: {  	s23 =	simm.s32 $0x1B8B  }
0xa2: {  	_ =	swait.ge [sflag:s23], $0x1  }
0xa3: {  	[sflag:s23] =	ssyncset.done $0x0  }
0xa4: {  	s25 =	simm.s32 $0x1B8E;
	s24 =	sld [smem:$0x3FFE];
	[sflag:s23] =	ssyncadd.s32 $0xFFFFFFFF  }
0xa5: {  	s26 =	simm.s32 $execute0_lowered;
	[smem:$0x3FD2] =	sst s25  }
0xa6: {  	s4 =	sshll.u32 s26, $0x1;
	_ =	strace $0x8000005B;
	[dreg:$0x1] =	wrdreg $0xFFFFFFFF  }
0xa7: {  	s28 =	simm.s32 $_size_execute0_lowered;
	s2 =	sadd.s32 s2, s4;
	[dreg:$0x0] =	wrdreg $0x0  }
0xa8: {  	s4 =	sshll.u32 s28, $0x1;
	[dreg:$0x2] =	wrdreg s2  }
0xa9: {  	[dreg:$0x3] =	wrdreg s4  }
0xaa: {  	[dreg:$0x4] =	wrdreg $0xC0  }
0xab: {  	_ =	task [dreg:s6], $0x5FFFF  }
0xac: {  	[dreg:$0x1] =	wrdreg $0xFFFFFFFF  }
0xad: {  	[dreg:$0x0] =	wrdreg $0x60  }
0xae: {  	[dreg:$0x2] =	wrdreg s24  }
0xaf: {  	[dreg:$0x3] =	wrdreg $0x9  }
0xb0: {  	_ =	task.clear_ibuf [dreg:s6], $0x4FFFF;
	_ =	strace $0x9000005B  }
0xb1: {  	s29 =	simm.s32 $0x9;
	_ =	strace $0x8000005D  }
0xb2: {  	_ =	swait.ge [sflag:s29], $0x1  }
0xb3: {  	[sflag:s29] =	ssyncadd.s32 $0xFFFFFFFF  }
0xb4: {  	_ =	strace $0x9000005D  }
0xb5: {  	_ =	sfence  }
0xb6: {  	s30 =	sld [smem:$0x0];
	_ =	sdelay $0x2  }
0xb7: {  	s31 =	sshll.u32 s1, $0xD;
	s1 =	sshrl.u32 s1, $0x2  }
0xb8: {  	s3 =	sand.u32 $0x4000, s31;
	s1 =	sadd.s32 s1, s30  }
0xb9: {  	s0 =	sor.u32 s3, s0;
	s1 =	sshll.u32 s1, $0x11  }
0xba: {  	s0 =	sor.u32 s1, s0  }
0xbb: {  	s0 =	sadd.s32 $0x8F2B, s0  }
0xbc: {  	[sflag:s0] =	ssyncadd.remote.s32 $0x1  }
0xbd: {  	_ =	sfence.sel $0xFFFF  }
0xbe: {  	[dreg:$0x0] =	wrdreg $0xFFFFFFFF;
	(pc) =	sbr.abs _section_cstart, $3  }
0xbf: {  	[dreg:$0x1] =	wrdreg $0xFFFFFFFF  }
0xc0: {  	_ =	task.clear_ibuf [dreg:s6], $0x2FFFF;
	_ =	strace $0x9FFFFFFF  }
0xc1: {  	(tm) =	ssettm $0x7FFFFFFF  }
tec
execute0_lowered:
.L_overlay_start_1:
0x0: {  	(tag) =	ssettag $0x1  }
0x1: {  	s0 =	srdreg.scid  }
0x2: {  	s1 =	stileid.u32;
	s0 =	sand.u32 $0x1, s0  }
0x3: {  	s1 =	sshll.u32 s1, $0x8;
	s2 =	sshll.u32 s0, $0x7  }
0x4: {  	s6 =	rddreg [dreg:$0x0];
	s1 =	sor.u32 s2, s1;
	s2 =	simm.s32 $0x0  }
0x5: {  	s17 =	simm.s32 $0x8880;
	[smem:$0x7FF] =	sst s2  }
0x6: {  	s18 =	simm.s32 $0x9080;
	_ =	strace $0x8000005C;
	[dreg:$0x7] =	wrdreg s17  }
0x7: {  	s19 =	simm.s32 $0x9880;
	[dreg:$0x8] =	wrdreg s18  }
0x8: {  	s20 =	simm.s32 $0xA080;
	[dreg:$0x9] =	wrdreg s19  }
0x9: {  	s21 =	simm.s32 $0xA880;
	[dreg:$0xa] =	wrdreg s20  }
0xa: {  	s22 =	simm.s32 $0xB080;
	[dreg:$0xb] =	wrdreg s21  }
0xb: {  	s23 =	simm.s32 $0xB880;
	s24 =	simm.s32 $0xC080;
	[dreg:$0xc] =	wrdreg s22  }
0xc: {  	s25 =	simm.s32 $0xC880;
	s26 =	simm.s32 $0xD080;
	[dreg:$0xd] =	wrdreg s23  }
0xd: {  	s7 =	simm.s32 $0xD880;
	s8 =	simm.s32 $0xE080;
	[dreg:$0xe] =	wrdreg s24  }
0xe: {  	s9 =	simm.s32 $0xE880;
	s10 =	simm.s32 $0xF080;
	[dreg:$0xf] =	wrdreg s25  }
0xf: {  	s11 =	simm.s32 $0xF880;
	s12 =	simm.s32 $0x10880;
	[dreg:$0x10] =	wrdreg s26  }
0x10: {  	s13 =	simm.s32 $0x11080;
	s28 =	simm.s32 $0x1;
	[dreg:$0x11] =	wrdreg s7  }
0x11: {  	s29 =	simm.s32 $0x4;
	s31 =	simm.s32 $0x3;
	[dreg:$0x12] =	wrdreg s8  }
0x12: {  	s30 =	simm.s32 $0x10080;
	s0 =	ssub.s32 $0x2, s0;
	[dreg:$0x13] =	wrdreg s9  }
0x13: {  	s5 =	sadd.s32 $0x28800, s6;
	s4 =	sshrl.u32 s0, $0x1;
	[dreg:$0x14] =	wrdreg s10  }
0x14: {  	s3 =	sshrl.u32 s1, $0x3;
	s1 =	sshll.u32 s1, $0x7;
	[dreg:$0x15] =	wrdreg s11  }
0x15: {  	s0 =	ssub.s32 s0, s4;
	s4 =	sadd.s32 $0x28700, s6;
	[dreg:$0x16] =	wrdreg s12  }
0x16: {  	s3 =	sadd.s32 s3, s6;
	[dreg:$0x17] =	wrdreg s13;
	s17 =	simm.s32 $0x13080  }
0x17: {  	s1 =	sadd.s32 s1, s6;
	s18 =	simm.s32 $0x13880;
	[dreg:$0x1b] =	wrdreg s17  }
0x18: {  	s7 =	smax.u32 s0, $0x1;
	s19 =	simm.s32 $0x14080;
	[dreg:$0x1c] =	wrdreg s18  }
0x19: {  	s9 =	simm.s32 $0x80;
	s20 =	simm.s32 $0x14880;
	[dreg:$0x1d] =	wrdreg s19  }
0x1a: {  	s21 =	simm.s32 $0x15080;
	s22 =	simm.s32 $0x15880;
	[dreg:$0x1e] =	wrdreg s20  }
0x1b: {  	s23 =	simm.s32 $0x16080;
	s24 =	simm.s32 $0x16880;
	[dreg:$0x1f] =	wrdreg s21  }
0x1c: {  	s25 =	simm.s32 $0x17080;
	s26 =	simm.s32 $0x17880;
	[smem:$0x7F9] =	sst s22  }
0x1d: {  	s0 =	simm.s32 $0x6;
	s14 =	sadd.s32 $0x10CA00, s1;
	[smem:$0x7FA] =	sst s23  }
0x1e: {  	s12 =	simm.s32 $0x880;
	s15 =	sadd.s32 $0x10DA00, s1;
	[smem:$0x7FB] =	sst s24  }
0x1f: {  	s13 =	simm.s32 $0x1080;
	s16 =	sadd.s32 $0x10EA00, s1;
	[smem:$0x7FC] =	sst s25  }
0x20: {  	s3 =	sadd.s32 $0x8800, s3;
	s1 =	sadd.s32 $0x10FA00, s1;
	[smem:$0x7FD] =	sst s26  }
0x21: {  	s17 =	simm.s32 $0x3080;
	s18 =	simm.s32 $0x3880;
	[dreg:$0x2] =	wrdreg s3  }
0x22: {  	s19 =	simm.s32 $0x4080;
	s20 =	simm.s32 $0x4880;
	[dreg:$0x3] =	wrdreg s14  }
0x23: {  	s21 =	simm.s32 $0x5080;
	s22 =	simm.s32 $0x5880;
	[dreg:$0x4] =	wrdreg s15  }
0x24: {  	s23 =	simm.s32 $0x6080;
	s24 =	simm.s32 $0x6880;
	[dreg:$0x5] =	wrdreg s16  }
0x25: {  	s25 =	simm.s32 $0x7080;
	[dreg:$0x6] =	wrdreg s1;
	s14 =	simm.s32 $0x11880  }
0x26: {  	s26 =	simm.s32 $0x7880;
	s15 =	simm.s32 $0x12080;
	[dreg:$0x18] =	wrdreg s14  }
0x27: {  	v2 =	vlaneseq.u32;
	s3 =	sadd.s32 $0x28600, s6;
	s16 =	simm.s32 $0x12880;
	[dreg:$0x19] =	wrdreg s15  }
0x28: {  	vm0 =	vmmov $0xffff;
	v1 =	vshrl.u32 v2, $0x3;
	s6 =	sadd.s32 $0x28900, s6;
	s1 =	simm.s32 $0x5;
	[dreg:$0x1a] =	wrdreg s16  }
0x29: {  	v0 =	vand.u32 $0x7, v2;
	v2 =	vor.u32 $0x8, v2;
	v1 =	vmul.u32 $0x8, v1;
	s14 =	simm.s32 $0x1880;
	s15 =	simm.s32 $0x2080;
	s16 =	simm.s32 $0x2880  }
.LBB2_1:
0x2a: {  	s10 =	rddreg [dreg:$0x2];
	s8 =	simm.s32 $0x7  }
0x2b: {  	[tilespmem:s2], [sflag:$0x7] =	stream.linear.gather [hbm4b:s10+s2], $0x80, $0x38;
	[tilespmem:$0x18080] =	vst v63  }
0x2c: {  	_ =	swait.ge [sflag:s8], $0x80  }
0x2d: {  	[sflag:s8] =	ssyncset.done $0x0  }
0x2e: {  	[sflag:s8] =	ssyncadd.s32 $0xFFFFFF80  }
0x2f: {  	v3 =	vld [tilespmem:$0x0];
	_ =	sdelay $0x4  }
0x30: {  	v4 =	vshll.u32 v3, $0x3  }
0x31: {  	v3 =	vand.u32 $0x7, v3;
	v4 =	vand.u32 $0xFFFFFFC0, v4  }
0x32: {  	v3 =	vor.u32 v3, v4  }
0x33: {  	v4 =	vperm.xlane v3, v0;
	_ =	sdelay $0x1  }
0x34: {  	v4 =	vadd.s32 v1, v4;
	_ =	sdelay $0x4  }
0x35: {  	[tilespmem:s9], [sflag:$0x1] =	stream.indirect_vreg.gather [hbm4b:s3+s2], $0x80, v4, vm0, $0xb8;
	[tilespmem:$0x18080] =	vst v63  }
0x36: {  	v3 =	vperm.xlane v3, v2  }
0x37: {  	[tilespmem:s12], [sflag:$0x1] =	stream.indirect_vreg.gather [hbm4b:s4+s2], $0x80, v4, vm0, $0xb8;
	[tilespmem:$0x18080] =	vst v63  }
0x38: {  	v3 =	vadd.s32 v1, v3  }
0x39: {  	[tilespmem:s13], [sflag:$0x1] =	stream.indirect_vreg.gather [hbm4b:s5+s2], $0x80, v4, vm0, $0xb8;
	[tilespmem:$0x18080] =	vst v63  }
0x3a: {  	_ = 	snop  }
0x3b: {  	[tilespmem:s14], [sflag:$0x1] =	stream.indirect_vreg.gather [hbm4b:s6+s2], $0x80, v4, vm0, $0xb8;
	[tilespmem:$0x18080] =	vst v63  }
0x3c: {  	_ = 	snop  }
0x3d: {  	[tilespmem:s15], [sflag:$0x1] =	stream.indirect_vreg.gather [hbm4b:s3+s2], $0x80, v3, vm0, $0xb8;
	[tilespmem:$0x18080] =	vst v63  }
0x3e: {  	_ = 	snop  }
0x3f: {  	[tilespmem:s16], [sflag:$0x1] =	stream.indirect_vreg.gather [hbm4b:s4+s2], $0x80, v3, vm0, $0xb8;
	[tilespmem:$0x18080] =	vst v63  }
0x40: {  	_ = 	snop  }
0x41: {  	[tilespmem:s17], [sflag:$0x1] =	stream.indirect_vreg.gather [hbm4b:s5+s2], $0x80, v3, vm0, $0xb8;
	[tilespmem:$0x18080] =	vst v63  }
0x42: {  	_ = 	snop  }
0x43: {  	[tilespmem:s18], [sflag:$0x1] =	stream.indirect_vreg.gather [hbm4b:s6+s2], $0x80, v3, vm0, $0xb8;
	[tilespmem:$0x18080] =	vst v63  }
0x44: {  	v3 =	vld [tilespmem:$0x10];
	_ =	sdelay $0x4  }
0x45: {  	v57 =	vshll.u32 v3, $0x3  }
0x46: {  	v3 =	vand.u32 $0x7, v3;
	v4 =	vand.u32 $0xFFFFFFC0, v57  }
0x47: {  	v3 =	vor.u32 v3, v4  }
0x48: {  	v4 =	vperm.xlane v3, v0;
	_ =	sdelay $0x1  }
0x49: {  	v4 =	vadd.s32 v1, v4;
	_ =	sdelay $0x4  }
0x4a: {  	[tilespmem:s19], [sflag:$0x1] =	stream.indirect_vreg.gather [hbm4b:s3+s2], $0x80, v4, vm0, $0xb8;
	[tilespmem:$0x18080] =	vst v63  }
0x4b: {  	v3 =	vperm.xlane v3, v2  }
0x4c: {  	[tilespmem:s20], [sflag:$0x1] =	stream.indirect_vreg.gather [hbm4b:s4+s2], $0x80, v4, vm0, $0xb8;
	[tilespmem:$0x18080] =	vst v63  }
0x4d: {  	v3 =	vadd.s32 v1, v3  }
0x4e: {  	[tilespmem:s21], [sflag:$0x1] =	stream.indirect_vreg.gather [hbm4b:s5+s2], $0x80, v4, vm0, $0xb8;
	[tilespmem:$0x18080] =	vst v63  }
0x4f: {  	_ = 	snop  }
0x50: {  	[tilespmem:s22], [sflag:$0x1] =	stream.indirect_vreg.gather [hbm4b:s6+s2], $0x80, v4, vm0, $0xb8;
	[tilespmem:$0x18080] =	vst v63  }
0x51: {  	_ = 	snop  }
0x52: {  	[tilespmem:s23], [sflag:$0x1] =	stream.indirect_vreg.gather [hbm4b:s3+s2], $0x80, v3, vm0, $0xb8;
	[tilespmem:$0x18080] =	vst v63  }
0x53: {  	_ = 	snop  }
0x54: {  	[tilespmem:s24], [sflag:$0x1] =	stream.indirect_vreg.gather [hbm4b:s4+s2], $0x80, v3, vm0, $0xb8;
	[tilespmem:$0x18080] =	vst v63  }
0x55: {  	_ = 	snop  }
0x56: {  	[tilespmem:s25], [sflag:$0x1] =	stream.indirect_vreg.gather [hbm4b:s5+s2], $0x80, v3, vm0, $0xb8;
	[tilespmem:$0x18080] =	vst v63  }
0x57: {  	_ = 	snop  }
0x58: {  	[tilespmem:s26], [sflag:$0x1] =	stream.indirect_vreg.gather [hbm4b:s6+s2], $0x80, v3, vm0, $0xb8;
	[tilespmem:$0x18080] =	vst v63  }
0x59: {  	v3 =	vld [tilespmem:$0x20];
	_ =	sdelay $0x4  }
0x5a: {  	v58 =	vshll.u32 v3, $0x3  }
0x5b: {  	v3 =	vand.u32 $0x7, v3;
	v4 =	vand.u32 $0xFFFFFFC0, v58  }
0x5c: {  	v3 =	vor.u32 v3, v4  }
0x5d: {  	v4 =	vperm.xlane v3, v0;
	_ =	sdelay $0x1  }
0x5e: {  	v4 =	vadd.s32 v1, v4;
	_ =	sdelay $0x3  }
0x5f: {  	s8 =	simm.s32 $0x8080  }
0x60: {  	[tilespmem:s8], [sflag:$0x2] =	stream.indirect_vreg.gather [hbm4b:s3+s2], $0x80, v4, vm0, $0xb8;
	[tilespmem:$0x18080] =	vst v63  }
0x61: {  	s10 =	rddreg [dreg:$0x7];
	v3 =	vperm.xlane v3, v2  }
0x62: {  	[tilespmem:s10], [sflag:$0x2] =	stream.indirect_vreg.gather [hbm4b:s4+s2], $0x80, v4, vm0, $0xb8;
	[tilespmem:$0x18080] =	vst v63  }
0x63: {  	s11 =	rddreg [dreg:$0x8];
	v3 =	vadd.s32 v1, v3  }
0x64: {  	[tilespmem:s11], [sflag:$0x2] =	stream.indirect_vreg.gather [hbm4b:s5+s2], $0x80, v4, vm0, $0xb8;
	[tilespmem:$0x18080] =	vst v63  }
0x65: {  	s10 =	rddreg [dreg:$0x9]  }
0x66: {  	[tilespmem:s10], [sflag:$0x2] =	stream.indirect_vreg.gather [hbm4b:s6+s2], $0x80, v4, vm0, $0xb8;
	[tilespmem:$0x18080] =	vst v63  }
0x67: {  	s11 =	rddreg [dreg:$0xa]  }
0x68: {  	[tilespmem:s11], [sflag:$0x2] =	stream.indirect_vreg.gather [hbm4b:s3+s2], $0x80, v3, vm0, $0xb8;
	[tilespmem:$0x18080] =	vst v63  }
0x69: {  	s10 =	rddreg [dreg:$0xb]  }
0x6a: {  	[tilespmem:s10], [sflag:$0x2] =	stream.indirect_vreg.gather [hbm4b:s4+s2], $0x80, v3, vm0, $0xb8;
	[tilespmem:$0x18080] =	vst v63  }
0x6b: {  	s11 =	rddreg [dreg:$0xc]  }
0x6c: {  	[tilespmem:s11], [sflag:$0x2] =	stream.indirect_vreg.gather [hbm4b:s5+s2], $0x80, v3, vm0, $0xb8;
	[tilespmem:$0x18080] =	vst v63  }
0x6d: {  	s10 =	rddreg [dreg:$0xd]  }
0x6e: {  	[tilespmem:s10], [sflag:$0x2] =	stream.indirect_vreg.gather [hbm4b:s6+s2], $0x80, v3, vm0, $0xb8;
	[tilespmem:$0x18080] =	vst v63  }
0x6f: {  	v3 =	vld [tilespmem:$0x30];
	_ =	sdelay $0x4  }
0x70: {  	v59 =	vshll.u32 v3, $0x3  }
0x71: {  	v3 =	vand.u32 $0x7, v3;
	v4 =	vand.u32 $0xFFFFFFC0, v59  }
0x72: {  	v3 =	vor.u32 v3, v4  }
0x73: {  	v4 =	vperm.xlane v3, v0;
	_ =	sdelay $0x1  }
0x74: {  	v4 =	vadd.s32 v1, v4;
	_ =	sdelay $0x3  }
0x75: {  	s10 =	rddreg [dreg:$0xe]  }
0x76: {  	[tilespmem:s10], [sflag:$0x2] =	stream.indirect_vreg.gather [hbm4b:s3+s2], $0x80, v4, vm0, $0xb8;
	[tilespmem:$0x18080] =	vst v63  }
0x77: {  	s11 =	rddreg [dreg:$0xf];
	v3 =	vperm.xlane v3, v2  }
0x78: {  	[tilespmem:s11], [sflag:$0x2] =	stream.indirect_vreg.gather [hbm4b:s4+s2], $0x80, v4, vm0, $0xb8;
	[tilespmem:$0x18080] =	vst v63  }
0x79: {  	v3 =	vadd.s32 v1, v3;
	s10 =	rddreg [dreg:$0x10]  }
0x7a: {  	[tilespmem:s10], [sflag:$0x2] =	stream.indirect_vreg.gather [hbm4b:s5+s2], $0x80, v4, vm0, $0xb8;
	[tilespmem:$0x18080] =	vst v63  }
0x7b: {  	s11 =	rddreg [dreg:$0x11]  }
0x7c: {  	[tilespmem:s11], [sflag:$0x2] =	stream.indirect_vreg.gather [hbm4b:s6+s2], $0x80, v4, vm0, $0xb8;
	[tilespmem:$0x18080] =	vst v63  }
0x7d: {  	s10 =	rddreg [dreg:$0x12]  }
0x7e: {  	[tilespmem:s10], [sflag:$0x2] =	stream.indirect_vreg.gather [hbm4b:s3+s2], $0x80, v3, vm0, $0xb8;
	[tilespmem:$0x18080] =	vst v63  }
0x7f: {  	s11 =	rddreg [dreg:$0x13]  }
0x80: {  	[tilespmem:s11], [sflag:$0x2] =	stream.indirect_vreg.gather [hbm4b:s4+s2], $0x80, v3, vm0, $0xb8;
	[tilespmem:$0x18080] =	vst v63  }
0x81: {  	s10 =	rddreg [dreg:$0x14]  }
0x82: {  	[tilespmem:s10], [sflag:$0x2] =	stream.indirect_vreg.gather [hbm4b:s5+s2], $0x80, v3, vm0, $0xb8;
	[tilespmem:$0x18080] =	vst v63  }
0x83: {  	s11 =	rddreg [dreg:$0x15]  }
0x84: {  	[tilespmem:s11], [sflag:$0x2] =	stream.indirect_vreg.gather [hbm4b:s6+s2], $0x80, v3, vm0, $0xb8;
	[tilespmem:$0x18080] =	vst v63  }
0x85: {  	v3 =	vld [tilespmem:$0x40];
	_ =	sdelay $0x4  }
0x86: {  	v60 =	vshll.u32 v3, $0x3  }
0x87: {  	v3 =	vand.u32 $0x7, v3;
	v4 =	vand.u32 $0xFFFFFFC0, v60  }
0x88: {  	v3 =	vor.u32 v3, v4  }
0x89: {  	v4 =	vperm.xlane v3, v0;
	_ =	sdelay $0x1  }
0x8a: {  	v4 =	vadd.s32 v1, v4;
	_ =	sdelay $0x4  }
0x8b: {  	[tilespmem:s30], [sflag:$0x3] =	stream.indirect_vreg.gather [hbm4b:s3+s2], $0x80, v4, vm0, $0xb8;
	[tilespmem:$0x18080] =	vst v63  }
0x8c: {  	s10 =	rddreg [dreg:$0x16];
	v3 =	vperm.xlane v3, v2  }
0x8d: {  	[tilespmem:s10], [sflag:$0x3] =	stream.indirect_vreg.gather [hbm4b:s4+s2], $0x80, v4, vm0, $0xb8;
	[tilespmem:$0x18080] =	vst v63  }
0x8e: {  	s11 =	rddreg [dreg:$0x17];
	v3 =	vadd.s32 v1, v3  }
0x8f: {  	[tilespmem:s11], [sflag:$0x3] =	stream.indirect_vreg.gather [hbm4b:s5+s2], $0x80, v4, vm0, $0xb8;
	[tilespmem:$0x18080] =	vst v63  }
0x90: {  	s10 =	rddreg [dreg:$0x18]  }
0x91: {  	[tilespmem:s10], [sflag:$0x3] =	stream.indirect_vreg.gather [hbm4b:s6+s2], $0x80, v4, vm0, $0xb8;
	[tilespmem:$0x18080] =	vst v63  }
0x92: {  	s11 =	rddreg [dreg:$0x19]  }
0x93: {  	[tilespmem:s11], [sflag:$0x3] =	stream.indirect_vreg.gather [hbm4b:s3+s2], $0x80, v3, vm0, $0xb8;
	[tilespmem:$0x18080] =	vst v63  }
0x94: {  	s10 =	rddreg [dreg:$0x1a]  }
0x95: {  	[tilespmem:s10], [sflag:$0x3] =	stream.indirect_vreg.gather [hbm4b:s4+s2], $0x80, v3, vm0, $0xb8;
	[tilespmem:$0x18080] =	vst v63  }
0x96: {  	s11 =	rddreg [dreg:$0x1b]  }
0x97: {  	[tilespmem:s11], [sflag:$0x3] =	stream.indirect_vreg.gather [hbm4b:s5+s2], $0x80, v3, vm0, $0xb8;
	[tilespmem:$0x18080] =	vst v63  }
0x98: {  	s10 =	rddreg [dreg:$0x1c]  }
0x99: {  	[tilespmem:s10], [sflag:$0x3] =	stream.indirect_vreg.gather [hbm4b:s6+s2], $0x80, v3, vm0, $0xb8;
	[tilespmem:$0x18080] =	vst v63  }
0x9a: {  	v3 =	vld [tilespmem:$0x50];
	_ =	sdelay $0x4  }
0x9b: {  	v61 =	vshll.u32 v3, $0x3  }
0x9c: {  	v3 =	vand.u32 $0x7, v3;
	v4 =	vand.u32 $0xFFFFFFC0, v61  }
0x9d: {  	v3 =	vor.u32 v3, v4  }
0x9e: {  	v4 =	vperm.xlane v3, v0;
	_ =	sdelay $0x1  }
0x9f: {  	v4 =	vadd.s32 v1, v4;
	_ =	sdelay $0x2  }
0xa0: {  	s11 =	rddreg [dreg:$0x1e]  }
0xa1: {  	s10 =	rddreg [dreg:$0x1d]  }
0xa2: {  	[tilespmem:s10], [sflag:$0x3] =	stream.indirect_vreg.gather [hbm4b:s3+s2], $0x80, v4, vm0, $0xb8;
	[tilespmem:$0x18080] =	vst v63  }
0xa3: {  	v3 =	vperm.xlane v3, v2;
	s10 =	rddreg [dreg:$0x1f]  }
0xa4: {  	[tilespmem:s11], [sflag:$0x3] =	stream.indirect_vreg.gather [hbm4b:s4+s2], $0x80, v4, vm0, $0xb8;
	[tilespmem:$0x18080] =	vst v63  }
0xa5: {  	v3 =	vadd.s32 v1, v3;
	s11 =	sld [smem:$0x7F9]  }
0xa6: {  	[tilespmem:s10], [sflag:$0x3] =	stream.indirect_vreg.gather [hbm4b:s5+s2], $0x80, v4, vm0, $0xb8;
	[tilespmem:$0x18080] =	vst v63  }
0xa7: {  	s10 =	sld [smem:$0x7FA]  }
0xa8: {  	[tilespmem:s11], [sflag:$0x3] =	stream.indirect_vreg.gather [hbm4b:s6+s2], $0x80, v4, vm0, $0xb8;
	[tilespmem:$0x18080] =	vst v63  }
0xa9: {  	s11 =	sld [smem:$0x7FB]  }
0xaa: {  	[tilespmem:s10], [sflag:$0x3] =	stream.indirect_vreg.gather [hbm4b:s3+s2], $0x80, v3, vm0, $0xb8;
	[tilespmem:$0x18080] =	vst v63  }
0xab: {  	s10 =	sld [smem:$0x7FC]  }
0xac: {  	[tilespmem:s11], [sflag:$0x3] =	stream.indirect_vreg.gather [hbm4b:s4+s2], $0x80, v3, vm0, $0xb8;
	[tilespmem:$0x18080] =	vst v63  }
0xad: {  	s11 =	sld [smem:$0x7FD]  }
0xae: {  	[tilespmem:s10], [sflag:$0x3] =	stream.indirect_vreg.gather [hbm4b:s5+s2], $0x80, v3, vm0, $0xb8;
	[tilespmem:$0x18080] =	vst v63  }
0xaf: {  	_ = 	snop  }
0xb0: {  	[tilespmem:s11], [sflag:$0x3] =	stream.indirect_vreg.gather [hbm4b:s6+s2], $0x80, v3, vm0, $0xb8;
	[tilespmem:$0x18080] =	vst v63  }
0xb1: {  	_ =	swait.ge [sflag:s28], $0x8000  }
0xb2: {  	[sflag:s28] =	ssyncset.done $0x0  }
0xb3: {  	s11 =	rddreg [dreg:$0x3];
	[sflag:s28] =	ssyncadd.s32 $0xFFFF8000  }
0xb4: {  	[hbm4b:s11+s2] =	stream.linear.scatter [tilespmem:s9], [sflag:$0x4], $0x8000, $0x38;
	[tilespmem:$0x18080] =	vst v63  }
0xb5: {  	_ =	swait.ge [sflag:s29], $0x8000  }
0xb6: {  	[sflag:s29] =	ssyncset.done $0x0  }
0xb7: {  	[sflag:s29] =	ssyncadd.s32 $0xFFFF8000  }
0xb8: {  	v3 =	vld [tilespmem:$0x60];
	_ =	sdelay $0x4  }
0xb9: {  	v62 =	vshll.u32 v3, $0x3  }
0xba: {  	v3 =	vand.u32 $0x7, v3;
	v4 =	vand.u32 $0xFFFFFFC0, v62  }
0xbb: {  	v3 =	vor.u32 v3, v4  }
0xbc: {  	v4 =	vperm.xlane v3, v0;
	_ =	sdelay $0x1  }
0xbd: {  	v4 =	vadd.s32 v1, v4;
	_ =	sdelay $0x4  }
0xbe: {  	[tilespmem:s9], [sflag:$0x1] =	stream.indirect_vreg.gather [hbm4b:s3+s2], $0x80, v4, vm0, $0xb8;
	[tilespmem:$0x18080] =	vst v63  }
0xbf: {  	v3 =	vperm.xlane v3, v2  }
0xc0: {  	[tilespmem:s12], [sflag:$0x1] =	stream.indirect_vreg.gather [hbm4b:s4+s2], $0x80, v4, vm0, $0xb8;
	[tilespmem:$0x18080] =	vst v63  }
0xc1: {  	v3 =	vadd.s32 v1, v3  }
0xc2: {  	[tilespmem:s13], [sflag:$0x1] =	stream.indirect_vreg.gather [hbm4b:s5+s2], $0x80, v4, vm0, $0xb8;
	[tilespmem:$0x18080] =	vst v63  }
0xc3: {  	_ = 	snop  }
0xc4: {  	[tilespmem:s14], [sflag:$0x1] =	stream.indirect_vreg.gather [hbm4b:s6+s2], $0x80, v4, vm0, $0xb8;
	[tilespmem:$0x18080] =	vst v63  }
0xc5: {  	_ = 	snop  }
0xc6: {  	[tilespmem:s15], [sflag:$0x1] =	stream.indirect_vreg.gather [hbm4b:s3+s2], $0x80, v3, vm0, $0xb8;
	[tilespmem:$0x18080] =	vst v63  }
0xc7: {  	_ = 	snop  }
0xc8: {  	[tilespmem:s16], [sflag:$0x1] =	stream.indirect_vreg.gather [hbm4b:s4+s2], $0x80, v3, vm0, $0xb8;
	[tilespmem:$0x18080] =	vst v63  }
0xc9: {  	_ = 	snop  }
0xca: {  	[tilespmem:s17], [sflag:$0x1] =	stream.indirect_vreg.gather [hbm4b:s5+s2], $0x80, v3, vm0, $0xb8;
	[tilespmem:$0x18080] =	vst v63  }
0xcb: {  	_ = 	snop  }
0xcc: {  	[tilespmem:s18], [sflag:$0x1] =	stream.indirect_vreg.gather [hbm4b:s6+s2], $0x80, v3, vm0, $0xb8;
	[tilespmem:$0x18080] =	vst v63  }
0xcd: {  	v3 =	vld [tilespmem:$0x70];
	_ =	sdelay $0x4  }
0xce: {  	v63 =	vshll.u32 v3, $0x3  }
0xcf: {  	v3 =	vand.u32 $0x7, v3;
	v4 =	vand.u32 $0xFFFFFFC0, v63  }
0xd0: {  	v3 =	vor.u32 v3, v4  }
0xd1: {  	v4 =	vperm.xlane v3, v0;
	_ =	sdelay $0x1  }
0xd2: {  	v4 =	vadd.s32 v1, v4;
	_ =	sdelay $0x4  }
0xd3: {  	[tilespmem:s19], [sflag:$0x1] =	stream.indirect_vreg.gather [hbm4b:s3+s2], $0x80, v4, vm0, $0xb8;
	[tilespmem:$0x18080] =	vst v63  }
0xd4: {  	v3 =	vperm.xlane v3, v2  }
0xd5: {  	[tilespmem:s20], [sflag:$0x1] =	stream.indirect_vreg.gather [hbm4b:s4+s2], $0x80, v4, vm0, $0xb8;
	[tilespmem:$0x18080] =	vst v63  }
0xd6: {  	v3 =	vadd.s32 v1, v3  }
0xd7: {  	[tilespmem:s21], [sflag:$0x1] =	stream.indirect_vreg.gather [hbm4b:s5+s2], $0x80, v4, vm0, $0xb8;
	[tilespmem:$0x18080] =	vst v63  }
0xd8: {  	_ = 	snop  }
0xd9: {  	[tilespmem:s22], [sflag:$0x1] =	stream.indirect_vreg.gather [hbm4b:s6+s2], $0x80, v4, vm0, $0xb8;
	[tilespmem:$0x18080] =	vst v63  }
0xda: {  	_ = 	snop  }
0xdb: {  	[tilespmem:s23], [sflag:$0x1] =	stream.indirect_vreg.gather [hbm4b:s3+s2], $0x80, v3, vm0, $0xb8;
	[tilespmem:$0x18080] =	vst v63  }
0xdc: {  	_ = 	snop  }
0xdd: {  	[tilespmem:s24], [sflag:$0x1] =	stream.indirect_vreg.gather [hbm4b:s4+s2], $0x80, v3, vm0, $0xb8;
	[tilespmem:$0x18080] =	vst v63  }
0xde: {  	_ = 	snop  }
0xdf: {  	[tilespmem:s25], [sflag:$0x1] =	stream.indirect_vreg.gather [hbm4b:s5+s2], $0x80, v3, vm0, $0xb8;
	[tilespmem:$0x18080] =	vst v63  }
0xe0: {  	s11 =	simm.s32 $0x2  }
0xe1: {  	[tilespmem:s26], [sflag:$0x1] =	stream.indirect_vreg.gather [hbm4b:s6+s2], $0x80, v3, vm0, $0xb8;
	[tilespmem:$0x18080] =	vst v63  }
0xe2: {  	_ =	swait.ge [sflag:s11], $0x8000  }
0xe3: {  	[sflag:s11] =	ssyncset.done $0x0  }
0xe4: {  	s10 =	rddreg [dreg:$0x4];
	[sflag:s11] =	ssyncadd.s32 $0xFFFF8000  }
0xe5: {  	[hbm4b:s10+s2] =	stream.linear.scatter [tilespmem:s8], [sflag:$0x5], $0x8000, $0x38;
	[tilespmem:$0x18080] =	vst v63  }
0xe6: {  	_ =	swait.ge [sflag:s31], $0x8000  }
0xe7: {  	[sflag:s31] =	ssyncset.done $0x0  }
0xe8: {  	s8 =	rddreg [dreg:$0x5];
	[sflag:s31] =	ssyncadd.s32 $0xFFFF8000  }
0xe9: {  	[hbm4b:s8+s2] =	stream.linear.scatter [tilespmem:s30], [sflag:$0x6], $0x8000, $0x38;
	[tilespmem:$0x18080] =	vst v63  }
0xea: {  	_ =	swait.ge [sflag:s28], $0x8000  }
0xeb: {  	[sflag:s28] =	ssyncset.done $0x0  }
0xec: {  	s11 =	rddreg [dreg:$0x6];
	[sflag:s28] =	ssyncadd.s32 $0xFFFF8000  }
0xed: {  	[hbm4b:s11+s2] =	stream.linear.scatter [tilespmem:s9], [sflag:$0x4], $0x8000, $0x38;
	[tilespmem:$0x18080] =	vst v63  }
0xee: {  	_ =	swait.ge [sflag:s1], $0x8000  }
0xef: {  	[sflag:s1] =	ssyncset.done $0x0  }
0xf0: {  	[sflag:s1] =	ssyncadd.s32 $0xFFFF8000  }
0xf1: {  	p0 =	sne.s32 s7, $0x1;
	_ =	swait.ge [sflag:s0], $0x8000  }
.Ltmp0:
0xf2: {  	[sflag:s0] =	ssyncset.done $0x0;
	(pc) =	sbr.rel @p0 .LBB2_1-.Ltmp0, $4  }
0xf3: {  	[sflag:s0] =	ssyncadd.s32 $0xFFFF8000  }
0xf4: {  	_ =	swait.ge [sflag:s29], $0x8000  }
0xf5: {  	[sflag:s29] =	ssyncset.done $0x0  }
0xf6: {  	s7 =	sadd.s32 $0xFFFFFFFF, s7;
	[sflag:s29] =	ssyncadd.s32 $0xFFFF8000  }
0xf7: {  	_ =	sfence.sel $0x180000  }
0xf8: {  	[bflag:$0x0] =	sbarrier.arrive $0xFFFF  }
0xf9: {  	_ =	strace $0x9000005C  }
0xfa: {  	s0 =	stileid.u32;
	[bflag:$0x2] =	sbarrier.arrive $0xFFFF  }
0xfb: {  	p0 =	sne.s32 s0, $0x0;
	s0 =	rddreg [dreg:$0x1]  }
0xfc: {  	s0 =	sadd.s32 @!p0 $0x100000, s0  }
0xfd: {  	[sflag:s0] =	ssyncadd.tile.s32 @!p0 $0x1;
	_ =	shalt  }
.Lfunc_end2:
_tile_overlayer_lowered:
.L_overlay_start_2:
0xfe: {  	(tag) =	ssettag $0x2  }
0xff: {  	s0 =	rddreg [dreg:$0x0];
	s2 =	stileid.u32  }
0x100: {  	s1 =	rddreg [dreg:$0x1];
	p0 =	sne.s32 s2, $0x0  }
0x101: {  	s3 =	rddreg [dreg:$0x2];
	[bflag:$0x3] =	sbarrier.arrive $0xFFFF;
	s2 =	simm.s32 @!p0 $0x1C07  }
0x102: {  	[timem:s3], [sflag:s2] =	dma.local @!p0 [hbm:s0], s1  }
0x103: {  	s0 =	simm.s32 @!p0 $0x7  }
0x104: {  	_ =	swait.ge @!p0 [sflag:s0], s1  }
0x105: {  	s1 =	ssub.s32 @!p0 $0x0, s1;
	[sflag:s0] =	ssyncset.done @!p0 $0x0  }
0x106: {  	[sflag:s0] =	ssyncadd.s32 @!p0 s1  }
0x107: {  	[bflag:$0x3] =	sbarrier.arrive $0xFFFF  }
0x108: {  	_ =	shalt  }

</sc_bundles>
